<compile_context>
chip_gen: v7x
topology: tpu7x:2x2x1
jax: 0.10.2.dev20260603
libtpu: 0.0.44.dev20260713+nightly
codegen_flags: <defaults>
</compile_context>

<pallas_src>
import functools

import jax
import jax.numpy as jnp
import numpy as np
from jax import lax
from jax.experimental import pallas as pl
from jax.experimental.pallas import tpu as pltpu
from jax.experimental.pallas import tpu_sc as plsc

ROWS, LANES = 2048, 128
P = ROWS * LANES
B = 8
NT = 16
CHUNK = P // NT
NV = CHUNK // 16
IMGS_PER_CORE = 4


def _pack_body(logits_ref, target_ref, keys_ref):
    lab = target_ref[0]
    labf = lab.astype(jnp.float32)
    e = 1.0 - logits_ref[0] * (2.0 * labf - 1.0)
    epos = jnp.maximum(e, 0.0)
    bits = (lax.bitcast_convert_type(epos, jnp.int32) & jnp.int32(~1)) | lab
    keys_ref[0] = bits


def _pack(lg, tg):
    return pl.pallas_call(
        _pack_body,
        grid=(B,),
        in_specs=[
            pl.BlockSpec((1, ROWS, LANES), lambda b: (b, 0, 0)),
            pl.BlockSpec((1, ROWS, LANES), lambda b: (b, 0, 0)),
        ],
        out_specs=pl.BlockSpec((1, ROWS, LANES), lambda b: (b, 0, 0)),
        out_shape=jax.ShapeDtypeStruct((B, ROWS, LANES), jnp.int32),
    )(lg, tg)


def _take16(vec, idx):
    return lax.gather(
        vec, idx[:, None],
        dimension_numbers=lax.GatherDimensionNumbers(
            offset_dims=(), collapsed_slice_dims=(0,), start_index_map=(0,)),
        slice_sizes=(1,),
        mode=lax.GatherScatterMode.PROMISE_IN_BOUNDS)


def _sc_sort(keys):
    mesh = plsc.VectorSubcoreMesh(core_axis_name="c", subcore_axis_name="s")

    NB = 2048
    PH = 256

    @functools.partial(
        pl.kernel,
        mesh=mesh,
        compiler_params=pltpu.CompilerParams(use_tc_tiling_on_sc=False,
                                             needs_layout_passes=False),
        out_type=jax.ShapeDtypeStruct((B, P), jnp.int32),
        scratch_types=[
            pltpu.VMEM((CHUNK,), jnp.int32),
            pltpu.VMEM((CHUNK,), jnp.int32),
            pltpu.VMEM((16, NB), jnp.int32),
            pltpu.VMEM((NB,), jnp.int32),
            pltpu.VMEM((NT, PH), jnp.int32),
            pltpu.VMEM_SHARED((P,), jnp.int32),
            pltpu.VMEM_SHARED((P,), jnp.int32),
            pltpu.VMEM_SHARED((NT, PH), jnp.int32),
            pltpu.SemaphoreType.DMA,
        ],
    )
    def k(keys_hbm, out_hbm, buf, posbuf, tbl,
          hist, hists_local, S0, S1, hist_sh, sem):
        c = lax.axis_index("c")
        t = lax.axis_index("s")
        lane = lax.iota(jnp.int32, 16)
        zeros16 = jnp.zeros((16,), jnp.int32)
        my = pl.ds(t * CHUNK, CHUNK)

        def zero_tbl(ch, _):
            chs = pl.ds(ch * 16, 16)
            for l in range(16):
                tbl[l, chs] = zeros16
            return 0

        lax.fori_loop(0, NB // 16, zero_tbl, 0)

        def do_pass(shift, nbits, dst, last=False):
            nb = 1 << nbits
            comp = nb - 1

            def sweep(q, _):
                sl = pl.ds(q * 16, 16)
                d = comp - ((buf[sl] >> shift) & comp)
                cg = plsc.load_gather(tbl, [lane, d])
                plsc.store_scatter(tbl, [lane, d], cg + 1)
                posbuf[sl] = cg
                return 0

            lax.fori_loop(0, NV, sweep, 0)

            def pfx_chunk(ch, _):
                chs = pl.ds(ch * 16, 16)
                acc = zeros16
                for l in range(16):
                    rowv = tbl[l, chs]
                    tbl[l, chs] = acc
                    acc = acc + rowv
                hist[chs] = acc
                return 0

            lax.fori_loop(0, nb // 16, pfx_chunk, 0)

            def phase(ph, carry):
                pltpu.sync_copy(hist.at[pl.ds(ph * PH, PH)], hist_sh.at[t])
                plsc.subcore_barrier()
                pltpu.sync_copy(hist_sh, hists_local)

                def scan_chunk(ch, carry):
                    col = zeros16
                    part = zeros16
                    for tt in range(16):
                        h = hists_local[tt, pl.ds(ch * 16, 16)]
                        col = col + h
                        tv = jnp.full((16,), tt, jnp.int32)
                        part = part + jnp.where(tv < t, h, zeros16)
                    incl = plsc.cumsum(col)
                    ov = (incl - col) + carry + part
                    chs = pl.ds(ph * PH + ch * 16, 16)
                    for l in range(16):
                        tbl[l, chs] = tbl[l, chs] + ov
                    return carry + jnp.sum(col)

                carry = lax.fori_loop(0, PH // 16, scan_chunk, carry)
                plsc.subcore_barrier()
                return carry

            lax.fori_loop(0, nb // PH, phase, jnp.int32(0))

            def fix(q, _):
                sl = pl.ds(q * 16, 16)
                dv = comp - ((buf[sl] >> shift) & comp)
                pos = posbuf[sl] + plsc.load_gather(tbl, [lane, dv])
                if not last:
                    pos = ((pos & ~jnp.int32(16383)) | ((pos & 1023) << 4)
                           | ((pos >> 10) & 15))
                posbuf[sl] = pos
                return 0

            lax.fori_loop(0, NV, fix, 0)
            cp = pltpu.async_copy(buf, dst.at[posbuf], sem)

            def rezero(ch, _):
                chs = pl.ds(ch * 16, 16)
                for l in range(16):
                    tbl[l, chs] = zeros16
                return 0

            lax.fori_loop(0, nb // 16, rezero, 0)
            cp.wait()
            plsc.subcore_barrier()

        def img_body(ii, _):
            img = c * IMGS_PER_CORE + ii
            pltpu.sync_copy(keys_hbm.at[img, my], buf)
            do_pass(0, 11, S0)
            pltpu.sync_copy(S0.at[my], buf)
            do_pass(11, 10, S1)
            pltpu.sync_copy(S1.at[my], buf)
            do_pass(21, 10, S0, last=True)
            pltpu.sync_copy(S0.at[my], out_hbm.at[img, my])
            plsc.subcore_barrier()
            return 0

        lax.fori_loop(0, IMGS_PER_CORE, img_body, 0)

    return k(keys)


def _eval_body(skeys_ref, out_ref):
    b = pl.program_id(0)
    row = lax.broadcasted_iota(jnp.int32, (ROWS, LANES), 0)
    lane = lax.broadcasted_iota(jnp.int32, (ROWS, LANES), 1)

    sbits = skeys_ref[0]
    l_sorted = (sbits & 1).astype(jnp.float32)
    e_sorted = lax.bitcast_convert_type(sbits & jnp.int32(~1), jnp.float32)
    G = jnp.sum(l_sorted)

    ur = lax.broadcasted_iota(jnp.int32, (LANES, LANES), 0)
    uc = lax.broadcasted_iota(jnp.int32, (LANES, LANES), 1)
    tri = (ur <= uc).astype(jnp.float32)
    cs = jax.lax.dot_general(l_sorted, tri, (((1,), (0,)), ((), ())),
                             preferred_element_type=jnp.float32)
    l3 = l_sorted.reshape(16, LANES, LANES)
    tot16 = jnp.sum(l3, axis=2)
    inc16 = jax.lax.dot_general(tot16, tri, (((1,), (0,)), ((), ())),
                                preferred_element_type=jnp.float32)
    gt = inc16[:, LANES - 1:LANES]
    g_inc = gt
    rowv = lax.broadcasted_iota(jnp.int32, (16, 1), 0)
    for sh in (1, 2, 4, 8):
        g_inc = g_inc + jnp.where(rowv >= sh, pltpu.roll(g_inc, sh, axis=0),
                                  0.0)
    pre16 = inc16 - tot16 + (g_inc - gt)
    rp = jnp.broadcast_to(pre16[:, :, None],
                          (16, LANES, LANES)).reshape(ROWS, LANES)
    c = cs + rp

    k = (row * LANES + lane).astype(jnp.float32) + 1.0
    n = k - c
    cm1 = c - l_sorted
    nm1 = (k - 1.0) - cm1
    jk = k / (G + n)
    jm1 = (k - 1.0) / jnp.maximum(G + nm1, 1.0)
    loss = jnp.sum(e_sorted * (jk - jm1))

    prev = jnp.where(b == 0, 0.0, out_ref[0, 0])
    out_ref[0, 0] = prev + loss * (1.0 / B)


def _eval(skeys):
    out = pl.pallas_call(
        _eval_body,
        grid=(B,),
        in_specs=[pl.BlockSpec((1, ROWS, LANES), lambda b: (b, 0, 0))],
        out_specs=pl.BlockSpec((1, 1), lambda b: (0, 0),
                               memory_space=pltpu.SMEM),
        out_shape=jax.ShapeDtypeStruct((1, 1), jnp.float32),
    )(skeys)
    return out.reshape(())


@jax.jit
def _run(logits, target):
    lg = logits.reshape(B, ROWS, LANES)
    tg = target.reshape(B, ROWS, LANES)
    keys = _pack(lg, tg).reshape(B, P)
    skeys = _sc_sort(keys)
    return _eval(skeys.reshape(B, ROWS, LANES))


def kernel(logits, target):
    return _run(logits, target)

# --- scband reference (transcript-rebuilt; emitter-appended) ---
"""Pipeline reference for scband-lovasz-softmax-loss-30571577213001 (READ-ONLY COPY).

The authoritative reference and input builder live on the scoring server;
editing this copy changes nothing except your own understanding.
"""

import jax, jax.numpy as jnp
import numpy as np


def lovasz_grad(gt_sorted):
    # Computes gradient of the Lovasz extension w.r.t sorted errors
    gts = jnp.sum(gt_sorted)
    intersection = gts - jnp.cumsum(gt_sorted)
    union = gts + jnp.cumsum(1.0 - gt_sorted)
    jaccard = 1.0 - intersection / union
    # jaccard[1:p] = jaccard[1:p] - jaccard[0:-1]
    jaccard = jnp.concatenate([jaccard[:1], jaccard[1:] - jaccard[:-1]])
    return jaccard


def lovasz_hinge_flat(logits, labels):
    # logits: [P] float, labels: [P] float (0 or 1)
    signs = 2.0 * labels - 1.0
    errors = 1.0 - logits * signs
    perm = jnp.argsort(-errors)  # descending sort
    errors_sorted = errors[perm]
    gt_sorted = labels[perm]
    grad = jax.lax.stop_gradient(lovasz_grad(gt_sorted))  # Variable(grad) detach in torch
    return jnp.dot(jax.nn.relu(errors_sorted), grad)


def setup_inputs(seed: int = 0) -> dict:
    key = jax.random.key(seed)
    k1, k2 = jax.random.split(key)
    B, H, W = 8, 512, 512
    logits = jax.random.normal(k1, (B, H, W), dtype=jnp.float32)
    target = jax.random.randint(k2, (B, H, W), 0, 2, dtype=jnp.int32)
    return {"logits": logits, "target": target}


def reference(logits, target):
    # lovasz_hinge with per_image=True, ignore=None (the module's meaningful computation)
    B = logits.shape[0]
    logits_flat = logits.reshape(B, -1)
    labels_flat = target.reshape(B, -1).astype(jnp.float32)
    losses = jax.vmap(lovasz_hinge_flat)(logits_flat, labels_flat)
    return jnp.mean(losses)

if __name__ == "__main__":
    import jax
    _d = setup_inputs()
    print(jax.jit(kernel)(*tuple(_d.values())))

</pallas_src>

<mosaic_0001>
#map = affine_map<(d0, d1) -> (0, 0)>
module attributes {stable_mosaic.version = 14 : i64} {
  func.func @k(%arg0: i32, %arg1: i32, %arg2: memref<8x262144xi32, #tpu.memory_space<hbm>>, %arg3: memref<8x262144xi32, #tpu.memory_space<hbm>>, %arg4: memref<16384xi32, #tpu.memory_space<vmem>>, %arg5: memref<16384xi32, #tpu.memory_space<vmem>>, %arg6: memref<16x2048xi32, #tpu.memory_space<vmem>>, %arg7: memref<2048xi32, #tpu.memory_space<vmem>>, %arg8: memref<16x256xi32, #tpu.memory_space<vmem>>, %arg9: memref<262144xi32, #tpu.memory_space<vmem_shared>>, %arg10: memref<262144xi32, #tpu.memory_space<vmem_shared>>, %arg11: memref<16x256xi32, #tpu.memory_space<vmem_shared>>, %arg12: memref<!tpu.dma_semaphore, #tpu.memory_space<semaphore_mem>>) attributes {dimension_semantics = [#tpu.dimension_semantics<core_parallel>, #tpu.dimension_semantics<subcore_parallel>], iteration_bounds = array<i64: 2, 16>, scalar_prefetch = 0 : i64, scratch_operands = 9 : i64, tpu.core_type = #tpu.core_type<sc_vector_subcore>, window_params = [{transform_indices = #map}, {transform_indices = #map}]} {
    %iota3A = tpu.iota {dimensions = array<i32: 0>} : vector<16xi32>
    %broadcast_in_dim3A = arith.constant 0 : i32
    %broadcast_in_dim3A_0 = vector.broadcast %broadcast_in_dim3A : i32 to vector<16xi32>
    %mul3A = arith.constant 16384 : i32
    %mul3A_1 = arith.muli %arg1, %mul3A : i32
    %scan3A = arith.constant 0 : i32
    %scan3A_2 = arith.constant 0 : i32
    %scan3A_3 = arith.constant 128 : i32
    %scan3A_4 = arith.addi %scan3A_2, %scan3A_3 : i32
    %scan3A_5 = arith.constant 1 : i32
    %scan3A_6 = scf.for %scan3A_15 = %scan3A_2 to %scan3A_4 step %scan3A_5 iter_args(%scan3A_16 = %scan3A) -> (i32)  : i32 {
      %mul3A_17 = arith.constant 16 : i32
      %mul3A_18 = arith.muli %scan3A_15, %mul3A_17 : i32
      %swap3A = arith.constant 0 : i32
      %swap3A_19 = arith.index_cast %swap3A : i32 to index
      %swap3A_20 = arith.index_cast %mul3A_18 : i32 to index
      %swap3A_21 = tpu.vector_load %arg6[%swap3A_19, %swap3A_20] {strides = array<i32>} : memref<16x2048xi32, #tpu.memory_space<vmem>>, vector<16xi32>,
      tpu.vector_store %arg6[%swap3A_19, %swap3A_20], %broadcast_in_dim3A_0 {strides = array<i32>} : memref<16x2048xi32, #tpu.memory_space<vmem>>, vector<16xi32>,
      %swap3A_22 = arith.constant 1 : i32
      %swap3A_23 = arith.index_cast %swap3A_22 : i32 to index
      %swap3A_24 = arith.index_cast %mul3A_18 : i32 to index
      %swap3A_25 = tpu.vector_load %arg6[%swap3A_23, %swap3A_24] {strides = array<i32>} : memref<16x2048xi32, #tpu.memory_space<vmem>>, vector<16xi32>,
      tpu.vector_store %arg6[%swap3A_23, %swap3A_24], %broadcast_in_dim3A_0 {strides = array<i32>} : memref<16x2048xi32, #tpu.memory_space<vmem>>, vector<16xi32>,
      %swap3A_26 = arith.constant 2 : i32
      %swap3A_27 = arith.index_cast %swap3A_26 : i32 to index
      %swap3A_28 = arith.index_cast %mul3A_18 : i32 to index
      %swap3A_29 = tpu.vector_load %arg6[%swap3A_27, %swap3A_28] {strides = array<i32>} : memref<16x2048xi32, #tpu.memory_space<vmem>>, vector<16xi32>,
      tpu.vector_store %arg6[%swap3A_27, %swap3A_28], %broadcast_in_dim3A_0 {strides = array<i32>} : memref<16x2048xi32, #tpu.memory_space<vmem>>, vector<16xi32>,
      %swap3A_30 = arith.constant 3 : i32
      %swap3A_31 = arith.index_cast %swap3A_30 : i32 to index
      %swap3A_32 = arith.index_cast %mul3A_18 : i32 to index
      %swap3A_33 = tpu.vector_load %arg6[%swap3A_31, %swap3A_32] {strides = array<i32>} : memref<16x2048xi32, #tpu.memory_space<vmem>>, vector<16xi32>,
      tpu.vector_store %arg6[%swap3A_31, %swap3A_32], %broadcast_in_dim3A_0 {strides = array<i32>} : memref<16x2048xi32, #tpu.memory_space<vmem>>, vector<16xi32>,
      %swap3A_34 = arith.constant 4 : i32
      %swap3A_35 = arith.index_cast %swap3A_34 : i32 to index
      %swap3A_36 = arith.index_cast %mul3A_18 : i32 to index
      %swap3A_37 = tpu.vector_load %arg6[%swap3A_35, %swap3A_36] {strides = array<i32>} : memref<16x2048xi32, #tpu.memory_space<vmem>>, vector<16xi32>,
      tpu.vector_store %arg6[%swap3A_35, %swap3A_36], %broadcast_in_dim3A_0 {strides = array<i32>} : memref<16x2048xi32, #tpu.memory_space<vmem>>, vector<16xi32>,
      %swap3A_38 = arith.constant 5 : i32
      %swap3A_39 = arith.index_cast %swap3A_38 : i32 to index
      %swap3A_40 = arith.index_cast %mul3A_18 : i32 to index
      %swap3A_41 = tpu.vector_load %arg6[%swap3A_39, %swap3A_40] {strides = array<i32>} : memref<16x2048xi32, #tpu.memory_space<vmem>>, vector<16xi32>,
      tpu.vector_store %arg6[%swap3A_39, %swap3A_40], %broadcast_in_dim3A_0 {strides = array<i32>} : memref<16x2048xi32, #tpu.memory_space<vmem>>, vector<16xi32>,
      %swap3A_42 = arith.constant 6 : i32
      %swap3A_43 = arith.index_cast %swap3A_42 : i32 to index
      %swap3A_44 = arith.index_cast %mul3A_18 : i32 to index
      %swap3A_45 = tpu.vector_load %arg6[%swap3A_43, %swap3A_44] {strides = array<i32>} : memref<16x2048xi32, #tpu.memory_space<vmem>>, vector<16xi32>,
      tpu.vector_store %arg6[%swap3A_43, %swap3A_44], %broadcast_in_dim3A_0 {strides = array<i32>} : memref<16x2048xi32, #tpu.memory_space<vmem>>, vector<16xi32>,
      %swap3A_46 = arith.constant 7 : i32
      %swap3A_47 = arith.index_cast %swap3A_46 : i32 to index
      %swap3A_48 = arith.index_cast %mul3A_18 : i32 to index
      %swap3A_49 = tpu.vector_load %arg6[%swap3A_47, %swap3A_48] {strides = array<i32>} : memref<16x2048xi32, #tpu.memory_space<vmem>>, vector<16xi32>,
      tpu.vector_store %arg6[%swap3A_47, %swap3A_48], %broadcast_in_dim3A_0 {strides = array<i32>} : memref<16x2048xi32, #tpu.memory_space<vmem>>, vector<16xi32>,
      %swap3A_50 = arith.constant 8 : i32
      %swap3A_51 = arith.index_cast %swap3A_50 : i32 to index
      %swap3A_52 = arith.index_cast %mul3A_18 : i32 to index
      %swap3A_53 = tpu.vector_load %arg6[%swap3A_51, %swap3A_52] {strides = array<i32>} : memref<16x2048xi32, #tpu.memory_space<vmem>>, vector<16xi32>,
      tpu.vector_store %arg6[%swap3A_51, %swap3A_52], %broadcast_in_dim3A_0 {strides = array<i32>} : memref<16x2048xi32, #tpu.memory_space<vmem>>, vector<16xi32>,
      %swap3A_54 = arith.constant 9 : i32
      %swap3A_55 = arith.index_cast %swap3A_54 : i32 to index
      %swap3A_56 = arith.index_cast %mul3A_18 : i32 to index
      %swap3A_57 = tpu.vector_load %arg6[%swap3A_55, %swap3A_56] {strides = array<i32>} : memref<16x2048xi32, #tpu.memory_space<vmem>>, vector<16xi32>,
      tpu.vector_store %arg6[%swap3A_55, %swap3A_56], %broadcast_in_dim3A_0 {strides = array<i32>} : memref<16x2048xi32, #tpu.memory_space<vmem>>, vector<16xi32>,
      %swap3A_58 = arith.constant 10 : i32
      %swap3A_59 = arith.index_cast %swap3A_58 : i32 to index
      %swap3A_60 = arith.index_cast %mul3A_18 : i32 to index
      %swap3A_61 = tpu.vector_load %arg6[%swap3A_59, %swap3A_60] {strides = array<i32>} : memref<16x2048xi32, #tpu.memory_space<vmem>>, vector<16xi32>,
      tpu.vector_store %arg6[%swap3A_59, %swap3A_60], %broadcast_in_dim3A_0 {strides = array<i32>} : memref<16x2048xi32, #tpu.memory_space<vmem>>, vector<16xi32>,
      %swap3A_62 = arith.constant 11 : i32
      %swap3A_63 = arith.index_cast %swap3A_62 : i32 to index
      %swap3A_64 = arith.index_cast %mul3A_18 : i32 to index
      %swap3A_65 = tpu.vector_load %arg6[%swap3A_63, %swap3A_64] {strides = array<i32>} : memref<16x2048xi32, #tpu.memory_space<vmem>>, vector<16xi32>,
      tpu.vector_store %arg6[%swap3A_63, %swap3A_64], %broadcast_in_dim3A_0 {strides = array<i32>} : memref<16x2048xi32, #tpu.memory_space<vmem>>, vector<16xi32>,
      %swap3A_66 = arith.constant 12 : i32
      %swap3A_67 = arith.index_cast %swap3A_66 : i32 to index
      %swap3A_68 = arith.index_cast %mul3A_18 : i32 to index
      %swap3A_69 = tpu.vector_load %arg6[%swap3A_67, %swap3A_68] {strides = array<i32>} : memref<16x2048xi32, #tpu.memory_space<vmem>>, vector<16xi32>,
      tpu.vector_store %arg6[%swap3A_67, %swap3A_68], %broadcast_in_dim3A_0 {strides = array<i32>} : memref<16x2048xi32, #tpu.memory_space<vmem>>, vector<16xi32>,
      %swap3A_70 = arith.constant 13 : i32
      %swap3A_71 = arith.index_cast %swap3A_70 : i32 to index
      %swap3A_72 = arith.index_cast %mul3A_18 : i32 to index
      %swap3A_73 = tpu.vector_load %arg6[%swap3A_71, %swap3A_72] {strides = array<i32>} : memref<16x2048xi32, #tpu.memory_space<vmem>>, vector<16xi32>,
      tpu.vector_store %arg6[%swap3A_71, %swap3A_72], %broadcast_in_dim3A_0 {strides = array<i32>} : memref<16x2048xi32, #tpu.memory_space<vmem>>, vector<16xi32>,
      %swap3A_74 = arith.constant 14 : i32
      %swap3A_75 = arith.index_cast %swap3A_74 : i32 to index
      %swap3A_76 = arith.index_cast %mul3A_18 : i32 to index
      %swap3A_77 = tpu.vector_load %arg6[%swap3A_75, %swap3A_76] {strides = array<i32>} : memref<16x2048xi32, #tpu.memory_space<vmem>>, vector<16xi32>,
      tpu.vector_store %arg6[%swap3A_75, %swap3A_76], %broadcast_in_dim3A_0 {strides = array<i32>} : memref<16x2048xi32, #tpu.memory_space<vmem>>, vector<16xi32>,
      %swap3A_78 = arith.constant 15 : i32
      %swap3A_79 = arith.index_cast %swap3A_78 : i32 to index
      %swap3A_80 = arith.index_cast %mul3A_18 : i32 to index
      %swap3A_81 = tpu.vector_load %arg6[%swap3A_79, %swap3A_80] {strides = array<i32>} : memref<16x2048xi32, #tpu.memory_space<vmem>>, vector<16xi32>,
      tpu.vector_store %arg6[%swap3A_79, %swap3A_80], %broadcast_in_dim3A_0 {strides = array<i32>} : memref<16x2048xi32, #tpu.memory_space<vmem>>, vector<16xi32>,
      %scan3A_82 = arith.constant 0 : i32
      scf.yield %scan3A_82 : i32
    }
    %scan3A_7 = arith.constant 128 : i32
    %scan3A_8 = arith.constant 0 : i32
    %scan3A_9 = arith.constant 0 : i32
    %scan3A_10 = arith.constant 4 : i32
    %scan3A_11 = arith.addi %scan3A_9, %scan3A_10 : i32
    %scan3A_12 = arith.constant 1 : i32
    %scan3A_13 = scf.for %scan3A_15 = %scan3A_9 to %scan3A_11 step %scan3A_12 iter_args(%scan3A_16 = %scan3A_8) -> (i32)  : i32 {
      %mul3A_17 = arith.constant 4 : i32
      %mul3A_18 = arith.muli %arg0, %mul3A_17 : i32
      %add3A = arith.addi %mul3A_18, %scan3A_15 : i32
      "tpu.region"() ({
        %run_scoped3A = tpu.sem_alloc : memref<!tpu.dma_semaphore, #tpu.memory_space<semaphore_mem>>
        %dma_start3A_138 = tpu.memref_slice %arg2[%add3A, %mul3A_1] : memref<8x262144xi32, #tpu.memory_space<hbm>> -> memref<1x16384xi32, #tpu.memory_space<hbm>>
        %dma_start3A_139 = tpu.memref_squeeze %dma_start3A_138 : memref<1x16384xi32, #tpu.memory_space<hbm>> -> memref<16384xi32, #tpu.memory_space<hbm>>
        %dma_start3A_140 = tpu.memref_slice %arg2[%add3A, %mul3A_1] : memref<8x262144xi32, #tpu.memory_space<hbm>> -> memref<1x16384xi32, #tpu.memory_space<hbm>>
        %dma_start3A_141 = tpu.memref_squeeze %dma_start3A_140 : memref<1x16384xi32, #tpu.memory_space<hbm>> -> memref<16384xi32, #tpu.memory_space<hbm>>
        tpu.enqueue_dma source(%dma_start3A_141 : memref<16384xi32, #tpu.memory_space<hbm>>) target(%arg4 : memref<16384xi32, #tpu.memory_space<vmem>>) target_semaphore(%run_scoped3A : memref<!tpu.dma_semaphore, #tpu.memory_space<semaphore_mem>>)
        %dma_wait3A_142 = tpu.memref_slice %arg2[%add3A, %mul3A_1] : memref<8x262144xi32, #tpu.memory_space<hbm>> -> memref<1x16384xi32, #tpu.memory_space<hbm>>
        %dma_wait3A_143 = tpu.memref_squeeze %dma_wait3A_142 : memref<1x16384xi32, #tpu.memory_space<hbm>> -> memref<16384xi32, #tpu.memory_space<hbm>>
        %dma_wait3A_144 = tpu.memref_slice %arg2[%add3A, %mul3A_1] : memref<8x262144xi32, #tpu.memory_space<hbm>> -> memref<1x16384xi32, #tpu.memory_space<hbm>>
        %dma_wait3A_145 = tpu.memref_squeeze %dma_wait3A_144 : memref<1x16384xi32, #tpu.memory_space<hbm>> -> memref<16384xi32, #tpu.memory_space<hbm>>
        tpu.wait_dma2 semaphore(%run_scoped3A : memref<!tpu.dma_semaphore, #tpu.memory_space<semaphore_mem>>) src(%dma_wait3A_145 : memref<16384xi32, #tpu.memory_space<hbm>>) dst(%arg4 : memref<16384xi32, #tpu.memory_space<vmem>>)
        tpu.yield
      }) : () -> ()
      %scan3A_19 = arith.constant 0 : i32
      %scan3A_20 = arith.constant 0 : i32
      %scan3A_21 = arith.constant 1024 : i32
      %scan3A_22 = arith.addi %scan3A_20, %scan3A_21 : i32
      %scan3A_23 = arith.constant 1 : i32
      %scan3A_24 = scf.for %scan3A_138 = %scan3A_20 to %scan3A_22 step %scan3A_23 iter_args(%scan3A_139 = %scan3A_19) -> (i32)  : i32 {
        %mul3A_140 = arith.constant 16 : i32
        %mul3A_141 = arith.muli %scan3A_138, %mul3A_140 : i32
        %get3A = arith.index_cast %mul3A_141 : i32 to index
        %get3A_142 = tpu.vector_load %arg4[%get3A] {strides = array<i32>} : memref<16384xi32, #tpu.memory_space<vmem>>, vector<16xi32>,
        %shift_right_arithmetic3A = arith.constant 0 : i32
        %shift_right_arithmetic3A_143 = vector.broadcast %shift_right_arithmetic3A : i32 to vector<16xi32>
        %shift_right_arithmetic3A_144 = arith.shrsi %get3A_142, %shift_right_arithmetic3A_143 : vector<16xi32>
        %and3A = arith.constant 2047 : i32
        %and3A_145 = vector.broadcast %and3A : i32 to vector<16xi32>
        %and3A_146 = arith.andi %shift_right_arithmetic3A_144, %and3A_145 : vector<16xi32>
        %sub3A = arith.constant 2047 : i32
        %sub3A_147 = vector.broadcast %sub3A : i32 to vector<16xi32>
        %sub3A_148 = arith.subi %sub3A_147, %and3A_146 : vector<16xi32>
        %gather3A = tpu.vector_load_idx %arg6[%iota3A, %sub3A_148] : memref<16x2048xi32, #tpu.memory_space<vmem>>[vector<16xi32>, vector<16xi32>], vector<16xi32>,
        %add3A_149 = arith.constant 1 : i32
        %add3A_150 = vector.broadcast %add3A_149 : i32 to vector<16xi32>
        %add3A_151 = arith.addi %gather3A, %add3A_150 : vector<16xi32>
        tpu.vector_store_idx %arg6[%iota3A, %sub3A_148], %add3A_151 : memref<16x2048xi32, #tpu.memory_space<vmem>>[vector<16xi32>, vector<16xi32>], vector<16xi32>,
        %swap3A = arith.index_cast %mul3A_141 : i32 to index
        %swap3A_152 = tpu.vector_load %arg5[%swap3A] {strides = array<i32>} : memref<16384xi32, #tpu.memory_space<vmem>>, vector<16xi32>,
        tpu.vector_store %arg5[%swap3A], %gather3A {strides = array<i32>} : memref<16384xi32, #tpu.memory_space<vmem>>, vector<16xi32>,
        %scan3A_153 = arith.constant 0 : i32
        scf.yield %scan3A_153 : i32
      }
      %scan3A_25 = arith.constant 1024 : i32
      %scan3A_26 = arith.constant 0 : i32
      %scan3A_27 = arith.constant 0 : i32
      %scan3A_28 = arith.constant 128 : i32
      %scan3A_29 = arith.addi %scan3A_27, %scan3A_28 : i32
      %scan3A_30 = arith.constant 1 : i32
      %scan3A_31 = scf.for %scan3A_138 = %scan3A_27 to %scan3A_29 step %scan3A_30 iter_args(%scan3A_139 = %scan3A_26) -> (i32)  : i32 {
        %mul3A_140 = arith.constant 16 : i32
        %mul3A_141 = arith.muli %scan3A_138, %mul3A_140 : i32
        %get3A = arith.constant 0 : i32
        %get3A_142 = arith.index_cast %get3A : i32 to index
        %get3A_143 = arith.index_cast %mul3A_141 : i32 to index
        %get3A_144 = tpu.vector_load %arg6[%get3A_142, %get3A_143] {strides = array<i32>} : memref<16x2048xi32, #tpu.memory_space<vmem>>, vector<16xi32>,
        %swap3A = arith.constant 0 : i32
        %swap3A_145 = arith.index_cast %swap3A : i32 to index
        %swap3A_146 = arith.index_cast %mul3A_141 : i32 to index
        %swap3A_147 = tpu.vector_load %arg6[%swap3A_145, %swap3A_146] {strides = array<i32>} : memref<16x2048xi32, #tpu.memory_space<vmem>>, vector<16xi32>,
        tpu.vector_store %arg6[%swap3A_145, %swap3A_146], %broadcast_in_dim3A_0 {strides = array<i32>} : memref<16x2048xi32, #tpu.memory_space<vmem>>, vector<16xi32>,
        %add3A_148 = arith.addi %broadcast_in_dim3A_0, %get3A_144 : vector<16xi32>
        %get3A_149 = arith.constant 1 : i32
        %get3A_150 = arith.index_cast %get3A_149 : i32 to index
        %get3A_151 = arith.index_cast %mul3A_141 : i32 to index
        %get3A_152 = tpu.vector_load %arg6[%get3A_150, %get3A_151] {strides = array<i32>} : memref<16x2048xi32, #tpu.memory_space<vmem>>, vector<16xi32>,
        %swap3A_153 = arith.constant 1 : i32
        %swap3A_154 = arith.index_cast %swap3A_153 : i32 to index
        %swap3A_155 = arith.index_cast %mul3A_141 : i32 to index
        %swap3A_156 = tpu.vector_load %arg6[%swap3A_154, %swap3A_155] {strides = array<i32>} : memref<16x2048xi32, #tpu.memory_space<vmem>>, vector<16xi32>,
        tpu.vector_store %arg6[%swap3A_154, %swap3A_155], %add3A_148 {strides = array<i32>} : memref<16x2048xi32, #tpu.memory_space<vmem>>, vector<16xi32>,
        %add3A_157 = arith.addi %add3A_148, %get3A_152 : vector<16xi32>
        %get3A_158 = arith.constant 2 : i32
        %get3A_159 = arith.index_cast %get3A_158 : i32 to index
        %get3A_160 = arith.index_cast %mul3A_141 : i32 to index
        %get3A_161 = tpu.vector_load %arg6[%get3A_159, %get3A_160] {strides = array<i32>} : memref<16x2048xi32, #tpu.memory_space<vmem>>, vector<16xi32>,
        %swap3A_162 = arith.constant 2 : i32
        %swap3A_163 = arith.index_cast %swap3A_162 : i32 to index
        %swap3A_164 = arith.index_cast %mul3A_141 : i32 to index
        %swap3A_165 = tpu.vector_load %arg6[%swap3A_163, %swap3A_164] {strides = array<i32>} : memref<16x2048xi32, #tpu.memory_space<vmem>>, vector<16xi32>,
        tpu.vector_store %arg6[%swap3A_163, %swap3A_164], %add3A_157 {strides = array<i32>} : memref<16x2048xi32, #tpu.memory_space<vmem>>, vector<16xi32>,
        %add3A_166 = arith.addi %add3A_157, %get3A_161 : vector<16xi32>
        %get3A_167 = arith.constant 3 : i32
        %get3A_168 = arith.index_cast %get3A_167 : i32 to index
        %get3A_169 = arith.index_cast %mul3A_141 : i32 to index
        %get3A_170 = tpu.vector_load %arg6[%get3A_168, %get3A_169] {strides = array<i32>} : memref<16x2048xi32, #tpu.memory_space<vmem>>, vector<16xi32>,
        %swap3A_171 = arith.constant 3 : i32
        %swap3A_172 = arith.index_cast %swap3A_171 : i32 to index
        %swap3A_173 = arith.index_cast %mul3A_141 : i32 to index
        %swap3A_174 = tpu.vector_load %arg6[%swap3A_172, %swap3A_173] {strides = array<i32>} : memref<16x2048xi32, #tpu.memory_space<vmem>>, vector<16xi32>,
        tpu.vector_store %arg6[%swap3A_172, %swap3A_173], %add3A_166 {strides = array<i32>} : memref<16x2048xi32, #tpu.memory_space<vmem>>, vector<16xi32>,
        %add3A_175 = arith.addi %add3A_166, %get3A_170 : vector<16xi32>
        %get3A_176 = arith.constant 4 : i32
        %get3A_177 = arith.index_cast %get3A_176 : i32 to index
        %get3A_178 = arith.index_cast %mul3A_141 : i32 to index
        %get3A_179 = tpu.vector_load %arg6[%get3A_177, %get3A_178] {strides = array<i32>} : memref<16x2048xi32, #tpu.memory_space<vmem>>, vector<16xi32>,
        %swap3A_180 = arith.constant 4 : i32
        %swap3A_181 = arith.index_cast %swap3A_180 : i32 to index
        %swap3A_182 = arith.index_cast %mul3A_141 : i32 to index
        %swap3A_183 = tpu.vector_load %arg6[%swap3A_181, %swap3A_182] {strides = array<i32>} : memref<16x2048xi32, #tpu.memory_space<vmem>>, vector<16xi32>,
        tpu.vector_store %arg6[%swap3A_181, %swap3A_182], %add3A_175 {strides = array<i32>} : memref<16x2048xi32, #tpu.memory_space<vmem>>, vector<16xi32>,
        %add3A_184 = arith.addi %add3A_175, %get3A_179 : vector<16xi32>
        %get3A_185 = arith.constant 5 : i32
        %get3A_186 = arith.index_cast %get3A_185 : i32 to index
        %get3A_187 = arith.index_cast %mul3A_141 : i32 to index
        %get3A_188 = tpu.vector_load %arg6[%get3A_186, %get3A_187] {strides = array<i32>} : memref<16x2048xi32, #tpu.memory_space<vmem>>, vector<16xi32>,
        %swap3A_189 = arith.constant 5 : i32
        %swap3A_190 = arith.index_cast %swap3A_189 : i32 to index
        %swap3A_191 = arith.index_cast %mul3A_141 : i32 to index
        %swap3A_192 = tpu.vector_load %arg6[%swap3A_190, %swap3A_191] {strides = array<i32>} : memref<16x2048xi32, #tpu.memory_space<vmem>>, vector<16xi32>,
        tpu.vector_store %arg6[%swap3A_190, %swap3A_191], %add3A_184 {strides = array<i32>} : memref<16x2048xi32, #tpu.memory_space<vmem>>, vector<16xi32>,
        %add3A_193 = arith.addi %add3A_184, %get3A_188 : vector<16xi32>
        %get3A_194 = arith.constant 6 : i32
        %get3A_195 = arith.index_cast %get3A_194 : i32 to index
        %get3A_196 = arith.index_cast %mul3A_141 : i32 to index
        %get3A_197 = tpu.vector_load %arg6[%get3A_195, %get3A_196] {strides = array<i32>} : memref<16x2048xi32, #tpu.memory_space<vmem>>, vector<16xi32>,
        %swap3A_198 = arith.constant 6 : i32
        %swap3A_199 = arith.index_cast %swap3A_198 : i32 to index
        %swap3A_200 = arith.index_cast %mul3A_141 : i32 to index
        %swap3A_201 = tpu.vector_load %arg6[%swap3A_199, %swap3A_200] {strides = array<i32>} : memref<16x2048xi32, #tpu.memory_space<vmem>>, vector<16xi32>,
        tpu.vector_store %arg6[%swap3A_199, %swap3A_200], %add3A_193 {strides = array<i32>} : memref<16x2048xi32, #tpu.memory_space<vmem>>, vector<16xi32>,
        %add3A_202 = arith.addi %add3A_193, %get3A_197 : vector<16xi32>
        %get3A_203 = arith.constant 7 : i32
        %get3A_204 = arith.index_cast %get3A_203 : i32 to index
        %get3A_205 = arith.index_cast %mul3A_141 : i32 to index
        %get3A_206 = tpu.vector_load %arg6[%get3A_204, %get3A_205] {strides = array<i32>} : memref<16x2048xi32, #tpu.memory_space<vmem>>, vector<16xi32>,
        %swap3A_207 = arith.constant 7 : i32
        %swap3A_208 = arith.index_cast %swap3A_207 : i32 to index
        %swap3A_209 = arith.index_cast %mul3A_141 : i32 to index
        %swap3A_210 = tpu.vector_load %arg6[%swap3A_208, %swap3A_209] {strides = array<i32>} : memref<16x2048xi32, #tpu.memory_space<vmem>>, vector<16xi32>,
        tpu.vector_store %arg6[%swap3A_208, %swap3A_209], %add3A_202 {strides = array<i32>} : memref<16x2048xi32, #tpu.memory_space<vmem>>, vector<16xi32>,
        %add3A_211 = arith.addi %add3A_202, %get3A_206 : vector<16xi32>
        %get3A_212 = arith.constant 8 : i32
        %get3A_213 = arith.index_cast %get3A_212 : i32 to index
        %get3A_214 = arith.index_cast %mul3A_141 : i32 to index
        %get3A_215 = tpu.vector_load %arg6[%get3A_213, %get3A_214] {strides = array<i32>} : memref<16x2048xi32, #tpu.memory_space<vmem>>, vector<16xi32>,
        %swap3A_216 = arith.constant 8 : i32
        %swap3A_217 = arith.index_cast %swap3A_216 : i32 to index
        %swap3A_218 = arith.index_cast %mul3A_141 : i32 to index
        %swap3A_219 = tpu.vector_load %arg6[%swap3A_217, %swap3A_218] {strides = array<i32>} : memref<16x2048xi32, #tpu.memory_space<vmem>>, vector<16xi32>,
        tpu.vector_store %arg6[%swap3A_217, %swap3A_218], %add3A_211 {strides = array<i32>} : memref<16x2048xi32, #tpu.memory_space<vmem>>, vector<16xi32>,
        %add3A_220 = arith.addi %add3A_211, %get3A_215 : vector<16xi32>
        %get3A_221 = arith.constant 9 : i32
        %get3A_222 = arith.index_cast %get3A_221 : i32 to index
        %get3A_223 = arith.index_cast %mul3A_141 : i32 to index
        %get3A_224 = tpu.vector_load %arg6[%get3A_222, %get3A_223] {strides = array<i32>} : memref<16x2048xi32, #tpu.memory_space<vmem>>, vector<16xi32>,
        %swap3A_225 = arith.constant 9 : i32
        %swap3A_226 = arith.index_cast %swap3A_225 : i32 to index
        %swap3A_227 = arith.index_cast %mul3A_141 : i32 to index
        %swap3A_228 = tpu.vector_load %arg6[%swap3A_226, %swap3A_227] {strides = array<i32>} : memref<16x2048xi32, #tpu.memory_space<vmem>>, vector<16xi32>,
        tpu.vector_store %arg6[%swap3A_226, %swap3A_227], %add3A_220 {strides = array<i32>} : memref<16x2048xi32, #tpu.memory_space<vmem>>, vector<16xi32>,
        %add3A_229 = arith.addi %add3A_220, %get3A_224 : vector<16xi32>
        %get3A_230 = arith.constant 10 : i32
        %get3A_231 = arith.index_cast %get3A_230 : i32 to index
        %get3A_232 = arith.index_cast %mul3A_141 : i32 to index
        %get3A_233 = tpu.vector_load %arg6[%get3A_231, %get3A_232] {strides = array<i32>} : memref<16x2048xi32, #tpu.memory_space<vmem>>, vector<16xi32>,
        %swap3A_234 = arith.constant 10 : i32
        %swap3A_235 = arith.index_cast %swap3A_234 : i32 to index
        %swap3A_236 = arith.index_cast %mul3A_141 : i32 to index
        %swap3A_237 = tpu.vector_load %arg6[%swap3A_235, %swap3A_236] {strides = array<i32>} : memref<16x2048xi32, #tpu.memory_space<vmem>>, vector<16xi32>,
        tpu.vector_store %arg6[%swap3A_235, %swap3A_236], %add3A_229 {strides = array<i32>} : memref<16x2048xi32, #tpu.memory_space<vmem>>, vector<16xi32>,
        %add3A_238 = arith.addi %add3A_229, %get3A_233 : vector<16xi32>
        %get3A_239 = arith.constant 11 : i32
        %get3A_240 = arith.index_cast %get3A_239 : i32 to index
        %get3A_241 = arith.index_cast %mul3A_141 : i32 to index
        %get3A_242 = tpu.vector_load %arg6[%get3A_240, %get3A_241] {strides = array<i32>} : memref<16x2048xi32, #tpu.memory_space<vmem>>, vector<16xi32>,
        %swap3A_243 = arith.constant 11 : i32
        %swap3A_244 = arith.index_cast %swap3A_243 : i32 to index
        %swap3A_245 = arith.index_cast %mul3A_141 : i32 to index
        %swap3A_246 = tpu.vector_load %arg6[%swap3A_244, %swap3A_245] {strides = array<i32>} : memref<16x2048xi32, #tpu.memory_space<vmem>>, vector<16xi32>,
        tpu.vector_store %arg6[%swap3A_244, %swap3A_245], %add3A_238 {strides = array<i32>} : memref<16x2048xi32, #tpu.memory_space<vmem>>, vector<16xi32>,
        %add3A_247 = arith.addi %add3A_238, %get3A_242 : vector<16xi32>
        %get3A_248 = arith.constant 12 : i32
        %get3A_249 = arith.index_cast %get3A_248 : i32 to index
        %get3A_250 = arith.index_cast %mul3A_141 : i32 to index
        %get3A_251 = tpu.vector_load %arg6[%get3A_249, %get3A_250] {strides = array<i32>} : memref<16x2048xi32, #tpu.memory_space<vmem>>, vector<16xi32>,
        %swap3A_252 = arith.constant 12 : i32
        %swap3A_253 = arith.index_cast %swap3A_252 : i32 to index
        %swap3A_254 = arith.index_cast %mul3A_141 : i32 to index
        %swap3A_255 = tpu.vector_load %arg6[%swap3A_253, %swap3A_254] {strides = array<i32>} : memref<16x2048xi32, #tpu.memory_space<vmem>>, vector<16xi32>,
        tpu.vector_store %arg6[%swap3A_253, %swap3A_254], %add3A_247 {strides = array<i32>} : memref<16x2048xi32, #tpu.memory_space<vmem>>, vector<16xi32>,
        %add3A_256 = arith.addi %add3A_247, %get3A_251 : vector<16xi32>
        %get3A_257 = arith.constant 13 : i32
        %get3A_258 = arith.index_cast %get3A_257 : i32 to index
        %get3A_259 = arith.index_cast %mul3A_141 : i32 to index
        %get3A_260 = tpu.vector_load %arg6[%get3A_258, %get3A_259] {strides = array<i32>} : memref<16x2048xi32, #tpu.memory_space<vmem>>, vector<16xi32>,
        %swap3A_261 = arith.constant 13 : i32
        %swap3A_262 = arith.index_cast %swap3A_261 : i32 to index
        %swap3A_263 = arith.index_cast %mul3A_141 : i32 to index
        %swap3A_264 = tpu.vector_load %arg6[%swap3A_262, %swap3A_263] {strides = array<i32>} : memref<16x2048xi32, #tpu.memory_space<vmem>>, vector<16xi32>,
        tpu.vector_store %arg6[%swap3A_262, %swap3A_263], %add3A_256 {strides = array<i32>} : memref<16x2048xi32, #tpu.memory_space<vmem>>, vector<16xi32>,
        %add3A_265 = arith.addi %add3A_256, %get3A_260 : vector<16xi32>
        %get3A_266 = arith.constant 14 : i32
        %get3A_267 = arith.index_cast %get3A_266 : i32 to index
        %get3A_268 = arith.index_cast %mul3A_141 : i32 to index
        %get3A_269 = tpu.vector_load %arg6[%get3A_267, %get3A_268] {strides = array<i32>} : memref<16x2048xi32, #tpu.memory_space<vmem>>, vector<16xi32>,
        %swap3A_270 = arith.constant 14 : i32
        %swap3A_271 = arith.index_cast %swap3A_270 : i32 to index
        %swap3A_272 = arith.index_cast %mul3A_141 : i32 to index
        %swap3A_273 = tpu.vector_load %arg6[%swap3A_271, %swap3A_272] {strides = array<i32>} : memref<16x2048xi32, #tpu.memory_space<vmem>>, vector<16xi32>,
        tpu.vector_store %arg6[%swap3A_271, %swap3A_272], %add3A_265 {strides = array<i32>} : memref<16x2048xi32, #tpu.memory_space<vmem>>, vector<16xi32>,
        %add3A_274 = arith.addi %add3A_265, %get3A_269 : vector<16xi32>
        %get3A_275 = arith.constant 15 : i32
        %get3A_276 = arith.index_cast %get3A_275 : i32 to index
        %get3A_277 = arith.index_cast %mul3A_141 : i32 to index
        %get3A_278 = tpu.vector_load %arg6[%get3A_276, %get3A_277] {strides = array<i32>} : memref<16x2048xi32, #tpu.memory_space<vmem>>, vector<16xi32>,
        %swap3A_279 = arith.constant 15 : i32
        %swap3A_280 = arith.index_cast %swap3A_279 : i32 to index
        %swap3A_281 = arith.index_cast %mul3A_141 : i32 to index
        %swap3A_282 = tpu.vector_load %arg6[%swap3A_280, %swap3A_281] {strides = array<i32>} : memref<16x2048xi32, #tpu.memory_space<vmem>>, vector<16xi32>,
        tpu.vector_store %arg6[%swap3A_280, %swap3A_281], %add3A_274 {strides = array<i32>} : memref<16x2048xi32, #tpu.memory_space<vmem>>, vector<16xi32>,
        %add3A_283 = arith.addi %add3A_274, %get3A_278 : vector<16xi32>
        %swap3A_284 = arith.index_cast %mul3A_141 : i32 to index
        %swap3A_285 = tpu.vector_load %arg7[%swap3A_284] {strides = array<i32>} : memref<2048xi32, #tpu.memory_space<vmem>>, vector<16xi32>,
        tpu.vector_store %arg7[%swap3A_284], %add3A_283 {strides = array<i32>} : memref<2048xi32, #tpu.memory_space<vmem>>, vector<16xi32>,
        %scan3A_286 = arith.constant 0 : i32
        scf.yield %scan3A_286 : i32
      }
      %scan3A_32 = arith.constant 128 : i32
      %scan3A_33 = arith.constant 0 : i32
      %scan3A_34 = arith.constant 0 : i32
      %scan3A_35 = arith.constant 8 : i32
      %scan3A_36 = arith.addi %scan3A_34, %scan3A_35 : i32
      %scan3A_37 = arith.constant 1 : i32
      %scan3A_38 = scf.for %scan3A_138 = %scan3A_34 to %scan3A_36 step %scan3A_37 iter_args(%scan3A_139 = %scan3A_33) -> (i32)  : i32 {
        %mul3A_140 = arith.constant 256 : i32
        %mul3A_141 = arith.muli %scan3A_138, %mul3A_140 : i32
        "tpu.region"() ({
          %run_scoped3A = tpu.sem_alloc : memref<!tpu.dma_semaphore, #tpu.memory_space<semaphore_mem>>
          %dma_start3A_150 = tpu.memref_slice %arg7[%mul3A_141] : memref<2048xi32, #tpu.memory_space<vmem>> -> memref<256xi32, #tpu.memory_space<vmem>>
          %dma_start3A_151 = arith.constant 0 : i32
          %dma_start3A_152 = tpu.memref_slice %arg11[%arg1, %dma_start3A_151] : memref<16x256xi32, #tpu.memory_space<vmem_shared>> -> memref<1x256xi32, #tpu.memory_space<vmem_shared>>
          %dma_start3A_153 = tpu.memref_squeeze %dma_start3A_152 : memref<1x256xi32, #tpu.memory_space<vmem_shared>> -> memref<256xi32, #tpu.memory_space<vmem_shared>>
          %dma_start3A_154 = arith.constant 0 : i32
          %dma_start3A_155 = tpu.memref_slice %arg11[%arg1, %dma_start3A_154] : memref<16x256xi32, #tpu.memory_space<vmem_shared>> -> memref<1x256xi32, #tpu.memory_space<vmem_shared>>
          %dma_start3A_156 = tpu.memref_squeeze %dma_start3A_155 : memref<1x256xi32, #tpu.memory_space<vmem_shared>> -> memref<256xi32, #tpu.memory_space<vmem_shared>>
          %dma_start3A_157 = tpu.memref_slice %arg7[%mul3A_141] : memref<2048xi32, #tpu.memory_space<vmem>> -> memref<256xi32, #tpu.memory_space<vmem>>
          tpu.enqueue_dma source(%dma_start3A_157 : memref<256xi32, #tpu.memory_space<vmem>>) target(%dma_start3A_156 : memref<256xi32, #tpu.memory_space<vmem_shared>>) target_semaphore(%run_scoped3A : memref<!tpu.dma_semaphore, #tpu.memory_space<semaphore_mem>>)
          %dma_wait3A_158 = tpu.memref_slice %arg7[%mul3A_141] : memref<2048xi32, #tpu.memory_space<vmem>> -> memref<256xi32, #tpu.memory_space<vmem>>
          %dma_wait3A_159 = arith.constant 0 : i32
          %dma_wait3A_160 = tpu.memref_slice %arg11[%arg1, %dma_wait3A_159] : memref<16x256xi32, #tpu.memory_space<vmem_shared>> -> memref<1x256xi32, #tpu.memory_space<vmem_shared>>
          %dma_wait3A_161 = tpu.memref_squeeze %dma_wait3A_160 : memref<1x256xi32, #tpu.memory_space<vmem_shared>> -> memref<256xi32, #tpu.memory_space<vmem_shared>>
          %dma_wait3A_162 = arith.constant 0 : i32
          %dma_wait3A_163 = tpu.memref_slice %arg11[%arg1, %dma_wait3A_162] : memref<16x256xi32, #tpu.memory_space<vmem_shared>> -> memref<1x256xi32, #tpu.memory_space<vmem_shared>>
          %dma_wait3A_164 = tpu.memref_squeeze %dma_wait3A_163 : memref<1x256xi32, #tpu.memory_space<vmem_shared>> -> memref<256xi32, #tpu.memory_space<vmem_shared>>
          %dma_wait3A_165 = tpu.memref_slice %arg7[%mul3A_141] : memref<2048xi32, #tpu.memory_space<vmem>> -> memref<256xi32, #tpu.memory_space<vmem>>
          tpu.wait_dma2 semaphore(%run_scoped3A : memref<!tpu.dma_semaphore, #tpu.memory_space<semaphore_mem>>) src(%dma_wait3A_165 : memref<256xi32, #tpu.memory_space<vmem>>) dst(%dma_wait3A_164 : memref<256xi32, #tpu.memory_space<vmem_shared>>)
          tpu.yield
        }) : () -> ()
        %barrier3A_142 = arith.constant 0 : index
        tpu.barrier barrier_id(%barrier3A_142)
        "tpu.region"() ({
          %run_scoped3A = tpu.sem_alloc : memref<!tpu.dma_semaphore, #tpu.memory_space<semaphore_mem>>
          tpu.enqueue_dma source(%arg11 : memref<16x256xi32, #tpu.memory_space<vmem_shared>>) target(%arg8 : memref<16x256xi32, #tpu.memory_space<vmem>>) target_semaphore(%run_scoped3A : memref<!tpu.dma_semaphore, #tpu.memory_space<semaphore_mem>>)
          tpu.wait_dma2 semaphore(%run_scoped3A : memref<!tpu.dma_semaphore, #tpu.memory_space<semaphore_mem>>) src(%arg11 : memref<16x256xi32, #tpu.memory_space<vmem_shared>>) dst(%arg8 : memref<16x256xi32, #tpu.memory_space<vmem>>)
          tpu.yield
        }) : () -> ()
        %scan3A_143 = arith.constant 0 : i32
        %scan3A_144 = arith.constant 16 : i32
        %scan3A_145 = arith.addi %scan3A_143, %scan3A_144 : i32
        %scan3A_146 = arith.constant 1 : i32
        %scan3A_147 = scf.for %scan3A_150 = %scan3A_143 to %scan3A_145 step %scan3A_146 iter_args(%scan3A_151 = %scan3A_139) -> (i32)  : i32 {
          %mul3A_152 = arith.constant 16 : i32
          %mul3A_153 = arith.muli %scan3A_150, %mul3A_152 : i32
          %get3A = arith.constant 0 : i32
          %get3A_154 = arith.index_cast %get3A : i32 to index
          %get3A_155 = arith.index_cast %mul3A_153 : i32 to index
          %get3A_156 = tpu.vector_load %arg8[%get3A_154, %get3A_155] {strides = array<i32>} : memref<16x256xi32, #tpu.memory_space<vmem>>, vector<16xi32>,
          %add3A_157 = arith.addi %broadcast_in_dim3A_0, %get3A_156 : vector<16xi32>
          %broadcast_in_dim3A_158 = arith.constant 0 : i32
          %broadcast_in_dim3A_159 = vector.broadcast %broadcast_in_dim3A_158 : i32 to vector<16xi32>
          %lt3A = vector.broadcast %arg1 : i32 to vector<16xi32>
          %lt3A_160 = arith.cmpi slt, %broadcast_in_dim3A_159, %lt3A : vector<16xi32>
          %select_n3A = arith.select %lt3A_160, %get3A_156, %broadcast_in_dim3A_0 : vector<16xi1>, vector<16xi32>
          %add3A_161 = arith.addi %broadcast_in_dim3A_0, %select_n3A : vector<16xi32>
          %mul3A_162 = arith.constant 16 : i32
          %mul3A_163 = arith.muli %scan3A_150, %mul3A_162 : i32
          %get3A_164 = arith.constant 1 : i32
          %get3A_165 = arith.index_cast %get3A_164 : i32 to index
          %get3A_166 = arith.index_cast %mul3A_163 : i32 to index
          %get3A_167 = tpu.vector_load %arg8[%get3A_165, %get3A_166] {strides = array<i32>} : memref<16x256xi32, #tpu.memory_space<vmem>>, vector<16xi32>,
          %add3A_168 = arith.addi %add3A_157, %get3A_167 : vector<16xi32>
          %broadcast_in_dim3A_169 = arith.constant 1 : i32
          %broadcast_in_dim3A_170 = vector.broadcast %broadcast_in_dim3A_169 : i32 to vector<16xi32>
          %lt3A_171 = vector.broadcast %arg1 : i32 to vector<16xi32>
          %lt3A_172 = arith.cmpi slt, %broadcast_in_dim3A_170, %lt3A_171 : vector<16xi32>
          %select_n3A_173 = arith.select %lt3A_172, %get3A_167, %broadcast_in_dim3A_0 : vector<16xi1>, vector<16xi32>
          %add3A_174 = arith.addi %add3A_161, %select_n3A_173 : vector<16xi32>
          %mul3A_175 = arith.constant 16 : i32
          %mul3A_176 = arith.muli %scan3A_150, %mul3A_175 : i32
          %get3A_177 = arith.constant 2 : i32
          %get3A_178 = arith.index_cast %get3A_177 : i32 to index
          %get3A_179 = arith.index_cast %mul3A_176 : i32 to index
          %get3A_180 = tpu.vector_load %arg8[%get3A_178, %get3A_179] {strides = array<i32>} : memref<16x256xi32, #tpu.memory_space<vmem>>, vector<16xi32>,
          %add3A_181 = arith.addi %add3A_168, %get3A_180 : vector<16xi32>
          %broadcast_in_dim3A_182 = arith.constant 2 : i32
          %broadcast_in_dim3A_183 = vector.broadcast %broadcast_in_dim3A_182 : i32 to vector<16xi32>
          %lt3A_184 = vector.broadcast %arg1 : i32 to vector<16xi32>
          %lt3A_185 = arith.cmpi slt, %broadcast_in_dim3A_183, %lt3A_184 : vector<16xi32>
          %select_n3A_186 = arith.select %lt3A_185, %get3A_180, %broadcast_in_dim3A_0 : vector<16xi1>, vector<16xi32>
          %add3A_187 = arith.addi %add3A_174, %select_n3A_186 : vector<16xi32>
          %mul3A_188 = arith.constant 16 : i32
          %mul3A_189 = arith.muli %scan3A_150, %mul3A_188 : i32
          %get3A_190 = arith.constant 3 : i32
          %get3A_191 = arith.index_cast %get3A_190 : i32 to index
          %get3A_192 = arith.index_cast %mul3A_189 : i32 to index
          %get3A_193 = tpu.vector_load %arg8[%get3A_191, %get3A_192] {strides = array<i32>} : memref<16x256xi32, #tpu.memory_space<vmem>>, vector<16xi32>,
          %add3A_194 = arith.addi %add3A_181, %get3A_193 : vector<16xi32>
          %broadcast_in_dim3A_195 = arith.constant 3 : i32
          %broadcast_in_dim3A_196 = vector.broadcast %broadcast_in_dim3A_195 : i32 to vector<16xi32>
          %lt3A_197 = vector.broadcast %arg1 : i32 to vector<16xi32>
          %lt3A_198 = arith.cmpi slt, %broadcast_in_dim3A_196, %lt3A_197 : vector<16xi32>
          %select_n3A_199 = arith.select %lt3A_198, %get3A_193, %broadcast_in_dim3A_0 : vector<16xi1>, vector<16xi32>
          %add3A_200 = arith.addi %add3A_187, %select_n3A_199 : vector<16xi32>
          %mul3A_201 = arith.constant 16 : i32
          %mul3A_202 = arith.muli %scan3A_150, %mul3A_201 : i32
          %get3A_203 = arith.constant 4 : i32
          %get3A_204 = arith.index_cast %get3A_203 : i32 to index
          %get3A_205 = arith.index_cast %mul3A_202 : i32 to index
          %get3A_206 = tpu.vector_load %arg8[%get3A_204, %get3A_205] {strides = array<i32>} : memref<16x256xi32, #tpu.memory_space<vmem>>, vector<16xi32>,
          %add3A_207 = arith.addi %add3A_194, %get3A_206 : vector<16xi32>
          %broadcast_in_dim3A_208 = arith.constant 4 : i32
          %broadcast_in_dim3A_209 = vector.broadcast %broadcast_in_dim3A_208 : i32 to vector<16xi32>
          %lt3A_210 = vector.broadcast %arg1 : i32 to vector<16xi32>
          %lt3A_211 = arith.cmpi slt, %broadcast_in_dim3A_209, %lt3A_210 : vector<16xi32>
          %select_n3A_212 = arith.select %lt3A_211, %get3A_206, %broadcast_in_dim3A_0 : vector<16xi1>, vector<16xi32>
          %add3A_213 = arith.addi %add3A_200, %select_n3A_212 : vector<16xi32>
          %mul3A_214 = arith.constant 16 : i32
          %mul3A_215 = arith.muli %scan3A_150, %mul3A_214 : i32
          %get3A_216 = arith.constant 5 : i32
          %get3A_217 = arith.index_cast %get3A_216 : i32 to index
          %get3A_218 = arith.index_cast %mul3A_215 : i32 to index
          %get3A_219 = tpu.vector_load %arg8[%get3A_217, %get3A_218] {strides = array<i32>} : memref<16x256xi32, #tpu.memory_space<vmem>>, vector<16xi32>,
          %add3A_220 = arith.addi %add3A_207, %get3A_219 : vector<16xi32>
          %broadcast_in_dim3A_221 = arith.constant 5 : i32
          %broadcast_in_dim3A_222 = vector.broadcast %broadcast_in_dim3A_221 : i32 to vector<16xi32>
          %lt3A_223 = vector.broadcast %arg1 : i32 to vector<16xi32>
          %lt3A_224 = arith.cmpi slt, %broadcast_in_dim3A_222, %lt3A_223 : vector<16xi32>
          %select_n3A_225 = arith.select %lt3A_224, %get3A_219, %broadcast_in_dim3A_0 : vector<16xi1>, vector<16xi32>
          %add3A_226 = arith.addi %add3A_213, %select_n3A_225 : vector<16xi32>
          %mul3A_227 = arith.constant 16 : i32
          %mul3A_228 = arith.muli %scan3A_150, %mul3A_227 : i32
          %get3A_229 = arith.constant 6 : i32
          %get3A_230 = arith.index_cast %get3A_229 : i32 to index
          %get3A_231 = arith.index_cast %mul3A_228 : i32 to index
          %get3A_232 = tpu.vector_load %arg8[%get3A_230, %get3A_231] {strides = array<i32>} : memref<16x256xi32, #tpu.memory_space<vmem>>, vector<16xi32>,
          %add3A_233 = arith.addi %add3A_220, %get3A_232 : vector<16xi32>
          %broadcast_in_dim3A_234 = arith.constant 6 : i32
          %broadcast_in_dim3A_235 = vector.broadcast %broadcast_in_dim3A_234 : i32 to vector<16xi32>
          %lt3A_236 = vector.broadcast %arg1 : i32 to vector<16xi32>
          %lt3A_237 = arith.cmpi slt, %broadcast_in_dim3A_235, %lt3A_236 : vector<16xi32>
          %select_n3A_238 = arith.select %lt3A_237, %get3A_232, %broadcast_in_dim3A_0 : vector<16xi1>, vector<16xi32>
          %add3A_239 = arith.addi %add3A_226, %select_n3A_238 : vector<16xi32>
          %mul3A_240 = arith.constant 16 : i32
          %mul3A_241 = arith.muli %scan3A_150, %mul3A_240 : i32
          %get3A_242 = arith.constant 7 : i32
          %get3A_243 = arith.index_cast %get3A_242 : i32 to index
          %get3A_244 = arith.index_cast %mul3A_241 : i32 to index
          %get3A_245 = tpu.vector_load %arg8[%get3A_243, %get3A_244] {strides = array<i32>} : memref<16x256xi32, #tpu.memory_space<vmem>>, vector<16xi32>,
          %add3A_246 = arith.addi %add3A_233, %get3A_245 : vector<16xi32>
          %broadcast_in_dim3A_247 = arith.constant 7 : i32
          %broadcast_in_dim3A_248 = vector.broadcast %broadcast_in_dim3A_247 : i32 to vector<16xi32>
          %lt3A_249 = vector.broadcast %arg1 : i32 to vector<16xi32>
          %lt3A_250 = arith.cmpi slt, %broadcast_in_dim3A_248, %lt3A_249 : vector<16xi32>
          %select_n3A_251 = arith.select %lt3A_250, %get3A_245, %broadcast_in_dim3A_0 : vector<16xi1>, vector<16xi32>
          %add3A_252 = arith.addi %add3A_239, %select_n3A_251 : vector<16xi32>
          %mul3A_253 = arith.constant 16 : i32
          %mul3A_254 = arith.muli %scan3A_150, %mul3A_253 : i32
          %get3A_255 = arith.constant 8 : i32
          %get3A_256 = arith.index_cast %get3A_255 : i32 to index
          %get3A_257 = arith.index_cast %mul3A_254 : i32 to index
          %get3A_258 = tpu.vector_load %arg8[%get3A_256, %get3A_257] {strides = array<i32>} : memref<16x256xi32, #tpu.memory_space<vmem>>, vector<16xi32>,
          %add3A_259 = arith.addi %add3A_246, %get3A_258 : vector<16xi32>
          %broadcast_in_dim3A_260 = arith.constant 8 : i32
          %broadcast_in_dim3A_261 = vector.broadcast %broadcast_in_dim3A_260 : i32 to vector<16xi32>
          %lt3A_262 = vector.broadcast %arg1 : i32 to vector<16xi32>
          %lt3A_263 = arith.cmpi slt, %broadcast_in_dim3A_261, %lt3A_262 : vector<16xi32>
          %select_n3A_264 = arith.select %lt3A_263, %get3A_258, %broadcast_in_dim3A_0 : vector<16xi1>, vector<16xi32>
          %add3A_265 = arith.addi %add3A_252, %select_n3A_264 : vector<16xi32>
          %mul3A_266 = arith.constant 16 : i32
          %mul3A_267 = arith.muli %scan3A_150, %mul3A_266 : i32
          %get3A_268 = arith.constant 9 : i32
          %get3A_269 = arith.index_cast %get3A_268 : i32 to index
          %get3A_270 = arith.index_cast %mul3A_267 : i32 to index
          %get3A_271 = tpu.vector_load %arg8[%get3A_269, %get3A_270] {strides = array<i32>} : memref<16x256xi32, #tpu.memory_space<vmem>>, vector<16xi32>,
          %add3A_272 = arith.addi %add3A_259, %get3A_271 : vector<16xi32>
          %broadcast_in_dim3A_273 = arith.constant 9 : i32
          %broadcast_in_dim3A_274 = vector.broadcast %broadcast_in_dim3A_273 : i32 to vector<16xi32>
          %lt3A_275 = vector.broadcast %arg1 : i32 to vector<16xi32>
          %lt3A_276 = arith.cmpi slt, %broadcast_in_dim3A_274, %lt3A_275 : vector<16xi32>
          %select_n3A_277 = arith.select %lt3A_276, %get3A_271, %broadcast_in_dim3A_0 : vector<16xi1>, vector<16xi32>
          %add3A_278 = arith.addi %add3A_265, %select_n3A_277 : vector<16xi32>
          %mul3A_279 = arith.constant 16 : i32
          %mul3A_280 = arith.muli %scan3A_150, %mul3A_279 : i32
          %get3A_281 = arith.constant 10 : i32
          %get3A_282 = arith.index_cast %get3A_281 : i32 to index
          %get3A_283 = arith.index_cast %mul3A_280 : i32 to index
          %get3A_284 = tpu.vector_load %arg8[%get3A_282, %get3A_283] {strides = array<i32>} : memref<16x256xi32, #tpu.memory_space<vmem>>, vector<16xi32>,
          %add3A_285 = arith.addi %add3A_272, %get3A_284 : vector<16xi32>
          %broadcast_in_dim3A_286 = arith.constant 10 : i32
          %broadcast_in_dim3A_287 = vector.broadcast %broadcast_in_dim3A_286 : i32 to vector<16xi32>
          %lt3A_288 = vector.broadcast %arg1 : i32 to vector<16xi32>
          %lt3A_289 = arith.cmpi slt, %broadcast_in_dim3A_287, %lt3A_288 : vector<16xi32>
          %select_n3A_290 = arith.select %lt3A_289, %get3A_284, %broadcast_in_dim3A_0 : vector<16xi1>, vector<16xi32>
          %add3A_291 = arith.addi %add3A_278, %select_n3A_290 : vector<16xi32>
          %mul3A_292 = arith.constant 16 : i32
          %mul3A_293 = arith.muli %scan3A_150, %mul3A_292 : i32
          %get3A_294 = arith.constant 11 : i32
          %get3A_295 = arith.index_cast %get3A_294 : i32 to index
          %get3A_296 = arith.index_cast %mul3A_293 : i32 to index
          %get3A_297 = tpu.vector_load %arg8[%get3A_295, %get3A_296] {strides = array<i32>} : memref<16x256xi32, #tpu.memory_space<vmem>>, vector<16xi32>,
          %add3A_298 = arith.addi %add3A_285, %get3A_297 : vector<16xi32>
          %broadcast_in_dim3A_299 = arith.constant 11 : i32
          %broadcast_in_dim3A_300 = vector.broadcast %broadcast_in_dim3A_299 : i32 to vector<16xi32>
          %lt3A_301 = vector.broadcast %arg1 : i32 to vector<16xi32>
          %lt3A_302 = arith.cmpi slt, %broadcast_in_dim3A_300, %lt3A_301 : vector<16xi32>
          %select_n3A_303 = arith.select %lt3A_302, %get3A_297, %broadcast_in_dim3A_0 : vector<16xi1>, vector<16xi32>
          %add3A_304 = arith.addi %add3A_291, %select_n3A_303 : vector<16xi32>
          %mul3A_305 = arith.constant 16 : i32
          %mul3A_306 = arith.muli %scan3A_150, %mul3A_305 : i32
          %get3A_307 = arith.constant 12 : i32
          %get3A_308 = arith.index_cast %get3A_307 : i32 to index
          %get3A_309 = arith.index_cast %mul3A_306 : i32 to index
          %get3A_310 = tpu.vector_load %arg8[%get3A_308, %get3A_309] {strides = array<i32>} : memref<16x256xi32, #tpu.memory_space<vmem>>, vector<16xi32>,
          %add3A_311 = arith.addi %add3A_298, %get3A_310 : vector<16xi32>
          %broadcast_in_dim3A_312 = arith.constant 12 : i32
          %broadcast_in_dim3A_313 = vector.broadcast %broadcast_in_dim3A_312 : i32 to vector<16xi32>
          %lt3A_314 = vector.broadcast %arg1 : i32 to vector<16xi32>
          %lt3A_315 = arith.cmpi slt, %broadcast_in_dim3A_313, %lt3A_314 : vector<16xi32>
          %select_n3A_316 = arith.select %lt3A_315, %get3A_310, %broadcast_in_dim3A_0 : vector<16xi1>, vector<16xi32>
          %add3A_317 = arith.addi %add3A_304, %select_n3A_316 : vector<16xi32>
          %mul3A_318 = arith.constant 16 : i32
          %mul3A_319 = arith.muli %scan3A_150, %mul3A_318 : i32
          %get3A_320 = arith.constant 13 : i32
          %get3A_321 = arith.index_cast %get3A_320 : i32 to index
          %get3A_322 = arith.index_cast %mul3A_319 : i32 to index
          %get3A_323 = tpu.vector_load %arg8[%get3A_321, %get3A_322] {strides = array<i32>} : memref<16x256xi32, #tpu.memory_space<vmem>>, vector<16xi32>,
          %add3A_324 = arith.addi %add3A_311, %get3A_323 : vector<16xi32>
          %broadcast_in_dim3A_325 = arith.constant 13 : i32
          %broadcast_in_dim3A_326 = vector.broadcast %broadcast_in_dim3A_325 : i32 to vector<16xi32>
          %lt3A_327 = vector.broadcast %arg1 : i32 to vector<16xi32>
          %lt3A_328 = arith.cmpi slt, %broadcast_in_dim3A_326, %lt3A_327 : vector<16xi32>
          %select_n3A_329 = arith.select %lt3A_328, %get3A_323, %broadcast_in_dim3A_0 : vector<16xi1>, vector<16xi32>
          %add3A_330 = arith.addi %add3A_317, %select_n3A_329 : vector<16xi32>
          %mul3A_331 = arith.constant 16 : i32
          %mul3A_332 = arith.muli %scan3A_150, %mul3A_331 : i32
          %get3A_333 = arith.constant 14 : i32
          %get3A_334 = arith.index_cast %get3A_333 : i32 to index
          %get3A_335 = arith.index_cast %mul3A_332 : i32 to index
          %get3A_336 = tpu.vector_load %arg8[%get3A_334, %get3A_335] {strides = array<i32>} : memref<16x256xi32, #tpu.memory_space<vmem>>, vector<16xi32>,
          %add3A_337 = arith.addi %add3A_324, %get3A_336 : vector<16xi32>
          %broadcast_in_dim3A_338 = arith.constant 14 : i32
          %broadcast_in_dim3A_339 = vector.broadcast %broadcast_in_dim3A_338 : i32 to vector<16xi32>
          %lt3A_340 = vector.broadcast %arg1 : i32 to vector<16xi32>
          %lt3A_341 = arith.cmpi slt, %broadcast_in_dim3A_339, %lt3A_340 : vector<16xi32>
          %select_n3A_342 = arith.select %lt3A_341, %get3A_336, %broadcast_in_dim3A_0 : vector<16xi1>, vector<16xi32>
          %add3A_343 = arith.addi %add3A_330, %select_n3A_342 : vector<16xi32>
          %mul3A_344 = arith.constant 16 : i32
          %mul3A_345 = arith.muli %scan3A_150, %mul3A_344 : i32
          %get3A_346 = arith.constant 15 : i32
          %get3A_347 = arith.index_cast %get3A_346 : i32 to index
          %get3A_348 = arith.index_cast %mul3A_345 : i32 to index
          %get3A_349 = tpu.vector_load %arg8[%get3A_347, %get3A_348] {strides = array<i32>} : memref<16x256xi32, #tpu.memory_space<vmem>>, vector<16xi32>,
          %add3A_350 = arith.addi %add3A_337, %get3A_349 : vector<16xi32>
          %broadcast_in_dim3A_351 = arith.constant 15 : i32
          %broadcast_in_dim3A_352 = vector.broadcast %broadcast_in_dim3A_351 : i32 to vector<16xi32>
          %lt3A_353 = vector.broadcast %arg1 : i32 to vector<16xi32>
          %lt3A_354 = arith.cmpi slt, %broadcast_in_dim3A_352, %lt3A_353 : vector<16xi32>
          %select_n3A_355 = arith.select %lt3A_354, %get3A_349, %broadcast_in_dim3A_0 : vector<16xi1>, vector<16xi32>
          %add3A_356 = arith.addi %add3A_343, %select_n3A_355 : vector<16xi32>
          %broadcast_in_dim3A_357 = arith.constant true
          %broadcast_in_dim3A_358 = vector.broadcast %broadcast_in_dim3A_357 : i1 to vector<16xi1>
          %masked_cumsum3A = tpu.scan <sum>, %add3A_350 masked %broadcast_in_dim3A_358 : vector<16xi32>, vector<16xi1> -> vector<16xi32>
          %sub3A = arith.subi %masked_cumsum3A, %add3A_350 : vector<16xi32>
          %add3A_359 = vector.broadcast %scan3A_151 : i32 to vector<16xi32>
          %add3A_360 = arith.addi %sub3A, %add3A_359 : vector<16xi32>
          %add3A_361 = arith.addi %add3A_360, %add3A_356 : vector<16xi32>
          %mul3A_362 = arith.constant 256 : i32
          %mul3A_363 = arith.muli %scan3A_138, %mul3A_362 : i32
          %mul3A_364 = arith.constant 16 : i32
          %mul3A_365 = arith.muli %scan3A_150, %mul3A_364 : i32
          %add3A_366 = arith.addi %mul3A_363, %mul3A_365 : i32
          %get3A_367 = arith.constant 0 : i32
          %get3A_368 = arith.index_cast %get3A_367 : i32 to index
          %get3A_369 = arith.index_cast %add3A_366 : i32 to index
          %get3A_370 = tpu.vector_load %arg6[%get3A_368, %get3A_369] {strides = array<i32>} : memref<16x2048xi32, #tpu.memory_space<vmem>>, vector<16xi32>,
          %add3A_371 = arith.addi %get3A_370, %add3A_361 : vector<16xi32>
          %swap3A = arith.constant 0 : i32
          %swap3A_372 = arith.index_cast %swap3A : i32 to index
          %swap3A_373 = arith.index_cast %add3A_366 : i32 to index
          %swap3A_374 = tpu.vector_load %arg6[%swap3A_372, %swap3A_373] {strides = array<i32>} : memref<16x2048xi32, #tpu.memory_space<vmem>>, vector<16xi32>,
          tpu.vector_store %arg6[%swap3A_372, %swap3A_373], %add3A_371 {strides = array<i32>} : memref<16x2048xi32, #tpu.memory_space<vmem>>, vector<16xi32>,
          %get3A_375 = arith.constant 1 : i32
          %get3A_376 = arith.index_cast %get3A_375 : i32 to index
          %get3A_377 = arith.index_cast %add3A_366 : i32 to index
          %get3A_378 = tpu.vector_load %arg6[%get3A_376, %get3A_377] {strides = array<i32>} : memref<16x2048xi32, #tpu.memory_space<vmem>>, vector<16xi32>,
          %add3A_379 = arith.addi %get3A_378, %add3A_361 : vector<16xi32>
          %swap3A_380 = arith.constant 1 : i32
          %swap3A_381 = arith.index_cast %swap3A_380 : i32 to index
          %swap3A_382 = arith.index_cast %add3A_366 : i32 to index
          %swap3A_383 = tpu.vector_load %arg6[%swap3A_381, %swap3A_382] {strides = array<i32>} : memref<16x2048xi32, #tpu.memory_space<vmem>>, vector<16xi32>,
          tpu.vector_store %arg6[%swap3A_381, %swap3A_382], %add3A_379 {strides = array<i32>} : memref<16x2048xi32, #tpu.memory_space<vmem>>, vector<16xi32>,
          %get3A_384 = arith.constant 2 : i32
          %get3A_385 = arith.index_cast %get3A_384 : i32 to index
          %get3A_386 = arith.index_cast %add3A_366 : i32 to index
          %get3A_387 = tpu.vector_load %arg6[%get3A_385, %get3A_386] {strides = array<i32>} : memref<16x2048xi32, #tpu.memory_space<vmem>>, vector<16xi32>,
          %add3A_388 = arith.addi %get3A_387, %add3A_361 : vector<16xi32>
          %swap3A_389 = arith.constant 2 : i32
          %swap3A_390 = arith.index_cast %swap3A_389 : i32 to index
          %swap3A_391 = arith.index_cast %add3A_366 : i32 to index
          %swap3A_392 = tpu.vector_load %arg6[%swap3A_390, %swap3A_391] {strides = array<i32>} : memref<16x2048xi32, #tpu.memory_space<vmem>>, vector<16xi32>,
          tpu.vector_store %arg6[%swap3A_390, %swap3A_391], %add3A_388 {strides = array<i32>} : memref<16x2048xi32, #tpu.memory_space<vmem>>, vector<16xi32>,
          %get3A_393 = arith.constant 3 : i32
          %get3A_394 = arith.index_cast %get3A_393 : i32 to index
          %get3A_395 = arith.index_cast %add3A_366 : i32 to index
          %get3A_396 = tpu.vector_load %arg6[%get3A_394, %get3A_395] {strides = array<i32>} : memref<16x2048xi32, #tpu.memory_space<vmem>>, vector<16xi32>,
          %add3A_397 = arith.addi %get3A_396, %add3A_361 : vector<16xi32>
          %swap3A_398 = arith.constant 3 : i32
          %swap3A_399 = arith.index_cast %swap3A_398 : i32 to index
          %swap3A_400 = arith.index_cast %add3A_366 : i32 to index
          %swap3A_401 = tpu.vector_load %arg6[%swap3A_399, %swap3A_400] {strides = array<i32>} : memref<16x2048xi32, #tpu.memory_space<vmem>>, vector<16xi32>,
          tpu.vector_store %arg6[%swap3A_399, %swap3A_400], %add3A_397 {strides = array<i32>} : memref<16x2048xi32, #tpu.memory_space<vmem>>, vector<16xi32>,
          %get3A_402 = arith.constant 4 : i32
          %get3A_403 = arith.index_cast %get3A_402 : i32 to index
          %get3A_404 = arith.index_cast %add3A_366 : i32 to index
          %get3A_405 = tpu.vector_load %arg6[%get3A_403, %get3A_404] {strides = array<i32>} : memref<16x2048xi32, #tpu.memory_space<vmem>>, vector<16xi32>,
          %add3A_406 = arith.addi %get3A_405, %add3A_361 : vector<16xi32>
          %swap3A_407 = arith.constant 4 : i32
          %swap3A_408 = arith.index_cast %swap3A_407 : i32 to index
          %swap3A_409 = arith.index_cast %add3A_366 : i32 to index
          %swap3A_410 = tpu.vector_load %arg6[%swap3A_408, %swap3A_409] {strides = array<i32>} : memref<16x2048xi32, #tpu.memory_space<vmem>>, vector<16xi32>,
          tpu.vector_store %arg6[%swap3A_408, %swap3A_409], %add3A_406 {strides = array<i32>} : memref<16x2048xi32, #tpu.memory_space<vmem>>, vector<16xi32>,
          %get3A_411 = arith.constant 5 : i32
          %get3A_412 = arith.index_cast %get3A_411 : i32 to index
          %get3A_413 = arith.index_cast %add3A_366 : i32 to index
          %get3A_414 = tpu.vector_load %arg6[%get3A_412, %get3A_413] {strides = array<i32>} : memref<16x2048xi32, #tpu.memory_space<vmem>>, vector<16xi32>,
          %add3A_415 = arith.addi %get3A_414, %add3A_361 : vector<16xi32>
          %swap3A_416 = arith.constant 5 : i32
          %swap3A_417 = arith.index_cast %swap3A_416 : i32 to index
          %swap3A_418 = arith.index_cast %add3A_366 : i32 to index
          %swap3A_419 = tpu.vector_load %arg6[%swap3A_417, %swap3A_418] {strides = array<i32>} : memref<16x2048xi32, #tpu.memory_space<vmem>>, vector<16xi32>,
          tpu.vector_store %arg6[%swap3A_417, %swap3A_418], %add3A_415 {strides = array<i32>} : memref<16x2048xi32, #tpu.memory_space<vmem>>, vector<16xi32>,
          %get3A_420 = arith.constant 6 : i32
          %get3A_421 = arith.index_cast %get3A_420 : i32 to index
          %get3A_422 = arith.index_cast %add3A_366 : i32 to index
          %get3A_423 = tpu.vector_load %arg6[%get3A_421, %get3A_422] {strides = array<i32>} : memref<16x2048xi32, #tpu.memory_space<vmem>>, vector<16xi32>,
          %add3A_424 = arith.addi %get3A_423, %add3A_361 : vector<16xi32>
          %swap3A_425 = arith.constant 6 : i32
          %swap3A_426 = arith.index_cast %swap3A_425 : i32 to index
          %swap3A_427 = arith.index_cast %add3A_366 : i32 to index
          %swap3A_428 = tpu.vector_load %arg6[%swap3A_426, %swap3A_427] {strides = array<i32>} : memref<16x2048xi32, #tpu.memory_space<vmem>>, vector<16xi32>,
          tpu.vector_store %arg6[%swap3A_426, %swap3A_427], %add3A_424 {strides = array<i32>} : memref<16x2048xi32, #tpu.memory_space<vmem>>, vector<16xi32>,
          %get3A_429 = arith.constant 7 : i32
          %get3A_430 = arith.index_cast %get3A_429 : i32 to index
          %get3A_431 = arith.index_cast %add3A_366 : i32 to index
          %get3A_432 = tpu.vector_load %arg6[%get3A_430, %get3A_431] {strides = array<i32>} : memref<16x2048xi32, #tpu.memory_space<vmem>>, vector<16xi32>,
          %add3A_433 = arith.addi %get3A_432, %add3A_361 : vector<16xi32>
          %swap3A_434 = arith.constant 7 : i32
          %swap3A_435 = arith.index_cast %swap3A_434 : i32 to index
          %swap3A_436 = arith.index_cast %add3A_366 : i32 to index
          %swap3A_437 = tpu.vector_load %arg6[%swap3A_435, %swap3A_436] {strides = array<i32>} : memref<16x2048xi32, #tpu.memory_space<vmem>>, vector<16xi32>,
          tpu.vector_store %arg6[%swap3A_435, %swap3A_436], %add3A_433 {strides = array<i32>} : memref<16x2048xi32, #tpu.memory_space<vmem>>, vector<16xi32>,
          %get3A_438 = arith.constant 8 : i32
          %get3A_439 = arith.index_cast %get3A_438 : i32 to index
          %get3A_440 = arith.index_cast %add3A_366 : i32 to index
          %get3A_441 = tpu.vector_load %arg6[%get3A_439, %get3A_440] {strides = array<i32>} : memref<16x2048xi32, #tpu.memory_space<vmem>>, vector<16xi32>,
          %add3A_442 = arith.addi %get3A_441, %add3A_361 : vector<16xi32>
          %swap3A_443 = arith.constant 8 : i32
          %swap3A_444 = arith.index_cast %swap3A_443 : i32 to index
          %swap3A_445 = arith.index_cast %add3A_366 : i32 to index
          %swap3A_446 = tpu.vector_load %arg6[%swap3A_444, %swap3A_445] {strides = array<i32>} : memref<16x2048xi32, #tpu.memory_space<vmem>>, vector<16xi32>,
          tpu.vector_store %arg6[%swap3A_444, %swap3A_445], %add3A_442 {strides = array<i32>} : memref<16x2048xi32, #tpu.memory_space<vmem>>, vector<16xi32>,
          %get3A_447 = arith.constant 9 : i32
          %get3A_448 = arith.index_cast %get3A_447 : i32 to index
          %get3A_449 = arith.index_cast %add3A_366 : i32 to index
          %get3A_450 = tpu.vector_load %arg6[%get3A_448, %get3A_449] {strides = array<i32>} : memref<16x2048xi32, #tpu.memory_space<vmem>>, vector<16xi32>,
          %add3A_451 = arith.addi %get3A_450, %add3A_361 : vector<16xi32>
          %swap3A_452 = arith.constant 9 : i32
          %swap3A_453 = arith.index_cast %swap3A_452 : i32 to index
          %swap3A_454 = arith.index_cast %add3A_366 : i32 to index
          %swap3A_455 = tpu.vector_load %arg6[%swap3A_453, %swap3A_454] {strides = array<i32>} : memref<16x2048xi32, #tpu.memory_space<vmem>>, vector<16xi32>,
          tpu.vector_store %arg6[%swap3A_453, %swap3A_454], %add3A_451 {strides = array<i32>} : memref<16x2048xi32, #tpu.memory_space<vmem>>, vector<16xi32>,
          %get3A_456 = arith.constant 10 : i32
          %get3A_457 = arith.index_cast %get3A_456 : i32 to index
          %get3A_458 = arith.index_cast %add3A_366 : i32 to index
          %get3A_459 = tpu.vector_load %arg6[%get3A_457, %get3A_458] {strides = array<i32>} : memref<16x2048xi32, #tpu.memory_space<vmem>>, vector<16xi32>,
          %add3A_460 = arith.addi %get3A_459, %add3A_361 : vector<16xi32>
          %swap3A_461 = arith.constant 10 : i32
          %swap3A_462 = arith.index_cast %swap3A_461 : i32 to index
          %swap3A_463 = arith.index_cast %add3A_366 : i32 to index
          %swap3A_464 = tpu.vector_load %arg6[%swap3A_462, %swap3A_463] {strides = array<i32>} : memref<16x2048xi32, #tpu.memory_space<vmem>>, vector<16xi32>,
          tpu.vector_store %arg6[%swap3A_462, %swap3A_463], %add3A_460 {strides = array<i32>} : memref<16x2048xi32, #tpu.memory_space<vmem>>, vector<16xi32>,
          %get3A_465 = arith.constant 11 : i32
          %get3A_466 = arith.index_cast %get3A_465 : i32 to index
          %get3A_467 = arith.index_cast %add3A_366 : i32 to index
          %get3A_468 = tpu.vector_load %arg6[%get3A_466, %get3A_467] {strides = array<i32>} : memref<16x2048xi32, #tpu.memory_space<vmem>>, vector<16xi32>,
          %add3A_469 = arith.addi %get3A_468, %add3A_361 : vector<16xi32>
          %swap3A_470 = arith.constant 11 : i32
          %swap3A_471 = arith.index_cast %swap3A_470 : i32 to index
          %swap3A_472 = arith.index_cast %add3A_366 : i32 to index
          %swap3A_473 = tpu.vector_load %arg6[%swap3A_471, %swap3A_472] {strides = array<i32>} : memref<16x2048xi32, #tpu.memory_space<vmem>>, vector<16xi32>,
          tpu.vector_store %arg6[%swap3A_471, %swap3A_472], %add3A_469 {strides = array<i32>} : memref<16x2048xi32, #tpu.memory_space<vmem>>, vector<16xi32>,
          %get3A_474 = arith.constant 12 : i32
          %get3A_475 = arith.index_cast %get3A_474 : i32 to index
          %get3A_476 = arith.index_cast %add3A_366 : i32 to index
          %get3A_477 = tpu.vector_load %arg6[%get3A_475, %get3A_476] {strides = array<i32>} : memref<16x2048xi32, #tpu.memory_space<vmem>>, vector<16xi32>,
          %add3A_478 = arith.addi %get3A_477, %add3A_361 : vector<16xi32>
          %swap3A_479 = arith.constant 12 : i32
          %swap3A_480 = arith.index_cast %swap3A_479 : i32 to index
          %swap3A_481 = arith.index_cast %add3A_366 : i32 to index
          %swap3A_482 = tpu.vector_load %arg6[%swap3A_480, %swap3A_481] {strides = array<i32>} : memref<16x2048xi32, #tpu.memory_space<vmem>>, vector<16xi32>,
          tpu.vector_store %arg6[%swap3A_480, %swap3A_481], %add3A_478 {strides = array<i32>} : memref<16x2048xi32, #tpu.memory_space<vmem>>, vector<16xi32>,
          %get3A_483 = arith.constant 13 : i32
          %get3A_484 = arith.index_cast %get3A_483 : i32 to index
          %get3A_485 = arith.index_cast %add3A_366 : i32 to index
          %get3A_486 = tpu.vector_load %arg6[%get3A_484, %get3A_485] {strides = array<i32>} : memref<16x2048xi32, #tpu.memory_space<vmem>>, vector<16xi32>,
          %add3A_487 = arith.addi %get3A_486, %add3A_361 : vector<16xi32>
          %swap3A_488 = arith.constant 13 : i32
          %swap3A_489 = arith.index_cast %swap3A_488 : i32 to index
          %swap3A_490 = arith.index_cast %add3A_366 : i32 to index
          %swap3A_491 = tpu.vector_load %arg6[%swap3A_489, %swap3A_490] {strides = array<i32>} : memref<16x2048xi32, #tpu.memory_space<vmem>>, vector<16xi32>,
          tpu.vector_store %arg6[%swap3A_489, %swap3A_490], %add3A_487 {strides = array<i32>} : memref<16x2048xi32, #tpu.memory_space<vmem>>, vector<16xi32>,
          %get3A_492 = arith.constant 14 : i32
          %get3A_493 = arith.index_cast %get3A_492 : i32 to index
          %get3A_494 = arith.index_cast %add3A_366 : i32 to index
          %get3A_495 = tpu.vector_load %arg6[%get3A_493, %get3A_494] {strides = array<i32>} : memref<16x2048xi32, #tpu.memory_space<vmem>>, vector<16xi32>,
          %add3A_496 = arith.addi %get3A_495, %add3A_361 : vector<16xi32>
          %swap3A_497 = arith.constant 14 : i32
          %swap3A_498 = arith.index_cast %swap3A_497 : i32 to index
          %swap3A_499 = arith.index_cast %add3A_366 : i32 to index
          %swap3A_500 = tpu.vector_load %arg6[%swap3A_498, %swap3A_499] {strides = array<i32>} : memref<16x2048xi32, #tpu.memory_space<vmem>>, vector<16xi32>,
          tpu.vector_store %arg6[%swap3A_498, %swap3A_499], %add3A_496 {strides = array<i32>} : memref<16x2048xi32, #tpu.memory_space<vmem>>, vector<16xi32>,
          %get3A_501 = arith.constant 15 : i32
          %get3A_502 = arith.index_cast %get3A_501 : i32 to index
          %get3A_503 = arith.index_cast %add3A_366 : i32 to index
          %get3A_504 = tpu.vector_load %arg6[%get3A_502, %get3A_503] {strides = array<i32>} : memref<16x2048xi32, #tpu.memory_space<vmem>>, vector<16xi32>,
          %add3A_505 = arith.addi %get3A_504, %add3A_361 : vector<16xi32>
          %swap3A_506 = arith.constant 15 : i32
          %swap3A_507 = arith.index_cast %swap3A_506 : i32 to index
          %swap3A_508 = arith.index_cast %add3A_366 : i32 to index
          %swap3A_509 = tpu.vector_load %arg6[%swap3A_507, %swap3A_508] {strides = array<i32>} : memref<16x2048xi32, #tpu.memory_space<vmem>>, vector<16xi32>,
          tpu.vector_store %arg6[%swap3A_507, %swap3A_508], %add3A_505 {strides = array<i32>} : memref<16x2048xi32, #tpu.memory_space<vmem>>, vector<16xi32>,
          %reduce_sum3A = arith.constant true
          %reduce_sum3A_510 = vector.broadcast %reduce_sum3A : i1 to vector<16xi1>
          %reduce_sum3A_511 = tpu.scan <sum>, %add3A_350 masked %reduce_sum3A_510 : vector<16xi32>, vector<16xi1> -> vector<16xi32>
          %reduce_sum3A_512 = vector.extract %reduce_sum3A_511[15] : i32 from vector<16xi32>
          %add3A_513 = arith.addi %scan3A_151, %reduce_sum3A_512 : i32
          scf.yield %add3A_513 : i32
        }
        %scan3A_148 = arith.constant 16 : i32
        %barrier3A_149 = arith.constant 0 : index
        tpu.barrier barrier_id(%barrier3A_149)
        scf.yield %scan3A_147 : i32
      }
      %scan3A_39 = arith.constant 8 : i32
      %scan3A_40 = arith.constant 0 : i32
      %scan3A_41 = arith.constant 0 : i32
      %scan3A_42 = arith.constant 1024 : i32
      %scan3A_43 = arith.addi %scan3A_41, %scan3A_42 : i32
      %scan3A_44 = arith.constant 1 : i32
      %scan3A_45 = scf.for %scan3A_138 = %scan3A_41 to %scan3A_43 step %scan3A_44 iter_args(%scan3A_139 = %scan3A_40) -> (i32)  : i32 {
        %mul3A_140 = arith.constant 16 : i32
        %mul3A_141 = arith.muli %scan3A_138, %mul3A_140 : i32
        %get3A = arith.index_cast %mul3A_141 : i32 to index
        %get3A_142 = tpu.vector_load %arg4[%get3A] {strides = array<i32>} : memref<16384xi32, #tpu.memory_space<vmem>>, vector<16xi32>,
        %shift_right_arithmetic3A = arith.constant 0 : i32
        %shift_right_arithmetic3A_143 = vector.broadcast %shift_right_arithmetic3A : i32 to vector<16xi32>
        %shift_right_arithmetic3A_144 = arith.shrsi %get3A_142, %shift_right_arithmetic3A_143 : vector<16xi32>
        %and3A = arith.constant 2047 : i32
        %and3A_145 = vector.broadcast %and3A : i32 to vector<16xi32>
        %and3A_146 = arith.andi %shift_right_arithmetic3A_144, %and3A_145 : vector<16xi32>
        %sub3A = arith.constant 2047 : i32
        %sub3A_147 = vector.broadcast %sub3A : i32 to vector<16xi32>
        %sub3A_148 = arith.subi %sub3A_147, %and3A_146 : vector<16xi32>
        %get3A_149 = arith.index_cast %mul3A_141 : i32 to index
        %get3A_150 = tpu.vector_load %arg5[%get3A_149] {strides = array<i32>} : memref<16384xi32, #tpu.memory_space<vmem>>, vector<16xi32>,
        %gather3A = tpu.vector_load_idx %arg6[%iota3A, %sub3A_148] : memref<16x2048xi32, #tpu.memory_space<vmem>>[vector<16xi32>, vector<16xi32>], vector<16xi32>,
        %add3A_151 = arith.addi %get3A_150, %gather3A : vector<16xi32>
        %not3A = arith.constant 16383 : i32
        %not3A_152 = arith.constant -1 : i32
        %not3A_153 = arith.xori %not3A, %not3A_152 : i32
        %and3A_154 = vector.broadcast %not3A_153 : i32 to vector<16xi32>
        %and3A_155 = arith.andi %add3A_151, %and3A_154 : vector<16xi32>
        %and3A_156 = arith.constant 1023 : i32
        %and3A_157 = vector.broadcast %and3A_156 : i32 to vector<16xi32>
        %and3A_158 = arith.andi %add3A_151, %and3A_157 : vector<16xi32>
        %shift_left3A = arith.constant 4 : i32
        %shift_left3A_159 = vector.broadcast %shift_left3A : i32 to vector<16xi32>
        %shift_left3A_160 = arith.shli %and3A_158, %shift_left3A_159 : vector<16xi32>
        %or3A = arith.ori %and3A_155, %shift_left3A_160 : vector<16xi32>
        %shift_right_arithmetic3A_161 = arith.constant 10 : i32
        %shift_right_arithmetic3A_162 = vector.broadcast %shift_right_arithmetic3A_161 : i32 to vector<16xi32>
        %shift_right_arithmetic3A_163 = arith.shrsi %add3A_151, %shift_right_arithmetic3A_162 : vector<16xi32>
        %and3A_164 = arith.constant 15 : i32
        %and3A_165 = vector.broadcast %and3A_164 : i32 to vector<16xi32>
        %and3A_166 = arith.andi %shift_right_arithmetic3A_163, %and3A_165 : vector<16xi32>
        %or3A_167 = arith.ori %or3A, %and3A_166 : vector<16xi32>
        %swap3A = arith.index_cast %mul3A_141 : i32 to index
        %swap3A_168 = tpu.vector_load %arg5[%swap3A] {strides = array<i32>} : memref<16384xi32, #tpu.memory_space<vmem>>, vector<16xi32>,
        tpu.vector_store %arg5[%swap3A], %or3A_167 {strides = array<i32>} : memref<16384xi32, #tpu.memory_space<vmem>>, vector<16xi32>,
        %scan3A_169 = arith.constant 0 : i32
        scf.yield %scan3A_169 : i32
      }
      %scan3A_46 = arith.constant 1024 : i32
      %dma_start3A = arith.constant 0 : i32
      %dma_start3A_47 = tpu.memref_slice %arg9[%dma_start3A] : memref<262144xi32, #tpu.memory_space<vmem_shared>> -> memref<262144xi32, #tpu.memory_space<vmem_shared>>
      tpu.enqueue_indirect_dma source(%arg4 : memref<16384xi32, #tpu.memory_space<vmem>>) target(%dma_start3A_47 : memref<262144xi32, #tpu.memory_space<vmem_shared>>) offsets(%arg5 : memref<16384xi32, #tpu.memory_space<vmem>>) semaphore(%arg12 : memref<!tpu.dma_semaphore, #tpu.memory_space<semaphore_mem>>)
      %scan3A_48 = arith.constant 0 : i32
      %scan3A_49 = arith.constant 0 : i32
      %scan3A_50 = arith.constant 128 : i32
      %scan3A_51 = arith.addi %scan3A_49, %scan3A_50 : i32
      %scan3A_52 = arith.constant 1 : i32
      %scan3A_53 = scf.for %scan3A_138 = %scan3A_49 to %scan3A_51 step %scan3A_52 iter_args(%scan3A_139 = %scan3A_48) -> (i32)  : i32 {
        %mul3A_140 = arith.constant 16 : i32
        %mul3A_141 = arith.muli %scan3A_138, %mul3A_140 : i32
        %swap3A = arith.constant 0 : i32
        %swap3A_142 = arith.index_cast %swap3A : i32 to index
        %swap3A_143 = arith.index_cast %mul3A_141 : i32 to index
        %swap3A_144 = tpu.vector_load %arg6[%swap3A_142, %swap3A_143] {strides = array<i32>} : memref<16x2048xi32, #tpu.memory_space<vmem>>, vector<16xi32>,
        tpu.vector_store %arg6[%swap3A_142, %swap3A_143], %broadcast_in_dim3A_0 {strides = array<i32>} : memref<16x2048xi32, #tpu.memory_space<vmem>>, vector<16xi32>,
        %swap3A_145 = arith.constant 1 : i32
        %swap3A_146 = arith.index_cast %swap3A_145 : i32 to index
        %swap3A_147 = arith.index_cast %mul3A_141 : i32 to index
        %swap3A_148 = tpu.vector_load %arg6[%swap3A_146, %swap3A_147] {strides = array<i32>} : memref<16x2048xi32, #tpu.memory_space<vmem>>, vector<16xi32>,
        tpu.vector_store %arg6[%swap3A_146, %swap3A_147], %broadcast_in_dim3A_0 {strides = array<i32>} : memref<16x2048xi32, #tpu.memory_space<vmem>>, vector<16xi32>,
        %swap3A_149 = arith.constant 2 : i32
        %swap3A_150 = arith.index_cast %swap3A_149 : i32 to index
        %swap3A_151 = arith.index_cast %mul3A_141 : i32 to index
        %swap3A_152 = tpu.vector_load %arg6[%swap3A_150, %swap3A_151] {strides = array<i32>} : memref<16x2048xi32, #tpu.memory_space<vmem>>, vector<16xi32>,
        tpu.vector_store %arg6[%swap3A_150, %swap3A_151], %broadcast_in_dim3A_0 {strides = array<i32>} : memref<16x2048xi32, #tpu.memory_space<vmem>>, vector<16xi32>,
        %swap3A_153 = arith.constant 3 : i32
        %swap3A_154 = arith.index_cast %swap3A_153 : i32 to index
        %swap3A_155 = arith.index_cast %mul3A_141 : i32 to index
        %swap3A_156 = tpu.vector_load %arg6[%swap3A_154, %swap3A_155] {strides = array<i32>} : memref<16x2048xi32, #tpu.memory_space<vmem>>, vector<16xi32>,
        tpu.vector_store %arg6[%swap3A_154, %swap3A_155], %broadcast_in_dim3A_0 {strides = array<i32>} : memref<16x2048xi32, #tpu.memory_space<vmem>>, vector<16xi32>,
        %swap3A_157 = arith.constant 4 : i32
        %swap3A_158 = arith.index_cast %swap3A_157 : i32 to index
        %swap3A_159 = arith.index_cast %mul3A_141 : i32 to index
        %swap3A_160 = tpu.vector_load %arg6[%swap3A_158, %swap3A_159] {strides = array<i32>} : memref<16x2048xi32, #tpu.memory_space<vmem>>, vector<16xi32>,
        tpu.vector_store %arg6[%swap3A_158, %swap3A_159], %broadcast_in_dim3A_0 {strides = array<i32>} : memref<16x2048xi32, #tpu.memory_space<vmem>>, vector<16xi32>,
        %swap3A_161 = arith.constant 5 : i32
        %swap3A_162 = arith.index_cast %swap3A_161 : i32 to index
        %swap3A_163 = arith.index_cast %mul3A_141 : i32 to index
        %swap3A_164 = tpu.vector_load %arg6[%swap3A_162, %swap3A_163] {strides = array<i32>} : memref<16x2048xi32, #tpu.memory_space<vmem>>, vector<16xi32>,
        tpu.vector_store %arg6[%swap3A_162, %swap3A_163], %broadcast_in_dim3A_0 {strides = array<i32>} : memref<16x2048xi32, #tpu.memory_space<vmem>>, vector<16xi32>,
        %swap3A_165 = arith.constant 6 : i32
        %swap3A_166 = arith.index_cast %swap3A_165 : i32 to index
        %swap3A_167 = arith.index_cast %mul3A_141 : i32 to index
        %swap3A_168 = tpu.vector_load %arg6[%swap3A_166, %swap3A_167] {strides = array<i32>} : memref<16x2048xi32, #tpu.memory_space<vmem>>, vector<16xi32>,
        tpu.vector_store %arg6[%swap3A_166, %swap3A_167], %broadcast_in_dim3A_0 {strides = array<i32>} : memref<16x2048xi32, #tpu.memory_space<vmem>>, vector<16xi32>,
        %swap3A_169 = arith.constant 7 : i32
        %swap3A_170 = arith.index_cast %swap3A_169 : i32 to index
        %swap3A_171 = arith.index_cast %mul3A_141 : i32 to index
        %swap3A_172 = tpu.vector_load %arg6[%swap3A_170, %swap3A_171] {strides = array<i32>} : memref<16x2048xi32, #tpu.memory_space<vmem>>, vector<16xi32>,
        tpu.vector_store %arg6[%swap3A_170, %swap3A_171], %broadcast_in_dim3A_0 {strides = array<i32>} : memref<16x2048xi32, #tpu.memory_space<vmem>>, vector<16xi32>,
        %swap3A_173 = arith.constant 8 : i32
        %swap3A_174 = arith.index_cast %swap3A_173 : i32 to index
        %swap3A_175 = arith.index_cast %mul3A_141 : i32 to index
        %swap3A_176 = tpu.vector_load %arg6[%swap3A_174, %swap3A_175] {strides = array<i32>} : memref<16x2048xi32, #tpu.memory_space<vmem>>, vector<16xi32>,
        tpu.vector_store %arg6[%swap3A_174, %swap3A_175], %broadcast_in_dim3A_0 {strides = array<i32>} : memref<16x2048xi32, #tpu.memory_space<vmem>>, vector<16xi32>,
        %swap3A_177 = arith.constant 9 : i32
        %swap3A_178 = arith.index_cast %swap3A_177 : i32 to index
        %swap3A_179 = arith.index_cast %mul3A_141 : i32 to index
        %swap3A_180 = tpu.vector_load %arg6[%swap3A_178, %swap3A_179] {strides = array<i32>} : memref<16x2048xi32, #tpu.memory_space<vmem>>, vector<16xi32>,
        tpu.vector_store %arg6[%swap3A_178, %swap3A_179], %broadcast_in_dim3A_0 {strides = array<i32>} : memref<16x2048xi32, #tpu.memory_space<vmem>>, vector<16xi32>,
        %swap3A_181 = arith.constant 10 : i32
        %swap3A_182 = arith.index_cast %swap3A_181 : i32 to index
        %swap3A_183 = arith.index_cast %mul3A_141 : i32 to index
        %swap3A_184 = tpu.vector_load %arg6[%swap3A_182, %swap3A_183] {strides = array<i32>} : memref<16x2048xi32, #tpu.memory_space<vmem>>, vector<16xi32>,
        tpu.vector_store %arg6[%swap3A_182, %swap3A_183], %broadcast_in_dim3A_0 {strides = array<i32>} : memref<16x2048xi32, #tpu.memory_space<vmem>>, vector<16xi32>,
        %swap3A_185 = arith.constant 11 : i32
        %swap3A_186 = arith.index_cast %swap3A_185 : i32 to index
        %swap3A_187 = arith.index_cast %mul3A_141 : i32 to index
        %swap3A_188 = tpu.vector_load %arg6[%swap3A_186, %swap3A_187] {strides = array<i32>} : memref<16x2048xi32, #tpu.memory_space<vmem>>, vector<16xi32>,
        tpu.vector_store %arg6[%swap3A_186, %swap3A_187], %broadcast_in_dim3A_0 {strides = array<i32>} : memref<16x2048xi32, #tpu.memory_space<vmem>>, vector<16xi32>,
        %swap3A_189 = arith.constant 12 : i32
        %swap3A_190 = arith.index_cast %swap3A_189 : i32 to index
        %swap3A_191 = arith.index_cast %mul3A_141 : i32 to index
        %swap3A_192 = tpu.vector_load %arg6[%swap3A_190, %swap3A_191] {strides = array<i32>} : memref<16x2048xi32, #tpu.memory_space<vmem>>, vector<16xi32>,
        tpu.vector_store %arg6[%swap3A_190, %swap3A_191], %broadcast_in_dim3A_0 {strides = array<i32>} : memref<16x2048xi32, #tpu.memory_space<vmem>>, vector<16xi32>,
        %swap3A_193 = arith.constant 13 : i32
        %swap3A_194 = arith.index_cast %swap3A_193 : i32 to index
        %swap3A_195 = arith.index_cast %mul3A_141 : i32 to index
        %swap3A_196 = tpu.vector_load %arg6[%swap3A_194, %swap3A_195] {strides = array<i32>} : memref<16x2048xi32, #tpu.memory_space<vmem>>, vector<16xi32>,
        tpu.vector_store %arg6[%swap3A_194, %swap3A_195], %broadcast_in_dim3A_0 {strides = array<i32>} : memref<16x2048xi32, #tpu.memory_space<vmem>>, vector<16xi32>,
        %swap3A_197 = arith.constant 14 : i32
        %swap3A_198 = arith.index_cast %swap3A_197 : i32 to index
        %swap3A_199 = arith.index_cast %mul3A_141 : i32 to index
        %swap3A_200 = tpu.vector_load %arg6[%swap3A_198, %swap3A_199] {strides = array<i32>} : memref<16x2048xi32, #tpu.memory_space<vmem>>, vector<16xi32>,
        tpu.vector_store %arg6[%swap3A_198, %swap3A_199], %broadcast_in_dim3A_0 {strides = array<i32>} : memref<16x2048xi32, #tpu.memory_space<vmem>>, vector<16xi32>,
        %swap3A_201 = arith.constant 15 : i32
        %swap3A_202 = arith.index_cast %swap3A_201 : i32 to index
        %swap3A_203 = arith.index_cast %mul3A_141 : i32 to index
        %swap3A_204 = tpu.vector_load %arg6[%swap3A_202, %swap3A_203] {strides = array<i32>} : memref<16x2048xi32, #tpu.memory_space<vmem>>, vector<16xi32>,
        tpu.vector_store %arg6[%swap3A_202, %swap3A_203], %broadcast_in_dim3A_0 {strides = array<i32>} : memref<16x2048xi32, #tpu.memory_space<vmem>>, vector<16xi32>,
        %scan3A_205 = arith.constant 0 : i32
        scf.yield %scan3A_205 : i32
      }
      %scan3A_54 = arith.constant 128 : i32
      %dma_wait3A = arith.constant 0 : i32
      %dma_wait3A_55 = tpu.memref_slice %arg9[%dma_wait3A] : memref<262144xi32, #tpu.memory_space<vmem_shared>> -> memref<262144xi32, #tpu.memory_space<vmem_shared>>
      tpu.wait_indirect_dma semaphore(%arg12 : memref<!tpu.dma_semaphore, #tpu.memory_space<semaphore_mem>>) src(%arg4 : memref<16384xi32, #tpu.memory_space<vmem>>) dst(%dma_wait3A_55 : memref<262144xi32, #tpu.memory_space<vmem_shared>>)
      %barrier3A = arith.constant 0 : index
      tpu.barrier barrier_id(%barrier3A)
      "tpu.region"() ({
        %run_scoped3A = tpu.sem_alloc : memref<!tpu.dma_semaphore, #tpu.memory_space<semaphore_mem>>
        %dma_start3A_138 = tpu.memref_slice %arg9[%mul3A_1] : memref<262144xi32, #tpu.memory_space<vmem_shared>> -> memref<16384xi32, #tpu.memory_space<vmem_shared>>
        %dma_start3A_139 = tpu.memref_slice %arg9[%mul3A_1] : memref<262144xi32, #tpu.memory_space<vmem_shared>> -> memref<16384xi32, #tpu.memory_space<vmem_shared>>
        tpu.enqueue_dma source(%dma_start3A_139 : memref<16384xi32, #tpu.memory_space<vmem_shared>>) target(%arg4 : memref<16384xi32, #tpu.memory_space<vmem>>) target_semaphore(%run_scoped3A : memref<!tpu.dma_semaphore, #tpu.memory_space<semaphore_mem>>)
        %dma_wait3A_140 = tpu.memref_slice %arg9[%mul3A_1] : memref<262144xi32, #tpu.memory_space<vmem_shared>> -> memref<16384xi32, #tpu.memory_space<vmem_shared>>
        %dma_wait3A_141 = tpu.memref_slice %arg9[%mul3A_1] : memref<262144xi32, #tpu.memory_space<vmem_shared>> -> memref<16384xi32, #tpu.memory_space<vmem_shared>>
        tpu.wait_dma2 semaphore(%run_scoped3A : memref<!tpu.dma_semaphore, #tpu.memory_space<semaphore_mem>>) src(%dma_wait3A_141 : memref<16384xi32, #tpu.memory_space<vmem_shared>>) dst(%arg4 : memref<16384xi32, #tpu.memory_space<vmem>>)
        tpu.yield
      }) : () -> ()
      %scan3A_56 = arith.constant 0 : i32
      %scan3A_57 = arith.constant 0 : i32
      %scan3A_58 = arith.constant 1024 : i32
      %scan3A_59 = arith.addi %scan3A_57, %scan3A_58 : i32
      %scan3A_60 = arith.constant 1 : i32
      %scan3A_61 = scf.for %scan3A_138 = %scan3A_57 to %scan3A_59 step %scan3A_60 iter_args(%scan3A_139 = %scan3A_56) -> (i32)  : i32 {
        %mul3A_140 = arith.constant 16 : i32
        %mul3A_141 = arith.muli %scan3A_138, %mul3A_140 : i32
        %get3A = arith.index_cast %mul3A_141 : i32 to index
        %get3A_142 = tpu.vector_load %arg4[%get3A] {strides = array<i32>} : memref<16384xi32, #tpu.memory_space<vmem>>, vector<16xi32>,
        %shift_right_arithmetic3A = arith.constant 11 : i32
        %shift_right_arithmetic3A_143 = vector.broadcast %shift_right_arithmetic3A : i32 to vector<16xi32>
        %shift_right_arithmetic3A_144 = arith.shrsi %get3A_142, %shift_right_arithmetic3A_143 : vector<16xi32>
        %and3A = arith.constant 1023 : i32
        %and3A_145 = vector.broadcast %and3A : i32 to vector<16xi32>
        %and3A_146 = arith.andi %shift_right_arithmetic3A_144, %and3A_145 : vector<16xi32>
        %sub3A = arith.constant 1023 : i32
        %sub3A_147 = vector.broadcast %sub3A : i32 to vector<16xi32>
        %sub3A_148 = arith.subi %sub3A_147, %and3A_146 : vector<16xi32>
        %gather3A = tpu.vector_load_idx %arg6[%iota3A, %sub3A_148] : memref<16x2048xi32, #tpu.memory_space<vmem>>[vector<16xi32>, vector<16xi32>], vector<16xi32>,
        %add3A_149 = arith.constant 1 : i32
        %add3A_150 = vector.broadcast %add3A_149 : i32 to vector<16xi32>
        %add3A_151 = arith.addi %gather3A, %add3A_150 : vector<16xi32>
        tpu.vector_store_idx %arg6[%iota3A, %sub3A_148], %add3A_151 : memref<16x2048xi32, #tpu.memory_space<vmem>>[vector<16xi32>, vector<16xi32>], vector<16xi32>,
        %swap3A = arith.index_cast %mul3A_141 : i32 to index
        %swap3A_152 = tpu.vector_load %arg5[%swap3A] {strides = array<i32>} : memref<16384xi32, #tpu.memory_space<vmem>>, vector<16xi32>,
        tpu.vector_store %arg5[%swap3A], %gather3A {strides = array<i32>} : memref<16384xi32, #tpu.memory_space<vmem>>, vector<16xi32>,
        %scan3A_153 = arith.constant 0 : i32
        scf.yield %scan3A_153 : i32
      }
      %scan3A_62 = arith.constant 1024 : i32
      %scan3A_63 = arith.constant 0 : i32
      %scan3A_64 = arith.constant 0 : i32
      %scan3A_65 = arith.constant 64 : i32
      %scan3A_66 = arith.addi %scan3A_64, %scan3A_65 : i32
      %scan3A_67 = arith.constant 1 : i32
      %scan3A_68 = scf.for %scan3A_138 = %scan3A_64 to %scan3A_66 step %scan3A_67 iter_args(%scan3A_139 = %scan3A_63) -> (i32)  : i32 {
        %mul3A_140 = arith.constant 16 : i32
        %mul3A_141 = arith.muli %scan3A_138, %mul3A_140 : i32
        %get3A = arith.constant 0 : i32
        %get3A_142 = arith.index_cast %get3A : i32 to index
        %get3A_143 = arith.index_cast %mul3A_141 : i32 to index
        %get3A_144 = tpu.vector_load %arg6[%get3A_142, %get3A_143] {strides = array<i32>} : memref<16x2048xi32, #tpu.memory_space<vmem>>, vector<16xi32>,
        %swap3A = arith.constant 0 : i32
        %swap3A_145 = arith.index_cast %swap3A : i32 to index
        %swap3A_146 = arith.index_cast %mul3A_141 : i32 to index
        %swap3A_147 = tpu.vector_load %arg6[%swap3A_145, %swap3A_146] {strides = array<i32>} : memref<16x2048xi32, #tpu.memory_space<vmem>>, vector<16xi32>,
        tpu.vector_store %arg6[%swap3A_145, %swap3A_146], %broadcast_in_dim3A_0 {strides = array<i32>} : memref<16x2048xi32, #tpu.memory_space<vmem>>, vector<16xi32>,
        %add3A_148 = arith.addi %broadcast_in_dim3A_0, %get3A_144 : vector<16xi32>
        %get3A_149 = arith.constant 1 : i32
        %get3A_150 = arith.index_cast %get3A_149 : i32 to index
        %get3A_151 = arith.index_cast %mul3A_141 : i32 to index
        %get3A_152 = tpu.vector_load %arg6[%get3A_150, %get3A_151] {strides = array<i32>} : memref<16x2048xi32, #tpu.memory_space<vmem>>, vector<16xi32>,
        %swap3A_153 = arith.constant 1 : i32
        %swap3A_154 = arith.index_cast %swap3A_153 : i32 to index
        %swap3A_155 = arith.index_cast %mul3A_141 : i32 to index
        %swap3A_156 = tpu.vector_load %arg6[%swap3A_154, %swap3A_155] {strides = array<i32>} : memref<16x2048xi32, #tpu.memory_space<vmem>>, vector<16xi32>,
        tpu.vector_store %arg6[%swap3A_154, %swap3A_155], %add3A_148 {strides = array<i32>} : memref<16x2048xi32, #tpu.memory_space<vmem>>, vector<16xi32>,
        %add3A_157 = arith.addi %add3A_148, %get3A_152 : vector<16xi32>
        %get3A_158 = arith.constant 2 : i32
        %get3A_159 = arith.index_cast %get3A_158 : i32 to index
        %get3A_160 = arith.index_cast %mul3A_141 : i32 to index
        %get3A_161 = tpu.vector_load %arg6[%get3A_159, %get3A_160] {strides = array<i32>} : memref<16x2048xi32, #tpu.memory_space<vmem>>, vector<16xi32>,
        %swap3A_162 = arith.constant 2 : i32
        %swap3A_163 = arith.index_cast %swap3A_162 : i32 to index
        %swap3A_164 = arith.index_cast %mul3A_141 : i32 to index
        %swap3A_165 = tpu.vector_load %arg6[%swap3A_163, %swap3A_164] {strides = array<i32>} : memref<16x2048xi32, #tpu.memory_space<vmem>>, vector<16xi32>,
        tpu.vector_store %arg6[%swap3A_163, %swap3A_164], %add3A_157 {strides = array<i32>} : memref<16x2048xi32, #tpu.memory_space<vmem>>, vector<16xi32>,
        %add3A_166 = arith.addi %add3A_157, %get3A_161 : vector<16xi32>
        %get3A_167 = arith.constant 3 : i32
        %get3A_168 = arith.index_cast %get3A_167 : i32 to index
        %get3A_169 = arith.index_cast %mul3A_141 : i32 to index
        %get3A_170 = tpu.vector_load %arg6[%get3A_168, %get3A_169] {strides = array<i32>} : memref<16x2048xi32, #tpu.memory_space<vmem>>, vector<16xi32>,
        %swap3A_171 = arith.constant 3 : i32
        %swap3A_172 = arith.index_cast %swap3A_171 : i32 to index
        %swap3A_173 = arith.index_cast %mul3A_141 : i32 to index
        %swap3A_174 = tpu.vector_load %arg6[%swap3A_172, %swap3A_173] {strides = array<i32>} : memref<16x2048xi32, #tpu.memory_space<vmem>>, vector<16xi32>,
        tpu.vector_store %arg6[%swap3A_172, %swap3A_173], %add3A_166 {strides = array<i32>} : memref<16x2048xi32, #tpu.memory_space<vmem>>, vector<16xi32>,
        %add3A_175 = arith.addi %add3A_166, %get3A_170 : vector<16xi32>
        %get3A_176 = arith.constant 4 : i32
        %get3A_177 = arith.index_cast %get3A_176 : i32 to index
        %get3A_178 = arith.index_cast %mul3A_141 : i32 to index
        %get3A_179 = tpu.vector_load %arg6[%get3A_177, %get3A_178] {strides = array<i32>} : memref<16x2048xi32, #tpu.memory_space<vmem>>, vector<16xi32>,
        %swap3A_180 = arith.constant 4 : i32
        %swap3A_181 = arith.index_cast %swap3A_180 : i32 to index
        %swap3A_182 = arith.index_cast %mul3A_141 : i32 to index
        %swap3A_183 = tpu.vector_load %arg6[%swap3A_181, %swap3A_182] {strides = array<i32>} : memref<16x2048xi32, #tpu.memory_space<vmem>>, vector<16xi32>,
        tpu.vector_store %arg6[%swap3A_181, %swap3A_182], %add3A_175 {strides = array<i32>} : memref<16x2048xi32, #tpu.memory_space<vmem>>, vector<16xi32>,
        %add3A_184 = arith.addi %add3A_175, %get3A_179 : vector<16xi32>
        %get3A_185 = arith.constant 5 : i32
        %get3A_186 = arith.index_cast %get3A_185 : i32 to index
        %get3A_187 = arith.index_cast %mul3A_141 : i32 to index
        %get3A_188 = tpu.vector_load %arg6[%get3A_186, %get3A_187] {strides = array<i32>} : memref<16x2048xi32, #tpu.memory_space<vmem>>, vector<16xi32>,
        %swap3A_189 = arith.constant 5 : i32
        %swap3A_190 = arith.index_cast %swap3A_189 : i32 to index
        %swap3A_191 = arith.index_cast %mul3A_141 : i32 to index
        %swap3A_192 = tpu.vector_load %arg6[%swap3A_190, %swap3A_191] {strides = array<i32>} : memref<16x2048xi32, #tpu.memory_space<vmem>>, vector<16xi32>,
        tpu.vector_store %arg6[%swap3A_190, %swap3A_191], %add3A_184 {strides = array<i32>} : memref<16x2048xi32, #tpu.memory_space<vmem>>, vector<16xi32>,
        %add3A_193 = arith.addi %add3A_184, %get3A_188 : vector<16xi32>
        %get3A_194 = arith.constant 6 : i32
        %get3A_195 = arith.index_cast %get3A_194 : i32 to index
        %get3A_196 = arith.index_cast %mul3A_141 : i32 to index
        %get3A_197 = tpu.vector_load %arg6[%get3A_195, %get3A_196] {strides = array<i32>} : memref<16x2048xi32, #tpu.memory_space<vmem>>, vector<16xi32>,
        %swap3A_198 = arith.constant 6 : i32
        %swap3A_199 = arith.index_cast %swap3A_198 : i32 to index
        %swap3A_200 = arith.index_cast %mul3A_141 : i32 to index
        %swap3A_201 = tpu.vector_load %arg6[%swap3A_199, %swap3A_200] {strides = array<i32>} : memref<16x2048xi32, #tpu.memory_space<vmem>>, vector<16xi32>,
        tpu.vector_store %arg6[%swap3A_199, %swap3A_200], %add3A_193 {strides = array<i32>} : memref<16x2048xi32, #tpu.memory_space<vmem>>, vector<16xi32>,
        %add3A_202 = arith.addi %add3A_193, %get3A_197 : vector<16xi32>
        %get3A_203 = arith.constant 7 : i32
        %get3A_204 = arith.index_cast %get3A_203 : i32 to index
        %get3A_205 = arith.index_cast %mul3A_141 : i32 to index
        %get3A_206 = tpu.vector_load %arg6[%get3A_204, %get3A_205] {strides = array<i32>} : memref<16x2048xi32, #tpu.memory_space<vmem>>, vector<16xi32>,
        %swap3A_207 = arith.constant 7 : i32
        %swap3A_208 = arith.index_cast %swap3A_207 : i32 to index
        %swap3A_209 = arith.index_cast %mul3A_141 : i32 to index
        %swap3A_210 = tpu.vector_load %arg6[%swap3A_208, %swap3A_209] {strides = array<i32>} : memref<16x2048xi32, #tpu.memory_space<vmem>>, vector<16xi32>,
        tpu.vector_store %arg6[%swap3A_208, %swap3A_209], %add3A_202 {strides = array<i32>} : memref<16x2048xi32, #tpu.memory_space<vmem>>, vector<16xi32>,
        %add3A_211 = arith.addi %add3A_202, %get3A_206 : vector<16xi32>
        %get3A_212 = arith.constant 8 : i32
        %get3A_213 = arith.index_cast %get3A_212 : i32 to index
        %get3A_214 = arith.index_cast %mul3A_141 : i32 to index
        %get3A_215 = tpu.vector_load %arg6[%get3A_213, %get3A_214] {strides = array<i32>} : memref<16x2048xi32, #tpu.memory_space<vmem>>, vector<16xi32>,
        %swap3A_216 = arith.constant 8 : i32
        %swap3A_217 = arith.index_cast %swap3A_216 : i32 to index
        %swap3A_218 = arith.index_cast %mul3A_141 : i32 to index
        %swap3A_219 = tpu.vector_load %arg6[%swap3A_217, %swap3A_218] {strides = array<i32>} : memref<16x2048xi32, #tpu.memory_space<vmem>>, vector<16xi32>,
        tpu.vector_store %arg6[%swap3A_217, %swap3A_218], %add3A_211 {strides = array<i32>} : memref<16x2048xi32, #tpu.memory_space<vmem>>, vector<16xi32>,
        %add3A_220 = arith.addi %add3A_211, %get3A_215 : vector<16xi32>
        %get3A_221 = arith.constant 9 : i32
        %get3A_222 = arith.index_cast %get3A_221 : i32 to index
        %get3A_223 = arith.index_cast %mul3A_141 : i32 to index
        %get3A_224 = tpu.vector_load %arg6[%get3A_222, %get3A_223] {strides = array<i32>} : memref<16x2048xi32, #tpu.memory_space<vmem>>, vector<16xi32>,
        %swap3A_225 = arith.constant 9 : i32
        %swap3A_226 = arith.index_cast %swap3A_225 : i32 to index
        %swap3A_227 = arith.index_cast %mul3A_141 : i32 to index
        %swap3A_228 = tpu.vector_load %arg6[%swap3A_226, %swap3A_227] {strides = array<i32>} : memref<16x2048xi32, #tpu.memory_space<vmem>>, vector<16xi32>,
        tpu.vector_store %arg6[%swap3A_226, %swap3A_227], %add3A_220 {strides = array<i32>} : memref<16x2048xi32, #tpu.memory_space<vmem>>, vector<16xi32>,
        %add3A_229 = arith.addi %add3A_220, %get3A_224 : vector<16xi32>
        %get3A_230 = arith.constant 10 : i32
        %get3A_231 = arith.index_cast %get3A_230 : i32 to index
        %get3A_232 = arith.index_cast %mul3A_141 : i32 to index
        %get3A_233 = tpu.vector_load %arg6[%get3A_231, %get3A_232] {strides = array<i32>} : memref<16x2048xi32, #tpu.memory_space<vmem>>, vector<16xi32>,
        %swap3A_234 = arith.constant 10 : i32
        %swap3A_235 = arith.index_cast %swap3A_234 : i32 to index
        %swap3A_236 = arith.index_cast %mul3A_141 : i32 to index
        %swap3A_237 = tpu.vector_load %arg6[%swap3A_235, %swap3A_236] {strides = array<i32>} : memref<16x2048xi32, #tpu.memory_space<vmem>>, vector<16xi32>,
        tpu.vector_store %arg6[%swap3A_235, %swap3A_236], %add3A_229 {strides = array<i32>} : memref<16x2048xi32, #tpu.memory_space<vmem>>, vector<16xi32>,
        %add3A_238 = arith.addi %add3A_229, %get3A_233 : vector<16xi32>
        %get3A_239 = arith.constant 11 : i32
        %get3A_240 = arith.index_cast %get3A_239 : i32 to index
        %get3A_241 = arith.index_cast %mul3A_141 : i32 to index
        %get3A_242 = tpu.vector_load %arg6[%get3A_240, %get3A_241] {strides = array<i32>} : memref<16x2048xi32, #tpu.memory_space<vmem>>, vector<16xi32>,
        %swap3A_243 = arith.constant 11 : i32
        %swap3A_244 = arith.index_cast %swap3A_243 : i32 to index
        %swap3A_245 = arith.index_cast %mul3A_141 : i32 to index
        %swap3A_246 = tpu.vector_load %arg6[%swap3A_244, %swap3A_245] {strides = array<i32>} : memref<16x2048xi32, #tpu.memory_space<vmem>>, vector<16xi32>,
        tpu.vector_store %arg6[%swap3A_244, %swap3A_245], %add3A_238 {strides = array<i32>} : memref<16x2048xi32, #tpu.memory_space<vmem>>, vector<16xi32>,
        %add3A_247 = arith.addi %add3A_238, %get3A_242 : vector<16xi32>
        %get3A_248 = arith.constant 12 : i32
        %get3A_249 = arith.index_cast %get3A_248 : i32 to index
        %get3A_250 = arith.index_cast %mul3A_141 : i32 to index
        %get3A_251 = tpu.vector_load %arg6[%get3A_249, %get3A_250] {strides = array<i32>} : memref<16x2048xi32, #tpu.memory_space<vmem>>, vector<16xi32>,
        %swap3A_252 = arith.constant 12 : i32
        %swap3A_253 = arith.index_cast %swap3A_252 : i32 to index
        %swap3A_254 = arith.index_cast %mul3A_141 : i32 to index
        %swap3A_255 = tpu.vector_load %arg6[%swap3A_253, %swap3A_254] {strides = array<i32>} : memref<16x2048xi32, #tpu.memory_space<vmem>>, vector<16xi32>,
        tpu.vector_store %arg6[%swap3A_253, %swap3A_254], %add3A_247 {strides = array<i32>} : memref<16x2048xi32, #tpu.memory_space<vmem>>, vector<16xi32>,
        %add3A_256 = arith.addi %add3A_247, %get3A_251 : vector<16xi32>
        %get3A_257 = arith.constant 13 : i32
        %get3A_258 = arith.index_cast %get3A_257 : i32 to index
        %get3A_259 = arith.index_cast %mul3A_141 : i32 to index
        %get3A_260 = tpu.vector_load %arg6[%get3A_258, %get3A_259] {strides = array<i32>} : memref<16x2048xi32, #tpu.memory_space<vmem>>, vector<16xi32>,
        %swap3A_261 = arith.constant 13 : i32
        %swap3A_262 = arith.index_cast %swap3A_261 : i32 to index
        %swap3A_263 = arith.index_cast %mul3A_141 : i32 to index
        %swap3A_264 = tpu.vector_load %arg6[%swap3A_262, %swap3A_263] {strides = array<i32>} : memref<16x2048xi32, #tpu.memory_space<vmem>>, vector<16xi32>,
        tpu.vector_store %arg6[%swap3A_262, %swap3A_263], %add3A_256 {strides = array<i32>} : memref<16x2048xi32, #tpu.memory_space<vmem>>, vector<16xi32>,
        %add3A_265 = arith.addi %add3A_256, %get3A_260 : vector<16xi32>
        %get3A_266 = arith.constant 14 : i32
        %get3A_267 = arith.index_cast %get3A_266 : i32 to index
        %get3A_268 = arith.index_cast %mul3A_141 : i32 to index
        %get3A_269 = tpu.vector_load %arg6[%get3A_267, %get3A_268] {strides = array<i32>} : memref<16x2048xi32, #tpu.memory_space<vmem>>, vector<16xi32>,
        %swap3A_270 = arith.constant 14 : i32
        %swap3A_271 = arith.index_cast %swap3A_270 : i32 to index
        %swap3A_272 = arith.index_cast %mul3A_141 : i32 to index
        %swap3A_273 = tpu.vector_load %arg6[%swap3A_271, %swap3A_272] {strides = array<i32>} : memref<16x2048xi32, #tpu.memory_space<vmem>>, vector<16xi32>,
        tpu.vector_store %arg6[%swap3A_271, %swap3A_272], %add3A_265 {strides = array<i32>} : memref<16x2048xi32, #tpu.memory_space<vmem>>, vector<16xi32>,
        %add3A_274 = arith.addi %add3A_265, %get3A_269 : vector<16xi32>
        %get3A_275 = arith.constant 15 : i32
        %get3A_276 = arith.index_cast %get3A_275 : i32 to index
        %get3A_277 = arith.index_cast %mul3A_141 : i32 to index
        %get3A_278 = tpu.vector_load %arg6[%get3A_276, %get3A_277] {strides = array<i32>} : memref<16x2048xi32, #tpu.memory_space<vmem>>, vector<16xi32>,
        %swap3A_279 = arith.constant 15 : i32
        %swap3A_280 = arith.index_cast %swap3A_279 : i32 to index
        %swap3A_281 = arith.index_cast %mul3A_141 : i32 to index
        %swap3A_282 = tpu.vector_load %arg6[%swap3A_280, %swap3A_281] {strides = array<i32>} : memref<16x2048xi32, #tpu.memory_space<vmem>>, vector<16xi32>,
        tpu.vector_store %arg6[%swap3A_280, %swap3A_281], %add3A_274 {strides = array<i32>} : memref<16x2048xi32, #tpu.memory_space<vmem>>, vector<16xi32>,
        %add3A_283 = arith.addi %add3A_274, %get3A_278 : vector<16xi32>
        %swap3A_284 = arith.index_cast %mul3A_141 : i32 to index
        %swap3A_285 = tpu.vector_load %arg7[%swap3A_284] {strides = array<i32>} : memref<2048xi32, #tpu.memory_space<vmem>>, vector<16xi32>,
        tpu.vector_store %arg7[%swap3A_284], %add3A_283 {strides = array<i32>} : memref<2048xi32, #tpu.memory_space<vmem>>, vector<16xi32>,
        %scan3A_286 = arith.constant 0 : i32
        scf.yield %scan3A_286 : i32
      }
      %scan3A_69 = arith.constant 64 : i32
      %scan3A_70 = arith.constant 0 : i32
      %scan3A_71 = arith.constant 0 : i32
      %scan3A_72 = arith.constant 4 : i32
      %scan3A_73 = arith.addi %scan3A_71, %scan3A_72 : i32
      %scan3A_74 = arith.constant 1 : i32
      %scan3A_75 = scf.for %scan3A_138 = %scan3A_71 to %scan3A_73 step %scan3A_74 iter_args(%scan3A_139 = %scan3A_70) -> (i32)  : i32 {
        %mul3A_140 = arith.constant 256 : i32
        %mul3A_141 = arith.muli %scan3A_138, %mul3A_140 : i32
        "tpu.region"() ({
          %run_scoped3A = tpu.sem_alloc : memref<!tpu.dma_semaphore, #tpu.memory_space<semaphore_mem>>
          %dma_start3A_150 = tpu.memref_slice %arg7[%mul3A_141] : memref<2048xi32, #tpu.memory_space<vmem>> -> memref<256xi32, #tpu.memory_space<vmem>>
          %dma_start3A_151 = arith.constant 0 : i32
          %dma_start3A_152 = tpu.memref_slice %arg11[%arg1, %dma_start3A_151] : memref<16x256xi32, #tpu.memory_space<vmem_shared>> -> memref<1x256xi32, #tpu.memory_space<vmem_shared>>
          %dma_start3A_153 = tpu.memref_squeeze %dma_start3A_152 : memref<1x256xi32, #tpu.memory_space<vmem_shared>> -> memref<256xi32, #tpu.memory_space<vmem_shared>>
          %dma_start3A_154 = arith.constant 0 : i32
          %dma_start3A_155 = tpu.memref_slice %arg11[%arg1, %dma_start3A_154] : memref<16x256xi32, #tpu.memory_space<vmem_shared>> -> memref<1x256xi32, #tpu.memory_space<vmem_shared>>
          %dma_start3A_156 = tpu.memref_squeeze %dma_start3A_155 : memref<1x256xi32, #tpu.memory_space<vmem_shared>> -> memref<256xi32, #tpu.memory_space<vmem_shared>>
          %dma_start3A_157 = tpu.memref_slice %arg7[%mul3A_141] : memref<2048xi32, #tpu.memory_space<vmem>> -> memref<256xi32, #tpu.memory_space<vmem>>
          tpu.enqueue_dma source(%dma_start3A_157 : memref<256xi32, #tpu.memory_space<vmem>>) target(%dma_start3A_156 : memref<256xi32, #tpu.memory_space<vmem_shared>>) target_semaphore(%run_scoped3A : memref<!tpu.dma_semaphore, #tpu.memory_space<semaphore_mem>>)
          %dma_wait3A_158 = tpu.memref_slice %arg7[%mul3A_141] : memref<2048xi32, #tpu.memory_space<vmem>> -> memref<256xi32, #tpu.memory_space<vmem>>
          %dma_wait3A_159 = arith.constant 0 : i32
          %dma_wait3A_160 = tpu.memref_slice %arg11[%arg1, %dma_wait3A_159] : memref<16x256xi32, #tpu.memory_space<vmem_shared>> -> memref<1x256xi32, #tpu.memory_space<vmem_shared>>
          %dma_wait3A_161 = tpu.memref_squeeze %dma_wait3A_160 : memref<1x256xi32, #tpu.memory_space<vmem_shared>> -> memref<256xi32, #tpu.memory_space<vmem_shared>>
          %dma_wait3A_162 = arith.constant 0 : i32
          %dma_wait3A_163 = tpu.memref_slice %arg11[%arg1, %dma_wait3A_162] : memref<16x256xi32, #tpu.memory_space<vmem_shared>> -> memref<1x256xi32, #tpu.memory_space<vmem_shared>>
          %dma_wait3A_164 = tpu.memref_squeeze %dma_wait3A_163 : memref<1x256xi32, #tpu.memory_space<vmem_shared>> -> memref<256xi32, #tpu.memory_space<vmem_shared>>
          %dma_wait3A_165 = tpu.memref_slice %arg7[%mul3A_141] : memref<2048xi32, #tpu.memory_space<vmem>> -> memref<256xi32, #tpu.memory_space<vmem>>
          tpu.wait_dma2 semaphore(%run_scoped3A : memref<!tpu.dma_semaphore, #tpu.memory_space<semaphore_mem>>) src(%dma_wait3A_165 : memref<256xi32, #tpu.memory_space<vmem>>) dst(%dma_wait3A_164 : memref<256xi32, #tpu.memory_space<vmem_shared>>)
          tpu.yield
        }) : () -> ()
        %barrier3A_142 = arith.constant 0 : index
        tpu.barrier barrier_id(%barrier3A_142)
        "tpu.region"() ({
          %run_scoped3A = tpu.sem_alloc : memref<!tpu.dma_semaphore, #tpu.memory_space<semaphore_mem>>
          tpu.enqueue_dma source(%arg11 : memref<16x256xi32, #tpu.memory_space<vmem_shared>>) target(%arg8 : memref<16x256xi32, #tpu.memory_space<vmem>>) target_semaphore(%run_scoped3A : memref<!tpu.dma_semaphore, #tpu.memory_space<semaphore_mem>>)
          tpu.wait_dma2 semaphore(%run_scoped3A : memref<!tpu.dma_semaphore, #tpu.memory_space<semaphore_mem>>) src(%arg11 : memref<16x256xi32, #tpu.memory_space<vmem_shared>>) dst(%arg8 : memref<16x256xi32, #tpu.memory_space<vmem>>)
          tpu.yield
        }) : () -> ()
        %scan3A_143 = arith.constant 0 : i32
        %scan3A_144 = arith.constant 16 : i32
        %scan3A_145 = arith.addi %scan3A_143, %scan3A_144 : i32
        %scan3A_146 = arith.constant 1 : i32
        %scan3A_147 = scf.for %scan3A_150 = %scan3A_143 to %scan3A_145 step %scan3A_146 iter_args(%scan3A_151 = %scan3A_139) -> (i32)  : i32 {
          %mul3A_152 = arith.constant 16 : i32
          %mul3A_153 = arith.muli %scan3A_150, %mul3A_152 : i32
          %get3A = arith.constant 0 : i32
          %get3A_154 = arith.index_cast %get3A : i32 to index
          %get3A_155 = arith.index_cast %mul3A_153 : i32 to index
          %get3A_156 = tpu.vector_load %arg8[%get3A_154, %get3A_155] {strides = array<i32>} : memref<16x256xi32, #tpu.memory_space<vmem>>, vector<16xi32>,
          %add3A_157 = arith.addi %broadcast_in_dim3A_0, %get3A_156 : vector<16xi32>
          %broadcast_in_dim3A_158 = arith.constant 0 : i32
          %broadcast_in_dim3A_159 = vector.broadcast %broadcast_in_dim3A_158 : i32 to vector<16xi32>
          %lt3A = vector.broadcast %arg1 : i32 to vector<16xi32>
          %lt3A_160 = arith.cmpi slt, %broadcast_in_dim3A_159, %lt3A : vector<16xi32>
          %select_n3A = arith.select %lt3A_160, %get3A_156, %broadcast_in_dim3A_0 : vector<16xi1>, vector<16xi32>
          %add3A_161 = arith.addi %broadcast_in_dim3A_0, %select_n3A : vector<16xi32>
          %mul3A_162 = arith.constant 16 : i32
          %mul3A_163 = arith.muli %scan3A_150, %mul3A_162 : i32
          %get3A_164 = arith.constant 1 : i32
          %get3A_165 = arith.index_cast %get3A_164 : i32 to index
          %get3A_166 = arith.index_cast %mul3A_163 : i32 to index
          %get3A_167 = tpu.vector_load %arg8[%get3A_165, %get3A_166] {strides = array<i32>} : memref<16x256xi32, #tpu.memory_space<vmem>>, vector<16xi32>,
          %add3A_168 = arith.addi %add3A_157, %get3A_167 : vector<16xi32>
          %broadcast_in_dim3A_169 = arith.constant 1 : i32
          %broadcast_in_dim3A_170 = vector.broadcast %broadcast_in_dim3A_169 : i32 to vector<16xi32>
          %lt3A_171 = vector.broadcast %arg1 : i32 to vector<16xi32>
          %lt3A_172 = arith.cmpi slt, %broadcast_in_dim3A_170, %lt3A_171 : vector<16xi32>
          %select_n3A_173 = arith.select %lt3A_172, %get3A_167, %broadcast_in_dim3A_0 : vector<16xi1>, vector<16xi32>
          %add3A_174 = arith.addi %add3A_161, %select_n3A_173 : vector<16xi32>
          %mul3A_175 = arith.constant 16 : i32
          %mul3A_176 = arith.muli %scan3A_150, %mul3A_175 : i32
          %get3A_177 = arith.constant 2 : i32
          %get3A_178 = arith.index_cast %get3A_177 : i32 to index
          %get3A_179 = arith.index_cast %mul3A_176 : i32 to index
          %get3A_180 = tpu.vector_load %arg8[%get3A_178, %get3A_179] {strides = array<i32>} : memref<16x256xi32, #tpu.memory_space<vmem>>, vector<16xi32>,
          %add3A_181 = arith.addi %add3A_168, %get3A_180 : vector<16xi32>
          %broadcast_in_dim3A_182 = arith.constant 2 : i32
          %broadcast_in_dim3A_183 = vector.broadcast %broadcast_in_dim3A_182 : i32 to vector<16xi32>
          %lt3A_184 = vector.broadcast %arg1 : i32 to vector<16xi32>
          %lt3A_185 = arith.cmpi slt, %broadcast_in_dim3A_183, %lt3A_184 : vector<16xi32>
          %select_n3A_186 = arith.select %lt3A_185, %get3A_180, %broadcast_in_dim3A_0 : vector<16xi1>, vector<16xi32>
          %add3A_187 = arith.addi %add3A_174, %select_n3A_186 : vector<16xi32>
          %mul3A_188 = arith.constant 16 : i32
          %mul3A_189 = arith.muli %scan3A_150, %mul3A_188 : i32
          %get3A_190 = arith.constant 3 : i32
          %get3A_191 = arith.index_cast %get3A_190 : i32 to index
          %get3A_192 = arith.index_cast %mul3A_189 : i32 to index
          %get3A_193 = tpu.vector_load %arg8[%get3A_191, %get3A_192] {strides = array<i32>} : memref<16x256xi32, #tpu.memory_space<vmem>>, vector<16xi32>,
          %add3A_194 = arith.addi %add3A_181, %get3A_193 : vector<16xi32>
          %broadcast_in_dim3A_195 = arith.constant 3 : i32
          %broadcast_in_dim3A_196 = vector.broadcast %broadcast_in_dim3A_195 : i32 to vector<16xi32>
          %lt3A_197 = vector.broadcast %arg1 : i32 to vector<16xi32>
          %lt3A_198 = arith.cmpi slt, %broadcast_in_dim3A_196, %lt3A_197 : vector<16xi32>
          %select_n3A_199 = arith.select %lt3A_198, %get3A_193, %broadcast_in_dim3A_0 : vector<16xi1>, vector<16xi32>
          %add3A_200 = arith.addi %add3A_187, %select_n3A_199 : vector<16xi32>
          %mul3A_201 = arith.constant 16 : i32
          %mul3A_202 = arith.muli %scan3A_150, %mul3A_201 : i32
          %get3A_203 = arith.constant 4 : i32
          %get3A_204 = arith.index_cast %get3A_203 : i32 to index
          %get3A_205 = arith.index_cast %mul3A_202 : i32 to index
          %get3A_206 = tpu.vector_load %arg8[%get3A_204, %get3A_205] {strides = array<i32>} : memref<16x256xi32, #tpu.memory_space<vmem>>, vector<16xi32>,
          %add3A_207 = arith.addi %add3A_194, %get3A_206 : vector<16xi32>
          %broadcast_in_dim3A_208 = arith.constant 4 : i32
          %broadcast_in_dim3A_209 = vector.broadcast %broadcast_in_dim3A_208 : i32 to vector<16xi32>
          %lt3A_210 = vector.broadcast %arg1 : i32 to vector<16xi32>
          %lt3A_211 = arith.cmpi slt, %broadcast_in_dim3A_209, %lt3A_210 : vector<16xi32>
          %select_n3A_212 = arith.select %lt3A_211, %get3A_206, %broadcast_in_dim3A_0 : vector<16xi1>, vector<16xi32>
          %add3A_213 = arith.addi %add3A_200, %select_n3A_212 : vector<16xi32>
          %mul3A_214 = arith.constant 16 : i32
          %mul3A_215 = arith.muli %scan3A_150, %mul3A_214 : i32
          %get3A_216 = arith.constant 5 : i32
          %get3A_217 = arith.index_cast %get3A_216 : i32 to index
          %get3A_218 = arith.index_cast %mul3A_215 : i32 to index
          %get3A_219 = tpu.vector_load %arg8[%get3A_217, %get3A_218] {strides = array<i32>} : memref<16x256xi32, #tpu.memory_space<vmem>>, vector<16xi32>,
          %add3A_220 = arith.addi %add3A_207, %get3A_219 : vector<16xi32>
          %broadcast_in_dim3A_221 = arith.constant 5 : i32
          %broadcast_in_dim3A_222 = vector.broadcast %broadcast_in_dim3A_221 : i32 to vector<16xi32>
          %lt3A_223 = vector.broadcast %arg1 : i32 to vector<16xi32>
          %lt3A_224 = arith.cmpi slt, %broadcast_in_dim3A_222, %lt3A_223 : vector<16xi32>
          %select_n3A_225 = arith.select %lt3A_224, %get3A_219, %broadcast_in_dim3A_0 : vector<16xi1>, vector<16xi32>
          %add3A_226 = arith.addi %add3A_213, %select_n3A_225 : vector<16xi32>
          %mul3A_227 = arith.constant 16 : i32
          %mul3A_228 = arith.muli %scan3A_150, %mul3A_227 : i32
          %get3A_229 = arith.constant 6 : i32
          %get3A_230 = arith.index_cast %get3A_229 : i32 to index
          %get3A_231 = arith.index_cast %mul3A_228 : i32 to index
          %get3A_232 = tpu.vector_load %arg8[%get3A_230, %get3A_231] {strides = array<i32>} : memref<16x256xi32, #tpu.memory_space<vmem>>, vector<16xi32>,
          %add3A_233 = arith.addi %add3A_220, %get3A_232 : vector<16xi32>
          %broadcast_in_dim3A_234 = arith.constant 6 : i32
          %broadcast_in_dim3A_235 = vector.broadcast %broadcast_in_dim3A_234 : i32 to vector<16xi32>
          %lt3A_236 = vector.broadcast %arg1 : i32 to vector<16xi32>
          %lt3A_237 = arith.cmpi slt, %broadcast_in_dim3A_235, %lt3A_236 : vector<16xi32>
          %select_n3A_238 = arith.select %lt3A_237, %get3A_232, %broadcast_in_dim3A_0 : vector<16xi1>, vector<16xi32>
          %add3A_239 = arith.addi %add3A_226, %select_n3A_238 : vector<16xi32>
          %mul3A_240 = arith.constant 16 : i32
          %mul3A_241 = arith.muli %scan3A_150, %mul3A_240 : i32
          %get3A_242 = arith.constant 7 : i32
          %get3A_243 = arith.index_cast %get3A_242 : i32 to index
          %get3A_244 = arith.index_cast %mul3A_241 : i32 to index
          %get3A_245 = tpu.vector_load %arg8[%get3A_243, %get3A_244] {strides = array<i32>} : memref<16x256xi32, #tpu.memory_space<vmem>>, vector<16xi32>,
          %add3A_246 = arith.addi %add3A_233, %get3A_245 : vector<16xi32>
          %broadcast_in_dim3A_247 = arith.constant 7 : i32
          %broadcast_in_dim3A_248 = vector.broadcast %broadcast_in_dim3A_247 : i32 to vector<16xi32>
          %lt3A_249 = vector.broadcast %arg1 : i32 to vector<16xi32>
          %lt3A_250 = arith.cmpi slt, %broadcast_in_dim3A_248, %lt3A_249 : vector<16xi32>
          %select_n3A_251 = arith.select %lt3A_250, %get3A_245, %broadcast_in_dim3A_0 : vector<16xi1>, vector<16xi32>
          %add3A_252 = arith.addi %add3A_239, %select_n3A_251 : vector<16xi32>
          %mul3A_253 = arith.constant 16 : i32
          %mul3A_254 = arith.muli %scan3A_150, %mul3A_253 : i32
          %get3A_255 = arith.constant 8 : i32
          %get3A_256 = arith.index_cast %get3A_255 : i32 to index
          %get3A_257 = arith.index_cast %mul3A_254 : i32 to index
          %get3A_258 = tpu.vector_load %arg8[%get3A_256, %get3A_257] {strides = array<i32>} : memref<16x256xi32, #tpu.memory_space<vmem>>, vector<16xi32>,
          %add3A_259 = arith.addi %add3A_246, %get3A_258 : vector<16xi32>
          %broadcast_in_dim3A_260 = arith.constant 8 : i32
          %broadcast_in_dim3A_261 = vector.broadcast %broadcast_in_dim3A_260 : i32 to vector<16xi32>
          %lt3A_262 = vector.broadcast %arg1 : i32 to vector<16xi32>
          %lt3A_263 = arith.cmpi slt, %broadcast_in_dim3A_261, %lt3A_262 : vector<16xi32>
          %select_n3A_264 = arith.select %lt3A_263, %get3A_258, %broadcast_in_dim3A_0 : vector<16xi1>, vector<16xi32>
          %add3A_265 = arith.addi %add3A_252, %select_n3A_264 : vector<16xi32>
          %mul3A_266 = arith.constant 16 : i32
          %mul3A_267 = arith.muli %scan3A_150, %mul3A_266 : i32
          %get3A_268 = arith.constant 9 : i32
          %get3A_269 = arith.index_cast %get3A_268 : i32 to index
          %get3A_270 = arith.index_cast %mul3A_267 : i32 to index
          %get3A_271 = tpu.vector_load %arg8[%get3A_269, %get3A_270] {strides = array<i32>} : memref<16x256xi32, #tpu.memory_space<vmem>>, vector<16xi32>,
          %add3A_272 = arith.addi %add3A_259, %get3A_271 : vector<16xi32>
          %broadcast_in_dim3A_273 = arith.constant 9 : i32
          %broadcast_in_dim3A_274 = vector.broadcast %broadcast_in_dim3A_273 : i32 to vector<16xi32>
          %lt3A_275 = vector.broadcast %arg1 : i32 to vector<16xi32>
          %lt3A_276 = arith.cmpi slt, %broadcast_in_dim3A_274, %lt3A_275 : vector<16xi32>
          %select_n3A_277 = arith.select %lt3A_276, %get3A_271, %broadcast_in_dim3A_0 : vector<16xi1>, vector<16xi32>
          %add3A_278 = arith.addi %add3A_265, %select_n3A_277 : vector<16xi32>
          %mul3A_279 = arith.constant 16 : i32
          %mul3A_280 = arith.muli %scan3A_150, %mul3A_279 : i32
          %get3A_281 = arith.constant 10 : i32
          %get3A_282 = arith.index_cast %get3A_281 : i32 to index
          %get3A_283 = arith.index_cast %mul3A_280 : i32 to index
          %get3A_284 = tpu.vector_load %arg8[%get3A_282, %get3A_283] {strides = array<i32>} : memref<16x256xi32, #tpu.memory_space<vmem>>, vector<16xi32>,
          %add3A_285 = arith.addi %add3A_272, %get3A_284 : vector<16xi32>
          %broadcast_in_dim3A_286 = arith.constant 10 : i32
          %broadcast_in_dim3A_287 = vector.broadcast %broadcast_in_dim3A_286 : i32 to vector<16xi32>
          %lt3A_288 = vector.broadcast %arg1 : i32 to vector<16xi32>
          %lt3A_289 = arith.cmpi slt, %broadcast_in_dim3A_287, %lt3A_288 : vector<16xi32>
          %select_n3A_290 = arith.select %lt3A_289, %get3A_284, %broadcast_in_dim3A_0 : vector<16xi1>, vector<16xi32>
          %add3A_291 = arith.addi %add3A_278, %select_n3A_290 : vector<16xi32>
          %mul3A_292 = arith.constant 16 : i32
          %mul3A_293 = arith.muli %scan3A_150, %mul3A_292 : i32
          %get3A_294 = arith.constant 11 : i32
          %get3A_295 = arith.index_cast %get3A_294 : i32 to index
          %get3A_296 = arith.index_cast %mul3A_293 : i32 to index
          %get3A_297 = tpu.vector_load %arg8[%get3A_295, %get3A_296] {strides = array<i32>} : memref<16x256xi32, #tpu.memory_space<vmem>>, vector<16xi32>,
          %add3A_298 = arith.addi %add3A_285, %get3A_297 : vector<16xi32>
          %broadcast_in_dim3A_299 = arith.constant 11 : i32
          %broadcast_in_dim3A_300 = vector.broadcast %broadcast_in_dim3A_299 : i32 to vector<16xi32>
          %lt3A_301 = vector.broadcast %arg1 : i32 to vector<16xi32>
          %lt3A_302 = arith.cmpi slt, %broadcast_in_dim3A_300, %lt3A_301 : vector<16xi32>
          %select_n3A_303 = arith.select %lt3A_302, %get3A_297, %broadcast_in_dim3A_0 : vector<16xi1>, vector<16xi32>
          %add3A_304 = arith.addi %add3A_291, %select_n3A_303 : vector<16xi32>
          %mul3A_305 = arith.constant 16 : i32
          %mul3A_306 = arith.muli %scan3A_150, %mul3A_305 : i32
          %get3A_307 = arith.constant 12 : i32
          %get3A_308 = arith.index_cast %get3A_307 : i32 to index
          %get3A_309 = arith.index_cast %mul3A_306 : i32 to index
          %get3A_310 = tpu.vector_load %arg8[%get3A_308, %get3A_309] {strides = array<i32>} : memref<16x256xi32, #tpu.memory_space<vmem>>, vector<16xi32>,
          %add3A_311 = arith.addi %add3A_298, %get3A_310 : vector<16xi32>
          %broadcast_in_dim3A_312 = arith.constant 12 : i32
          %broadcast_in_dim3A_313 = vector.broadcast %broadcast_in_dim3A_312 : i32 to vector<16xi32>
          %lt3A_314 = vector.broadcast %arg1 : i32 to vector<16xi32>
          %lt3A_315 = arith.cmpi slt, %broadcast_in_dim3A_313, %lt3A_314 : vector<16xi32>
          %select_n3A_316 = arith.select %lt3A_315, %get3A_310, %broadcast_in_dim3A_0 : vector<16xi1>, vector<16xi32>
          %add3A_317 = arith.addi %add3A_304, %select_n3A_316 : vector<16xi32>
          %mul3A_318 = arith.constant 16 : i32
          %mul3A_319 = arith.muli %scan3A_150, %mul3A_318 : i32
          %get3A_320 = arith.constant 13 : i32
          %get3A_321 = arith.index_cast %get3A_320 : i32 to index
          %get3A_322 = arith.index_cast %mul3A_319 : i32 to index
          %get3A_323 = tpu.vector_load %arg8[%get3A_321, %get3A_322] {strides = array<i32>} : memref<16x256xi32, #tpu.memory_space<vmem>>, vector<16xi32>,
          %add3A_324 = arith.addi %add3A_311, %get3A_323 : vector<16xi32>
          %broadcast_in_dim3A_325 = arith.constant 13 : i32
          %broadcast_in_dim3A_326 = vector.broadcast %broadcast_in_dim3A_325 : i32 to vector<16xi32>
          %lt3A_327 = vector.broadcast %arg1 : i32 to vector<16xi32>
          %lt3A_328 = arith.cmpi slt, %broadcast_in_dim3A_326, %lt3A_327 : vector<16xi32>
          %select_n3A_329 = arith.select %lt3A_328, %get3A_323, %broadcast_in_dim3A_0 : vector<16xi1>, vector<16xi32>
          %add3A_330 = arith.addi %add3A_317, %select_n3A_329 : vector<16xi32>
          %mul3A_331 = arith.constant 16 : i32
          %mul3A_332 = arith.muli %scan3A_150, %mul3A_331 : i32
          %get3A_333 = arith.constant 14 : i32
          %get3A_334 = arith.index_cast %get3A_333 : i32 to index
          %get3A_335 = arith.index_cast %mul3A_332 : i32 to index
          %get3A_336 = tpu.vector_load %arg8[%get3A_334, %get3A_335] {strides = array<i32>} : memref<16x256xi32, #tpu.memory_space<vmem>>, vector<16xi32>,
          %add3A_337 = arith.addi %add3A_324, %get3A_336 : vector<16xi32>
          %broadcast_in_dim3A_338 = arith.constant 14 : i32
          %broadcast_in_dim3A_339 = vector.broadcast %broadcast_in_dim3A_338 : i32 to vector<16xi32>
          %lt3A_340 = vector.broadcast %arg1 : i32 to vector<16xi32>
          %lt3A_341 = arith.cmpi slt, %broadcast_in_dim3A_339, %lt3A_340 : vector<16xi32>
          %select_n3A_342 = arith.select %lt3A_341, %get3A_336, %broadcast_in_dim3A_0 : vector<16xi1>, vector<16xi32>
          %add3A_343 = arith.addi %add3A_330, %select_n3A_342 : vector<16xi32>
          %mul3A_344 = arith.constant 16 : i32
          %mul3A_345 = arith.muli %scan3A_150, %mul3A_344 : i32
          %get3A_346 = arith.constant 15 : i32
          %get3A_347 = arith.index_cast %get3A_346 : i32 to index
          %get3A_348 = arith.index_cast %mul3A_345 : i32 to index
          %get3A_349 = tpu.vector_load %arg8[%get3A_347, %get3A_348] {strides = array<i32>} : memref<16x256xi32, #tpu.memory_space<vmem>>, vector<16xi32>,
          %add3A_350 = arith.addi %add3A_337, %get3A_349 : vector<16xi32>
          %broadcast_in_dim3A_351 = arith.constant 15 : i32
          %broadcast_in_dim3A_352 = vector.broadcast %broadcast_in_dim3A_351 : i32 to vector<16xi32>
          %lt3A_353 = vector.broadcast %arg1 : i32 to vector<16xi32>
          %lt3A_354 = arith.cmpi slt, %broadcast_in_dim3A_352, %lt3A_353 : vector<16xi32>
          %select_n3A_355 = arith.select %lt3A_354, %get3A_349, %broadcast_in_dim3A_0 : vector<16xi1>, vector<16xi32>
          %add3A_356 = arith.addi %add3A_343, %select_n3A_355 : vector<16xi32>
          %broadcast_in_dim3A_357 = arith.constant true
          %broadcast_in_dim3A_358 = vector.broadcast %broadcast_in_dim3A_357 : i1 to vector<16xi1>
          %masked_cumsum3A = tpu.scan <sum>, %add3A_350 masked %broadcast_in_dim3A_358 : vector<16xi32>, vector<16xi1> -> vector<16xi32>
          %sub3A = arith.subi %masked_cumsum3A, %add3A_350 : vector<16xi32>
          %add3A_359 = vector.broadcast %scan3A_151 : i32 to vector<16xi32>
          %add3A_360 = arith.addi %sub3A, %add3A_359 : vector<16xi32>
          %add3A_361 = arith.addi %add3A_360, %add3A_356 : vector<16xi32>
          %mul3A_362 = arith.constant 256 : i32
          %mul3A_363 = arith.muli %scan3A_138, %mul3A_362 : i32
          %mul3A_364 = arith.constant 16 : i32
          %mul3A_365 = arith.muli %scan3A_150, %mul3A_364 : i32
          %add3A_366 = arith.addi %mul3A_363, %mul3A_365 : i32
          %get3A_367 = arith.constant 0 : i32
          %get3A_368 = arith.index_cast %get3A_367 : i32 to index
          %get3A_369 = arith.index_cast %add3A_366 : i32 to index
          %get3A_370 = tpu.vector_load %arg6[%get3A_368, %get3A_369] {strides = array<i32>} : memref<16x2048xi32, #tpu.memory_space<vmem>>, vector<16xi32>,
          %add3A_371 = arith.addi %get3A_370, %add3A_361 : vector<16xi32>
          %swap3A = arith.constant 0 : i32
          %swap3A_372 = arith.index_cast %swap3A : i32 to index
          %swap3A_373 = arith.index_cast %add3A_366 : i32 to index
          %swap3A_374 = tpu.vector_load %arg6[%swap3A_372, %swap3A_373] {strides = array<i32>} : memref<16x2048xi32, #tpu.memory_space<vmem>>, vector<16xi32>,
          tpu.vector_store %arg6[%swap3A_372, %swap3A_373], %add3A_371 {strides = array<i32>} : memref<16x2048xi32, #tpu.memory_space<vmem>>, vector<16xi32>,
          %get3A_375 = arith.constant 1 : i32
          %get3A_376 = arith.index_cast %get3A_375 : i32 to index
          %get3A_377 = arith.index_cast %add3A_366 : i32 to index
          %get3A_378 = tpu.vector_load %arg6[%get3A_376, %get3A_377] {strides = array<i32>} : memref<16x2048xi32, #tpu.memory_space<vmem>>, vector<16xi32>,
          %add3A_379 = arith.addi %get3A_378, %add3A_361 : vector<16xi32>
          %swap3A_380 = arith.constant 1 : i32
          %swap3A_381 = arith.index_cast %swap3A_380 : i32 to index
          %swap3A_382 = arith.index_cast %add3A_366 : i32 to index
          %swap3A_383 = tpu.vector_load %arg6[%swap3A_381, %swap3A_382] {strides = array<i32>} : memref<16x2048xi32, #tpu.memory_space<vmem>>, vector<16xi32>,
          tpu.vector_store %arg6[%swap3A_381, %swap3A_382], %add3A_379 {strides = array<i32>} : memref<16x2048xi32, #tpu.memory_space<vmem>>, vector<16xi32>,
          %get3A_384 = arith.constant 2 : i32
          %get3A_385 = arith.index_cast %get3A_384 : i32 to index
          %get3A_386 = arith.index_cast %add3A_366 : i32 to index
          %get3A_387 = tpu.vector_load %arg6[%get3A_385, %get3A_386] {strides = array<i32>} : memref<16x2048xi32, #tpu.memory_space<vmem>>, vector<16xi32>,
          %add3A_388 = arith.addi %get3A_387, %add3A_361 : vector<16xi32>
          %swap3A_389 = arith.constant 2 : i32
          %swap3A_390 = arith.index_cast %swap3A_389 : i32 to index
          %swap3A_391 = arith.index_cast %add3A_366 : i32 to index
          %swap3A_392 = tpu.vector_load %arg6[%swap3A_390, %swap3A_391] {strides = array<i32>} : memref<16x2048xi32, #tpu.memory_space<vmem>>, vector<16xi32>,
          tpu.vector_store %arg6[%swap3A_390, %swap3A_391], %add3A_388 {strides = array<i32>} : memref<16x2048xi32, #tpu.memory_space<vmem>>, vector<16xi32>,
          %get3A_393 = arith.constant 3 : i32
          %get3A_394 = arith.index_cast %get3A_393 : i32 to index
          %get3A_395 = arith.index_cast %add3A_366 : i32 to index
          %get3A_396 = tpu.vector_load %arg6[%get3A_394, %get3A_395] {strides = array<i32>} : memref<16x2048xi32, #tpu.memory_space<vmem>>, vector<16xi32>,
          %add3A_397 = arith.addi %get3A_396, %add3A_361 : vector<16xi32>
          %swap3A_398 = arith.constant 3 : i32
          %swap3A_399 = arith.index_cast %swap3A_398 : i32 to index
          %swap3A_400 = arith.index_cast %add3A_366 : i32 to index
          %swap3A_401 = tpu.vector_load %arg6[%swap3A_399, %swap3A_400] {strides = array<i32>} : memref<16x2048xi32, #tpu.memory_space<vmem>>, vector<16xi32>,
          tpu.vector_store %arg6[%swap3A_399, %swap3A_400], %add3A_397 {strides = array<i32>} : memref<16x2048xi32, #tpu.memory_space<vmem>>, vector<16xi32>,
          %get3A_402 = arith.constant 4 : i32
          %get3A_403 = arith.index_cast %get3A_402 : i32 to index
          %get3A_404 = arith.index_cast %add3A_366 : i32 to index
          %get3A_405 = tpu.vector_load %arg6[%get3A_403, %get3A_404] {strides = array<i32>} : memref<16x2048xi32, #tpu.memory_space<vmem>>, vector<16xi32>,
          %add3A_406 = arith.addi %get3A_405, %add3A_361 : vector<16xi32>
          %swap3A_407 = arith.constant 4 : i32
          %swap3A_408 = arith.index_cast %swap3A_407 : i32 to index
          %swap3A_409 = arith.index_cast %add3A_366 : i32 to index
          %swap3A_410 = tpu.vector_load %arg6[%swap3A_408, %swap3A_409] {strides = array<i32>} : memref<16x2048xi32, #tpu.memory_space<vmem>>, vector<16xi32>,
          tpu.vector_store %arg6[%swap3A_408, %swap3A_409], %add3A_406 {strides = array<i32>} : memref<16x2048xi32, #tpu.memory_space<vmem>>, vector<16xi32>,
          %get3A_411 = arith.constant 5 : i32
          %get3A_412 = arith.index_cast %get3A_411 : i32 to index
          %get3A_413 = arith.index_cast %add3A_366 : i32 to index
          %get3A_414 = tpu.vector_load %arg6[%get3A_412, %get3A_413] {strides = array<i32>} : memref<16x2048xi32, #tpu.memory_space<vmem>>, vector<16xi32>,
          %add3A_415 = arith.addi %get3A_414, %add3A_361 : vector<16xi32>
          %swap3A_416 = arith.constant 5 : i32
          %swap3A_417 = arith.index_cast %swap3A_416 : i32 to index
          %swap3A_418 = arith.index_cast %add3A_366 : i32 to index
          %swap3A_419 = tpu.vector_load %arg6[%swap3A_417, %swap3A_418] {strides = array<i32>} : memref<16x2048xi32, #tpu.memory_space<vmem>>, vector<16xi32>,
          tpu.vector_store %arg6[%swap3A_417, %swap3A_418], %add3A_415 {strides = array<i32>} : memref<16x2048xi32, #tpu.memory_space<vmem>>, vector<16xi32>,
          %get3A_420 = arith.constant 6 : i32
          %get3A_421 = arith.index_cast %get3A_420 : i32 to index
          %get3A_422 = arith.index_cast %add3A_366 : i32 to index
          %get3A_423 = tpu.vector_load %arg6[%get3A_421, %get3A_422] {strides = array<i32>} : memref<16x2048xi32, #tpu.memory_space<vmem>>, vector<16xi32>,
          %add3A_424 = arith.addi %get3A_423, %add3A_361 : vector<16xi32>
          %swap3A_425 = arith.constant 6 : i32
          %swap3A_426 = arith.index_cast %swap3A_425 : i32 to index
          %swap3A_427 = arith.index_cast %add3A_366 : i32 to index
          %swap3A_428 = tpu.vector_load %arg6[%swap3A_426, %swap3A_427] {strides = array<i32>} : memref<16x2048xi32, #tpu.memory_space<vmem>>, vector<16xi32>,
          tpu.vector_store %arg6[%swap3A_426, %swap3A_427], %add3A_424 {strides = array<i32>} : memref<16x2048xi32, #tpu.memory_space<vmem>>, vector<16xi32>,
          %get3A_429 = arith.constant 7 : i32
          %get3A_430 = arith.index_cast %get3A_429 : i32 to index
          %get3A_431 = arith.index_cast %add3A_366 : i32 to index
          %get3A_432 = tpu.vector_load %arg6[%get3A_430, %get3A_431] {strides = array<i32>} : memref<16x2048xi32, #tpu.memory_space<vmem>>, vector<16xi32>,
          %add3A_433 = arith.addi %get3A_432, %add3A_361 : vector<16xi32>
          %swap3A_434 = arith.constant 7 : i32
          %swap3A_435 = arith.index_cast %swap3A_434 : i32 to index
          %swap3A_436 = arith.index_cast %add3A_366 : i32 to index
          %swap3A_437 = tpu.vector_load %arg6[%swap3A_435, %swap3A_436] {strides = array<i32>} : memref<16x2048xi32, #tpu.memory_space<vmem>>, vector<16xi32>,
          tpu.vector_store %arg6[%swap3A_435, %swap3A_436], %add3A_433 {strides = array<i32>} : memref<16x2048xi32, #tpu.memory_space<vmem>>, vector<16xi32>,
          %get3A_438 = arith.constant 8 : i32
          %get3A_439 = arith.index_cast %get3A_438 : i32 to index
          %get3A_440 = arith.index_cast %add3A_366 : i32 to index
          %get3A_441 = tpu.vector_load %arg6[%get3A_439, %get3A_440] {strides = array<i32>} : memref<16x2048xi32, #tpu.memory_space<vmem>>, vector<16xi32>,
          %add3A_442 = arith.addi %get3A_441, %add3A_361 : vector<16xi32>
          %swap3A_443 = arith.constant 8 : i32
          %swap3A_444 = arith.index_cast %swap3A_443 : i32 to index
          %swap3A_445 = arith.index_cast %add3A_366 : i32 to index
          %swap3A_446 = tpu.vector_load %arg6[%swap3A_444, %swap3A_445] {strides = array<i32>} : memref<16x2048xi32, #tpu.memory_space<vmem>>, vector<16xi32>,
          tpu.vector_store %arg6[%swap3A_444, %swap3A_445], %add3A_442 {strides = array<i32>} : memref<16x2048xi32, #tpu.memory_space<vmem>>, vector<16xi32>,
          %get3A_447 = arith.constant 9 : i32
          %get3A_448 = arith.index_cast %get3A_447 : i32 to index
          %get3A_449 = arith.index_cast %add3A_366 : i32 to index
          %get3A_450 = tpu.vector_load %arg6[%get3A_448, %get3A_449] {strides = array<i32>} : memref<16x2048xi32, #tpu.memory_space<vmem>>, vector<16xi32>,
          %add3A_451 = arith.addi %get3A_450, %add3A_361 : vector<16xi32>
          %swap3A_452 = arith.constant 9 : i32
          %swap3A_453 = arith.index_cast %swap3A_452 : i32 to index
          %swap3A_454 = arith.index_cast %add3A_366 : i32 to index
          %swap3A_455 = tpu.vector_load %arg6[%swap3A_453, %swap3A_454] {strides = array<i32>} : memref<16x2048xi32, #tpu.memory_space<vmem>>, vector<16xi32>,
          tpu.vector_store %arg6[%swap3A_453, %swap3A_454], %add3A_451 {strides = array<i32>} : memref<16x2048xi32, #tpu.memory_space<vmem>>, vector<16xi32>,
          %get3A_456 = arith.constant 10 : i32
          %get3A_457 = arith.index_cast %get3A_456 : i32 to index
          %get3A_458 = arith.index_cast %add3A_366 : i32 to index
          %get3A_459 = tpu.vector_load %arg6[%get3A_457, %get3A_458] {strides = array<i32>} : memref<16x2048xi32, #tpu.memory_space<vmem>>, vector<16xi32>,
          %add3A_460 = arith.addi %get3A_459, %add3A_361 : vector<16xi32>
          %swap3A_461 = arith.constant 10 : i32
          %swap3A_462 = arith.index_cast %swap3A_461 : i32 to index
          %swap3A_463 = arith.index_cast %add3A_366 : i32 to index
          %swap3A_464 = tpu.vector_load %arg6[%swap3A_462, %swap3A_463] {strides = array<i32>} : memref<16x2048xi32, #tpu.memory_space<vmem>>, vector<16xi32>,
          tpu.vector_store %arg6[%swap3A_462, %swap3A_463], %add3A_460 {strides = array<i32>} : memref<16x2048xi32, #tpu.memory_space<vmem>>, vector<16xi32>,
          %get3A_465 = arith.constant 11 : i32
          %get3A_466 = arith.index_cast %get3A_465 : i32 to index
          %get3A_467 = arith.index_cast %add3A_366 : i32 to index
          %get3A_468 = tpu.vector_load %arg6[%get3A_466, %get3A_467] {strides = array<i32>} : memref<16x2048xi32, #tpu.memory_space<vmem>>, vector<16xi32>,
          %add3A_469 = arith.addi %get3A_468, %add3A_361 : vector<16xi32>
          %swap3A_470 = arith.constant 11 : i32
          %swap3A_471 = arith.index_cast %swap3A_470 : i32 to index
          %swap3A_472 = arith.index_cast %add3A_366 : i32 to index
          %swap3A_473 = tpu.vector_load %arg6[%swap3A_471, %swap3A_472] {strides = array<i32>} : memref<16x2048xi32, #tpu.memory_space<vmem>>, vector<16xi32>,
          tpu.vector_store %arg6[%swap3A_471, %swap3A_472], %add3A_469 {strides = array<i32>} : memref<16x2048xi32, #tpu.memory_space<vmem>>, vector<16xi32>,
          %get3A_474 = arith.constant 12 : i32
          %get3A_475 = arith.index_cast %get3A_474 : i32 to index
          %get3A_476 = arith.index_cast %add3A_366 : i32 to index
          %get3A_477 = tpu.vector_load %arg6[%get3A_475, %get3A_476] {strides = array<i32>} : memref<16x2048xi32, #tpu.memory_space<vmem>>, vector<16xi32>,
          %add3A_478 = arith.addi %get3A_477, %add3A_361 : vector<16xi32>
          %swap3A_479 = arith.constant 12 : i32
          %swap3A_480 = arith.index_cast %swap3A_479 : i32 to index
          %swap3A_481 = arith.index_cast %add3A_366 : i32 to index
          %swap3A_482 = tpu.vector_load %arg6[%swap3A_480, %swap3A_481] {strides = array<i32>} : memref<16x2048xi32, #tpu.memory_space<vmem>>, vector<16xi32>,
          tpu.vector_store %arg6[%swap3A_480, %swap3A_481], %add3A_478 {strides = array<i32>} : memref<16x2048xi32, #tpu.memory_space<vmem>>, vector<16xi32>,
          %get3A_483 = arith.constant 13 : i32
          %get3A_484 = arith.index_cast %get3A_483 : i32 to index
          %get3A_485 = arith.index_cast %add3A_366 : i32 to index
          %get3A_486 = tpu.vector_load %arg6[%get3A_484, %get3A_485] {strides = array<i32>} : memref<16x2048xi32, #tpu.memory_space<vmem>>, vector<16xi32>,
          %add3A_487 = arith.addi %get3A_486, %add3A_361 : vector<16xi32>
          %swap3A_488 = arith.constant 13 : i32
          %swap3A_489 = arith.index_cast %swap3A_488 : i32 to index
          %swap3A_490 = arith.index_cast %add3A_366 : i32 to index
          %swap3A_491 = tpu.vector_load %arg6[%swap3A_489, %swap3A_490] {strides = array<i32>} : memref<16x2048xi32, #tpu.memory_space<vmem>>, vector<16xi32>,
          tpu.vector_store %arg6[%swap3A_489, %swap3A_490], %add3A_487 {strides = array<i32>} : memref<16x2048xi32, #tpu.memory_space<vmem>>, vector<16xi32>,
          %get3A_492 = arith.constant 14 : i32
          %get3A_493 = arith.index_cast %get3A_492 : i32 to index
          %get3A_494 = arith.index_cast %add3A_366 : i32 to index
          %get3A_495 = tpu.vector_load %arg6[%get3A_493, %get3A_494] {strides = array<i32>} : memref<16x2048xi32, #tpu.memory_space<vmem>>, vector<16xi32>,
          %add3A_496 = arith.addi %get3A_495, %add3A_361 : vector<16xi32>
          %swap3A_497 = arith.constant 14 : i32
          %swap3A_498 = arith.index_cast %swap3A_497 : i32 to index
          %swap3A_499 = arith.index_cast %add3A_366 : i32 to index
          %swap3A_500 = tpu.vector_load %arg6[%swap3A_498, %swap3A_499] {strides = array<i32>} : memref<16x2048xi32, #tpu.memory_space<vmem>>, vector<16xi32>,
          tpu.vector_store %arg6[%swap3A_498, %swap3A_499], %add3A_496 {strides = array<i32>} : memref<16x2048xi32, #tpu.memory_space<vmem>>, vector<16xi32>,
          %get3A_501 = arith.constant 15 : i32
          %get3A_502 = arith.index_cast %get3A_501 : i32 to index
          %get3A_503 = arith.index_cast %add3A_366 : i32 to index
          %get3A_504 = tpu.vector_load %arg6[%get3A_502, %get3A_503] {strides = array<i32>} : memref<16x2048xi32, #tpu.memory_space<vmem>>, vector<16xi32>,
          %add3A_505 = arith.addi %get3A_504, %add3A_361 : vector<16xi32>
          %swap3A_506 = arith.constant 15 : i32
          %swap3A_507 = arith.index_cast %swap3A_506 : i32 to index
          %swap3A_508 = arith.index_cast %add3A_366 : i32 to index
          %swap3A_509 = tpu.vector_load %arg6[%swap3A_507, %swap3A_508] {strides = array<i32>} : memref<16x2048xi32, #tpu.memory_space<vmem>>, vector<16xi32>,
          tpu.vector_store %arg6[%swap3A_507, %swap3A_508], %add3A_505 {strides = array<i32>} : memref<16x2048xi32, #tpu.memory_space<vmem>>, vector<16xi32>,
          %reduce_sum3A = arith.constant true
          %reduce_sum3A_510 = vector.broadcast %reduce_sum3A : i1 to vector<16xi1>
          %reduce_sum3A_511 = tpu.scan <sum>, %add3A_350 masked %reduce_sum3A_510 : vector<16xi32>, vector<16xi1> -> vector<16xi32>
          %reduce_sum3A_512 = vector.extract %reduce_sum3A_511[15] : i32 from vector<16xi32>
          %add3A_513 = arith.addi %scan3A_151, %reduce_sum3A_512 : i32
          scf.yield %add3A_513 : i32
        }
        %scan3A_148 = arith.constant 16 : i32
        %barrier3A_149 = arith.constant 0 : index
        tpu.barrier barrier_id(%barrier3A_149)
        scf.yield %scan3A_147 : i32
      }
      %scan3A_76 = arith.constant 4 : i32
      %scan3A_77 = arith.constant 0 : i32
      %scan3A_78 = arith.constant 0 : i32
      %scan3A_79 = arith.constant 1024 : i32
      %scan3A_80 = arith.addi %scan3A_78, %scan3A_79 : i32
      %scan3A_81 = arith.constant 1 : i32
      %scan3A_82 = scf.for %scan3A_138 = %scan3A_78 to %scan3A_80 step %scan3A_81 iter_args(%scan3A_139 = %scan3A_77) -> (i32)  : i32 {
        %mul3A_140 = arith.constant 16 : i32
        %mul3A_141 = arith.muli %scan3A_138, %mul3A_140 : i32
        %get3A = arith.index_cast %mul3A_141 : i32 to index
        %get3A_142 = tpu.vector_load %arg4[%get3A] {strides = array<i32>} : memref<16384xi32, #tpu.memory_space<vmem>>, vector<16xi32>,
        %shift_right_arithmetic3A = arith.constant 11 : i32
        %shift_right_arithmetic3A_143 = vector.broadcast %shift_right_arithmetic3A : i32 to vector<16xi32>
        %shift_right_arithmetic3A_144 = arith.shrsi %get3A_142, %shift_right_arithmetic3A_143 : vector<16xi32>
        %and3A = arith.constant 1023 : i32
        %and3A_145 = vector.broadcast %and3A : i32 to vector<16xi32>
        %and3A_146 = arith.andi %shift_right_arithmetic3A_144, %and3A_145 : vector<16xi32>
        %sub3A = arith.constant 1023 : i32
        %sub3A_147 = vector.broadcast %sub3A : i32 to vector<16xi32>
        %sub3A_148 = arith.subi %sub3A_147, %and3A_146 : vector<16xi32>
        %get3A_149 = arith.index_cast %mul3A_141 : i32 to index
        %get3A_150 = tpu.vector_load %arg5[%get3A_149] {strides = array<i32>} : memref<16384xi32, #tpu.memory_space<vmem>>, vector<16xi32>,
        %gather3A = tpu.vector_load_idx %arg6[%iota3A, %sub3A_148] : memref<16x2048xi32, #tpu.memory_space<vmem>>[vector<16xi32>, vector<16xi32>], vector<16xi32>,
        %add3A_151 = arith.addi %get3A_150, %gather3A : vector<16xi32>
        %not3A = arith.constant 16383 : i32
        %not3A_152 = arith.constant -1 : i32
        %not3A_153 = arith.xori %not3A, %not3A_152 : i32
        %and3A_154 = vector.broadcast %not3A_153 : i32 to vector<16xi32>
        %and3A_155 = arith.andi %add3A_151, %and3A_154 : vector<16xi32>
        %and3A_156 = arith.constant 1023 : i32
        %and3A_157 = vector.broadcast %and3A_156 : i32 to vector<16xi32>
        %and3A_158 = arith.andi %add3A_151, %and3A_157 : vector<16xi32>
        %shift_left3A = arith.constant 4 : i32
        %shift_left3A_159 = vector.broadcast %shift_left3A : i32 to vector<16xi32>
        %shift_left3A_160 = arith.shli %and3A_158, %shift_left3A_159 : vector<16xi32>
        %or3A = arith.ori %and3A_155, %shift_left3A_160 : vector<16xi32>
        %shift_right_arithmetic3A_161 = arith.constant 10 : i32
        %shift_right_arithmetic3A_162 = vector.broadcast %shift_right_arithmetic3A_161 : i32 to vector<16xi32>
        %shift_right_arithmetic3A_163 = arith.shrsi %add3A_151, %shift_right_arithmetic3A_162 : vector<16xi32>
        %and3A_164 = arith.constant 15 : i32
        %and3A_165 = vector.broadcast %and3A_164 : i32 to vector<16xi32>
        %and3A_166 = arith.andi %shift_right_arithmetic3A_163, %and3A_165 : vector<16xi32>
        %or3A_167 = arith.ori %or3A, %and3A_166 : vector<16xi32>
        %swap3A = arith.index_cast %mul3A_141 : i32 to index
        %swap3A_168 = tpu.vector_load %arg5[%swap3A] {strides = array<i32>} : memref<16384xi32, #tpu.memory_space<vmem>>, vector<16xi32>,
        tpu.vector_store %arg5[%swap3A], %or3A_167 {strides = array<i32>} : memref<16384xi32, #tpu.memory_space<vmem>>, vector<16xi32>,
        %scan3A_169 = arith.constant 0 : i32
        scf.yield %scan3A_169 : i32
      }
      %scan3A_83 = arith.constant 1024 : i32
      %dma_start3A_84 = arith.constant 0 : i32
      %dma_start3A_85 = tpu.memref_slice %arg10[%dma_start3A_84] : memref<262144xi32, #tpu.memory_space<vmem_shared>> -> memref<262144xi32, #tpu.memory_space<vmem_shared>>
      tpu.enqueue_indirect_dma source(%arg4 : memref<16384xi32, #tpu.memory_space<vmem>>) target(%dma_start3A_85 : memref<262144xi32, #tpu.memory_space<vmem_shared>>) offsets(%arg5 : memref<16384xi32, #tpu.memory_space<vmem>>) semaphore(%arg12 : memref<!tpu.dma_semaphore, #tpu.memory_space<semaphore_mem>>)
      %scan3A_86 = arith.constant 0 : i32
      %scan3A_87 = arith.constant 0 : i32
      %scan3A_88 = arith.constant 64 : i32
      %scan3A_89 = arith.addi %scan3A_87, %scan3A_88 : i32
      %scan3A_90 = arith.constant 1 : i32
      %scan3A_91 = scf.for %scan3A_138 = %scan3A_87 to %scan3A_89 step %scan3A_90 iter_args(%scan3A_139 = %scan3A_86) -> (i32)  : i32 {
        %mul3A_140 = arith.constant 16 : i32
        %mul3A_141 = arith.muli %scan3A_138, %mul3A_140 : i32
        %swap3A = arith.constant 0 : i32
        %swap3A_142 = arith.index_cast %swap3A : i32 to index
        %swap3A_143 = arith.index_cast %mul3A_141 : i32 to index
        %swap3A_144 = tpu.vector_load %arg6[%swap3A_142, %swap3A_143] {strides = array<i32>} : memref<16x2048xi32, #tpu.memory_space<vmem>>, vector<16xi32>,
        tpu.vector_store %arg6[%swap3A_142, %swap3A_143], %broadcast_in_dim3A_0 {strides = array<i32>} : memref<16x2048xi32, #tpu.memory_space<vmem>>, vector<16xi32>,
        %swap3A_145 = arith.constant 1 : i32
        %swap3A_146 = arith.index_cast %swap3A_145 : i32 to index
        %swap3A_147 = arith.index_cast %mul3A_141 : i32 to index
        %swap3A_148 = tpu.vector_load %arg6[%swap3A_146, %swap3A_147] {strides = array<i32>} : memref<16x2048xi32, #tpu.memory_space<vmem>>, vector<16xi32>,
        tpu.vector_store %arg6[%swap3A_146, %swap3A_147], %broadcast_in_dim3A_0 {strides = array<i32>} : memref<16x2048xi32, #tpu.memory_space<vmem>>, vector<16xi32>,
        %swap3A_149 = arith.constant 2 : i32
        %swap3A_150 = arith.index_cast %swap3A_149 : i32 to index
        %swap3A_151 = arith.index_cast %mul3A_141 : i32 to index
        %swap3A_152 = tpu.vector_load %arg6[%swap3A_150, %swap3A_151] {strides = array<i32>} : memref<16x2048xi32, #tpu.memory_space<vmem>>, vector<16xi32>,
        tpu.vector_store %arg6[%swap3A_150, %swap3A_151], %broadcast_in_dim3A_0 {strides = array<i32>} : memref<16x2048xi32, #tpu.memory_space<vmem>>, vector<16xi32>,
        %swap3A_153 = arith.constant 3 : i32
        %swap3A_154 = arith.index_cast %swap3A_153 : i32 to index
        %swap3A_155 = arith.index_cast %mul3A_141 : i32 to index
        %swap3A_156 = tpu.vector_load %arg6[%swap3A_154, %swap3A_155] {strides = array<i32>} : memref<16x2048xi32, #tpu.memory_space<vmem>>, vector<16xi32>,
        tpu.vector_store %arg6[%swap3A_154, %swap3A_155], %broadcast_in_dim3A_0 {strides = array<i32>} : memref<16x2048xi32, #tpu.memory_space<vmem>>, vector<16xi32>,
        %swap3A_157 = arith.constant 4 : i32
        %swap3A_158 = arith.index_cast %swap3A_157 : i32 to index
        %swap3A_159 = arith.index_cast %mul3A_141 : i32 to index
        %swap3A_160 = tpu.vector_load %arg6[%swap3A_158, %swap3A_159] {strides = array<i32>} : memref<16x2048xi32, #tpu.memory_space<vmem>>, vector<16xi32>,
        tpu.vector_store %arg6[%swap3A_158, %swap3A_159], %broadcast_in_dim3A_0 {strides = array<i32>} : memref<16x2048xi32, #tpu.memory_space<vmem>>, vector<16xi32>,
        %swap3A_161 = arith.constant 5 : i32
        %swap3A_162 = arith.index_cast %swap3A_161 : i32 to index
        %swap3A_163 = arith.index_cast %mul3A_141 : i32 to index
        %swap3A_164 = tpu.vector_load %arg6[%swap3A_162, %swap3A_163] {strides = array<i32>} : memref<16x2048xi32, #tpu.memory_space<vmem>>, vector<16xi32>,
        tpu.vector_store %arg6[%swap3A_162, %swap3A_163], %broadcast_in_dim3A_0 {strides = array<i32>} : memref<16x2048xi32, #tpu.memory_space<vmem>>, vector<16xi32>,
        %swap3A_165 = arith.constant 6 : i32
        %swap3A_166 = arith.index_cast %swap3A_165 : i32 to index
        %swap3A_167 = arith.index_cast %mul3A_141 : i32 to index
        %swap3A_168 = tpu.vector_load %arg6[%swap3A_166, %swap3A_167] {strides = array<i32>} : memref<16x2048xi32, #tpu.memory_space<vmem>>, vector<16xi32>,
        tpu.vector_store %arg6[%swap3A_166, %swap3A_167], %broadcast_in_dim3A_0 {strides = array<i32>} : memref<16x2048xi32, #tpu.memory_space<vmem>>, vector<16xi32>,
        %swap3A_169 = arith.constant 7 : i32
        %swap3A_170 = arith.index_cast %swap3A_169 : i32 to index
        %swap3A_171 = arith.index_cast %mul3A_141 : i32 to index
        %swap3A_172 = tpu.vector_load %arg6[%swap3A_170, %swap3A_171] {strides = array<i32>} : memref<16x2048xi32, #tpu.memory_space<vmem>>, vector<16xi32>,
        tpu.vector_store %arg6[%swap3A_170, %swap3A_171], %broadcast_in_dim3A_0 {strides = array<i32>} : memref<16x2048xi32, #tpu.memory_space<vmem>>, vector<16xi32>,
        %swap3A_173 = arith.constant 8 : i32
        %swap3A_174 = arith.index_cast %swap3A_173 : i32 to index
        %swap3A_175 = arith.index_cast %mul3A_141 : i32 to index
        %swap3A_176 = tpu.vector_load %arg6[%swap3A_174, %swap3A_175] {strides = array<i32>} : memref<16x2048xi32, #tpu.memory_space<vmem>>, vector<16xi32>,
        tpu.vector_store %arg6[%swap3A_174, %swap3A_175], %broadcast_in_dim3A_0 {strides = array<i32>} : memref<16x2048xi32, #tpu.memory_space<vmem>>, vector<16xi32>,
        %swap3A_177 = arith.constant 9 : i32
        %swap3A_178 = arith.index_cast %swap3A_177 : i32 to index
        %swap3A_179 = arith.index_cast %mul3A_141 : i32 to index
        %swap3A_180 = tpu.vector_load %arg6[%swap3A_178, %swap3A_179] {strides = array<i32>} : memref<16x2048xi32, #tpu.memory_space<vmem>>, vector<16xi32>,
        tpu.vector_store %arg6[%swap3A_178, %swap3A_179], %broadcast_in_dim3A_0 {strides = array<i32>} : memref<16x2048xi32, #tpu.memory_space<vmem>>, vector<16xi32>,
        %swap3A_181 = arith.constant 10 : i32
        %swap3A_182 = arith.index_cast %swap3A_181 : i32 to index
        %swap3A_183 = arith.index_cast %mul3A_141 : i32 to index
        %swap3A_184 = tpu.vector_load %arg6[%swap3A_182, %swap3A_183] {strides = array<i32>} : memref<16x2048xi32, #tpu.memory_space<vmem>>, vector<16xi32>,
        tpu.vector_store %arg6[%swap3A_182, %swap3A_183], %broadcast_in_dim3A_0 {strides = array<i32>} : memref<16x2048xi32, #tpu.memory_space<vmem>>, vector<16xi32>,
        %swap3A_185 = arith.constant 11 : i32
        %swap3A_186 = arith.index_cast %swap3A_185 : i32 to index
        %swap3A_187 = arith.index_cast %mul3A_141 : i32 to index
        %swap3A_188 = tpu.vector_load %arg6[%swap3A_186, %swap3A_187] {strides = array<i32>} : memref<16x2048xi32, #tpu.memory_space<vmem>>, vector<16xi32>,
        tpu.vector_store %arg6[%swap3A_186, %swap3A_187], %broadcast_in_dim3A_0 {strides = array<i32>} : memref<16x2048xi32, #tpu.memory_space<vmem>>, vector<16xi32>,
        %swap3A_189 = arith.constant 12 : i32
        %swap3A_190 = arith.index_cast %swap3A_189 : i32 to index
        %swap3A_191 = arith.index_cast %mul3A_141 : i32 to index
        %swap3A_192 = tpu.vector_load %arg6[%swap3A_190, %swap3A_191] {strides = array<i32>} : memref<16x2048xi32, #tpu.memory_space<vmem>>, vector<16xi32>,
        tpu.vector_store %arg6[%swap3A_190, %swap3A_191], %broadcast_in_dim3A_0 {strides = array<i32>} : memref<16x2048xi32, #tpu.memory_space<vmem>>, vector<16xi32>,
        %swap3A_193 = arith.constant 13 : i32
        %swap3A_194 = arith.index_cast %swap3A_193 : i32 to index
        %swap3A_195 = arith.index_cast %mul3A_141 : i32 to index
        %swap3A_196 = tpu.vector_load %arg6[%swap3A_194, %swap3A_195] {strides = array<i32>} : memref<16x2048xi32, #tpu.memory_space<vmem>>, vector<16xi32>,
        tpu.vector_store %arg6[%swap3A_194, %swap3A_195], %broadcast_in_dim3A_0 {strides = array<i32>} : memref<16x2048xi32, #tpu.memory_space<vmem>>, vector<16xi32>,
        %swap3A_197 = arith.constant 14 : i32
        %swap3A_198 = arith.index_cast %swap3A_197 : i32 to index
        %swap3A_199 = arith.index_cast %mul3A_141 : i32 to index
        %swap3A_200 = tpu.vector_load %arg6[%swap3A_198, %swap3A_199] {strides = array<i32>} : memref<16x2048xi32, #tpu.memory_space<vmem>>, vector<16xi32>,
        tpu.vector_store %arg6[%swap3A_198, %swap3A_199], %broadcast_in_dim3A_0 {strides = array<i32>} : memref<16x2048xi32, #tpu.memory_space<vmem>>, vector<16xi32>,
        %swap3A_201 = arith.constant 15 : i32
        %swap3A_202 = arith.index_cast %swap3A_201 : i32 to index
        %swap3A_203 = arith.index_cast %mul3A_141 : i32 to index
        %swap3A_204 = tpu.vector_load %arg6[%swap3A_202, %swap3A_203] {strides = array<i32>} : memref<16x2048xi32, #tpu.memory_space<vmem>>, vector<16xi32>,
        tpu.vector_store %arg6[%swap3A_202, %swap3A_203], %broadcast_in_dim3A_0 {strides = array<i32>} : memref<16x2048xi32, #tpu.memory_space<vmem>>, vector<16xi32>,
        %scan3A_205 = arith.constant 0 : i32
        scf.yield %scan3A_205 : i32
      }
      %scan3A_92 = arith.constant 64 : i32
      %dma_wait3A_93 = arith.constant 0 : i32
      %dma_wait3A_94 = tpu.memref_slice %arg10[%dma_wait3A_93] : memref<262144xi32, #tpu.memory_space<vmem_shared>> -> memref<262144xi32, #tpu.memory_space<vmem_shared>>
      tpu.wait_indirect_dma semaphore(%arg12 : memref<!tpu.dma_semaphore, #tpu.memory_space<semaphore_mem>>) src(%arg4 : memref<16384xi32, #tpu.memory_space<vmem>>) dst(%dma_wait3A_94 : memref<262144xi32, #tpu.memory_space<vmem_shared>>)
      %barrier3A_95 = arith.constant 0 : index
      tpu.barrier barrier_id(%barrier3A_95)
      "tpu.region"() ({
        %run_scoped3A = tpu.sem_alloc : memref<!tpu.dma_semaphore, #tpu.memory_space<semaphore_mem>>
        %dma_start3A_138 = tpu.memref_slice %arg10[%mul3A_1] : memref<262144xi32, #tpu.memory_space<vmem_shared>> -> memref<16384xi32, #tpu.memory_space<vmem_shared>>
        %dma_start3A_139 = tpu.memref_slice %arg10[%mul3A_1] : memref<262144xi32, #tpu.memory_space<vmem_shared>> -> memref<16384xi32, #tpu.memory_space<vmem_shared>>
        tpu.enqueue_dma source(%dma_start3A_139 : memref<16384xi32, #tpu.memory_space<vmem_shared>>) target(%arg4 : memref<16384xi32, #tpu.memory_space<vmem>>) target_semaphore(%run_scoped3A : memref<!tpu.dma_semaphore, #tpu.memory_space<semaphore_mem>>)
        %dma_wait3A_140 = tpu.memref_slice %arg10[%mul3A_1] : memref<262144xi32, #tpu.memory_space<vmem_shared>> -> memref<16384xi32, #tpu.memory_space<vmem_shared>>
        %dma_wait3A_141 = tpu.memref_slice %arg10[%mul3A_1] : memref<262144xi32, #tpu.memory_space<vmem_shared>> -> memref<16384xi32, #tpu.memory_space<vmem_shared>>
        tpu.wait_dma2 semaphore(%run_scoped3A : memref<!tpu.dma_semaphore, #tpu.memory_space<semaphore_mem>>) src(%dma_wait3A_141 : memref<16384xi32, #tpu.memory_space<vmem_shared>>) dst(%arg4 : memref<16384xi32, #tpu.memory_space<vmem>>)
        tpu.yield
      }) : () -> ()
      %scan3A_96 = arith.constant 0 : i32
      %scan3A_97 = arith.constant 0 : i32
      %scan3A_98 = arith.constant 1024 : i32
      %scan3A_99 = arith.addi %scan3A_97, %scan3A_98 : i32
      %scan3A_100 = arith.constant 1 : i32
      %scan3A_101 = scf.for %scan3A_138 = %scan3A_97 to %scan3A_99 step %scan3A_100 iter_args(%scan3A_139 = %scan3A_96) -> (i32)  : i32 {
        %mul3A_140 = arith.constant 16 : i32
        %mul3A_141 = arith.muli %scan3A_138, %mul3A_140 : i32
        %get3A = arith.index_cast %mul3A_141 : i32 to index
        %get3A_142 = tpu.vector_load %arg4[%get3A] {strides = array<i32>} : memref<16384xi32, #tpu.memory_space<vmem>>, vector<16xi32>,
        %shift_right_arithmetic3A = arith.constant 21 : i32
        %shift_right_arithmetic3A_143 = vector.broadcast %shift_right_arithmetic3A : i32 to vector<16xi32>
        %shift_right_arithmetic3A_144 = arith.shrsi %get3A_142, %shift_right_arithmetic3A_143 : vector<16xi32>
        %and3A = arith.constant 1023 : i32
        %and3A_145 = vector.broadcast %and3A : i32 to vector<16xi32>
        %and3A_146 = arith.andi %shift_right_arithmetic3A_144, %and3A_145 : vector<16xi32>
        %sub3A = arith.constant 1023 : i32
        %sub3A_147 = vector.broadcast %sub3A : i32 to vector<16xi32>
        %sub3A_148 = arith.subi %sub3A_147, %and3A_146 : vector<16xi32>
        %gather3A = tpu.vector_load_idx %arg6[%iota3A, %sub3A_148] : memref<16x2048xi32, #tpu.memory_space<vmem>>[vector<16xi32>, vector<16xi32>], vector<16xi32>,
        %add3A_149 = arith.constant 1 : i32
        %add3A_150 = vector.broadcast %add3A_149 : i32 to vector<16xi32>
        %add3A_151 = arith.addi %gather3A, %add3A_150 : vector<16xi32>
        tpu.vector_store_idx %arg6[%iota3A, %sub3A_148], %add3A_151 : memref<16x2048xi32, #tpu.memory_space<vmem>>[vector<16xi32>, vector<16xi32>], vector<16xi32>,
        %swap3A = arith.index_cast %mul3A_141 : i32 to index
        %swap3A_152 = tpu.vector_load %arg5[%swap3A] {strides = array<i32>} : memref<16384xi32, #tpu.memory_space<vmem>>, vector<16xi32>,
        tpu.vector_store %arg5[%swap3A], %gather3A {strides = array<i32>} : memref<16384xi32, #tpu.memory_space<vmem>>, vector<16xi32>,
        %scan3A_153 = arith.constant 0 : i32
        scf.yield %scan3A_153 : i32
      }
      %scan3A_102 = arith.constant 1024 : i32
      %scan3A_103 = arith.constant 0 : i32
      %scan3A_104 = arith.constant 0 : i32
      %scan3A_105 = arith.constant 64 : i32
      %scan3A_106 = arith.addi %scan3A_104, %scan3A_105 : i32
      %scan3A_107 = arith.constant 1 : i32
      %scan3A_108 = scf.for %scan3A_138 = %scan3A_104 to %scan3A_106 step %scan3A_107 iter_args(%scan3A_139 = %scan3A_103) -> (i32)  : i32 {
        %mul3A_140 = arith.constant 16 : i32
        %mul3A_141 = arith.muli %scan3A_138, %mul3A_140 : i32
        %get3A = arith.constant 0 : i32
        %get3A_142 = arith.index_cast %get3A : i32 to index
        %get3A_143 = arith.index_cast %mul3A_141 : i32 to index
        %get3A_144 = tpu.vector_load %arg6[%get3A_142, %get3A_143] {strides = array<i32>} : memref<16x2048xi32, #tpu.memory_space<vmem>>, vector<16xi32>,
        %swap3A = arith.constant 0 : i32
        %swap3A_145 = arith.index_cast %swap3A : i32 to index
        %swap3A_146 = arith.index_cast %mul3A_141 : i32 to index
        %swap3A_147 = tpu.vector_load %arg6[%swap3A_145, %swap3A_146] {strides = array<i32>} : memref<16x2048xi32, #tpu.memory_space<vmem>>, vector<16xi32>,
        tpu.vector_store %arg6[%swap3A_145, %swap3A_146], %broadcast_in_dim3A_0 {strides = array<i32>} : memref<16x2048xi32, #tpu.memory_space<vmem>>, vector<16xi32>,
        %add3A_148 = arith.addi %broadcast_in_dim3A_0, %get3A_144 : vector<16xi32>
        %get3A_149 = arith.constant 1 : i32
        %get3A_150 = arith.index_cast %get3A_149 : i32 to index
        %get3A_151 = arith.index_cast %mul3A_141 : i32 to index
        %get3A_152 = tpu.vector_load %arg6[%get3A_150, %get3A_151] {strides = array<i32>} : memref<16x2048xi32, #tpu.memory_space<vmem>>, vector<16xi32>,
        %swap3A_153 = arith.constant 1 : i32
        %swap3A_154 = arith.index_cast %swap3A_153 : i32 to index
        %swap3A_155 = arith.index_cast %mul3A_141 : i32 to index
        %swap3A_156 = tpu.vector_load %arg6[%swap3A_154, %swap3A_155] {strides = array<i32>} : memref<16x2048xi32, #tpu.memory_space<vmem>>, vector<16xi32>,
        tpu.vector_store %arg6[%swap3A_154, %swap3A_155], %add3A_148 {strides = array<i32>} : memref<16x2048xi32, #tpu.memory_space<vmem>>, vector<16xi32>,
        %add3A_157 = arith.addi %add3A_148, %get3A_152 : vector<16xi32>
        %get3A_158 = arith.constant 2 : i32
        %get3A_159 = arith.index_cast %get3A_158 : i32 to index
        %get3A_160 = arith.index_cast %mul3A_141 : i32 to index
        %get3A_161 = tpu.vector_load %arg6[%get3A_159, %get3A_160] {strides = array<i32>} : memref<16x2048xi32, #tpu.memory_space<vmem>>, vector<16xi32>,
        %swap3A_162 = arith.constant 2 : i32
        %swap3A_163 = arith.index_cast %swap3A_162 : i32 to index
        %swap3A_164 = arith.index_cast %mul3A_141 : i32 to index
        %swap3A_165 = tpu.vector_load %arg6[%swap3A_163, %swap3A_164] {strides = array<i32>} : memref<16x2048xi32, #tpu.memory_space<vmem>>, vector<16xi32>,
        tpu.vector_store %arg6[%swap3A_163, %swap3A_164], %add3A_157 {strides = array<i32>} : memref<16x2048xi32, #tpu.memory_space<vmem>>, vector<16xi32>,
        %add3A_166 = arith.addi %add3A_157, %get3A_161 : vector<16xi32>
        %get3A_167 = arith.constant 3 : i32
        %get3A_168 = arith.index_cast %get3A_167 : i32 to index
        %get3A_169 = arith.index_cast %mul3A_141 : i32 to index
        %get3A_170 = tpu.vector_load %arg6[%get3A_168, %get3A_169] {strides = array<i32>} : memref<16x2048xi32, #tpu.memory_space<vmem>>, vector<16xi32>,
        %swap3A_171 = arith.constant 3 : i32
        %swap3A_172 = arith.index_cast %swap3A_171 : i32 to index
        %swap3A_173 = arith.index_cast %mul3A_141 : i32 to index
        %swap3A_174 = tpu.vector_load %arg6[%swap3A_172, %swap3A_173] {strides = array<i32>} : memref<16x2048xi32, #tpu.memory_space<vmem>>, vector<16xi32>,
        tpu.vector_store %arg6[%swap3A_172, %swap3A_173], %add3A_166 {strides = array<i32>} : memref<16x2048xi32, #tpu.memory_space<vmem>>, vector<16xi32>,
        %add3A_175 = arith.addi %add3A_166, %get3A_170 : vector<16xi32>
        %get3A_176 = arith.constant 4 : i32
        %get3A_177 = arith.index_cast %get3A_176 : i32 to index
        %get3A_178 = arith.index_cast %mul3A_141 : i32 to index
        %get3A_179 = tpu.vector_load %arg6[%get3A_177, %get3A_178] {strides = array<i32>} : memref<16x2048xi32, #tpu.memory_space<vmem>>, vector<16xi32>,
        %swap3A_180 = arith.constant 4 : i32
        %swap3A_181 = arith.index_cast %swap3A_180 : i32 to index
        %swap3A_182 = arith.index_cast %mul3A_141 : i32 to index
        %swap3A_183 = tpu.vector_load %arg6[%swap3A_181, %swap3A_182] {strides = array<i32>} : memref<16x2048xi32, #tpu.memory_space<vmem>>, vector<16xi32>,
        tpu.vector_store %arg6[%swap3A_181, %swap3A_182], %add3A_175 {strides = array<i32>} : memref<16x2048xi32, #tpu.memory_space<vmem>>, vector<16xi32>,
        %add3A_184 = arith.addi %add3A_175, %get3A_179 : vector<16xi32>
        %get3A_185 = arith.constant 5 : i32
        %get3A_186 = arith.index_cast %get3A_185 : i32 to index
        %get3A_187 = arith.index_cast %mul3A_141 : i32 to index
        %get3A_188 = tpu.vector_load %arg6[%get3A_186, %get3A_187] {strides = array<i32>} : memref<16x2048xi32, #tpu.memory_space<vmem>>, vector<16xi32>,
        %swap3A_189 = arith.constant 5 : i32
        %swap3A_190 = arith.index_cast %swap3A_189 : i32 to index
        %swap3A_191 = arith.index_cast %mul3A_141 : i32 to index
        %swap3A_192 = tpu.vector_load %arg6[%swap3A_190, %swap3A_191] {strides = array<i32>} : memref<16x2048xi32, #tpu.memory_space<vmem>>, vector<16xi32>,
        tpu.vector_store %arg6[%swap3A_190, %swap3A_191], %add3A_184 {strides = array<i32>} : memref<16x2048xi32, #tpu.memory_space<vmem>>, vector<16xi32>,
        %add3A_193 = arith.addi %add3A_184, %get3A_188 : vector<16xi32>
        %get3A_194 = arith.constant 6 : i32
        %get3A_195 = arith.index_cast %get3A_194 : i32 to index
        %get3A_196 = arith.index_cast %mul3A_141 : i32 to index
        %get3A_197 = tpu.vector_load %arg6[%get3A_195, %get3A_196] {strides = array<i32>} : memref<16x2048xi32, #tpu.memory_space<vmem>>, vector<16xi32>,
        %swap3A_198 = arith.constant 6 : i32
        %swap3A_199 = arith.index_cast %swap3A_198 : i32 to index
        %swap3A_200 = arith.index_cast %mul3A_141 : i32 to index
        %swap3A_201 = tpu.vector_load %arg6[%swap3A_199, %swap3A_200] {strides = array<i32>} : memref<16x2048xi32, #tpu.memory_space<vmem>>, vector<16xi32>,
        tpu.vector_store %arg6[%swap3A_199, %swap3A_200], %add3A_193 {strides = array<i32>} : memref<16x2048xi32, #tpu.memory_space<vmem>>, vector<16xi32>,
        %add3A_202 = arith.addi %add3A_193, %get3A_197 : vector<16xi32>
        %get3A_203 = arith.constant 7 : i32
        %get3A_204 = arith.index_cast %get3A_203 : i32 to index
        %get3A_205 = arith.index_cast %mul3A_141 : i32 to index
        %get3A_206 = tpu.vector_load %arg6[%get3A_204, %get3A_205] {strides = array<i32>} : memref<16x2048xi32, #tpu.memory_space<vmem>>, vector<16xi32>,
        %swap3A_207 = arith.constant 7 : i32
        %swap3A_208 = arith.index_cast %swap3A_207 : i32 to index
        %swap3A_209 = arith.index_cast %mul3A_141 : i32 to index
        %swap3A_210 = tpu.vector_load %arg6[%swap3A_208, %swap3A_209] {strides = array<i32>} : memref<16x2048xi32, #tpu.memory_space<vmem>>, vector<16xi32>,
        tpu.vector_store %arg6[%swap3A_208, %swap3A_209], %add3A_202 {strides = array<i32>} : memref<16x2048xi32, #tpu.memory_space<vmem>>, vector<16xi32>,
        %add3A_211 = arith.addi %add3A_202, %get3A_206 : vector<16xi32>
        %get3A_212 = arith.constant 8 : i32
        %get3A_213 = arith.index_cast %get3A_212 : i32 to index
        %get3A_214 = arith.index_cast %mul3A_141 : i32 to index
        %get3A_215 = tpu.vector_load %arg6[%get3A_213, %get3A_214] {strides = array<i32>} : memref<16x2048xi32, #tpu.memory_space<vmem>>, vector<16xi32>,
        %swap3A_216 = arith.constant 8 : i32
        %swap3A_217 = arith.index_cast %swap3A_216 : i32 to index
        %swap3A_218 = arith.index_cast %mul3A_141 : i32 to index
        %swap3A_219 = tpu.vector_load %arg6[%swap3A_217, %swap3A_218] {strides = array<i32>} : memref<16x2048xi32, #tpu.memory_space<vmem>>, vector<16xi32>,
        tpu.vector_store %arg6[%swap3A_217, %swap3A_218], %add3A_211 {strides = array<i32>} : memref<16x2048xi32, #tpu.memory_space<vmem>>, vector<16xi32>,
        %add3A_220 = arith.addi %add3A_211, %get3A_215 : vector<16xi32>
        %get3A_221 = arith.constant 9 : i32
        %get3A_222 = arith.index_cast %get3A_221 : i32 to index
        %get3A_223 = arith.index_cast %mul3A_141 : i32 to index
        %get3A_224 = tpu.vector_load %arg6[%get3A_222, %get3A_223] {strides = array<i32>} : memref<16x2048xi32, #tpu.memory_space<vmem>>, vector<16xi32>,
        %swap3A_225 = arith.constant 9 : i32
        %swap3A_226 = arith.index_cast %swap3A_225 : i32 to index
        %swap3A_227 = arith.index_cast %mul3A_141 : i32 to index
        %swap3A_228 = tpu.vector_load %arg6[%swap3A_226, %swap3A_227] {strides = array<i32>} : memref<16x2048xi32, #tpu.memory_space<vmem>>, vector<16xi32>,
        tpu.vector_store %arg6[%swap3A_226, %swap3A_227], %add3A_220 {strides = array<i32>} : memref<16x2048xi32, #tpu.memory_space<vmem>>, vector<16xi32>,
        %add3A_229 = arith.addi %add3A_220, %get3A_224 : vector<16xi32>
        %get3A_230 = arith.constant 10 : i32
        %get3A_231 = arith.index_cast %get3A_230 : i32 to index
        %get3A_232 = arith.index_cast %mul3A_141 : i32 to index
        %get3A_233 = tpu.vector_load %arg6[%get3A_231, %get3A_232] {strides = array<i32>} : memref<16x2048xi32, #tpu.memory_space<vmem>>, vector<16xi32>,
        %swap3A_234 = arith.constant 10 : i32
        %swap3A_235 = arith.index_cast %swap3A_234 : i32 to index
        %swap3A_236 = arith.index_cast %mul3A_141 : i32 to index
        %swap3A_237 = tpu.vector_load %arg6[%swap3A_235, %swap3A_236] {strides = array<i32>} : memref<16x2048xi32, #tpu.memory_space<vmem>>, vector<16xi32>,
        tpu.vector_store %arg6[%swap3A_235, %swap3A_236], %add3A_229 {strides = array<i32>} : memref<16x2048xi32, #tpu.memory_space<vmem>>, vector<16xi32>,
        %add3A_238 = arith.addi %add3A_229, %get3A_233 : vector<16xi32>
        %get3A_239 = arith.constant 11 : i32
        %get3A_240 = arith.index_cast %get3A_239 : i32 to index
        %get3A_241 = arith.index_cast %mul3A_141 : i32 to index
        %get3A_242 = tpu.vector_load %arg6[%get3A_240, %get3A_241] {strides = array<i32>} : memref<16x2048xi32, #tpu.memory_space<vmem>>, vector<16xi32>,
        %swap3A_243 = arith.constant 11 : i32
        %swap3A_244 = arith.index_cast %swap3A_243 : i32 to index
        %swap3A_245 = arith.index_cast %mul3A_141 : i32 to index
        %swap3A_246 = tpu.vector_load %arg6[%swap3A_244, %swap3A_245] {strides = array<i32>} : memref<16x2048xi32, #tpu.memory_space<vmem>>, vector<16xi32>,
        tpu.vector_store %arg6[%swap3A_244, %swap3A_245], %add3A_238 {strides = array<i32>} : memref<16x2048xi32, #tpu.memory_space<vmem>>, vector<16xi32>,
        %add3A_247 = arith.addi %add3A_238, %get3A_242 : vector<16xi32>
        %get3A_248 = arith.constant 12 : i32
        %get3A_249 = arith.index_cast %get3A_248 : i32 to index
        %get3A_250 = arith.index_cast %mul3A_141 : i32 to index
        %get3A_251 = tpu.vector_load %arg6[%get3A_249, %get3A_250] {strides = array<i32>} : memref<16x2048xi32, #tpu.memory_space<vmem>>, vector<16xi32>,
        %swap3A_252 = arith.constant 12 : i32
        %swap3A_253 = arith.index_cast %swap3A_252 : i32 to index
        %swap3A_254 = arith.index_cast %mul3A_141 : i32 to index
        %swap3A_255 = tpu.vector_load %arg6[%swap3A_253, %swap3A_254] {strides = array<i32>} : memref<16x2048xi32, #tpu.memory_space<vmem>>, vector<16xi32>,
        tpu.vector_store %arg6[%swap3A_253, %swap3A_254], %add3A_247 {strides = array<i32>} : memref<16x2048xi32, #tpu.memory_space<vmem>>, vector<16xi32>,
        %add3A_256 = arith.addi %add3A_247, %get3A_251 : vector<16xi32>
        %get3A_257 = arith.constant 13 : i32
        %get3A_258 = arith.index_cast %get3A_257 : i32 to index
        %get3A_259 = arith.index_cast %mul3A_141 : i32 to index
        %get3A_260 = tpu.vector_load %arg6[%get3A_258, %get3A_259] {strides = array<i32>} : memref<16x2048xi32, #tpu.memory_space<vmem>>, vector<16xi32>,
        %swap3A_261 = arith.constant 13 : i32
        %swap3A_262 = arith.index_cast %swap3A_261 : i32 to index
        %swap3A_263 = arith.index_cast %mul3A_141 : i32 to index
        %swap3A_264 = tpu.vector_load %arg6[%swap3A_262, %swap3A_263] {strides = array<i32>} : memref<16x2048xi32, #tpu.memory_space<vmem>>, vector<16xi32>,
        tpu.vector_store %arg6[%swap3A_262, %swap3A_263], %add3A_256 {strides = array<i32>} : memref<16x2048xi32, #tpu.memory_space<vmem>>, vector<16xi32>,
        %add3A_265 = arith.addi %add3A_256, %get3A_260 : vector<16xi32>
        %get3A_266 = arith.constant 14 : i32
        %get3A_267 = arith.index_cast %get3A_266 : i32 to index
        %get3A_268 = arith.index_cast %mul3A_141 : i32 to index
        %get3A_269 = tpu.vector_load %arg6[%get3A_267, %get3A_268] {strides = array<i32>} : memref<16x2048xi32, #tpu.memory_space<vmem>>, vector<16xi32>,
        %swap3A_270 = arith.constant 14 : i32
        %swap3A_271 = arith.index_cast %swap3A_270 : i32 to index
        %swap3A_272 = arith.index_cast %mul3A_141 : i32 to index
        %swap3A_273 = tpu.vector_load %arg6[%swap3A_271, %swap3A_272] {strides = array<i32>} : memref<16x2048xi32, #tpu.memory_space<vmem>>, vector<16xi32>,
        tpu.vector_store %arg6[%swap3A_271, %swap3A_272], %add3A_265 {strides = array<i32>} : memref<16x2048xi32, #tpu.memory_space<vmem>>, vector<16xi32>,
        %add3A_274 = arith.addi %add3A_265, %get3A_269 : vector<16xi32>
        %get3A_275 = arith.constant 15 : i32
        %get3A_276 = arith.index_cast %get3A_275 : i32 to index
        %get3A_277 = arith.index_cast %mul3A_141 : i32 to index
        %get3A_278 = tpu.vector_load %arg6[%get3A_276, %get3A_277] {strides = array<i32>} : memref<16x2048xi32, #tpu.memory_space<vmem>>, vector<16xi32>,
        %swap3A_279 = arith.constant 15 : i32
        %swap3A_280 = arith.index_cast %swap3A_279 : i32 to index
        %swap3A_281 = arith.index_cast %mul3A_141 : i32 to index
        %swap3A_282 = tpu.vector_load %arg6[%swap3A_280, %swap3A_281] {strides = array<i32>} : memref<16x2048xi32, #tpu.memory_space<vmem>>, vector<16xi32>,
        tpu.vector_store %arg6[%swap3A_280, %swap3A_281], %add3A_274 {strides = array<i32>} : memref<16x2048xi32, #tpu.memory_space<vmem>>, vector<16xi32>,
        %add3A_283 = arith.addi %add3A_274, %get3A_278 : vector<16xi32>
        %swap3A_284 = arith.index_cast %mul3A_141 : i32 to index
        %swap3A_285 = tpu.vector_load %arg7[%swap3A_284] {strides = array<i32>} : memref<2048xi32, #tpu.memory_space<vmem>>, vector<16xi32>,
        tpu.vector_store %arg7[%swap3A_284], %add3A_283 {strides = array<i32>} : memref<2048xi32, #tpu.memory_space<vmem>>, vector<16xi32>,
        %scan3A_286 = arith.constant 0 : i32
        scf.yield %scan3A_286 : i32
      }
      %scan3A_109 = arith.constant 64 : i32
      %scan3A_110 = arith.constant 0 : i32
      %scan3A_111 = arith.constant 0 : i32
      %scan3A_112 = arith.constant 4 : i32
      %scan3A_113 = arith.addi %scan3A_111, %scan3A_112 : i32
      %scan3A_114 = arith.constant 1 : i32
      %scan3A_115 = scf.for %scan3A_138 = %scan3A_111 to %scan3A_113 step %scan3A_114 iter_args(%scan3A_139 = %scan3A_110) -> (i32)  : i32 {
        %mul3A_140 = arith.constant 256 : i32
        %mul3A_141 = arith.muli %scan3A_138, %mul3A_140 : i32
        "tpu.region"() ({
          %run_scoped3A = tpu.sem_alloc : memref<!tpu.dma_semaphore, #tpu.memory_space<semaphore_mem>>
          %dma_start3A_150 = tpu.memref_slice %arg7[%mul3A_141] : memref<2048xi32, #tpu.memory_space<vmem>> -> memref<256xi32, #tpu.memory_space<vmem>>
          %dma_start3A_151 = arith.constant 0 : i32
          %dma_start3A_152 = tpu.memref_slice %arg11[%arg1, %dma_start3A_151] : memref<16x256xi32, #tpu.memory_space<vmem_shared>> -> memref<1x256xi32, #tpu.memory_space<vmem_shared>>
          %dma_start3A_153 = tpu.memref_squeeze %dma_start3A_152 : memref<1x256xi32, #tpu.memory_space<vmem_shared>> -> memref<256xi32, #tpu.memory_space<vmem_shared>>
          %dma_start3A_154 = arith.constant 0 : i32
          %dma_start3A_155 = tpu.memref_slice %arg11[%arg1, %dma_start3A_154] : memref<16x256xi32, #tpu.memory_space<vmem_shared>> -> memref<1x256xi32, #tpu.memory_space<vmem_shared>>
          %dma_start3A_156 = tpu.memref_squeeze %dma_start3A_155 : memref<1x256xi32, #tpu.memory_space<vmem_shared>> -> memref<256xi32, #tpu.memory_space<vmem_shared>>
          %dma_start3A_157 = tpu.memref_slice %arg7[%mul3A_141] : memref<2048xi32, #tpu.memory_space<vmem>> -> memref<256xi32, #tpu.memory_space<vmem>>
          tpu.enqueue_dma source(%dma_start3A_157 : memref<256xi32, #tpu.memory_space<vmem>>) target(%dma_start3A_156 : memref<256xi32, #tpu.memory_space<vmem_shared>>) target_semaphore(%run_scoped3A : memref<!tpu.dma_semaphore, #tpu.memory_space<semaphore_mem>>)
          %dma_wait3A_158 = tpu.memref_slice %arg7[%mul3A_141] : memref<2048xi32, #tpu.memory_space<vmem>> -> memref<256xi32, #tpu.memory_space<vmem>>
          %dma_wait3A_159 = arith.constant 0 : i32
          %dma_wait3A_160 = tpu.memref_slice %arg11[%arg1, %dma_wait3A_159] : memref<16x256xi32, #tpu.memory_space<vmem_shared>> -> memref<1x256xi32, #tpu.memory_space<vmem_shared>>
          %dma_wait3A_161 = tpu.memref_squeeze %dma_wait3A_160 : memref<1x256xi32, #tpu.memory_space<vmem_shared>> -> memref<256xi32, #tpu.memory_space<vmem_shared>>
          %dma_wait3A_162 = arith.constant 0 : i32
          %dma_wait3A_163 = tpu.memref_slice %arg11[%arg1, %dma_wait3A_162] : memref<16x256xi32, #tpu.memory_space<vmem_shared>> -> memref<1x256xi32, #tpu.memory_space<vmem_shared>>
          %dma_wait3A_164 = tpu.memref_squeeze %dma_wait3A_163 : memref<1x256xi32, #tpu.memory_space<vmem_shared>> -> memref<256xi32, #tpu.memory_space<vmem_shared>>
          %dma_wait3A_165 = tpu.memref_slice %arg7[%mul3A_141] : memref<2048xi32, #tpu.memory_space<vmem>> -> memref<256xi32, #tpu.memory_space<vmem>>
          tpu.wait_dma2 semaphore(%run_scoped3A : memref<!tpu.dma_semaphore, #tpu.memory_space<semaphore_mem>>) src(%dma_wait3A_165 : memref<256xi32, #tpu.memory_space<vmem>>) dst(%dma_wait3A_164 : memref<256xi32, #tpu.memory_space<vmem_shared>>)
          tpu.yield
        }) : () -> ()
        %barrier3A_142 = arith.constant 0 : index
        tpu.barrier barrier_id(%barrier3A_142)
        "tpu.region"() ({
          %run_scoped3A = tpu.sem_alloc : memref<!tpu.dma_semaphore, #tpu.memory_space<semaphore_mem>>
          tpu.enqueue_dma source(%arg11 : memref<16x256xi32, #tpu.memory_space<vmem_shared>>) target(%arg8 : memref<16x256xi32, #tpu.memory_space<vmem>>) target_semaphore(%run_scoped3A : memref<!tpu.dma_semaphore, #tpu.memory_space<semaphore_mem>>)
          tpu.wait_dma2 semaphore(%run_scoped3A : memref<!tpu.dma_semaphore, #tpu.memory_space<semaphore_mem>>) src(%arg11 : memref<16x256xi32, #tpu.memory_space<vmem_shared>>) dst(%arg8 : memref<16x256xi32, #tpu.memory_space<vmem>>)
          tpu.yield
        }) : () -> ()
        %scan3A_143 = arith.constant 0 : i32
        %scan3A_144 = arith.constant 16 : i32
        %scan3A_145 = arith.addi %scan3A_143, %scan3A_144 : i32
        %scan3A_146 = arith.constant 1 : i32
        %scan3A_147 = scf.for %scan3A_150 = %scan3A_143 to %scan3A_145 step %scan3A_146 iter_args(%scan3A_151 = %scan3A_139) -> (i32)  : i32 {
          %mul3A_152 = arith.constant 16 : i32
          %mul3A_153 = arith.muli %scan3A_150, %mul3A_152 : i32
          %get3A = arith.constant 0 : i32
          %get3A_154 = arith.index_cast %get3A : i32 to index
          %get3A_155 = arith.index_cast %mul3A_153 : i32 to index
          %get3A_156 = tpu.vector_load %arg8[%get3A_154, %get3A_155] {strides = array<i32>} : memref<16x256xi32, #tpu.memory_space<vmem>>, vector<16xi32>,
          %add3A_157 = arith.addi %broadcast_in_dim3A_0, %get3A_156 : vector<16xi32>
          %broadcast_in_dim3A_158 = arith.constant 0 : i32
          %broadcast_in_dim3A_159 = vector.broadcast %broadcast_in_dim3A_158 : i32 to vector<16xi32>
          %lt3A = vector.broadcast %arg1 : i32 to vector<16xi32>
          %lt3A_160 = arith.cmpi slt, %broadcast_in_dim3A_159, %lt3A : vector<16xi32>
          %select_n3A = arith.select %lt3A_160, %get3A_156, %broadcast_in_dim3A_0 : vector<16xi1>, vector<16xi32>
          %add3A_161 = arith.addi %broadcast_in_dim3A_0, %select_n3A : vector<16xi32>
          %mul3A_162 = arith.constant 16 : i32
          %mul3A_163 = arith.muli %scan3A_150, %mul3A_162 : i32
          %get3A_164 = arith.constant 1 : i32
          %get3A_165 = arith.index_cast %get3A_164 : i32 to index
          %get3A_166 = arith.index_cast %mul3A_163 : i32 to index
          %get3A_167 = tpu.vector_load %arg8[%get3A_165, %get3A_166] {strides = array<i32>} : memref<16x256xi32, #tpu.memory_space<vmem>>, vector<16xi32>,
          %add3A_168 = arith.addi %add3A_157, %get3A_167 : vector<16xi32>
          %broadcast_in_dim3A_169 = arith.constant 1 : i32
          %broadcast_in_dim3A_170 = vector.broadcast %broadcast_in_dim3A_169 : i32 to vector<16xi32>
          %lt3A_171 = vector.broadcast %arg1 : i32 to vector<16xi32>
          %lt3A_172 = arith.cmpi slt, %broadcast_in_dim3A_170, %lt3A_171 : vector<16xi32>
          %select_n3A_173 = arith.select %lt3A_172, %get3A_167, %broadcast_in_dim3A_0 : vector<16xi1>, vector<16xi32>
          %add3A_174 = arith.addi %add3A_161, %select_n3A_173 : vector<16xi32>
          %mul3A_175 = arith.constant 16 : i32
          %mul3A_176 = arith.muli %scan3A_150, %mul3A_175 : i32
          %get3A_177 = arith.constant 2 : i32
          %get3A_178 = arith.index_cast %get3A_177 : i32 to index
          %get3A_179 = arith.index_cast %mul3A_176 : i32 to index
          %get3A_180 = tpu.vector_load %arg8[%get3A_178, %get3A_179] {strides = array<i32>} : memref<16x256xi32, #tpu.memory_space<vmem>>, vector<16xi32>,
          %add3A_181 = arith.addi %add3A_168, %get3A_180 : vector<16xi32>
          %broadcast_in_dim3A_182 = arith.constant 2 : i32
          %broadcast_in_dim3A_183 = vector.broadcast %broadcast_in_dim3A_182 : i32 to vector<16xi32>
          %lt3A_184 = vector.broadcast %arg1 : i32 to vector<16xi32>
          %lt3A_185 = arith.cmpi slt, %broadcast_in_dim3A_183, %lt3A_184 : vector<16xi32>
          %select_n3A_186 = arith.select %lt3A_185, %get3A_180, %broadcast_in_dim3A_0 : vector<16xi1>, vector<16xi32>
          %add3A_187 = arith.addi %add3A_174, %select_n3A_186 : vector<16xi32>
          %mul3A_188 = arith.constant 16 : i32
          %mul3A_189 = arith.muli %scan3A_150, %mul3A_188 : i32
          %get3A_190 = arith.constant 3 : i32
          %get3A_191 = arith.index_cast %get3A_190 : i32 to index
          %get3A_192 = arith.index_cast %mul3A_189 : i32 to index
          %get3A_193 = tpu.vector_load %arg8[%get3A_191, %get3A_192] {strides = array<i32>} : memref<16x256xi32, #tpu.memory_space<vmem>>, vector<16xi32>,
          %add3A_194 = arith.addi %add3A_181, %get3A_193 : vector<16xi32>
          %broadcast_in_dim3A_195 = arith.constant 3 : i32
          %broadcast_in_dim3A_196 = vector.broadcast %broadcast_in_dim3A_195 : i32 to vector<16xi32>
          %lt3A_197 = vector.broadcast %arg1 : i32 to vector<16xi32>
          %lt3A_198 = arith.cmpi slt, %broadcast_in_dim3A_196, %lt3A_197 : vector<16xi32>
          %select_n3A_199 = arith.select %lt3A_198, %get3A_193, %broadcast_in_dim3A_0 : vector<16xi1>, vector<16xi32>
          %add3A_200 = arith.addi %add3A_187, %select_n3A_199 : vector<16xi32>
          %mul3A_201 = arith.constant 16 : i32
          %mul3A_202 = arith.muli %scan3A_150, %mul3A_201 : i32
          %get3A_203 = arith.constant 4 : i32
          %get3A_204 = arith.index_cast %get3A_203 : i32 to index
          %get3A_205 = arith.index_cast %mul3A_202 : i32 to index
          %get3A_206 = tpu.vector_load %arg8[%get3A_204, %get3A_205] {strides = array<i32>} : memref<16x256xi32, #tpu.memory_space<vmem>>, vector<16xi32>,
          %add3A_207 = arith.addi %add3A_194, %get3A_206 : vector<16xi32>
          %broadcast_in_dim3A_208 = arith.constant 4 : i32
          %broadcast_in_dim3A_209 = vector.broadcast %broadcast_in_dim3A_208 : i32 to vector<16xi32>
          %lt3A_210 = vector.broadcast %arg1 : i32 to vector<16xi32>
          %lt3A_211 = arith.cmpi slt, %broadcast_in_dim3A_209, %lt3A_210 : vector<16xi32>
          %select_n3A_212 = arith.select %lt3A_211, %get3A_206, %broadcast_in_dim3A_0 : vector<16xi1>, vector<16xi32>
          %add3A_213 = arith.addi %add3A_200, %select_n3A_212 : vector<16xi32>
          %mul3A_214 = arith.constant 16 : i32
          %mul3A_215 = arith.muli %scan3A_150, %mul3A_214 : i32
          %get3A_216 = arith.constant 5 : i32
          %get3A_217 = arith.index_cast %get3A_216 : i32 to index
          %get3A_218 = arith.index_cast %mul3A_215 : i32 to index
          %get3A_219 = tpu.vector_load %arg8[%get3A_217, %get3A_218] {strides = array<i32>} : memref<16x256xi32, #tpu.memory_space<vmem>>, vector<16xi32>,
          %add3A_220 = arith.addi %add3A_207, %get3A_219 : vector<16xi32>
          %broadcast_in_dim3A_221 = arith.constant 5 : i32
          %broadcast_in_dim3A_222 = vector.broadcast %broadcast_in_dim3A_221 : i32 to vector<16xi32>
          %lt3A_223 = vector.broadcast %arg1 : i32 to vector<16xi32>
          %lt3A_224 = arith.cmpi slt, %broadcast_in_dim3A_222, %lt3A_223 : vector<16xi32>
          %select_n3A_225 = arith.select %lt3A_224, %get3A_219, %broadcast_in_dim3A_0 : vector<16xi1>, vector<16xi32>
          %add3A_226 = arith.addi %add3A_213, %select_n3A_225 : vector<16xi32>
          %mul3A_227 = arith.constant 16 : i32
          %mul3A_228 = arith.muli %scan3A_150, %mul3A_227 : i32
          %get3A_229 = arith.constant 6 : i32
          %get3A_230 = arith.index_cast %get3A_229 : i32 to index
          %get3A_231 = arith.index_cast %mul3A_228 : i32 to index
          %get3A_232 = tpu.vector_load %arg8[%get3A_230, %get3A_231] {strides = array<i32>} : memref<16x256xi32, #tpu.memory_space<vmem>>, vector<16xi32>,
          %add3A_233 = arith.addi %add3A_220, %get3A_232 : vector<16xi32>
          %broadcast_in_dim3A_234 = arith.constant 6 : i32
          %broadcast_in_dim3A_235 = vector.broadcast %broadcast_in_dim3A_234 : i32 to vector<16xi32>
          %lt3A_236 = vector.broadcast %arg1 : i32 to vector<16xi32>
          %lt3A_237 = arith.cmpi slt, %broadcast_in_dim3A_235, %lt3A_236 : vector<16xi32>
          %select_n3A_238 = arith.select %lt3A_237, %get3A_232, %broadcast_in_dim3A_0 : vector<16xi1>, vector<16xi32>
          %add3A_239 = arith.addi %add3A_226, %select_n3A_238 : vector<16xi32>
          %mul3A_240 = arith.constant 16 : i32
          %mul3A_241 = arith.muli %scan3A_150, %mul3A_240 : i32
          %get3A_242 = arith.constant 7 : i32
          %get3A_243 = arith.index_cast %get3A_242 : i32 to index
          %get3A_244 = arith.index_cast %mul3A_241 : i32 to index
          %get3A_245 = tpu.vector_load %arg8[%get3A_243, %get3A_244] {strides = array<i32>} : memref<16x256xi32, #tpu.memory_space<vmem>>, vector<16xi32>,
          %add3A_246 = arith.addi %add3A_233, %get3A_245 : vector<16xi32>
          %broadcast_in_dim3A_247 = arith.constant 7 : i32
          %broadcast_in_dim3A_248 = vector.broadcast %broadcast_in_dim3A_247 : i32 to vector<16xi32>
          %lt3A_249 = vector.broadcast %arg1 : i32 to vector<16xi32>
          %lt3A_250 = arith.cmpi slt, %broadcast_in_dim3A_248, %lt3A_249 : vector<16xi32>
          %select_n3A_251 = arith.select %lt3A_250, %get3A_245, %broadcast_in_dim3A_0 : vector<16xi1>, vector<16xi32>
          %add3A_252 = arith.addi %add3A_239, %select_n3A_251 : vector<16xi32>
          %mul3A_253 = arith.constant 16 : i32
          %mul3A_254 = arith.muli %scan3A_150, %mul3A_253 : i32
          %get3A_255 = arith.constant 8 : i32
          %get3A_256 = arith.index_cast %get3A_255 : i32 to index
          %get3A_257 = arith.index_cast %mul3A_254 : i32 to index
          %get3A_258 = tpu.vector_load %arg8[%get3A_256, %get3A_257] {strides = array<i32>} : memref<16x256xi32, #tpu.memory_space<vmem>>, vector<16xi32>,
          %add3A_259 = arith.addi %add3A_246, %get3A_258 : vector<16xi32>
          %broadcast_in_dim3A_260 = arith.constant 8 : i32
          %broadcast_in_dim3A_261 = vector.broadcast %broadcast_in_dim3A_260 : i32 to vector<16xi32>
          %lt3A_262 = vector.broadcast %arg1 : i32 to vector<16xi32>
          %lt3A_263 = arith.cmpi slt, %broadcast_in_dim3A_261, %lt3A_262 : vector<16xi32>
          %select_n3A_264 = arith.select %lt3A_263, %get3A_258, %broadcast_in_dim3A_0 : vector<16xi1>, vector<16xi32>
          %add3A_265 = arith.addi %add3A_252, %select_n3A_264 : vector<16xi32>
          %mul3A_266 = arith.constant 16 : i32
          %mul3A_267 = arith.muli %scan3A_150, %mul3A_266 : i32
          %get3A_268 = arith.constant 9 : i32
          %get3A_269 = arith.index_cast %get3A_268 : i32 to index
          %get3A_270 = arith.index_cast %mul3A_267 : i32 to index
          %get3A_271 = tpu.vector_load %arg8[%get3A_269, %get3A_270] {strides = array<i32>} : memref<16x256xi32, #tpu.memory_space<vmem>>, vector<16xi32>,
          %add3A_272 = arith.addi %add3A_259, %get3A_271 : vector<16xi32>
          %broadcast_in_dim3A_273 = arith.constant 9 : i32
          %broadcast_in_dim3A_274 = vector.broadcast %broadcast_in_dim3A_273 : i32 to vector<16xi32>
          %lt3A_275 = vector.broadcast %arg1 : i32 to vector<16xi32>
          %lt3A_276 = arith.cmpi slt, %broadcast_in_dim3A_274, %lt3A_275 : vector<16xi32>
          %select_n3A_277 = arith.select %lt3A_276, %get3A_271, %broadcast_in_dim3A_0 : vector<16xi1>, vector<16xi32>
          %add3A_278 = arith.addi %add3A_265, %select_n3A_277 : vector<16xi32>
          %mul3A_279 = arith.constant 16 : i32
          %mul3A_280 = arith.muli %scan3A_150, %mul3A_279 : i32
          %get3A_281 = arith.constant 10 : i32
          %get3A_282 = arith.index_cast %get3A_281 : i32 to index
          %get3A_283 = arith.index_cast %mul3A_280 : i32 to index
          %get3A_284 = tpu.vector_load %arg8[%get3A_282, %get3A_283] {strides = array<i32>} : memref<16x256xi32, #tpu.memory_space<vmem>>, vector<16xi32>,
          %add3A_285 = arith.addi %add3A_272, %get3A_284 : vector<16xi32>
          %broadcast_in_dim3A_286 = arith.constant 10 : i32
          %broadcast_in_dim3A_287 = vector.broadcast %broadcast_in_dim3A_286 : i32 to vector<16xi32>
          %lt3A_288 = vector.broadcast %arg1 : i32 to vector<16xi32>
          %lt3A_289 = arith.cmpi slt, %broadcast_in_dim3A_287, %lt3A_288 : vector<16xi32>
          %select_n3A_290 = arith.select %lt3A_289, %get3A_284, %broadcast_in_dim3A_0 : vector<16xi1>, vector<16xi32>
          %add3A_291 = arith.addi %add3A_278, %select_n3A_290 : vector<16xi32>
          %mul3A_292 = arith.constant 16 : i32
          %mul3A_293 = arith.muli %scan3A_150, %mul3A_292 : i32
          %get3A_294 = arith.constant 11 : i32
          %get3A_295 = arith.index_cast %get3A_294 : i32 to index
          %get3A_296 = arith.index_cast %mul3A_293 : i32 to index
          %get3A_297 = tpu.vector_load %arg8[%get3A_295, %get3A_296] {strides = array<i32>} : memref<16x256xi32, #tpu.memory_space<vmem>>, vector<16xi32>,
          %add3A_298 = arith.addi %add3A_285, %get3A_297 : vector<16xi32>
          %broadcast_in_dim3A_299 = arith.constant 11 : i32
          %broadcast_in_dim3A_300 = vector.broadcast %broadcast_in_dim3A_299 : i32 to vector<16xi32>
          %lt3A_301 = vector.broadcast %arg1 : i32 to vector<16xi32>
          %lt3A_302 = arith.cmpi slt, %broadcast_in_dim3A_300, %lt3A_301 : vector<16xi32>
          %select_n3A_303 = arith.select %lt3A_302, %get3A_297, %broadcast_in_dim3A_0 : vector<16xi1>, vector<16xi32>
          %add3A_304 = arith.addi %add3A_291, %select_n3A_303 : vector<16xi32>
          %mul3A_305 = arith.constant 16 : i32
          %mul3A_306 = arith.muli %scan3A_150, %mul3A_305 : i32
          %get3A_307 = arith.constant 12 : i32
          %get3A_308 = arith.index_cast %get3A_307 : i32 to index
          %get3A_309 = arith.index_cast %mul3A_306 : i32 to index
          %get3A_310 = tpu.vector_load %arg8[%get3A_308, %get3A_309] {strides = array<i32>} : memref<16x256xi32, #tpu.memory_space<vmem>>, vector<16xi32>,
          %add3A_311 = arith.addi %add3A_298, %get3A_310 : vector<16xi32>
          %broadcast_in_dim3A_312 = arith.constant 12 : i32
          %broadcast_in_dim3A_313 = vector.broadcast %broadcast_in_dim3A_312 : i32 to vector<16xi32>
          %lt3A_314 = vector.broadcast %arg1 : i32 to vector<16xi32>
          %lt3A_315 = arith.cmpi slt, %broadcast_in_dim3A_313, %lt3A_314 : vector<16xi32>
          %select_n3A_316 = arith.select %lt3A_315, %get3A_310, %broadcast_in_dim3A_0 : vector<16xi1>, vector<16xi32>
          %add3A_317 = arith.addi %add3A_304, %select_n3A_316 : vector<16xi32>
          %mul3A_318 = arith.constant 16 : i32
          %mul3A_319 = arith.muli %scan3A_150, %mul3A_318 : i32
          %get3A_320 = arith.constant 13 : i32
          %get3A_321 = arith.index_cast %get3A_320 : i32 to index
          %get3A_322 = arith.index_cast %mul3A_319 : i32 to index
          %get3A_323 = tpu.vector_load %arg8[%get3A_321, %get3A_322] {strides = array<i32>} : memref<16x256xi32, #tpu.memory_space<vmem>>, vector<16xi32>,
          %add3A_324 = arith.addi %add3A_311, %get3A_323 : vector<16xi32>
          %broadcast_in_dim3A_325 = arith.constant 13 : i32
          %broadcast_in_dim3A_326 = vector.broadcast %broadcast_in_dim3A_325 : i32 to vector<16xi32>
          %lt3A_327 = vector.broadcast %arg1 : i32 to vector<16xi32>
          %lt3A_328 = arith.cmpi slt, %broadcast_in_dim3A_326, %lt3A_327 : vector<16xi32>
          %select_n3A_329 = arith.select %lt3A_328, %get3A_323, %broadcast_in_dim3A_0 : vector<16xi1>, vector<16xi32>
          %add3A_330 = arith.addi %add3A_317, %select_n3A_329 : vector<16xi32>
          %mul3A_331 = arith.constant 16 : i32
          %mul3A_332 = arith.muli %scan3A_150, %mul3A_331 : i32
          %get3A_333 = arith.constant 14 : i32
          %get3A_334 = arith.index_cast %get3A_333 : i32 to index
          %get3A_335 = arith.index_cast %mul3A_332 : i32 to index
          %get3A_336 = tpu.vector_load %arg8[%get3A_334, %get3A_335] {strides = array<i32>} : memref<16x256xi32, #tpu.memory_space<vmem>>, vector<16xi32>,
          %add3A_337 = arith.addi %add3A_324, %get3A_336 : vector<16xi32>
          %broadcast_in_dim3A_338 = arith.constant 14 : i32
          %broadcast_in_dim3A_339 = vector.broadcast %broadcast_in_dim3A_338 : i32 to vector<16xi32>
          %lt3A_340 = vector.broadcast %arg1 : i32 to vector<16xi32>
          %lt3A_341 = arith.cmpi slt, %broadcast_in_dim3A_339, %lt3A_340 : vector<16xi32>
          %select_n3A_342 = arith.select %lt3A_341, %get3A_336, %broadcast_in_dim3A_0 : vector<16xi1>, vector<16xi32>
          %add3A_343 = arith.addi %add3A_330, %select_n3A_342 : vector<16xi32>
          %mul3A_344 = arith.constant 16 : i32
          %mul3A_345 = arith.muli %scan3A_150, %mul3A_344 : i32
          %get3A_346 = arith.constant 15 : i32
          %get3A_347 = arith.index_cast %get3A_346 : i32 to index
          %get3A_348 = arith.index_cast %mul3A_345 : i32 to index
          %get3A_349 = tpu.vector_load %arg8[%get3A_347, %get3A_348] {strides = array<i32>} : memref<16x256xi32, #tpu.memory_space<vmem>>, vector<16xi32>,
          %add3A_350 = arith.addi %add3A_337, %get3A_349 : vector<16xi32>
          %broadcast_in_dim3A_351 = arith.constant 15 : i32
          %broadcast_in_dim3A_352 = vector.broadcast %broadcast_in_dim3A_351 : i32 to vector<16xi32>
          %lt3A_353 = vector.broadcast %arg1 : i32 to vector<16xi32>
          %lt3A_354 = arith.cmpi slt, %broadcast_in_dim3A_352, %lt3A_353 : vector<16xi32>
          %select_n3A_355 = arith.select %lt3A_354, %get3A_349, %broadcast_in_dim3A_0 : vector<16xi1>, vector<16xi32>
          %add3A_356 = arith.addi %add3A_343, %select_n3A_355 : vector<16xi32>
          %broadcast_in_dim3A_357 = arith.constant true
          %broadcast_in_dim3A_358 = vector.broadcast %broadcast_in_dim3A_357 : i1 to vector<16xi1>
          %masked_cumsum3A = tpu.scan <sum>, %add3A_350 masked %broadcast_in_dim3A_358 : vector<16xi32>, vector<16xi1> -> vector<16xi32>
          %sub3A = arith.subi %masked_cumsum3A, %add3A_350 : vector<16xi32>
          %add3A_359 = vector.broadcast %scan3A_151 : i32 to vector<16xi32>
          %add3A_360 = arith.addi %sub3A, %add3A_359 : vector<16xi32>
          %add3A_361 = arith.addi %add3A_360, %add3A_356 : vector<16xi32>
          %mul3A_362 = arith.constant 256 : i32
          %mul3A_363 = arith.muli %scan3A_138, %mul3A_362 : i32
          %mul3A_364 = arith.constant 16 : i32
          %mul3A_365 = arith.muli %scan3A_150, %mul3A_364 : i32
          %add3A_366 = arith.addi %mul3A_363, %mul3A_365 : i32
          %get3A_367 = arith.constant 0 : i32
          %get3A_368 = arith.index_cast %get3A_367 : i32 to index
          %get3A_369 = arith.index_cast %add3A_366 : i32 to index
          %get3A_370 = tpu.vector_load %arg6[%get3A_368, %get3A_369] {strides = array<i32>} : memref<16x2048xi32, #tpu.memory_space<vmem>>, vector<16xi32>,
          %add3A_371 = arith.addi %get3A_370, %add3A_361 : vector<16xi32>
          %swap3A = arith.constant 0 : i32
          %swap3A_372 = arith.index_cast %swap3A : i32 to index
          %swap3A_373 = arith.index_cast %add3A_366 : i32 to index
          %swap3A_374 = tpu.vector_load %arg6[%swap3A_372, %swap3A_373] {strides = array<i32>} : memref<16x2048xi32, #tpu.memory_space<vmem>>, vector<16xi32>,
          tpu.vector_store %arg6[%swap3A_372, %swap3A_373], %add3A_371 {strides = array<i32>} : memref<16x2048xi32, #tpu.memory_space<vmem>>, vector<16xi32>,
          %get3A_375 = arith.constant 1 : i32
          %get3A_376 = arith.index_cast %get3A_375 : i32 to index
          %get3A_377 = arith.index_cast %add3A_366 : i32 to index
          %get3A_378 = tpu.vector_load %arg6[%get3A_376, %get3A_377] {strides = array<i32>} : memref<16x2048xi32, #tpu.memory_space<vmem>>, vector<16xi32>,
          %add3A_379 = arith.addi %get3A_378, %add3A_361 : vector<16xi32>
          %swap3A_380 = arith.constant 1 : i32
          %swap3A_381 = arith.index_cast %swap3A_380 : i32 to index
          %swap3A_382 = arith.index_cast %add3A_366 : i32 to index
          %swap3A_383 = tpu.vector_load %arg6[%swap3A_381, %swap3A_382] {strides = array<i32>} : memref<16x2048xi32, #tpu.memory_space<vmem>>, vector<16xi32>,
          tpu.vector_store %arg6[%swap3A_381, %swap3A_382], %add3A_379 {strides = array<i32>} : memref<16x2048xi32, #tpu.memory_space<vmem>>, vector<16xi32>,
          %get3A_384 = arith.constant 2 : i32
          %get3A_385 = arith.index_cast %get3A_384 : i32 to index
          %get3A_386 = arith.index_cast %add3A_366 : i32 to index
          %get3A_387 = tpu.vector_load %arg6[%get3A_385, %get3A_386] {strides = array<i32>} : memref<16x2048xi32, #tpu.memory_space<vmem>>, vector<16xi32>,
          %add3A_388 = arith.addi %get3A_387, %add3A_361 : vector<16xi32>
          %swap3A_389 = arith.constant 2 : i32
          %swap3A_390 = arith.index_cast %swap3A_389 : i32 to index
          %swap3A_391 = arith.index_cast %add3A_366 : i32 to index
          %swap3A_392 = tpu.vector_load %arg6[%swap3A_390, %swap3A_391] {strides = array<i32>} : memref<16x2048xi32, #tpu.memory_space<vmem>>, vector<16xi32>,
          tpu.vector_store %arg6[%swap3A_390, %swap3A_391], %add3A_388 {strides = array<i32>} : memref<16x2048xi32, #tpu.memory_space<vmem>>, vector<16xi32>,
          %get3A_393 = arith.constant 3 : i32
          %get3A_394 = arith.index_cast %get3A_393 : i32 to index
          %get3A_395 = arith.index_cast %add3A_366 : i32 to index
          %get3A_396 = tpu.vector_load %arg6[%get3A_394, %get3A_395] {strides = array<i32>} : memref<16x2048xi32, #tpu.memory_space<vmem>>, vector<16xi32>,
          %add3A_397 = arith.addi %get3A_396, %add3A_361 : vector<16xi32>
          %swap3A_398 = arith.constant 3 : i32
          %swap3A_399 = arith.index_cast %swap3A_398 : i32 to index
          %swap3A_400 = arith.index_cast %add3A_366 : i32 to index
          %swap3A_401 = tpu.vector_load %arg6[%swap3A_399, %swap3A_400] {strides = array<i32>} : memref<16x2048xi32, #tpu.memory_space<vmem>>, vector<16xi32>,
          tpu.vector_store %arg6[%swap3A_399, %swap3A_400], %add3A_397 {strides = array<i32>} : memref<16x2048xi32, #tpu.memory_space<vmem>>, vector<16xi32>,
          %get3A_402 = arith.constant 4 : i32
          %get3A_403 = arith.index_cast %get3A_402 : i32 to index
          %get3A_404 = arith.index_cast %add3A_366 : i32 to index
          %get3A_405 = tpu.vector_load %arg6[%get3A_403, %get3A_404] {strides = array<i32>} : memref<16x2048xi32, #tpu.memory_space<vmem>>, vector<16xi32>,
          %add3A_406 = arith.addi %get3A_405, %add3A_361 : vector<16xi32>
          %swap3A_407 = arith.constant 4 : i32
          %swap3A_408 = arith.index_cast %swap3A_407 : i32 to index
          %swap3A_409 = arith.index_cast %add3A_366 : i32 to index
          %swap3A_410 = tpu.vector_load %arg6[%swap3A_408, %swap3A_409] {strides = array<i32>} : memref<16x2048xi32, #tpu.memory_space<vmem>>, vector<16xi32>,
          tpu.vector_store %arg6[%swap3A_408, %swap3A_409], %add3A_406 {strides = array<i32>} : memref<16x2048xi32, #tpu.memory_space<vmem>>, vector<16xi32>,
          %get3A_411 = arith.constant 5 : i32
          %get3A_412 = arith.index_cast %get3A_411 : i32 to index
          %get3A_413 = arith.index_cast %add3A_366 : i32 to index
          %get3A_414 = tpu.vector_load %arg6[%get3A_412, %get3A_413] {strides = array<i32>} : memref<16x2048xi32, #tpu.memory_space<vmem>>, vector<16xi32>,
          %add3A_415 = arith.addi %get3A_414, %add3A_361 : vector<16xi32>
          %swap3A_416 = arith.constant 5 : i32
          %swap3A_417 = arith.index_cast %swap3A_416 : i32 to index
          %swap3A_418 = arith.index_cast %add3A_366 : i32 to index
          %swap3A_419 = tpu.vector_load %arg6[%swap3A_417, %swap3A_418] {strides = array<i32>} : memref<16x2048xi32, #tpu.memory_space<vmem>>, vector<16xi32>,
          tpu.vector_store %arg6[%swap3A_417, %swap3A_418], %add3A_415 {strides = array<i32>} : memref<16x2048xi32, #tpu.memory_space<vmem>>, vector<16xi32>,
          %get3A_420 = arith.constant 6 : i32
          %get3A_421 = arith.index_cast %get3A_420 : i32 to index
          %get3A_422 = arith.index_cast %add3A_366 : i32 to index
          %get3A_423 = tpu.vector_load %arg6[%get3A_421, %get3A_422] {strides = array<i32>} : memref<16x2048xi32, #tpu.memory_space<vmem>>, vector<16xi32>,
          %add3A_424 = arith.addi %get3A_423, %add3A_361 : vector<16xi32>
          %swap3A_425 = arith.constant 6 : i32
          %swap3A_426 = arith.index_cast %swap3A_425 : i32 to index
          %swap3A_427 = arith.index_cast %add3A_366 : i32 to index
          %swap3A_428 = tpu.vector_load %arg6[%swap3A_426, %swap3A_427] {strides = array<i32>} : memref<16x2048xi32, #tpu.memory_space<vmem>>, vector<16xi32>,
          tpu.vector_store %arg6[%swap3A_426, %swap3A_427], %add3A_424 {strides = array<i32>} : memref<16x2048xi32, #tpu.memory_space<vmem>>, vector<16xi32>,
          %get3A_429 = arith.constant 7 : i32
          %get3A_430 = arith.index_cast %get3A_429 : i32 to index
          %get3A_431 = arith.index_cast %add3A_366 : i32 to index
          %get3A_432 = tpu.vector_load %arg6[%get3A_430, %get3A_431] {strides = array<i32>} : memref<16x2048xi32, #tpu.memory_space<vmem>>, vector<16xi32>,
          %add3A_433 = arith.addi %get3A_432, %add3A_361 : vector<16xi32>
          %swap3A_434 = arith.constant 7 : i32
          %swap3A_435 = arith.index_cast %swap3A_434 : i32 to index
          %swap3A_436 = arith.index_cast %add3A_366 : i32 to index
          %swap3A_437 = tpu.vector_load %arg6[%swap3A_435, %swap3A_436] {strides = array<i32>} : memref<16x2048xi32, #tpu.memory_space<vmem>>, vector<16xi32>,
          tpu.vector_store %arg6[%swap3A_435, %swap3A_436], %add3A_433 {strides = array<i32>} : memref<16x2048xi32, #tpu.memory_space<vmem>>, vector<16xi32>,
          %get3A_438 = arith.constant 8 : i32
          %get3A_439 = arith.index_cast %get3A_438 : i32 to index
          %get3A_440 = arith.index_cast %add3A_366 : i32 to index
          %get3A_441 = tpu.vector_load %arg6[%get3A_439, %get3A_440] {strides = array<i32>} : memref<16x2048xi32, #tpu.memory_space<vmem>>, vector<16xi32>,
          %add3A_442 = arith.addi %get3A_441, %add3A_361 : vector<16xi32>
          %swap3A_443 = arith.constant 8 : i32
          %swap3A_444 = arith.index_cast %swap3A_443 : i32 to index
          %swap3A_445 = arith.index_cast %add3A_366 : i32 to index
          %swap3A_446 = tpu.vector_load %arg6[%swap3A_444, %swap3A_445] {strides = array<i32>} : memref<16x2048xi32, #tpu.memory_space<vmem>>, vector<16xi32>,
          tpu.vector_store %arg6[%swap3A_444, %swap3A_445], %add3A_442 {strides = array<i32>} : memref<16x2048xi32, #tpu.memory_space<vmem>>, vector<16xi32>,
          %get3A_447 = arith.constant 9 : i32
          %get3A_448 = arith.index_cast %get3A_447 : i32 to index
          %get3A_449 = arith.index_cast %add3A_366 : i32 to index
          %get3A_450 = tpu.vector_load %arg6[%get3A_448, %get3A_449] {strides = array<i32>} : memref<16x2048xi32, #tpu.memory_space<vmem>>, vector<16xi32>,
          %add3A_451 = arith.addi %get3A_450, %add3A_361 : vector<16xi32>
          %swap3A_452 = arith.constant 9 : i32
          %swap3A_453 = arith.index_cast %swap3A_452 : i32 to index
          %swap3A_454 = arith.index_cast %add3A_366 : i32 to index
          %swap3A_455 = tpu.vector_load %arg6[%swap3A_453, %swap3A_454] {strides = array<i32>} : memref<16x2048xi32, #tpu.memory_space<vmem>>, vector<16xi32>,
          tpu.vector_store %arg6[%swap3A_453, %swap3A_454], %add3A_451 {strides = array<i32>} : memref<16x2048xi32, #tpu.memory_space<vmem>>, vector<16xi32>,
          %get3A_456 = arith.constant 10 : i32
          %get3A_457 = arith.index_cast %get3A_456 : i32 to index
          %get3A_458 = arith.index_cast %add3A_366 : i32 to index
          %get3A_459 = tpu.vector_load %arg6[%get3A_457, %get3A_458] {strides = array<i32>} : memref<16x2048xi32, #tpu.memory_space<vmem>>, vector<16xi32>,
          %add3A_460 = arith.addi %get3A_459, %add3A_361 : vector<16xi32>
          %swap3A_461 = arith.constant 10 : i32
          %swap3A_462 = arith.index_cast %swap3A_461 : i32 to index
          %swap3A_463 = arith.index_cast %add3A_366 : i32 to index
          %swap3A_464 = tpu.vector_load %arg6[%swap3A_462, %swap3A_463] {strides = array<i32>} : memref<16x2048xi32, #tpu.memory_space<vmem>>, vector<16xi32>,
          tpu.vector_store %arg6[%swap3A_462, %swap3A_463], %add3A_460 {strides = array<i32>} : memref<16x2048xi32, #tpu.memory_space<vmem>>, vector<16xi32>,
          %get3A_465 = arith.constant 11 : i32
          %get3A_466 = arith.index_cast %get3A_465 : i32 to index
          %get3A_467 = arith.index_cast %add3A_366 : i32 to index
          %get3A_468 = tpu.vector_load %arg6[%get3A_466, %get3A_467] {strides = array<i32>} : memref<16x2048xi32, #tpu.memory_space<vmem>>, vector<16xi32>,
          %add3A_469 = arith.addi %get3A_468, %add3A_361 : vector<16xi32>
          %swap3A_470 = arith.constant 11 : i32
          %swap3A_471 = arith.index_cast %swap3A_470 : i32 to index
          %swap3A_472 = arith.index_cast %add3A_366 : i32 to index
          %swap3A_473 = tpu.vector_load %arg6[%swap3A_471, %swap3A_472] {strides = array<i32>} : memref<16x2048xi32, #tpu.memory_space<vmem>>, vector<16xi32>,
          tpu.vector_store %arg6[%swap3A_471, %swap3A_472], %add3A_469 {strides = array<i32>} : memref<16x2048xi32, #tpu.memory_space<vmem>>, vector<16xi32>,
          %get3A_474 = arith.constant 12 : i32
          %get3A_475 = arith.index_cast %get3A_474 : i32 to index
          %get3A_476 = arith.index_cast %add3A_366 : i32 to index
          %get3A_477 = tpu.vector_load %arg6[%get3A_475, %get3A_476] {strides = array<i32>} : memref<16x2048xi32, #tpu.memory_space<vmem>>, vector<16xi32>,
          %add3A_478 = arith.addi %get3A_477, %add3A_361 : vector<16xi32>
          %swap3A_479 = arith.constant 12 : i32
          %swap3A_480 = arith.index_cast %swap3A_479 : i32 to index
          %swap3A_481 = arith.index_cast %add3A_366 : i32 to index
          %swap3A_482 = tpu.vector_load %arg6[%swap3A_480, %swap3A_481] {strides = array<i32>} : memref<16x2048xi32, #tpu.memory_space<vmem>>, vector<16xi32>,
          tpu.vector_store %arg6[%swap3A_480, %swap3A_481], %add3A_478 {strides = array<i32>} : memref<16x2048xi32, #tpu.memory_space<vmem>>, vector<16xi32>,
          %get3A_483 = arith.constant 13 : i32
          %get3A_484 = arith.index_cast %get3A_483 : i32 to index
          %get3A_485 = arith.index_cast %add3A_366 : i32 to index
          %get3A_486 = tpu.vector_load %arg6[%get3A_484, %get3A_485] {strides = array<i32>} : memref<16x2048xi32, #tpu.memory_space<vmem>>, vector<16xi32>,
          %add3A_487 = arith.addi %get3A_486, %add3A_361 : vector<16xi32>
          %swap3A_488 = arith.constant 13 : i32
          %swap3A_489 = arith.index_cast %swap3A_488 : i32 to index
          %swap3A_490 = arith.index_cast %add3A_366 : i32 to index
          %swap3A_491 = tpu.vector_load %arg6[%swap3A_489, %swap3A_490] {strides = array<i32>} : memref<16x2048xi32, #tpu.memory_space<vmem>>, vector<16xi32>,
          tpu.vector_store %arg6[%swap3A_489, %swap3A_490], %add3A_487 {strides = array<i32>} : memref<16x2048xi32, #tpu.memory_space<vmem>>, vector<16xi32>,
          %get3A_492 = arith.constant 14 : i32
          %get3A_493 = arith.index_cast %get3A_492 : i32 to index
          %get3A_494 = arith.index_cast %add3A_366 : i32 to index
          %get3A_495 = tpu.vector_load %arg6[%get3A_493, %get3A_494] {strides = array<i32>} : memref<16x2048xi32, #tpu.memory_space<vmem>>, vector<16xi32>,
          %add3A_496 = arith.addi %get3A_495, %add3A_361 : vector<16xi32>
          %swap3A_497 = arith.constant 14 : i32
          %swap3A_498 = arith.index_cast %swap3A_497 : i32 to index
          %swap3A_499 = arith.index_cast %add3A_366 : i32 to index
          %swap3A_500 = tpu.vector_load %arg6[%swap3A_498, %swap3A_499] {strides = array<i32>} : memref<16x2048xi32, #tpu.memory_space<vmem>>, vector<16xi32>,
          tpu.vector_store %arg6[%swap3A_498, %swap3A_499], %add3A_496 {strides = array<i32>} : memref<16x2048xi32, #tpu.memory_space<vmem>>, vector<16xi32>,
          %get3A_501 = arith.constant 15 : i32
          %get3A_502 = arith.index_cast %get3A_501 : i32 to index
          %get3A_503 = arith.index_cast %add3A_366 : i32 to index
          %get3A_504 = tpu.vector_load %arg6[%get3A_502, %get3A_503] {strides = array<i32>} : memref<16x2048xi32, #tpu.memory_space<vmem>>, vector<16xi32>,
          %add3A_505 = arith.addi %get3A_504, %add3A_361 : vector<16xi32>
          %swap3A_506 = arith.constant 15 : i32
          %swap3A_507 = arith.index_cast %swap3A_506 : i32 to index
          %swap3A_508 = arith.index_cast %add3A_366 : i32 to index
          %swap3A_509 = tpu.vector_load %arg6[%swap3A_507, %swap3A_508] {strides = array<i32>} : memref<16x2048xi32, #tpu.memory_space<vmem>>, vector<16xi32>,
          tpu.vector_store %arg6[%swap3A_507, %swap3A_508], %add3A_505 {strides = array<i32>} : memref<16x2048xi32, #tpu.memory_space<vmem>>, vector<16xi32>,
          %reduce_sum3A = arith.constant true
          %reduce_sum3A_510 = vector.broadcast %reduce_sum3A : i1 to vector<16xi1>
          %reduce_sum3A_511 = tpu.scan <sum>, %add3A_350 masked %reduce_sum3A_510 : vector<16xi32>, vector<16xi1> -> vector<16xi32>
          %reduce_sum3A_512 = vector.extract %reduce_sum3A_511[15] : i32 from vector<16xi32>
          %add3A_513 = arith.addi %scan3A_151, %reduce_sum3A_512 : i32
          scf.yield %add3A_513 : i32
        }
        %scan3A_148 = arith.constant 16 : i32
        %barrier3A_149 = arith.constant 0 : index
        tpu.barrier barrier_id(%barrier3A_149)
        scf.yield %scan3A_147 : i32
      }
      %scan3A_116 = arith.constant 4 : i32
      %scan3A_117 = arith.constant 0 : i32
      %scan3A_118 = arith.constant 0 : i32
      %scan3A_119 = arith.constant 1024 : i32
      %scan3A_120 = arith.addi %scan3A_118, %scan3A_119 : i32
      %scan3A_121 = arith.constant 1 : i32
      %scan3A_122 = scf.for %scan3A_138 = %scan3A_118 to %scan3A_120 step %scan3A_121 iter_args(%scan3A_139 = %scan3A_117) -> (i32)  : i32 {
        %mul3A_140 = arith.constant 16 : i32
        %mul3A_141 = arith.muli %scan3A_138, %mul3A_140 : i32
        %get3A = arith.index_cast %mul3A_141 : i32 to index
        %get3A_142 = tpu.vector_load %arg4[%get3A] {strides = array<i32>} : memref<16384xi32, #tpu.memory_space<vmem>>, vector<16xi32>,
        %shift_right_arithmetic3A = arith.constant 21 : i32
        %shift_right_arithmetic3A_143 = vector.broadcast %shift_right_arithmetic3A : i32 to vector<16xi32>
        %shift_right_arithmetic3A_144 = arith.shrsi %get3A_142, %shift_right_arithmetic3A_143 : vector<16xi32>
        %and3A = arith.constant 1023 : i32
        %and3A_145 = vector.broadcast %and3A : i32 to vector<16xi32>
        %and3A_146 = arith.andi %shift_right_arithmetic3A_144, %and3A_145 : vector<16xi32>
        %sub3A = arith.constant 1023 : i32
        %sub3A_147 = vector.broadcast %sub3A : i32 to vector<16xi32>
        %sub3A_148 = arith.subi %sub3A_147, %and3A_146 : vector<16xi32>
        %get3A_149 = arith.index_cast %mul3A_141 : i32 to index
        %get3A_150 = tpu.vector_load %arg5[%get3A_149] {strides = array<i32>} : memref<16384xi32, #tpu.memory_space<vmem>>, vector<16xi32>,
        %gather3A = tpu.vector_load_idx %arg6[%iota3A, %sub3A_148] : memref<16x2048xi32, #tpu.memory_space<vmem>>[vector<16xi32>, vector<16xi32>], vector<16xi32>,
        %add3A_151 = arith.addi %get3A_150, %gather3A : vector<16xi32>
        %swap3A = arith.index_cast %mul3A_141 : i32 to index
        %swap3A_152 = tpu.vector_load %arg5[%swap3A] {strides = array<i32>} : memref<16384xi32, #tpu.memory_space<vmem>>, vector<16xi32>,
        tpu.vector_store %arg5[%swap3A], %add3A_151 {strides = array<i32>} : memref<16384xi32, #tpu.memory_space<vmem>>, vector<16xi32>,
        %scan3A_153 = arith.constant 0 : i32
        scf.yield %scan3A_153 : i32
      }
      %scan3A_123 = arith.constant 1024 : i32
      %dma_start3A_124 = arith.constant 0 : i32
      %dma_start3A_125 = tpu.memref_slice %arg9[%dma_start3A_124] : memref<262144xi32, #tpu.memory_space<vmem_shared>> -> memref<262144xi32, #tpu.memory_space<vmem_shared>>
      tpu.enqueue_indirect_dma source(%arg4 : memref<16384xi32, #tpu.memory_space<vmem>>) target(%dma_start3A_125 : memref<262144xi32, #tpu.memory_space<vmem_shared>>) offsets(%arg5 : memref<16384xi32, #tpu.memory_space<vmem>>) semaphore(%arg12 : memref<!tpu.dma_semaphore, #tpu.memory_space<semaphore_mem>>)
      %scan3A_126 = arith.constant 0 : i32
      %scan3A_127 = arith.constant 0 : i32
      %scan3A_128 = arith.constant 64 : i32
      %scan3A_129 = arith.addi %scan3A_127, %scan3A_128 : i32
      %scan3A_130 = arith.constant 1 : i32
      %scan3A_131 = scf.for %scan3A_138 = %scan3A_127 to %scan3A_129 step %scan3A_130 iter_args(%scan3A_139 = %scan3A_126) -> (i32)  : i32 {
        %mul3A_140 = arith.constant 16 : i32
        %mul3A_141 = arith.muli %scan3A_138, %mul3A_140 : i32
        %swap3A = arith.constant 0 : i32
        %swap3A_142 = arith.index_cast %swap3A : i32 to index
        %swap3A_143 = arith.index_cast %mul3A_141 : i32 to index
        %swap3A_144 = tpu.vector_load %arg6[%swap3A_142, %swap3A_143] {strides = array<i32>} : memref<16x2048xi32, #tpu.memory_space<vmem>>, vector<16xi32>,
        tpu.vector_store %arg6[%swap3A_142, %swap3A_143], %broadcast_in_dim3A_0 {strides = array<i32>} : memref<16x2048xi32, #tpu.memory_space<vmem>>, vector<16xi32>,
        %swap3A_145 = arith.constant 1 : i32
        %swap3A_146 = arith.index_cast %swap3A_145 : i32 to index
        %swap3A_147 = arith.index_cast %mul3A_141 : i32 to index
        %swap3A_148 = tpu.vector_load %arg6[%swap3A_146, %swap3A_147] {strides = array<i32>} : memref<16x2048xi32, #tpu.memory_space<vmem>>, vector<16xi32>,
        tpu.vector_store %arg6[%swap3A_146, %swap3A_147], %broadcast_in_dim3A_0 {strides = array<i32>} : memref<16x2048xi32, #tpu.memory_space<vmem>>, vector<16xi32>,
        %swap3A_149 = arith.constant 2 : i32
        %swap3A_150 = arith.index_cast %swap3A_149 : i32 to index
        %swap3A_151 = arith.index_cast %mul3A_141 : i32 to index
        %swap3A_152 = tpu.vector_load %arg6[%swap3A_150, %swap3A_151] {strides = array<i32>} : memref<16x2048xi32, #tpu.memory_space<vmem>>, vector<16xi32>,
        tpu.vector_store %arg6[%swap3A_150, %swap3A_151], %broadcast_in_dim3A_0 {strides = array<i32>} : memref<16x2048xi32, #tpu.memory_space<vmem>>, vector<16xi32>,
        %swap3A_153 = arith.constant 3 : i32
        %swap3A_154 = arith.index_cast %swap3A_153 : i32 to index
        %swap3A_155 = arith.index_cast %mul3A_141 : i32 to index
        %swap3A_156 = tpu.vector_load %arg6[%swap3A_154, %swap3A_155] {strides = array<i32>} : memref<16x2048xi32, #tpu.memory_space<vmem>>, vector<16xi32>,
        tpu.vector_store %arg6[%swap3A_154, %swap3A_155], %broadcast_in_dim3A_0 {strides = array<i32>} : memref<16x2048xi32, #tpu.memory_space<vmem>>, vector<16xi32>,
        %swap3A_157 = arith.constant 4 : i32
        %swap3A_158 = arith.index_cast %swap3A_157 : i32 to index
        %swap3A_159 = arith.index_cast %mul3A_141 : i32 to index
        %swap3A_160 = tpu.vector_load %arg6[%swap3A_158, %swap3A_159] {strides = array<i32>} : memref<16x2048xi32, #tpu.memory_space<vmem>>, vector<16xi32>,
        tpu.vector_store %arg6[%swap3A_158, %swap3A_159], %broadcast_in_dim3A_0 {strides = array<i32>} : memref<16x2048xi32, #tpu.memory_space<vmem>>, vector<16xi32>,
        %swap3A_161 = arith.constant 5 : i32
        %swap3A_162 = arith.index_cast %swap3A_161 : i32 to index
        %swap3A_163 = arith.index_cast %mul3A_141 : i32 to index
        %swap3A_164 = tpu.vector_load %arg6[%swap3A_162, %swap3A_163] {strides = array<i32>} : memref<16x2048xi32, #tpu.memory_space<vmem>>, vector<16xi32>,
        tpu.vector_store %arg6[%swap3A_162, %swap3A_163], %broadcast_in_dim3A_0 {strides = array<i32>} : memref<16x2048xi32, #tpu.memory_space<vmem>>, vector<16xi32>,
        %swap3A_165 = arith.constant 6 : i32
        %swap3A_166 = arith.index_cast %swap3A_165 : i32 to index
        %swap3A_167 = arith.index_cast %mul3A_141 : i32 to index
        %swap3A_168 = tpu.vector_load %arg6[%swap3A_166, %swap3A_167] {strides = array<i32>} : memref<16x2048xi32, #tpu.memory_space<vmem>>, vector<16xi32>,
        tpu.vector_store %arg6[%swap3A_166, %swap3A_167], %broadcast_in_dim3A_0 {strides = array<i32>} : memref<16x2048xi32, #tpu.memory_space<vmem>>, vector<16xi32>,
        %swap3A_169 = arith.constant 7 : i32
        %swap3A_170 = arith.index_cast %swap3A_169 : i32 to index
        %swap3A_171 = arith.index_cast %mul3A_141 : i32 to index
        %swap3A_172 = tpu.vector_load %arg6[%swap3A_170, %swap3A_171] {strides = array<i32>} : memref<16x2048xi32, #tpu.memory_space<vmem>>, vector<16xi32>,
        tpu.vector_store %arg6[%swap3A_170, %swap3A_171], %broadcast_in_dim3A_0 {strides = array<i32>} : memref<16x2048xi32, #tpu.memory_space<vmem>>, vector<16xi32>,
        %swap3A_173 = arith.constant 8 : i32
        %swap3A_174 = arith.index_cast %swap3A_173 : i32 to index
        %swap3A_175 = arith.index_cast %mul3A_141 : i32 to index
        %swap3A_176 = tpu.vector_load %arg6[%swap3A_174, %swap3A_175] {strides = array<i32>} : memref<16x2048xi32, #tpu.memory_space<vmem>>, vector<16xi32>,
        tpu.vector_store %arg6[%swap3A_174, %swap3A_175], %broadcast_in_dim3A_0 {strides = array<i32>} : memref<16x2048xi32, #tpu.memory_space<vmem>>, vector<16xi32>,
        %swap3A_177 = arith.constant 9 : i32
        %swap3A_178 = arith.index_cast %swap3A_177 : i32 to index
        %swap3A_179 = arith.index_cast %mul3A_141 : i32 to index
        %swap3A_180 = tpu.vector_load %arg6[%swap3A_178, %swap3A_179] {strides = array<i32>} : memref<16x2048xi32, #tpu.memory_space<vmem>>, vector<16xi32>,
        tpu.vector_store %arg6[%swap3A_178, %swap3A_179], %broadcast_in_dim3A_0 {strides = array<i32>} : memref<16x2048xi32, #tpu.memory_space<vmem>>, vector<16xi32>,
        %swap3A_181 = arith.constant 10 : i32
        %swap3A_182 = arith.index_cast %swap3A_181 : i32 to index
        %swap3A_183 = arith.index_cast %mul3A_141 : i32 to index
        %swap3A_184 = tpu.vector_load %arg6[%swap3A_182, %swap3A_183] {strides = array<i32>} : memref<16x2048xi32, #tpu.memory_space<vmem>>, vector<16xi32>,
        tpu.vector_store %arg6[%swap3A_182, %swap3A_183], %broadcast_in_dim3A_0 {strides = array<i32>} : memref<16x2048xi32, #tpu.memory_space<vmem>>, vector<16xi32>,
        %swap3A_185 = arith.constant 11 : i32
        %swap3A_186 = arith.index_cast %swap3A_185 : i32 to index
        %swap3A_187 = arith.index_cast %mul3A_141 : i32 to index
        %swap3A_188 = tpu.vector_load %arg6[%swap3A_186, %swap3A_187] {strides = array<i32>} : memref<16x2048xi32, #tpu.memory_space<vmem>>, vector<16xi32>,
        tpu.vector_store %arg6[%swap3A_186, %swap3A_187], %broadcast_in_dim3A_0 {strides = array<i32>} : memref<16x2048xi32, #tpu.memory_space<vmem>>, vector<16xi32>,
        %swap3A_189 = arith.constant 12 : i32
        %swap3A_190 = arith.index_cast %swap3A_189 : i32 to index
        %swap3A_191 = arith.index_cast %mul3A_141 : i32 to index
        %swap3A_192 = tpu.vector_load %arg6[%swap3A_190, %swap3A_191] {strides = array<i32>} : memref<16x2048xi32, #tpu.memory_space<vmem>>, vector<16xi32>,
        tpu.vector_store %arg6[%swap3A_190, %swap3A_191], %broadcast_in_dim3A_0 {strides = array<i32>} : memref<16x2048xi32, #tpu.memory_space<vmem>>, vector<16xi32>,
        %swap3A_193 = arith.constant 13 : i32
        %swap3A_194 = arith.index_cast %swap3A_193 : i32 to index
        %swap3A_195 = arith.index_cast %mul3A_141 : i32 to index
        %swap3A_196 = tpu.vector_load %arg6[%swap3A_194, %swap3A_195] {strides = array<i32>} : memref<16x2048xi32, #tpu.memory_space<vmem>>, vector<16xi32>,
        tpu.vector_store %arg6[%swap3A_194, %swap3A_195], %broadcast_in_dim3A_0 {strides = array<i32>} : memref<16x2048xi32, #tpu.memory_space<vmem>>, vector<16xi32>,
        %swap3A_197 = arith.constant 14 : i32
        %swap3A_198 = arith.index_cast %swap3A_197 : i32 to index
        %swap3A_199 = arith.index_cast %mul3A_141 : i32 to index
        %swap3A_200 = tpu.vector_load %arg6[%swap3A_198, %swap3A_199] {strides = array<i32>} : memref<16x2048xi32, #tpu.memory_space<vmem>>, vector<16xi32>,
        tpu.vector_store %arg6[%swap3A_198, %swap3A_199], %broadcast_in_dim3A_0 {strides = array<i32>} : memref<16x2048xi32, #tpu.memory_space<vmem>>, vector<16xi32>,
        %swap3A_201 = arith.constant 15 : i32
        %swap3A_202 = arith.index_cast %swap3A_201 : i32 to index
        %swap3A_203 = arith.index_cast %mul3A_141 : i32 to index
        %swap3A_204 = tpu.vector_load %arg6[%swap3A_202, %swap3A_203] {strides = array<i32>} : memref<16x2048xi32, #tpu.memory_space<vmem>>, vector<16xi32>,
        tpu.vector_store %arg6[%swap3A_202, %swap3A_203], %broadcast_in_dim3A_0 {strides = array<i32>} : memref<16x2048xi32, #tpu.memory_space<vmem>>, vector<16xi32>,
        %scan3A_205 = arith.constant 0 : i32
        scf.yield %scan3A_205 : i32
      }
      %scan3A_132 = arith.constant 64 : i32
      %dma_wait3A_133 = arith.constant 0 : i32
      %dma_wait3A_134 = tpu.memref_slice %arg9[%dma_wait3A_133] : memref<262144xi32, #tpu.memory_space<vmem_shared>> -> memref<262144xi32, #tpu.memory_space<vmem_shared>>
      tpu.wait_indirect_dma semaphore(%arg12 : memref<!tpu.dma_semaphore, #tpu.memory_space<semaphore_mem>>) src(%arg4 : memref<16384xi32, #tpu.memory_space<vmem>>) dst(%dma_wait3A_134 : memref<262144xi32, #tpu.memory_space<vmem_shared>>)
      %barrier3A_135 = arith.constant 0 : index
      tpu.barrier barrier_id(%barrier3A_135)
      "tpu.region"() ({
        %run_scoped3A = tpu.sem_alloc : memref<!tpu.dma_semaphore, #tpu.memory_space<semaphore_mem>>
        %dma_start3A_138 = tpu.memref_slice %arg3[%add3A, %mul3A_1] : memref<8x262144xi32, #tpu.memory_space<hbm>> -> memref<1x16384xi32, #tpu.memory_space<hbm>>
        %dma_start3A_139 = tpu.memref_squeeze %dma_start3A_138 : memref<1x16384xi32, #tpu.memory_space<hbm>> -> memref<16384xi32, #tpu.memory_space<hbm>>
        %dma_start3A_140 = tpu.memref_slice %arg9[%mul3A_1] : memref<262144xi32, #tpu.memory_space<vmem_shared>> -> memref<16384xi32, #tpu.memory_space<vmem_shared>>
        tpu.enqueue_dma source(%dma_start3A_140 : memref<16384xi32, #tpu.memory_space<vmem_shared>>) target(%dma_start3A_139 : memref<16384xi32, #tpu.memory_space<hbm>>) target_semaphore(%run_scoped3A : memref<!tpu.dma_semaphore, #tpu.memory_space<semaphore_mem>>)
        %dma_wait3A_141 = tpu.memref_slice %arg3[%add3A, %mul3A_1] : memref<8x262144xi32, #tpu.memory_space<hbm>> -> memref<1x16384xi32, #tpu.memory_space<hbm>>
        %dma_wait3A_142 = tpu.memref_squeeze %dma_wait3A_141 : memref<1x16384xi32, #tpu.memory_space<hbm>> -> memref<16384xi32, #tpu.memory_space<hbm>>
        %dma_wait3A_143 = tpu.memref_slice %arg9[%mul3A_1] : memref<262144xi32, #tpu.memory_space<vmem_shared>> -> memref<16384xi32, #tpu.memory_space<vmem_shared>>
        tpu.wait_dma2 semaphore(%run_scoped3A : memref<!tpu.dma_semaphore, #tpu.memory_space<semaphore_mem>>) src(%dma_wait3A_143 : memref<16384xi32, #tpu.memory_space<vmem_shared>>) dst(%dma_wait3A_142 : memref<16384xi32, #tpu.memory_space<hbm>>)
        tpu.yield
      }) : () -> ()
      %barrier3A_136 = arith.constant 0 : index
      tpu.barrier barrier_id(%barrier3A_136)
      %scan3A_137 = arith.constant 0 : i32
      scf.yield %scan3A_137 : i32
    }
    %scan3A_14 = arith.constant 4 : i32
    return
  }
}

module attributes {stable_mosaic.version = 14 : i64} {
  func.func @_eval_body(%arg0: i32, %arg1: memref<1x2048x128xi32, #tpu.memory_space<vmem>>, %arg2: memref<1x1xf32, #tpu.memory_space<smem>>) attributes {dimension_semantics = [#tpu.dimension_semantics<arbitrary>], iteration_bounds = array<i64: 8>, scalar_prefetch = 0 : i64, scratch_operands = 0 : i64, tpu.core_type = #tpu.core_type<tc>, window_params = [{transform_indices = @transform_0, window_bounds = array<i64: 1, 2048, 128>}, {transform_indices = @transform_1, window_bounds = array<i64: 1, 1>}]} {
    %iota3A = tpu.iota {dimensions = array<i32: 0>} : vector<2048x128xi32>
    %iota3A_0 = tpu.iota {dimensions = array<i32: 1>} : vector<2048x128xi32>
    %get3A = arith.constant 0 : index
    %get3A_1 = arith.constant 0 : index
    %get3A_2 = arith.constant 0 : index
    %get3A_3 = vector.load %arg1[%get3A, %get3A_1, %get3A_2] : memref<1x2048x128xi32, #tpu.memory_space<vmem>>, vector<1x2048x128xi32>
    %get3A_4 = vector.shape_cast %get3A_3 : vector<1x2048x128xi32> to vector<2048x128xi32>
    %and3A = arith.constant 1 : i32
    %and3A_5 = vector.broadcast %and3A : i32 to vector<2048x128xi32>
    %and3A_6 = arith.andi %get3A_4, %and3A_5 : vector<2048x128xi32>
    %convert_element_type3A = arith.sitofp %and3A_6 : vector<2048x128xi32> to vector<2048x128xf32>
    %and3A_7 = arith.constant -2 : i32
    %and3A_8 = vector.broadcast %and3A_7 : i32 to vector<2048x128xi32>
    %and3A_9 = arith.andi %get3A_4, %and3A_8 : vector<2048x128xi32>
    %bitcast_convert_type3A = tpu.bitcast %and3A_9 : vector<2048x128xi32> -> vector<2048x128xf32>
    %reduce_sum3A = vector.shape_cast %convert_element_type3A : vector<2048x128xf32> to vector<1x2048x128xf32>
    %reduce_sum3A_10 = arith.constant dense<0.000000e+00> : vector<1xf32>
    %reduce_sum3A_11 = vector.multi_reduction <add>, %reduce_sum3A, %reduce_sum3A_10 [1, 2] : vector<1x2048x128xf32> to vector<1xf32>
    %reduce_sum3A_12 = vector.shape_cast %reduce_sum3A_11 : vector<1xf32> to vector<1x1x1xf32>
    %reduce_sum3A_13 = vector.extract %reduce_sum3A_12[0, 0, 0] : f32 from vector<1x1x1xf32>
    %iota3A_14 = tpu.iota {dimensions = array<i32: 0>} : vector<128x128xi32>
    %iota3A_15 = tpu.iota {dimensions = array<i32: 1>} : vector<128x128xi32>
    %le3A = arith.cmpi sle, %iota3A_14, %iota3A_15 : vector<128x128xi32>
    %convert_element_type3A_16 = arith.extui %le3A : vector<128x128xi1> to vector<128x128xi32>
    %convert_element_type3A_17 = arith.sitofp %convert_element_type3A_16 : vector<128x128xi32> to vector<128x128xf32>
    %dot_general3A = arith.constant dense<0.000000e+00> : vector<2048x128xf32>
    %dot_general3A_18 = tpu.matmul %convert_element_type3A, %convert_element_type3A_17, %dot_general3A {dimension_numbers = #tpu.dot_dimension_numbers<[1], [0], [0], [1], [0, 0, 1, 1], [], []>, transpose_lhs_hint = false} : vector<2048x128xf32>, vector<128x128xf32>, vector<2048x128xf32> -> vector<2048x128xf32>
    %reshape3A = vector.shape_cast %convert_element_type3A : vector<2048x128xf32> to vector<16x128x128xf32>
    %reduce_sum3A_19 = arith.constant dense<0.000000e+00> : vector<16x128xf32>
    %reduce_sum3A_20 = vector.multi_reduction <add>, %reshape3A, %reduce_sum3A_19 [2] : vector<16x128x128xf32> to vector<16x128xf32>
    %dot_general3A_21 = arith.constant dense<0.000000e+00> : vector<16x128xf32>
    %dot_general3A_22 = tpu.matmul %reduce_sum3A_20, %convert_element_type3A_17, %dot_general3A_21 {dimension_numbers = #tpu.dot_dimension_numbers<[1], [0], [0], [1], [0, 0, 1, 1], [], []>, transpose_lhs_hint = false} : vector<16x128xf32>, vector<128x128xf32>, vector<16x128xf32> -> vector<16x128xf32>
    %slice3A = vector.extract_strided_slice %dot_general3A_22 {offsets = [0, 127], sizes = [16, 1], strides = [1, 1]} : vector<16x128xf32> to vector<16x1xf32>
    %iota3A_23 = tpu.iota {dimensions = array<i32: 0>} : vector<16x1xi32>
    %ge3A = arith.constant 1 : i32
    %ge3A_24 = vector.broadcast %ge3A : i32 to vector<16x1xi32>
    %ge3A_25 = arith.cmpi sge, %iota3A_23, %ge3A_24 : vector<16x1xi32>
    %roll3A = arith.constant 1 : i32
    %roll3A_26 = tpu.dynamic_rotate %slice3A by %roll3A dim 0 : vector<16x1xf32>, i32 -> vector<16x1xf32>
    %jit3A = arith.constant 0.000000e+00 : f32
    %broadcast_in_dim3A = vector.broadcast %jit3A : f32 to vector<16x1xf32>
    %select_n3A = arith.select %ge3A_25, %roll3A_26, %broadcast_in_dim3A : vector<16x1xi1>, vector<16x1xf32>
    %add3A = arith.addf %slice3A, %select_n3A : vector<16x1xf32>
    %ge3A_27 = arith.constant 2 : i32
    %ge3A_28 = vector.broadcast %ge3A_27 : i32 to vector<16x1xi32>
    %ge3A_29 = arith.cmpi sge, %iota3A_23, %ge3A_28 : vector<16x1xi32>
    %roll3A_30 = arith.constant 2 : i32
    %roll3A_31 = tpu.dynamic_rotate %add3A by %roll3A_30 dim 0 : vector<16x1xf32>, i32 -> vector<16x1xf32>
    %jit3A_32 = arith.constant 0.000000e+00 : f32
    %broadcast_in_dim3A_33 = vector.broadcast %jit3A_32 : f32 to vector<16x1xf32>
    %select_n3A_34 = arith.select %ge3A_29, %roll3A_31, %broadcast_in_dim3A_33 : vector<16x1xi1>, vector<16x1xf32>
    %add3A_35 = arith.addf %add3A, %select_n3A_34 : vector<16x1xf32>
    %ge3A_36 = arith.constant 4 : i32
    %ge3A_37 = vector.broadcast %ge3A_36 : i32 to vector<16x1xi32>
    %ge3A_38 = arith.cmpi sge, %iota3A_23, %ge3A_37 : vector<16x1xi32>
    %roll3A_39 = arith.constant 4 : i32
    %roll3A_40 = tpu.dynamic_rotate %add3A_35 by %roll3A_39 dim 0 : vector<16x1xf32>, i32 -> vector<16x1xf32>
    %jit3A_41 = arith.constant 0.000000e+00 : f32
    %broadcast_in_dim3A_42 = vector.broadcast %jit3A_41 : f32 to vector<16x1xf32>
    %select_n3A_43 = arith.select %ge3A_38, %roll3A_40, %broadcast_in_dim3A_42 : vector<16x1xi1>, vector<16x1xf32>
    %add3A_44 = arith.addf %add3A_35, %select_n3A_43 : vector<16x1xf32>
    %ge3A_45 = arith.constant 8 : i32
    %ge3A_46 = vector.broadcast %ge3A_45 : i32 to vector<16x1xi32>
    %ge3A_47 = arith.cmpi sge, %iota3A_23, %ge3A_46 : vector<16x1xi32>
    %roll3A_48 = arith.constant 8 : i32
    %roll3A_49 = tpu.dynamic_rotate %add3A_44 by %roll3A_48 dim 0 : vector<16x1xf32>, i32 -> vector<16x1xf32>
    %jit3A_50 = arith.constant 0.000000e+00 : f32
    %broadcast_in_dim3A_51 = vector.broadcast %jit3A_50 : f32 to vector<16x1xf32>
    %select_n3A_52 = arith.select %ge3A_47, %roll3A_49, %broadcast_in_dim3A_51 : vector<16x1xi1>, vector<16x1xf32>
    %add3A_53 = arith.addf %add3A_44, %select_n3A_52 : vector<16x1xf32>
    %sub3A = arith.subf %dot_general3A_22, %reduce_sum3A_20 : vector<16x128xf32>
    %sub3A_54 = arith.subf %add3A_53, %slice3A : vector<16x1xf32>
    %add3A_55 = vector.broadcast %sub3A_54 : vector<16x1xf32> to vector<16x128xf32>
    %add3A_56 = arith.addf %sub3A, %add3A_55 : vector<16x128xf32>
    %broadcast_in_dim3A_57 = vector.shape_cast %add3A_56 : vector<16x128xf32> to vector<16x128x1xf32>
    %broadcast_in_dim3A_58 = vector.shape_cast %broadcast_in_dim3A_57 : vector<16x128x1xf32> to vector<16x128x1xf32>
    %broadcast_in_dim3A_59 = vector.broadcast %broadcast_in_dim3A_58 : vector<16x128x1xf32> to vector<16x128x128xf32>
    %reshape3A_60 = vector.shape_cast %broadcast_in_dim3A_59 : vector<16x128x128xf32> to vector<2048x128xf32>
    %add3A_61 = arith.addf %dot_general3A_18, %reshape3A_60 : vector<2048x128xf32>
    %mul3A = arith.constant 128 : i32
    %mul3A_62 = vector.broadcast %mul3A : i32 to vector<2048x128xi32>
    %mul3A_63 = arith.muli %iota3A, %mul3A_62 : vector<2048x128xi32>
    %add3A_64 = arith.addi %mul3A_63, %iota3A_0 : vector<2048x128xi32>
    %convert_element_type3A_65 = arith.sitofp %add3A_64 : vector<2048x128xi32> to vector<2048x128xf32>
    %add3A_66 = arith.constant 1.000000e+00 : f32
    %add3A_67 = vector.broadcast %add3A_66 : f32 to vector<2048x128xf32>
    %add3A_68 = arith.addf %convert_element_type3A_65, %add3A_67 : vector<2048x128xf32>
    %sub3A_69 = arith.subf %add3A_68, %add3A_61 : vector<2048x128xf32>
    %sub3A_70 = arith.subf %add3A_61, %convert_element_type3A : vector<2048x128xf32>
    %sub3A_71 = arith.constant 1.000000e+00 : f32
    %sub3A_72 = vector.broadcast %sub3A_71 : f32 to vector<2048x128xf32>
    %sub3A_73 = arith.subf %add3A_68, %sub3A_72 : vector<2048x128xf32>
    %sub3A_74 = arith.subf %sub3A_73, %sub3A_70 : vector<2048x128xf32>
    %add3A_75 = vector.broadcast %reduce_sum3A_13 : f32 to vector<2048x128xf32>
    %add3A_76 = arith.addf %add3A_75, %sub3A_69 : vector<2048x128xf32>
    %div3A = arith.divf %add3A_68, %add3A_76 : vector<2048x128xf32>
    %sub3A_77 = arith.constant 1.000000e+00 : f32
    %sub3A_78 = vector.broadcast %sub3A_77 : f32 to vector<2048x128xf32>
    %sub3A_79 = arith.subf %add3A_68, %sub3A_78 : vector<2048x128xf32>
    %add3A_80 = vector.broadcast %reduce_sum3A_13 : f32 to vector<2048x128xf32>
    %add3A_81 = arith.addf %add3A_80, %sub3A_74 : vector<2048x128xf32>
    %max3A = arith.constant 1.000000e+00 : f32
    %max3A_82 = vector.broadcast %max3A : f32 to vector<2048x128xf32>
    %max3A_83 = arith.maximumf %add3A_81, %max3A_82 : vector<2048x128xf32>
    %div3A_84 = arith.divf %sub3A_79, %max3A_83 : vector<2048x128xf32>
    %sub3A_85 = arith.subf %div3A, %div3A_84 : vector<2048x128xf32>
    %mul3A_86 = arith.mulf %bitcast_convert_type3A, %sub3A_85 : vector<2048x128xf32>
    %reduce_sum3A_87 = vector.shape_cast %mul3A_86 : vector<2048x128xf32> to vector<1x2048x128xf32>
    %reduce_sum3A_88 = arith.constant dense<0.000000e+00> : vector<1xf32>
    %reduce_sum3A_89 = vector.multi_reduction <add>, %reduce_sum3A_87, %reduce_sum3A_88 [1, 2] : vector<1x2048x128xf32> to vector<1xf32>
    %reduce_sum3A_90 = vector.shape_cast %reduce_sum3A_89 : vector<1xf32> to vector<1x1x1xf32>
    %reduce_sum3A_91 = vector.extract %reduce_sum3A_90[0, 0, 0] : f32 from vector<1x1x1xf32>
    %eq3A = arith.constant 0 : i32
    %eq3A_92 = arith.cmpi eq, %arg0, %eq3A : i32
    %get3A_93 = arith.constant 0 : index
    %get3A_94 = arith.constant 0 : index
    %get3A_95 = memref.load %arg2[%get3A_93, %get3A_94] : memref<1x1xf32, #tpu.memory_space<smem>>
    %jit3A_96 = arith.constant 0.000000e+00 : f32
    %select_n3A_97 = arith.select %eq3A_92, %jit3A_96, %get3A_95 : f32
    %mul3A_98 = arith.constant 1.250000e-01 : f32
    %mul3A_99 = arith.mulf %reduce_sum3A_91, %mul3A_98 : f32
    %add3A_100 = arith.addf %select_n3A_97, %mul3A_99 : f32
    %swap3A = arith.constant 0 : index
    %swap3A_101 = arith.constant 0 : index
    %swap3A_102 = memref.load %arg2[%swap3A, %swap3A_101] : memref<1x1xf32, #tpu.memory_space<smem>>
    memref.store %add3A_100, %arg2[%swap3A, %swap3A_101] : memref<1x1xf32, #tpu.memory_space<smem>>
    return
  }
  func.func @transform_0(%arg0: i32) -> (i32, i32, i32) {
    %c0_i32 = arith.constant 0 : i32
    %c0_i32_0 = arith.constant 0 : i32
    %c0_i32_1 = arith.constant 0 : i32
    return %arg0, %c0_i32, %c0_i32_0 : i32, i32, i32
  }
  func.func @transform_1(%arg0: i32) -> (i32, i32) {
    %c0_i32 = arith.constant 0 : i32
    %c0_i32_0 = arith.constant 0 : i32
    %c0_i32_1 = arith.constant 0 : i32
    return %c0_i32, %c0_i32_0 : i32, i32
  }
}

module attributes {stable_mosaic.version = 14 : i64} {
  func.func @_pack_body(%arg0: i32, %arg1: memref<1x2048x128xf32, #tpu.memory_space<vmem>>, %arg2: memref<1x2048x128xi32, #tpu.memory_space<vmem>>, %arg3: memref<1x2048x128xi32, #tpu.memory_space<vmem>>) attributes {dimension_semantics = [#tpu.dimension_semantics<arbitrary>], iteration_bounds = array<i64: 8>, scalar_prefetch = 0 : i64, scratch_operands = 0 : i64, tpu.core_type = #tpu.core_type<tc>, window_params = [{transform_indices = @transform_0, window_bounds = array<i64: 1, 2048, 128>}, {transform_indices = @transform_1, window_bounds = array<i64: 1, 2048, 128>}, {transform_indices = @transform_2, window_bounds = array<i64: 1, 2048, 128>}]} {
    %get3A = arith.constant 0 : index
    %get3A_0 = arith.constant 0 : index
    %get3A_1 = arith.constant 0 : index
    %get3A_2 = vector.load %arg2[%get3A, %get3A_0, %get3A_1] : memref<1x2048x128xi32, #tpu.memory_space<vmem>>, vector<1x2048x128xi32>
    %get3A_3 = vector.shape_cast %get3A_2 : vector<1x2048x128xi32> to vector<2048x128xi32>
    %convert_element_type3A = arith.sitofp %get3A_3 : vector<2048x128xi32> to vector<2048x128xf32>
    %get3A_4 = arith.constant 0 : index
    %get3A_5 = arith.constant 0 : index
    %get3A_6 = arith.constant 0 : index
    %get3A_7 = vector.load %arg1[%get3A_4, %get3A_5, %get3A_6] : memref<1x2048x128xf32, #tpu.memory_space<vmem>>, vector<1x2048x128xf32>
    %get3A_8 = vector.shape_cast %get3A_7 : vector<1x2048x128xf32> to vector<2048x128xf32>
    %mul3A = arith.constant 2.000000e+00 : f32
    %mul3A_9 = vector.broadcast %mul3A : f32 to vector<2048x128xf32>
    %mul3A_10 = arith.mulf %mul3A_9, %convert_element_type3A : vector<2048x128xf32>
    %sub3A = arith.constant 1.000000e+00 : f32
    %sub3A_11 = vector.broadcast %sub3A : f32 to vector<2048x128xf32>
    %sub3A_12 = arith.subf %mul3A_10, %sub3A_11 : vector<2048x128xf32>
    %mul3A_13 = arith.mulf %get3A_8, %sub3A_12 : vector<2048x128xf32>
    %sub3A_14 = arith.constant 1.000000e+00 : f32
    %sub3A_15 = vector.broadcast %sub3A_14 : f32 to vector<2048x128xf32>
    %sub3A_16 = arith.subf %sub3A_15, %mul3A_13 : vector<2048x128xf32>
    %max3A = arith.constant 0.000000e+00 : f32
    %max3A_17 = vector.broadcast %max3A : f32 to vector<2048x128xf32>
    %max3A_18 = arith.maximumf %sub3A_16, %max3A_17 : vector<2048x128xf32>
    %bitcast_convert_type3A = tpu.bitcast %max3A_18 : vector<2048x128xf32> -> vector<2048x128xi32>
    %and3A = arith.constant -2 : i32
    %and3A_19 = vector.broadcast %and3A : i32 to vector<2048x128xi32>
    %and3A_20 = arith.andi %bitcast_convert_type3A, %and3A_19 : vector<2048x128xi32>
    %or3A = arith.ori %and3A_20, %get3A_3 : vector<2048x128xi32>
    %swap3A = arith.constant 0 : index
    %swap3A_21 = arith.constant 0 : index
    %swap3A_22 = arith.constant 0 : index
    %swap3A_23 = vector.load %arg3[%swap3A, %swap3A_21, %swap3A_22] : memref<1x2048x128xi32, #tpu.memory_space<vmem>>, vector<1x2048x128xi32>
    %swap3A_24 = vector.shape_cast %swap3A_23 : vector<1x2048x128xi32> to vector<2048x128xi32>
    %swap3A_25 = vector.shape_cast %or3A : vector<2048x128xi32> to vector<1x2048x128xi32>
    tpu.vector_store %arg3[%swap3A, %swap3A_21, %swap3A_22], %swap3A_25 {strides = array<i32>} : memref<1x2048x128xi32, #tpu.memory_space<vmem>>, vector<1x2048x128xi32>,
    return
  }
  func.func @transform_0(%arg0: i32) -> (i32, i32, i32) {
    %c0_i32 = arith.constant 0 : i32
    %c0_i32_0 = arith.constant 0 : i32
    %c0_i32_1 = arith.constant 0 : i32
    return %arg0, %c0_i32, %c0_i32_0 : i32, i32, i32
  }
  func.func @transform_1(%arg0: i32) -> (i32, i32, i32) {
    %c0_i32 = arith.constant 0 : i32
    %c0_i32_0 = arith.constant 0 : i32
    %c0_i32_1 = arith.constant 0 : i32
    return %arg0, %c0_i32, %c0_i32_0 : i32, i32, i32
  }
  func.func @transform_2(%arg0: i32) -> (i32, i32, i32) {
    %c0_i32 = arith.constant 0 : i32
    %c0_i32_0 = arith.constant 0 : i32
    %c0_i32_1 = arith.constant 0 : i32
    return %arg0, %c0_i32, %c0_i32_0 : i32, i32, i32
  }
}

</mosaic_0001>

<sc_bundles>
// kernel: _run.5.cloned.1.call-start
scs
__scs_entry_jumppad:
0x0: {  	(pc) =	sbr.rel $0x88, $3  }
0x1: {  	(tag) =	ssettag $0x0;
	lr =	simm.s32 $0x1  }
0x2: {  	[smem:$0x3F9F] =	sst lr;
	_ =	strace $0xD0000000  }
0x3: {  	_ = 	snop  }
0x4: {  	_ = 	snop  }
0x5: {  	_ = 	snop  }
0x6: {  	_ = 	snop  }
0x7: {  	_ = 	snop  }
__scs_overlays_trampoline_lowered:
0x8: {  	[smem:$0x3FAE] =	sst s0  }
0x9: {  	[smem:$0x3FAF] =	sst s1  }
0xa: {  	[smem:$0x3FB0] =	sst s2  }
0xb: {  	[smem:$0x3FB1] =	sst s3  }
0xc: {  	[smem:$0x3FB2] =	sst s4  }
0xd: {  	[smem:$0x3FB3] =	sst s5  }
0xe: {  	[smem:$0x3FB4] =	sst s6  }
0xf: {  	[smem:$0x3FB5] =	sst s7  }
0x10: {  	[smem:$0x3FB6] =	sst s8  }
0x11: {  	[smem:$0x3FB7] =	sst s9;
	s0 =	simm.s32 @!p0 $0x0  }
0x12: {  	s1 =	sld [smem:$0x3F9D];
	s0 =	simm.s32 @p0 $0x1  }
0x13: {  	[smem:$0x3FB8] =	sst s0;
	s0 =	simm.s32 @!p1 $0x0  }
0x14: {  	s2 =	sld [smem:$0x3F9C];
	s0 =	simm.s32 @p1 $0x1  }
0x15: {  	[smem:$0x3FB9] =	sst s0;
	s0 =	simm.s32 @!p2 $0x0  }
0x16: {  	s3 =	sld [smem:$0x3FDB];
	s0 =	simm.s32 @p2 $0x1  }
0x17: {  	s4 =	simm.s32 $0x1BF5;
	[smem:$0x3FBB] =	sst s0  }
0x18: {  	s0 =	sld [smem:$0x3F9E];
	_ =	swait.ge [sflag:s4], $0x0  }
0x19: {  	s7 =	sld [smem:$0x3F9F]  }
0x1a: {  	s8 =	sadd.s32 $0xFFFFE003, lr  }
0x1b: {  	s9 =	sadd.s32 $0xFFFFFEF7, lr;
	s5 =	simm.s32 $0xFFFFFFFF;
	p2 =	slt.u32 s8, $0xFFFFF086  }
0x1c: {  	p1 =	slt.u32 s9, $0xF7A;
	s5 =	simm.s32 @!p2 $0x0  }
0x1d: {  	s5 =	simm.s32 @p1 $0x1;
	p0 =	seq.s32 s7, s2  }
0x1e: {  	s7 =	smul.u32 @!p0 $0xF7A, s2;
	p2 =	seq.s32 @!p0 s5, $0x0  }
0x1f: {  	s9 =	smul.u32 $0xF7A, s1;
	s8 =	simm.s32 @!p0 $0x1BF5;
	p2 =	por !p2, p0  }
0x20: {  	[sflag:s8] =	ssyncset.s32 @!p0 $0xFFFFF086;
	s6 =	sadd.s32 @!p0 s3, s7;
	s7 =	simm.s32 @!p0 $0x108  }
0x21: {  	s3 =	sadd.s32 s3, s9;
	s6 =	sadd.s32 @!p0 $0x88, s6;
	s7 =	simm.s32 @p2 $0x1082  }
0x22: {  	[simem:s7], [sflag:s8] =	dma.local @!p0 [hbm:s6], $0xF7A  }
0x23: {  	s9 =	sor.u32 $0xD0000000, s2;
	s6 =	simm.s32 $0x108;
	_ =	swait.ge @!p0 [sflag:s8], $0x0  }
0x24: {  	s3 =	sadd.s32 $0x88, s3;
	s6 =	simm.s32 @!p1 $0x1082;
	[sflag:s4] =	ssyncset.s32 $0xFFFFF086  }
0x25: {  	[simem:s6], [sflag:s4] =	dma.local [hbm:s3], $0xF7A  }
0x26: {  	[smem:$0x3F9F] =	sst s1;
	(tag) =	ssettag s2;
	_ =	strace s9  }
0x27: {  	s1 =	sld [smem:$0x3FAF]  }
0x28: {  	s2 =	sld [smem:$0x3FB0]  }
0x29: {  	s4 =	sld [smem:$0x3FB2]  }
0x2a: {  	p0 =	seq.s32 s5, $0x0;
	s5 =	sld [smem:$0x3FB3]  }
0x2b: {  	s6 =	sld [smem:$0x3FB4]  }
0x2c: {  	s7 =	sld [smem:$0x3FB5]  }
0x2d: {  	s3 =	simm.s32 $0x108;
	s8 =	sld [smem:$0x3FB6]  }
0x2e: {  	s3 =	simm.s32 @!p0 $0x1082;
	s9 =	sld [smem:$0x3FB7]  }
0x2f: {  	lr =	sadd.s32 s0, s3;
	s0 =	sld [smem:$0x3FAE]  }
0x30: {  	s3 =	sld [smem:$0x3FB1]  }
0x31: {  	[smem:$0x3FBA] =	sst s10  }
0x32: {  	s10 =	sld [smem:$0x3FB8];
	_ =	sdelay $0x3  }
0x33: {  	p0 =	seq.s32 s10, $0x1;
	s10 =	sld [smem:$0x3FBA];
	_ =	sdelay $0x3  }
0x34: {  	[smem:$0x3FBA] =	sst s10  }
0x35: {  	s10 =	sld [smem:$0x3FB9];
	_ =	sdelay $0x3  }
0x36: {  	p1 =	seq.s32 s10, $0x1;
	s10 =	sld [smem:$0x3FBA];
	_ =	sdelay $0x3  }
0x37: {  	[smem:$0x3FBA] =	sst s10  }
0x38: {  	s10 =	sld [smem:$0x3FBB]  }
0x39: {  	_ = 	snop;
	(pc) =	sbr.ind lr, $3  }
0x3a: {  	_ = 	snop  }
0x3b: {  	_ = 	snop  }
0x3c: {  	p2 =	seq.s32 s10, $0x1;
	s10 =	sld [smem:$0x3FBA]  }
0x3d: {  	_ =	shalt  }
0x3e: {  	_ =	shalt  }
0x3f: {  	_ =	shalt  }
0x40: {  	_ =	shalt  }
0x41: {  	_ =	shalt  }
0x42: {  	_ =	shalt  }
0x43: {  	_ =	shalt  }
0x44: {  	_ =	shalt  }
0x45: {  	_ =	shalt  }
0x46: {  	_ =	shalt  }
0x47: {  	_ =	shalt  }
0x48: {  	_ =	shalt  }
0x49: {  	_ =	shalt  }
0x4a: {  	_ =	shalt  }
0x4b: {  	_ =	shalt  }
0x4c: {  	_ =	shalt  }
0x4d: {  	_ =	shalt  }
0x4e: {  	_ =	shalt  }
0x4f: {  	_ =	shalt  }
0x50: {  	_ =	shalt  }
0x51: {  	_ =	shalt  }
0x52: {  	_ =	shalt  }
0x53: {  	_ =	shalt  }
0x54: {  	_ =	shalt  }
0x55: {  	_ =	shalt  }
0x56: {  	_ =	shalt  }
0x57: {  	_ =	shalt  }
0x58: {  	_ =	shalt  }
0x59: {  	_ =	shalt  }
0x5a: {  	_ =	shalt  }
0x5b: {  	_ =	shalt  }
0x5c: {  	_ =	shalt  }
0x5d: {  	_ =	shalt  }
0x5e: {  	_ =	shalt  }
0x5f: {  	_ =	shalt  }
0x60: {  	_ =	shalt  }
0x61: {  	_ =	shalt  }
0x62: {  	_ =	shalt  }
0x63: {  	_ =	shalt  }
0x64: {  	_ =	shalt  }
0x65: {  	_ =	shalt  }
0x66: {  	_ =	shalt  }
0x67: {  	_ =	shalt  }
0x68: {  	_ =	shalt  }
0x69: {  	_ =	shalt  }
0x6a: {  	_ =	shalt  }
0x6b: {  	_ =	shalt  }
0x6c: {  	_ =	shalt  }
0x6d: {  	_ =	shalt  }
0x6e: {  	_ =	shalt  }
0x6f: {  	_ =	shalt  }
0x70: {  	_ =	shalt  }
0x71: {  	_ =	shalt  }
0x72: {  	_ =	shalt  }
0x73: {  	_ =	shalt  }
0x74: {  	_ =	shalt  }
0x75: {  	_ =	shalt  }
0x76: {  	_ =	shalt  }
0x77: {  	_ =	shalt  }
0x78: {  	_ =	shalt  }
0x79: {  	_ =	shalt  }
0x7a: {  	_ =	shalt  }
0x7b: {  	_ =	shalt  }
0x7c: {  	_ =	shalt  }
0x7d: {  	_ =	shalt  }
0x7e: {  	_ =	shalt  }
0x7f: {  	_ =	shalt  }
0x80: {  	_ =	shalt  }
0x81: {  	_ =	shalt  }
0x82: {  	_ =	shalt  }
0x83: {  	_ =	shalt  }
0x84: {  	_ =	shalt  }
0x85: {  	_ =	shalt  }
0x86: {  	_ =	shalt  }
0x87: {  	_ =	shalt  }
.Lfunc_end0:
.L_simem_size_0:
called_computation_lowered:
.L_overlay_start_0:
0x88: {  	s2 =	sld [smem:$0x3FD9]  }
0x89: {  	s3 =	sld [smem:$0x3FFE];
	_ =	sdelay $0x1  }
0x8a: {  	s1 =	srdreg.scid  }
0x8b: {  	s0 =	sand.u32 $0x1, s1  }
0x8c: {  	s16 =	sshll.u32 s0, $0xA;
	s2 =	sadd.s32 s3, s2  }
0x8d: {  	s2 =	sadd.s32 s2, s16  }
0x8e: {  	[smem:$0x3FC6] =	sst s2  }
0x8f: {  	_ = 	snop  }
0x90: {  	(tm) =	ssettm $0x1  }
0x91: {  	s17 =	sld [smem:$0x3FFB];
	_ =	sdelay $0x3  }
0x92: {  	_ =	strace s17  }
0x93: {  	s2 =	sld [smem:$0x3FFC];
	_ =	sdelay $0x3  }
0x94: {  	_ =	strace s2  }
0x95: {  	s2 =	sld [smem:$0x3FFD];
	_ =	sdelay $0x3  }
0x96: {  	_ =	strace s2  }
0x97: {  	_ =	strace $0x8FFFFFFF  }
0x98: {  	s18 =	sld [smem:$0x3FDB];
	_ =	sdelay $0x1  }
0x99: {  	s19 =	simm.s32 $_scs_section_size  }
0x9a: {  	s4 =	simm.s32 $_size__tile_overlayer_lowered;
	s5 =	simm.s32 $_tile_overlayer_lowered  }
0x9b: {  	s22 =	simm.s32 $0x1BFF;
	s21 =	sshll.u32 s5, $0x1;
	s2 =	sadd.s32 s19, s18  }
0x9c: {  	s6 =	simm.s32 $0x0;
	s20 =	sshll.u32 s4, $0x1;
	s4 =	sadd.s32 s21, s2  }
0x9d: {  	[timem:s6], [sflag:s22] =	dma.local [hbm:s4], s20  }
0x9e: {  	_ =	swait.ge [sflag:s22], s20  }
0x9f: {  	s3 =	ssub.s32 $0x0, s20;
	[sflag:s22] =	ssyncset.done $0x0  }
0xa0: {  	[sflag:s22] =	ssyncadd.s32 s3;
	_ =	sdelay $0x1  }
0xa1: {  	s23 =	simm.s32 $0x1B8B  }
0xa2: {  	_ =	swait.ge [sflag:s23], $0x1  }
0xa3: {  	[sflag:s23] =	ssyncset.done $0x0  }
0xa4: {  	s25 =	simm.s32 $0x1B8E;
	s24 =	sld [smem:$0x3FFE];
	[sflag:s23] =	ssyncadd.s32 $0xFFFFFFFF  }
0xa5: {  	s26 =	simm.s32 $execute0_lowered;
	[smem:$0x3FD2] =	sst s25  }
0xa6: {  	s4 =	sshll.u32 s26, $0x1;
	_ =	strace $0x80000046;
	[dreg:$0x1] =	wrdreg $0xFFFFFFFF  }
0xa7: {  	s28 =	simm.s32 $_size_execute0_lowered;
	s2 =	sadd.s32 s2, s4;
	[dreg:$0x0] =	wrdreg $0x0  }
0xa8: {  	s4 =	sshll.u32 s28, $0x1;
	[dreg:$0x2] =	wrdreg s2  }
0xa9: {  	[dreg:$0x3] =	wrdreg s4  }
0xaa: {  	[dreg:$0x4] =	wrdreg $0xC0  }
0xab: {  	_ =	task [dreg:s6], $0x5FFFF  }
0xac: {  	[dreg:$0x1] =	wrdreg $0xFFFFFFFF  }
0xad: {  	[dreg:$0x0] =	wrdreg $0x60  }
0xae: {  	[dreg:$0x2] =	wrdreg s24  }
0xaf: {  	[dreg:$0x3] =	wrdreg $0x198000  }
0xb0: {  	[dreg:$0x4] =	wrdreg $0x118000  }
0xb1: {  	[dreg:$0x5] =	wrdreg $0x158000  }
0xb2: {  	[dreg:$0x6] =	wrdreg $0x9  }
0xb3: {  	_ =	task.clear_ibuf [dreg:s6], $0x7FFFF;
	_ =	strace $0x90000046  }
0xb4: {  	s29 =	simm.s32 $0x9;
	_ =	strace $0x80000048  }
0xb5: {  	_ =	swait.ge [sflag:s29], $0x1  }
0xb6: {  	[sflag:s29] =	ssyncadd.s32 $0xFFFFFFFF  }
0xb7: {  	_ =	strace $0x90000048  }
0xb8: {  	_ =	sfence  }
0xb9: {  	s30 =	sld [smem:$0x0];
	_ =	sdelay $0x2  }
0xba: {  	s31 =	sshll.u32 s1, $0xD;
	s1 =	sshrl.u32 s1, $0x2  }
0xbb: {  	s3 =	sand.u32 $0x4000, s31;
	s1 =	sadd.s32 s1, s30  }
0xbc: {  	s0 =	sor.u32 s3, s0;
	s1 =	sshll.u32 s1, $0x11  }
0xbd: {  	s0 =	sor.u32 s1, s0  }
0xbe: {  	s0 =	sadd.s32 $0x8F2B, s0  }
0xbf: {  	[sflag:s0] =	ssyncadd.remote.s32 $0x1  }
0xc0: {  	_ =	sfence.sel $0xFFFF  }
0xc1: {  	[dreg:$0x0] =	wrdreg $0xFFFFFFFF;
	(pc) =	sbr.abs _section_cstart, $3  }
0xc2: {  	[dreg:$0x1] =	wrdreg $0xFFFFFFFF  }
0xc3: {  	_ =	task.clear_ibuf [dreg:s6], $0x2FFFF;
	_ =	strace $0x9FFFFFFF  }
0xc4: {  	(tm) =	ssettm $0x7FFFFFFF  }
0xc5: {  	_ =	shalt  }
tec
execute0_lowered:
.L_overlay_start_1:
0x0: {  	(tag) =	ssettag $0x1  }
0x1: {  	s7 =	rddreg [dreg:$0x0]  }
0x2: {  	s1 =	rddreg [dreg:$0x1]  }
0x3: {  	s2 =	rddreg [dreg:$0x2]  }
0x4: {  	s3 =	rddreg [dreg:$0x3]  }
0x5: {  	s0 =	rddreg [dreg:$0x4]  }
0x6: {  	s5 =	simm.s32 $0x0;
	v0 =	vlaneseq.u32;
	s6 =	srdreg.scid;
	s4 =	stileid.u32  }
0x7: {  	s13 =	simm.s32 $0x2;
	s14 =	simm.s32 $0x8000;
	s15 =	simm.s32 $0x10800;
	v2 =	vmul.u32 $0x800, v0;
	v3 =	vmov s4  }
0x8: {  	s16 =	simm.s32 $0x4000;
	s17 =	simm.s32 $0x1;
	[smem:$0x7FF] =	sst s5;
	v0 =	vimm.s32 $0x0;
	vm0 =	veq.s32 v3, $0xF;
	vm1 =	vgt.u32 v3, $0xD  }
0x9: {  	s8 =	sand.u32 $0x1, s6;
	s6 =	sadd.s32 $0xA00, s7;
	s7 =	sadd.s32 $0x40A00, s7;
	vm2 =	vgt.u32 v3, $0xC;
	vm3 =	vgt.u32 v3, $0xB;
	vm4 =	vgt.u32 v3, $0xA  }
0xa: {  	s11 =	sshll.u32 s4, $0xE;
	s31 =	sshll.u32 s4, $0x8;
	s9 =	ssub.s32 $0x2, s8;
	vm5 =	vgt.u32 v3, $0x9;
	vm6 =	vgt.u32 v3, $0x8;
	vm7 =	vgt.u32 v3, $0x7  }
0xb: {  	_ =	strace $0x80000047;
	s8 =	sshll.u32 s8, $0x14;
	vm8 =	vgt.u32 v3, $0x6;
	vm9 =	vgt.u32 v3, $0x5;
	vm10 =	vgt.u32 v3, $0x4;
	s10 =	sshrl.u32 s9, $0x1  }
0xc: {  	vm11 =	vgt.u32 v3, $0x3;
	vm12 =	vgt.u32 v3, $0x2;
	vm13 =	vgt.u32 v3, $0x1;
	s8 =	sor.u32 s11, s8;
	s12 =	ssub.s32 s9, s10;
	s9 =	sadd.s32 s31, s1  }
0xd: {  	vm14 =	veq.s32 v3, $0x0;
	v1 =	vor.u32 $0x7FF, v2;
	v2 =	vor.u32 $0x3FF, v2;
	s10 =	sadd.s32 s11, s2;
	s11 =	sadd.s32 s11, s3;
	s12 =	smax.u32 s12, $0x1  }
.LBB2_1:
0xe: {  	s19 =	simm.s32 $0x0;
	s18 =	simm.s32 $0x40  }
.LBB2_2:
0xf: {  	p0 =	sne.s32 s18, $0x1FC0;
	[tilespmem:s19+$0xF800] =	vst v0  }
0x10: {  	[tilespmem:s19+$0x8000] =	vst v0  }
0x11: {  	[tilespmem:s19+$0x8800] =	vst v0  }
0x12: {  	[tilespmem:s19+$0x9000] =	vst v0  }
0x13: {  	[tilespmem:s19+$0x9800] =	vst v0  }
0x14: {  	[tilespmem:s19+$0xA000] =	vst v0  }
0x15: {  	[tilespmem:s19+$0xA800] =	vst v0  }
0x16: {  	[tilespmem:s19+$0xB000] =	vst v0  }
0x17: {  	[tilespmem:s19+$0xB800] =	vst v0  }
0x18: {  	[tilespmem:s19+$0xC000] =	vst v0  }
0x19: {  	[tilespmem:s19+$0xC800] =	vst v0  }
.Ltmp0:
0x1a: {  	[tilespmem:s19+$0xD000] =	vst v0;
	(pc) =	sbr.rel @p0 .LBB2_2-.Ltmp0, $4  }
0x1b: {  	[tilespmem:s19+$0xD800] =	vst v0  }
0x1c: {  	[tilespmem:s19+$0xE000] =	vst v0  }
0x1d: {  	[tilespmem:s19+$0xE800] =	vst v0  }
0x1e: {  	[tilespmem:s19+$0xF000] =	vst v0;
	s19 =	sshra.s32 s18, $0x2;
	s18 =	sadd.s32 $0x40, s18  }
0x1f: {  	[tilespmem:s19+$0xF800] =	vst v0  }
0x20: {  	[tilespmem:s19+$0x8000] =	vst v0  }
0x21: {  	[tilespmem:s19+$0x8800] =	vst v0  }
0x22: {  	[tilespmem:s19+$0x9000] =	vst v0  }
0x23: {  	[tilespmem:s19+$0x9800] =	vst v0  }
0x24: {  	[tilespmem:s19+$0xA000] =	vst v0  }
0x25: {  	[tilespmem:s19+$0xA800] =	vst v0  }
0x26: {  	[tilespmem:s19+$0xB000] =	vst v0  }
0x27: {  	[tilespmem:s19+$0xB800] =	vst v0  }
0x28: {  	[tilespmem:s19+$0xC000] =	vst v0  }
0x29: {  	[tilespmem:s19+$0xC800] =	vst v0  }
0x2a: {  	[tilespmem:s19+$0xD000] =	vst v0  }
0x2b: {  	[tilespmem:s19+$0xD800] =	vst v0  }
0x2c: {  	[tilespmem:s19+$0xE000] =	vst v0  }
0x2d: {  	[tilespmem:s19+$0xE800] =	vst v0  }
0x2e: {  	s18 =	simm.s32 $0x0;
	[tilespmem:s19+$0xF000] =	vst v0;
	s19 =	simm.s32 $0x0  }
.LBB2_4:
0x2f: {  	s20 =	sshll.u32 s19, $0x12  }
0x30: {  	s20 =	sadd.s32 s8, s20  }
0x31: {  	s20 =	sshrl.u32 s20, $0x3  }
0x32: {  	s21 =	sadd.s32 s6, s20  }
0x33: {  	[tilespmem:s18], [sflag:$0x2] =	stream.linear.gather [hbm4b:s21+s18], $0x4000, $0x38;
	[tilespmem:$0x19900] =	vst v63  }
0x34: {  	_ =	swait.ge [sflag:s13], $0x4000  }
0x35: {  	[sflag:s13] =	ssyncset.done $0x0  }
0x36: {  	s21 =	simm.s32 $0x0;
	[sflag:s13] =	ssyncadd.s32 $0xFFFFC000  }
0x37: {  	v3 =	vld [tilespmem:s21+$0x0];
	_ =	sdelay $0x4  }
0x38: {  	v3 =	vand.u32 $0x7FF, v3  }
0x39: {  	v4 =	vxor.u32 v1, v3;
	_ =	sdelay $0x4  }
0x3a: {  	v3 =	vld.idx.msk [tilespmem:v4+s14+$0x0], $0xffff;
	_ =	sdelay $0x4  }
0x3b: {  	v5 =	vadd.s32 $0x1, v3  }
0x3c: {  	s23 =	simm.s32 $0x10;
	s22 =	simm.s32 $0x80;
	[tilespmem:v4+s14+$0x0] =	vst.idx.msk $0xffff, v5  }
.LBB2_5:
0x3d: {  	p0 =	sne.s32 s22, $0xFFC0;
	v4 =	vld [tilespmem:s23+$0x0];
	[tilespmem:s21+$0x4000] =	vst v3;
	s21 =	smov.u32 s23;
	_ =	sdelay $0x4  }
0x3e: {  	v3 =	vand.u32 $0x7FF, v4  }
0x3f: {  	v4 =	vxor.u32 v1, v3;
	_ =	sdelay $0x4  }
0x40: {  	v3 =	vld.idx.msk [tilespmem:v4+s14+$0x0], $0xffff;
	_ =	sdelay $0x2  }
.Ltmp1:
0x41: {  	(pc) =	sbr.rel @p0 .LBB2_5-.Ltmp1, $3  }
0x42: {  	_ =	sdelay $0x1  }
0x43: {  	v5 =	vadd.s32 $0x1, v3  }
0x44: {  	s23 =	sshra.s32 s22, $0x2;
	s22 =	sadd.s32 $0x40, s22;
	[tilespmem:v4+s14+$0x0] =	vst.idx.msk $0xffff, v5  }
0x45: {  	v4 =	vld [tilespmem:s23+$0x0];
	_ =	sdelay $0x4  }
0x46: {  	v4 =	vand.u32 $0x7FF, v4  }
0x47: {  	v4 =	vxor.u32 v1, v4;
	_ =	sdelay $0x3  }
0x48: {  	[tilespmem:s21+$0x4000] =	vst v3  }
0x49: {  	v3 =	vld.idx.msk [tilespmem:v4+s14+$0x0], $0xffff;
	_ =	sdelay $0x4  }
0x4a: {  	v5 =	vadd.s32 $0x1, v3  }
0x4b: {  	[tilespmem:v4+s14+$0x0] =	vst.idx.msk $0xffff, v5  }
0x4c: {  	s22 =	simm.s32 $0x0;
	[tilespmem:s23+$0x4000] =	vst v3  }
0x4d: {  	v8 =	vld [tilespmem:s22+$0xA800]  }
0x4e: {  	v6 =	vld [tilespmem:s22+$0xA000]  }
0x4f: {  	v9 =	vld [tilespmem:s22+$0x9800]  }
0x50: {  	v11 =	vld [tilespmem:s22+$0x8800]  }
0x51: {  	v13 =	vld [tilespmem:s22+$0x8000]  }
0x52: {  	v7 =	vld [tilespmem:s22+$0x9000]  }
0x53: {  	v5 =	vld [tilespmem:s22+$0xC000]  }
0x54: {  	v4 =	vld [tilespmem:s22+$0xC800]  }
0x55: {  	v3 =	vld [tilespmem:s22+$0xD000]  }
0x56: {  	p0 =	por $0x1, $0x1;
	[tilespmem:s22+$0x8000] =	vst v0;
	v14 =	vld [tilespmem:s22+$0xB000];
	v11 =	vadd.s32 v13, v11  }
.Ltmp2:
0x57: {  	v10 =	vld [tilespmem:s22+$0xB800];
	[tilespmem:s22+$0x9000] =	vst v11;
	v11 =	vadd.s32 v11, v7;
	(pc) =	sbr.rel @!p0 .LBB2_8-.Ltmp2, $4  }
0x58: {  	v7 =	vld [tilespmem:s22+$0xD800];
	[tilespmem:s22+$0x9800] =	vst v11;
	v11 =	vadd.s32 v11, v9  }
0x59: {  	v9 =	vld [tilespmem:s22+$0xE000];
	[tilespmem:s22+$0xA000] =	vst v11;
	v11 =	vadd.s32 v11, v6  }
0x5a: {  	[tilespmem:s22+$0x8800] =	vst v13;
	v6 =	vld [tilespmem:s22+$0xF800];
	v12 =	vadd.s32 v11, v8  }
0x5b: {  	s21 =	simm.s32 $0x0;
	s23 =	simm.s32 $0x40;
	[tilespmem:s22+$0xA800] =	vst v11;
	v11 =	vld [tilespmem:s22+$0xF000];
	v8 =	vadd.s32 v12, v14  }
.LBB2_7:
0x5c: {  	s24 =	sshra.s32 s23, $0x2;
	p0 =	sne.s32 s23, $0x1FC0;
	s23 =	sadd.s32 $0x40, s23;
	[tilespmem:s22+$0xB000] =	vst v12;
	v10 =	vadd.s32 v8, v10;
	v12 =	vld [tilespmem:s22+$0xE800]  }
0x5d: {  	v13 =	vld [tilespmem:s24+$0xA800];
	[tilespmem:s22+$0xC000] =	vst v10;
	v5 =	vadd.s32 v10, v5  }
0x5e: {  	v14 =	vld [tilespmem:s24+$0xA000];
	[tilespmem:s22+$0xC800] =	vst v5;
	v4 =	vadd.s32 v5, v4  }
0x5f: {  	v15 =	vld [tilespmem:s24+$0x9800];
	[tilespmem:s22+$0xD000] =	vst v4;
	v3 =	vadd.s32 v4, v3  }
0x60: {  	v16 =	vld [tilespmem:s24+$0x9000];
	[tilespmem:s22+$0xD800] =	vst v3;
	v3 =	vadd.s32 v3, v7  }
0x61: {  	v7 =	vld [tilespmem:s24+$0x8800];
	[tilespmem:s22+$0xE000] =	vst v3;
	v3 =	vadd.s32 v3, v9  }
0x62: {  	v17 =	vld [tilespmem:s24+$0x8000];
	[tilespmem:s22+$0xE800] =	vst v3;
	v3 =	vadd.s32 v3, v12  }
0x63: {  	v5 =	vld [tilespmem:s24+$0xC000];
	[tilespmem:s22+$0xF000] =	vst v3;
	v9 =	vadd.s32 v3, v11  }
0x64: {  	v4 =	vld [tilespmem:s24+$0xC800];
	[tilespmem:s22+$0xF800] =	vst v9  }
0x65: {  	v6 =	vadd.s32 v9, v6;
	v3 =	vld [tilespmem:s24+$0xD000];
	[tilespmem:s22+$0xB800] =	vst v8  }
0x66: {  	v10 =	vld [tilespmem:s24+$0xB800];
	[tilespmem:s22+$0x10000] =	vst v6;
	s22 =	smov.u32 s24  }
0x67: {  	[tilespmem:s22+$0x8000] =	vst v0;
	v6 =	vadd.s32 v17, v7;
	v8 =	vld [tilespmem:s22+$0xB000]  }
.Ltmp3:
0x68: {  	[tilespmem:s22+$0x9000] =	vst v6;
	v6 =	vadd.s32 v6, v16;
	v7 =	vld [tilespmem:s22+$0xD800];
	(pc) =	sbr.rel @p0 .LBB2_7-.Ltmp3, $4  }
0x69: {  	[tilespmem:s22+$0x9800] =	vst v6;
	v6 =	vadd.s32 v6, v15;
	v9 =	vld [tilespmem:s22+$0xE000]  }
0x6a: {  	[tilespmem:s22+$0xA000] =	vst v6;
	v6 =	vadd.s32 v6, v14  }
0x6b: {  	[tilespmem:s22+$0xA800] =	vst v6;
	v12 =	vadd.s32 v6, v13;
	v6 =	vld [tilespmem:s22+$0xF800]  }
0x6c: {  	[tilespmem:s22+$0x8800] =	vst v17;
	v8 =	vadd.s32 v12, v8;
	v11 =	vld [tilespmem:s22+$0xF000]  }
.LBB2_8:
0x6d: {  	[tilespmem:s22+$0xB000] =	vst v12  }
0x6e: {  	v10 =	vadd.s32 v8, v10;
	[tilespmem:s22+$0xB800] =	vst v8  }
0x6f: {  	v63 =	vld [tilespmem:s22+$0xE800];
	[tilespmem:s22+$0xC000] =	vst v10;
	v5 =	vadd.s32 v10, v5  }
0x70: {  	[tilespmem:s22+$0xC800] =	vst v5;
	v4 =	vadd.s32 v5, v4  }
0x71: {  	[tilespmem:s22+$0xD000] =	vst v4;
	v3 =	vadd.s32 v4, v3  }
0x72: {  	[tilespmem:s22+$0xD800] =	vst v3;
	v3 =	vadd.s32 v3, v7  }
0x73: {  	[tilespmem:s22+$0xE000] =	vst v3;
	v3 =	vadd.s32 v3, v9  }
0x74: {  	[tilespmem:s22+$0xE800] =	vst v3;
	v3 =	vadd.s32 v3, v63  }
0x75: {  	[tilespmem:s22+$0xF000] =	vst v3;
	v3 =	vadd.s32 v3, v11  }
0x76: {  	[tilespmem:s22+$0xF800] =	vst v3;
	v3 =	vadd.s32 v3, v6  }
0x77: {  	s23 =	simm.s32 $0x0;
	[tilespmem:s22+$0x10000] =	vst v3;
	s22 =	simm.s32 $0x8000  }
.LBB2_9:
0x78: {  	s24 =	sshll.u32 s23, $0x8  }
0x79: {  	s24 =	sadd.s32 $0x10000, s24  }
0x7a: {  	[spmem:s9] =	stream.linear.scatter [tilespmem:s24], [sflag:$0x2], $0x100, $0x38;
	[tilespmem:$0x19900] =	vst v63  }
0x7b: {  	_ =	swait.ge [sflag:s13], $0x100  }
0x7c: {  	[sflag:s13] =	ssyncset.done $0x0  }
0x7d: {  	[sflag:s13] =	ssyncadd.s32 $0xFFFFFF00  }
0x7e: {  	[bflag:$0x0] =	sbarrier.arrive $0xFFFF  }
0x7f: {  	[tilespmem:s15], [sflag:$0x2] =	stream.linear.gather [spmem:s1], $0x1000, $0x38;
	[tilespmem:$0x19900] =	vst v63  }
0x80: {  	_ =	swait.ge [sflag:s13], $0x1000  }
0x81: {  	[sflag:s13] =	ssyncset.done $0x0  }
0x82: {  	s24 =	simm.s32 $0x0;
	[sflag:s13] =	ssyncadd.s32 $0xFFFFF000  }
0x83: {  	v3 =	vld [tilespmem:s24+$0x10800]  }
0x84: {  	v4 =	vld [tilespmem:s24+$0x10900]  }
0x85: {  	v5 =	vld [tilespmem:s24+$0x10A00]  }
0x86: {  	v6 =	vld [tilespmem:s24+$0x10B00]  }
0x87: {  	v7 =	vld [tilespmem:s24+$0x10C00]  }
0x88: {  	v8 =	vld [tilespmem:s24+$0x10D00]  }
0x89: {  	v10 =	vld [tilespmem:s24+$0x10E00];
	v9 =	vadd.s32 v3, v4  }
0x8a: {  	v11 =	vld [tilespmem:s24+$0x10F00];
	v9 =	vadd.s32 v5, v9  }
0x8b: {  	v12 =	vld [tilespmem:s24+$0x11000];
	v9 =	vadd.s32 v6, v9  }
0x8c: {  	v13 =	vld [tilespmem:s24+$0x11100];
	v9 =	vadd.s32 v7, v9  }
0x8d: {  	v14 =	vld [tilespmem:s24+$0x11200];
	v3 =	vsel vm14, $0x0, v3;
	v4 =	vnsel vm13, $0x0, v4;
	v9 =	vadd.s32 v8, v9  }
0x8e: {  	v15 =	vld [tilespmem:s24+$0x11300];
	v57 =	vnsel vm8, $0x0, v10;
	v3 =	vadd.s32 s21, v3;
	v9 =	vadd.s32 v10, v9  }
0x8f: {  	v56 =	vld [tilespmem:s24+$0x11400];
	v5 =	vnsel vm12, $0x0, v5;
	v3 =	vadd.s32 v4, v3;
	v4 =	vadd.s32 v11, v9  }
0x90: {  	v6 =	vnsel vm11, $0x0, v6;
	v3 =	vadd.s32 v5, v3;
	v5 =	vld [tilespmem:s24+$0x11500];
	v4 =	vadd.s32 v12, v4  }
0x91: {  	v7 =	vnsel vm10, $0x0, v7;
	v3 =	vadd.s32 v6, v3;
	v6 =	vld [tilespmem:s24+$0x11600];
	v4 =	vadd.s32 v13, v4  }
0x92: {  	v8 =	vnsel vm9, $0x0, v8;
	v3 =	vadd.s32 v7, v3;
	v7 =	vld [tilespmem:s24+$0x11700];
	v4 =	vadd.s32 v14, v4  }
0x93: {  	v58 =	vnsel vm7, $0x0, v11;
	v3 =	vadd.s32 v8, v3;
	v4 =	vadd.s32 v15, v4  }
0x94: {  	v59 =	vnsel vm6, $0x0, v12;
	v3 =	vadd.s32 v57, v3;
	v4 =	vadd.s32 v56, v4  }
0x95: {  	v60 =	vnsel vm5, $0x0, v13;
	v8 =	vadd.s32 v58, v3;
	v4 =	vadd.s32 v5, v4  }
0x96: {  	v3 =	vmov s22;
	v8 =	vadd.s32 v59, v8;
	v4 =	vadd.s32 v6, v4  }
0x97: {  	v8 =	vadd.s32 v60, v8;
	v4 =	vadd.s32 v7, v4;
	v7 =	vnsel vm4, $0x0, v14  }
0x98: {  	v61 =	vnsel vm3, $0x0, v15;
	v7 =	vadd.s32 v7, v8  }
0x99: {  	v62 =	vnsel vm2, $0x0, v56;
	(xrf0) =	vadd.scan.msk.s32 $0xffff, v4;
	v7 =	vadd.s32 v61, v7  }
0x9a: {  	v5 =	vnsel vm1, $0x0, v5;
	v7 =	vadd.s32 v62, v7  }
0x9b: {  	v6 =	vnsel vm0, $0x0, v6;
	v5 =	vadd.s32 v5, v7  }
0x9c: {  	v63 =	vld.idx.msk [tilespmem:v3+s24+$0x0 ss:$0x1], $0xffff;
	v5 =	vadd.s32 v6, v5  }
0x9d: {  	v7 =	vld.idx.msk [tilespmem:v3+s24+$0x800 ss:$0x1], $0xffff;
	_ =	sdelay $0x1  }
0x9e: {  	v4 =	vsub.s32 v5, v4;
	v5, _, _ =	vpop (xrf0)  }
0x9f: {  	v4 =	vadd.s32 v5, v4  }
0xa0: {  	v6 =	vadd.s32 v63, v4  }
0xa1: {  	v7 =	vadd.s32 v7, v4;
	[tilespmem:v3+s24+$0x0 ss:$0x1] =	vst.idx.msk $0xffff, v6  }
0xa2: {  	[tilespmem:v3+s24+$0x800 ss:$0x1] =	vst.idx.msk $0xffff, v7  }
0xa3: {  	v6 =	vld.idx.msk [tilespmem:v3+s24+$0x1000 ss:$0x1], $0xffff  }
0xa4: {  	v7 =	vld.idx.msk [tilespmem:v3+s24+$0x1800 ss:$0x1], $0xffff;
	_ =	sdelay $0x3  }
0xa5: {  	v6 =	vadd.s32 v4, v6  }
0xa6: {  	[tilespmem:v3+s24+$0x1000 ss:$0x1] =	vst.idx.msk $0xffff, v6;
	v6 =	vadd.s32 v4, v7  }
0xa7: {  	[tilespmem:v3+s24+$0x1800 ss:$0x1] =	vst.idx.msk $0xffff, v6  }
0xa8: {  	v6 =	vld.idx.msk [tilespmem:v3+s24+$0x2000 ss:$0x1], $0xffff  }
0xa9: {  	v7 =	vld.idx.msk [tilespmem:v3+s24+$0x2800 ss:$0x1], $0xffff;
	_ =	sdelay $0x3  }
0xaa: {  	v6 =	vadd.s32 v4, v6  }
0xab: {  	[tilespmem:v3+s24+$0x2000 ss:$0x1] =	vst.idx.msk $0xffff, v6;
	v6 =	vadd.s32 v4, v7  }
0xac: {  	[tilespmem:v3+s24+$0x2800 ss:$0x1] =	vst.idx.msk $0xffff, v6  }
0xad: {  	v6 =	vld.idx.msk [tilespmem:v3+s24+$0x3000 ss:$0x1], $0xffff  }
0xae: {  	v7 =	vld.idx.msk [tilespmem:v3+s24+$0x3800 ss:$0x1], $0xffff;
	_ =	sdelay $0x3  }
0xaf: {  	v6 =	vadd.s32 v4, v6  }
0xb0: {  	[tilespmem:v3+s24+$0x3000 ss:$0x1] =	vst.idx.msk $0xffff, v6;
	v6 =	vadd.s32 v4, v7  }
0xb1: {  	[tilespmem:v3+s24+$0x3800 ss:$0x1] =	vst.idx.msk $0xffff, v6  }
0xb2: {  	v6 =	vld.idx.msk [tilespmem:v3+s24+$0x4000 ss:$0x1], $0xffff  }
0xb3: {  	v7 =	vld.idx.msk [tilespmem:v3+s24+$0x4800 ss:$0x1], $0xffff;
	_ =	sdelay $0x3  }
0xb4: {  	v6 =	vadd.s32 v4, v6  }
0xb5: {  	[tilespmem:v3+s24+$0x4000 ss:$0x1] =	vst.idx.msk $0xffff, v6;
	v6 =	vadd.s32 v4, v7  }
0xb6: {  	[tilespmem:v3+s24+$0x4800 ss:$0x1] =	vst.idx.msk $0xffff, v6  }
0xb7: {  	v6 =	vld.idx.msk [tilespmem:v3+s24+$0x5000 ss:$0x1], $0xffff;
	_ =	sdelay $0x4  }
0xb8: {  	v6 =	vadd.s32 v4, v6  }
0xb9: {  	[tilespmem:v3+s24+$0x5000 ss:$0x1] =	vst.idx.msk $0xffff, v6  }
0xba: {  	v6 =	vld.idx.msk [tilespmem:v3+s24+$0x5800 ss:$0x1], $0xffff;
	_ =	sdelay $0x4  }
0xbb: {  	v6 =	vadd.s32 v4, v6  }
0xbc: {  	[tilespmem:v3+s24+$0x5800 ss:$0x1] =	vst.idx.msk $0xffff, v6  }
0xbd: {  	v6 =	vld.idx.msk [tilespmem:v3+s24+$0x6000 ss:$0x1], $0xffff;
	_ =	sdelay $0x4  }
0xbe: {  	(v2sf) =	vpush v5, $0xF;
	v5 =	vadd.s32 v4, v6  }
0xbf: {  	[tilespmem:v3+s24+$0x6000 ss:$0x1] =	vst.idx.msk $0xffff, v5  }
0xc0: {  	v5 =	vld.idx.msk [tilespmem:v3+s24+$0x6800 ss:$0x1], $0xffff;
	_ =	sdelay $0x4  }
0xc1: {  	v5 =	vadd.s32 v4, v5  }
0xc2: {  	[tilespmem:v3+s24+$0x6800 ss:$0x1] =	vst.idx.msk $0xffff, v5  }
0xc3: {  	v5 =	vld.idx.msk [tilespmem:v3+s24+$0x7000 ss:$0x1], $0xffff;
	_ =	sdelay $0x4  }
0xc4: {  	v5 =	vadd.s32 v4, v5  }
0xc5: {  	s26 =	spop (v2sf);
	[tilespmem:v3+s24+$0x7000 ss:$0x1] =	vst.idx.msk $0xffff, v5  }
0xc6: {  	s25 =	simm.s32 $0x40;
	s21 =	sadd.s32 s21, s26;
	v5 =	vld.idx.msk [tilespmem:v3+s24+$0x7800 ss:$0x1], $0xffff  }
.LBB2_10:
0xc7: {  	p0 =	sne.s32 s25, $0x3C0;
	s26 =	smov.u32 s25;
	s25 =	sadd.s32 $0x40, s25  }
0xc8: {  	_ =	sdelay $0x3  }
0xc9: {  	v4 =	vadd.s32 v4, v5  }
0xca: {  	[tilespmem:v3+s24+$0x7800 ss:$0x1] =	vst.idx.msk $0xffff, v4;
	s24 =	sshra.s32 s26, $0x2  }
0xcb: {  	v4 =	vld [tilespmem:s24+$0x10800]  }
0xcc: {  	v5 =	vld [tilespmem:s24+$0x10900]  }
0xcd: {  	v6 =	vld [tilespmem:s24+$0x10A00]  }
0xce: {  	v7 =	vld [tilespmem:s24+$0x10B00]  }
0xcf: {  	v8 =	vld [tilespmem:s24+$0x10C00]  }
0xd0: {  	v9 =	vsel vm14, $0x0, v4;
	v10 =	vld [tilespmem:s24+$0x10D00]  }
0xd1: {  	v4 =	vadd.s32 v4, v5;
	v5 =	vnsel vm13, $0x0, v5;
	v11 =	vld [tilespmem:s24+$0x10E00];
	v9 =	vadd.s32 s21, v9  }
0xd2: {  	v4 =	vadd.s32 v6, v4;
	v6 =	vnsel vm12, $0x0, v6;
	v12 =	vld [tilespmem:s24+$0x10F00];
	v5 =	vadd.s32 v5, v9  }
0xd3: {  	v4 =	vadd.s32 v7, v4;
	v7 =	vnsel vm11, $0x0, v7;
	v9 =	vld [tilespmem:s24+$0x11000];
	v5 =	vadd.s32 v6, v5  }
0xd4: {  	v4 =	vadd.s32 v8, v4;
	v6 =	vnsel vm10, $0x0, v8;
	v8 =	vld [tilespmem:s24+$0x11100];
	v5 =	vadd.s32 v7, v5  }
0xd5: {  	v4 =	vadd.s32 v10, v4;
	v7 =	vnsel vm9, $0x0, v10;
	v10 =	vld [tilespmem:s24+$0x11200];
	v5 =	vadd.s32 v6, v5  }
0xd6: {  	v4 =	vadd.s32 v11, v4;
	v6 =	vnsel vm8, $0x0, v11;
	v11 =	vld [tilespmem:s24+$0x11300];
	v5 =	vadd.s32 v7, v5  }
0xd7: {  	v4 =	vadd.s32 v12, v4;
	v7 =	vnsel vm7, $0x0, v12;
	v12 =	vld [tilespmem:s24+$0x11400];
	v5 =	vadd.s32 v6, v5  }
0xd8: {  	v4 =	vadd.s32 v9, v4;
	v6 =	vnsel vm6, $0x0, v9;
	v9 =	vld [tilespmem:s24+$0x11500];
	v5 =	vadd.s32 v7, v5  }
0xd9: {  	v4 =	vadd.s32 v8, v4;
	v7 =	vnsel vm5, $0x0, v8;
	v8 =	vld [tilespmem:s24+$0x11600];
	v5 =	vadd.s32 v6, v5  }
0xda: {  	v4 =	vadd.s32 v10, v4;
	v6 =	vnsel vm4, $0x0, v10;
	v10 =	vld [tilespmem:s24+$0x11700];
	v5 =	vadd.s32 v7, v5  }
0xdb: {  	v4 =	vadd.s32 v11, v4;
	v7 =	vnsel vm3, $0x0, v11;
	v5 =	vadd.s32 v6, v5  }
0xdc: {  	v4 =	vadd.s32 v12, v4;
	v6 =	vnsel vm2, $0x0, v12;
	v5 =	vadd.s32 v7, v5  }
0xdd: {  	v4 =	vadd.s32 v9, v4;
	v7 =	vnsel vm1, $0x0, v9;
	v5 =	vadd.s32 v6, v5  }
0xde: {  	v4 =	vadd.s32 v8, v4;
	v6 =	vnsel vm0, $0x0, v8;
	v5 =	vadd.s32 v7, v5  }
0xdf: {  	v4 =	vadd.s32 v10, v4;
	v5 =	vadd.s32 v6, v5  }
0xe0: {  	v5 =	vsub.s32 v5, v4;
	(xrf0) =	vadd.scan.msk.s32 $0xffff, v4  }
0xe1: {  	v6 =	vld.idx.msk [tilespmem:v3+s24+$0x800 ss:$0x1], $0xffff  }
0xe2: {  	v7 =	vld.idx.msk [tilespmem:v3+s24+$0x0 ss:$0x1], $0xffff;
	_ =	sdelay $0x3  }
0xe3: {  	v8, _, _ =	vpop (xrf0)  }
0xe4: {  	v4 =	vadd.s32 v8, v5;
	(v2sf) =	vpush v8, $0xF  }
0xe5: {  	v5 =	vadd.s32 v7, v4;
	v6 =	vadd.s32 v6, v4  }
0xe6: {  	[tilespmem:v3+s24+$0x0 ss:$0x1] =	vst.idx.msk $0xffff, v5  }
0xe7: {  	[tilespmem:v3+s24+$0x800 ss:$0x1] =	vst.idx.msk $0xffff, v6  }
0xe8: {  	v5 =	vld.idx.msk [tilespmem:v3+s24+$0x1000 ss:$0x1], $0xffff  }
0xe9: {  	v6 =	vld.idx.msk [tilespmem:v3+s24+$0x1800 ss:$0x1], $0xffff;
	_ =	sdelay $0x4  }
0xea: {  	v5 =	vadd.s32 v4, v5  }
0xeb: {  	[tilespmem:v3+s24+$0x1000 ss:$0x1] =	vst.idx.msk $0xffff, v5;
	v5 =	vadd.s32 v4, v6  }
0xec: {  	[tilespmem:v3+s24+$0x1800 ss:$0x1] =	vst.idx.msk $0xffff, v5  }
0xed: {  	v5 =	vld.idx.msk [tilespmem:v3+s24+$0x2000 ss:$0x1], $0xffff  }
0xee: {  	v6 =	vld.idx.msk [tilespmem:v3+s24+$0x2800 ss:$0x1], $0xffff  }
0xef: {  	s26 =	spop (v2sf)  }
0xf0: {  	s21 =	sadd.s32 s21, s26;
	_ =	sdelay $0x2  }
0xf1: {  	v5 =	vadd.s32 v4, v5  }
0xf2: {  	[tilespmem:v3+s24+$0x2000 ss:$0x1] =	vst.idx.msk $0xffff, v5;
	v5 =	vadd.s32 v4, v6  }
0xf3: {  	[tilespmem:v3+s24+$0x2800 ss:$0x1] =	vst.idx.msk $0xffff, v5  }
0xf4: {  	v5 =	vld.idx.msk [tilespmem:v3+s24+$0x3000 ss:$0x1], $0xffff  }
0xf5: {  	v6 =	vld.idx.msk [tilespmem:v3+s24+$0x3800 ss:$0x1], $0xffff;
	_ =	sdelay $0x4  }
0xf6: {  	v5 =	vadd.s32 v4, v5  }
0xf7: {  	[tilespmem:v3+s24+$0x3000 ss:$0x1] =	vst.idx.msk $0xffff, v5;
	v5 =	vadd.s32 v4, v6  }
0xf8: {  	[tilespmem:v3+s24+$0x3800 ss:$0x1] =	vst.idx.msk $0xffff, v5  }
0xf9: {  	v5 =	vld.idx.msk [tilespmem:v3+s24+$0x4000 ss:$0x1], $0xffff  }
0xfa: {  	v6 =	vld.idx.msk [tilespmem:v3+s24+$0x4800 ss:$0x1], $0xffff;
	_ =	sdelay $0x4  }
0xfb: {  	v5 =	vadd.s32 v4, v5  }
0xfc: {  	[tilespmem:v3+s24+$0x4000 ss:$0x1] =	vst.idx.msk $0xffff, v5;
	v5 =	vadd.s32 v4, v6  }
0xfd: {  	[tilespmem:v3+s24+$0x4800 ss:$0x1] =	vst.idx.msk $0xffff, v5  }
0xfe: {  	v5 =	vld.idx.msk [tilespmem:v3+s24+$0x5000 ss:$0x1], $0xffff;
	_ =	sdelay $0x5  }
0xff: {  	v5 =	vadd.s32 v4, v5  }
0x100: {  	[tilespmem:v3+s24+$0x5000 ss:$0x1] =	vst.idx.msk $0xffff, v5  }
0x101: {  	v5 =	vld.idx.msk [tilespmem:v3+s24+$0x5800 ss:$0x1], $0xffff;
	_ =	sdelay $0x5  }
0x102: {  	v5 =	vadd.s32 v4, v5  }
0x103: {  	[tilespmem:v3+s24+$0x5800 ss:$0x1] =	vst.idx.msk $0xffff, v5  }
0x104: {  	v5 =	vld.idx.msk [tilespmem:v3+s24+$0x6000 ss:$0x1], $0xffff;
	_ =	sdelay $0x5  }
0x105: {  	v5 =	vadd.s32 v4, v5  }
0x106: {  	[tilespmem:v3+s24+$0x6000 ss:$0x1] =	vst.idx.msk $0xffff, v5  }
0x107: {  	v5 =	vld.idx.msk [tilespmem:v3+s24+$0x6800 ss:$0x1], $0xffff;
	_ =	sdelay $0x5  }
0x108: {  	v5 =	vadd.s32 v4, v5  }
0x109: {  	[tilespmem:v3+s24+$0x6800 ss:$0x1] =	vst.idx.msk $0xffff, v5  }
0x10a: {  	v5 =	vld.idx.msk [tilespmem:v3+s24+$0x7000 ss:$0x1], $0xffff;
	_ =	sdelay $0x3  }
.Ltmp4:
0x10b: {  	(pc) =	sbr.rel @p0 .LBB2_10-.Ltmp4, $4  }
0x10c: {  	_ = 	snop  }
0x10d: {  	v5 =	vadd.s32 v4, v5  }
0x10e: {  	[tilespmem:v3+s24+$0x7000 ss:$0x1] =	vst.idx.msk $0xffff, v5  }
0x10f: {  	v5 =	vld.idx.msk [tilespmem:v3+s24+$0x7800 ss:$0x1], $0xffff  }
0x110: {  	_ = 	snop  }
0x111: {  	s23 =	sadd.s32 $0x1, s23  }
0x112: {  	p0 =	sne.s32 s23, $0x8  }
.Ltmp5:
0x113: {  	_ = 	snop;
	(pc) =	sbr.rel @p0 .LBB2_9-.Ltmp5, $4  }
0x114: {  	v4 =	vadd.s32 v4, v5  }
0x115: {  	[tilespmem:v3+s24+$0x7800 ss:$0x1] =	vst.idx.msk $0xffff, v4  }
0x116: {  	[bflag:$0x0] =	sbarrier.arrive $0xFFFF  }
0x117: {  	s22 =	sadd.s32 $0x100, s22  }
0x118: {  	s22 =	simm.s32 $0x0  }
0x119: {  	v3 =	vld [tilespmem:s22+$0x0];
	_ =	sdelay $0x4  }
0x11a: {  	v3 =	vand.u32 $0x7FF, v3  }
0x11b: {  	v4 =	vxor.u32 v1, v3;
	_ =	sdelay $0x2  }
0x11c: {  	s21 =	simm.s32 $0x10  }
0x11d: {  	v3 =	vld [tilespmem:s21+$0x0]  }
0x11e: {  	s23 =	simm.s32 $0x80;
	v4 =	vld.idx.msk [tilespmem:v4+s14+$0x0], $0xffff  }
.LBB2_13:
0x11f: {  	p0 =	sne.s32 s23, $0xFFC0;
	v5 =	vld [tilespmem:s22+$0x4000];
	_ =	sdelay $0x4  }
0x120: {  	v3 =	vand.u32 $0x7FF, v3;
	v4 =	vadd.s32 v5, v4  }
0x121: {  	v5 =	vxor.u32 v1, v3;
	v3 =	vshll.u32 v4, $0x4  }
.Ltmp6:
0x122: {  	v6 =	vand.u32 $0xFFFFC000, v4;
	v4 =	vshrl.u32 v4, $0xA;
	v3 =	vand.u32 $0x3FF0, v3;
	(pc) =	sbr.rel @p0 .LBB2_13-.Ltmp6, $4  }
0x123: {  	v4 =	vand.u32 $0xF, v4;
	v3 =	vor.u32 v6, v3  }
0x124: {  	s24 =	sshra.s32 s23, $0x2;
	v4 =	vor.u32 v4, v3  }
0x125: {  	v3 =	vld [tilespmem:s24+$0x0];
	[tilespmem:s22+$0x4000] =	vst v4;
	s22 =	smov.u32 s21;
	s21 =	smov.u32 s24  }
0x126: {  	s23 =	sadd.s32 $0x40, s23;
	v4 =	vld.idx.msk [tilespmem:v5+s14+$0x0], $0xffff  }
0x127: {  	v5 =	vld [tilespmem:s22+$0x4000];
	_ =	sdelay $0x4  }
0x128: {  	v3 =	vand.u32 $0x7FF, v3;
	v4 =	vadd.s32 v5, v4  }
0x129: {  	v3 =	vxor.u32 v1, v3;
	v5 =	vshll.u32 v4, $0x4  }
0x12a: {  	v6 =	vand.u32 $0xFFFFC000, v4;
	v4 =	vshrl.u32 v4, $0xA;
	v5 =	vand.u32 $0x3FF0, v5  }
0x12b: {  	v4 =	vand.u32 $0xF, v4;
	v5 =	vor.u32 v6, v5  }
0x12c: {  	v4 =	vor.u32 v4, v5  }
0x12d: {  	[tilespmem:s22+$0x4000] =	vst v4  }
0x12e: {  	v3 =	vld.idx.msk [tilespmem:v3+s14+$0x0], $0xffff  }
0x12f: {  	v4 =	vld [tilespmem:s21+$0x4000];
	_ =	sdelay $0x4  }
0x130: {  	v3 =	vadd.s32 v4, v3  }
0x131: {  	v4 =	vshll.u32 v3, $0x4  }
0x132: {  	v63 =	vand.u32 $0xFFFFC000, v3;
	v3 =	vshrl.u32 v3, $0xA;
	v4 =	vand.u32 $0x3FF0, v4  }
0x133: {  	v3 =	vand.u32 $0xF, v3;
	v4 =	vor.u32 v63, v4  }
0x134: {  	v3 =	vor.u32 v3, v4  }
0x135: {  	s31 =	simm.s32 $0x0;
	s22 =	simm.s32 $0x40;
	[tilespmem:s21+$0x4000] =	vst v3;
	s21 =	simm.s32 $0x0  }
0x136: {  	[spmem:s2] =	stream.indirect.scatter [tilespmem:s31], [sflag:$0x1], $0x1, s16, s16, $0xb8;
	[tilespmem:$0x19900] =	vst v63  }
.LBB2_15:
0x137: {  	p0 =	sne.s32 s22, $0x1FC0;
	[tilespmem:s21+$0xF800] =	vst v0  }
0x138: {  	[tilespmem:s21+$0x8000] =	vst v0  }
0x139: {  	[tilespmem:s21+$0x8800] =	vst v0  }
0x13a: {  	[tilespmem:s21+$0x9000] =	vst v0  }
0x13b: {  	[tilespmem:s21+$0x9800] =	vst v0  }
0x13c: {  	[tilespmem:s21+$0xA000] =	vst v0  }
0x13d: {  	[tilespmem:s21+$0xA800] =	vst v0  }
0x13e: {  	[tilespmem:s21+$0xB000] =	vst v0  }
0x13f: {  	[tilespmem:s21+$0xB800] =	vst v0  }
0x140: {  	[tilespmem:s21+$0xC000] =	vst v0  }
0x141: {  	[tilespmem:s21+$0xC800] =	vst v0  }
.Ltmp7:
0x142: {  	[tilespmem:s21+$0xD000] =	vst v0;
	(pc) =	sbr.rel @p0 .LBB2_15-.Ltmp7, $4  }
0x143: {  	[tilespmem:s21+$0xD800] =	vst v0  }
0x144: {  	[tilespmem:s21+$0xE000] =	vst v0  }
0x145: {  	[tilespmem:s21+$0xE800] =	vst v0  }
0x146: {  	[tilespmem:s21+$0xF000] =	vst v0;
	s21 =	sshra.s32 s22, $0x2;
	s22 =	sadd.s32 $0x40, s22  }
0x147: {  	[tilespmem:s21+$0xF800] =	vst v0  }
0x148: {  	[tilespmem:s21+$0x8000] =	vst v0  }
0x149: {  	[tilespmem:s21+$0x8800] =	vst v0  }
0x14a: {  	[tilespmem:s21+$0x9000] =	vst v0  }
0x14b: {  	[tilespmem:s21+$0x9800] =	vst v0  }
0x14c: {  	[tilespmem:s21+$0xA000] =	vst v0  }
0x14d: {  	[tilespmem:s21+$0xA800] =	vst v0  }
0x14e: {  	[tilespmem:s21+$0xB000] =	vst v0  }
0x14f: {  	[tilespmem:s21+$0xB800] =	vst v0  }
0x150: {  	[tilespmem:s21+$0xC000] =	vst v0  }
0x151: {  	[tilespmem:s21+$0xC800] =	vst v0  }
0x152: {  	[tilespmem:s21+$0xD000] =	vst v0  }
0x153: {  	[tilespmem:s21+$0xD800] =	vst v0  }
0x154: {  	[tilespmem:s21+$0xE000] =	vst v0  }
0x155: {  	[tilespmem:s21+$0xE800] =	vst v0  }
0x156: {  	[tilespmem:s21+$0xF000] =	vst v0  }
0x157: {  	_ =	swait.ge [sflag:s17], $0x4000  }
0x158: {  	[sflag:s17] =	ssyncset.done $0x0  }
0x159: {  	[sflag:s17] =	ssyncadd.s32 $0xFFFFC000  }
0x15a: {  	s31 =	simm.s32 $0x0;
	[bflag:$0x0] =	sbarrier.arrive $0xFFFF  }
0x15b: {  	[tilespmem:s31], [sflag:$0x2] =	stream.linear.gather [spmem:s10], $0x4000, $0x38;
	[tilespmem:$0x19900] =	vst v63  }
0x15c: {  	_ =	swait.ge [sflag:s13], $0x4000  }
0x15d: {  	[sflag:s13] =	ssyncset.done $0x0  }
0x15e: {  	s21 =	simm.s32 $0x0;
	[sflag:s13] =	ssyncadd.s32 $0xFFFFC000  }
0x15f: {  	v3 =	vld [tilespmem:s21+$0x0];
	_ =	sdelay $0x4  }
0x160: {  	v3 =	vshrl.u32 v3, $0xB  }
0x161: {  	v3 =	vand.u32 $0x3FF, v3  }
0x162: {  	v4 =	vxor.u32 v2, v3;
	_ =	sdelay $0x4  }
0x163: {  	v3 =	vld.idx.msk [tilespmem:v4+s14+$0x0], $0xffff;
	_ =	sdelay $0x4  }
0x164: {  	s22 =	simm.s32 $0x40;
	v5 =	vadd.s32 $0x1, v3  }
0x165: {  	s25 =	simm.s32 $0x10;
	s24 =	simm.s32 $0x80;
	s23 =	simm.s32 $0x0;
	[tilespmem:v4+s14+$0x0] =	vst.idx.msk $0xffff, v5  }
.LBB2_17:
0x166: {  	p0 =	sne.s32 s24, $0xFFC0;
	v4 =	vld [tilespmem:s25+$0x0];
	[tilespmem:s23+$0x4000] =	vst v3;
	s23 =	smov.u32 s25;
	_ =	sdelay $0x4  }
0x167: {  	v3 =	vshrl.u32 v4, $0xB  }
0x168: {  	v3 =	vand.u32 $0x3FF, v3  }
0x169: {  	v4 =	vxor.u32 v2, v3;
	_ =	sdelay $0x4  }
0x16a: {  	v3 =	vld.idx.msk [tilespmem:v4+s14+$0x0], $0xffff;
	_ =	sdelay $0x2  }
.Ltmp8:
0x16b: {  	(pc) =	sbr.rel @p0 .LBB2_17-.Ltmp8, $3  }
0x16c: {  	_ =	sdelay $0x1  }
0x16d: {  	v5 =	vadd.s32 $0x1, v3  }
0x16e: {  	s25 =	sshra.s32 s24, $0x2;
	s24 =	sadd.s32 $0x40, s24;
	[tilespmem:v4+s14+$0x0] =	vst.idx.msk $0xffff, v5  }
0x16f: {  	v4 =	vld [tilespmem:s25+$0x0];
	_ =	sdelay $0x4  }
0x170: {  	v4 =	vshrl.u32 v4, $0xB  }
0x171: {  	v4 =	vand.u32 $0x3FF, v4  }
0x172: {  	v4 =	vxor.u32 v2, v4;
	_ =	sdelay $0x3  }
0x173: {  	[tilespmem:s23+$0x4000] =	vst v3  }
0x174: {  	v3 =	vld.idx.msk [tilespmem:v4+s14+$0x0], $0xffff;
	_ =	sdelay $0x4  }
0x175: {  	v5 =	vadd.s32 $0x1, v3  }
0x176: {  	[tilespmem:v4+s14+$0x0] =	vst.idx.msk $0xffff, v5  }
0x177: {  	[tilespmem:s25+$0x4000] =	vst v3  }
0x178: {  	v7 =	vld [tilespmem:s21+$0xA800]  }
0x179: {  	v6 =	vld [tilespmem:s21+$0xA000]  }
0x17a: {  	v9 =	vld [tilespmem:s21+$0x9800]  }
0x17b: {  	v10 =	vld [tilespmem:s21+$0x8800]  }
0x17c: {  	v13 =	vld [tilespmem:s21+$0x8000]  }
0x17d: {  	v8 =	vld [tilespmem:s21+$0x9000]  }
0x17e: {  	v5 =	vld [tilespmem:s21+$0xC000]  }
0x17f: {  	v4 =	vld [tilespmem:s21+$0xC800]  }
0x180: {  	v3 =	vld [tilespmem:s21+$0xD000]  }
0x181: {  	[tilespmem:s21+$0x8000] =	vst v0;
	v14 =	vld [tilespmem:s21+$0xB000];
	v10 =	vadd.s32 v13, v10  }
0x182: {  	v11 =	vld [tilespmem:s21+$0xB800];
	[tilespmem:s21+$0x9000] =	vst v10;
	v10 =	vadd.s32 v10, v8  }
0x183: {  	v8 =	vld [tilespmem:s21+$0xD800];
	[tilespmem:s21+$0x9800] =	vst v10;
	v10 =	vadd.s32 v10, v9  }
0x184: {  	v9 =	vld [tilespmem:s21+$0xE000];
	[tilespmem:s21+$0xA000] =	vst v10;
	v10 =	vadd.s32 v10, v6  }
0x185: {  	[tilespmem:s21+$0x8800] =	vst v13;
	v6 =	vld [tilespmem:s21+$0xF800];
	v12 =	vadd.s32 v10, v7  }
0x186: {  	[tilespmem:s21+$0xA800] =	vst v10;
	v10 =	vld [tilespmem:s21+$0xF000];
	v7 =	vadd.s32 v12, v14  }
.LBB2_19:
0x187: {  	s23 =	sshra.s32 s22, $0x2;
	p0 =	sne.s32 s22, $0xFC0;
	s22 =	sadd.s32 $0x40, s22;
	[tilespmem:s21+$0xB000] =	vst v12;
	v11 =	vadd.s32 v7, v11;
	v12 =	vld [tilespmem:s21+$0xE800]  }
0x188: {  	v13 =	vld [tilespmem:s23+$0xA800];
	[tilespmem:s21+$0xC000] =	vst v11;
	v5 =	vadd.s32 v11, v5  }
0x189: {  	v14 =	vld [tilespmem:s23+$0xA000];
	[tilespmem:s21+$0xC800] =	vst v5;
	v4 =	vadd.s32 v5, v4  }
0x18a: {  	v15 =	vld [tilespmem:s23+$0x9800];
	[tilespmem:s21+$0xD000] =	vst v4;
	v3 =	vadd.s32 v4, v3  }
0x18b: {  	v16 =	vld [tilespmem:s23+$0x9000];
	[tilespmem:s21+$0xD800] =	vst v3;
	v3 =	vadd.s32 v3, v8  }
0x18c: {  	v8 =	vld [tilespmem:s23+$0x8800];
	[tilespmem:s21+$0xE000] =	vst v3;
	v3 =	vadd.s32 v3, v9  }
0x18d: {  	v17 =	vld [tilespmem:s23+$0x8000];
	[tilespmem:s21+$0xE800] =	vst v3;
	v3 =	vadd.s32 v3, v12  }
0x18e: {  	v5 =	vld [tilespmem:s23+$0xC000];
	[tilespmem:s21+$0xF000] =	vst v3;
	v9 =	vadd.s32 v3, v10  }
0x18f: {  	v4 =	vld [tilespmem:s23+$0xC800];
	[tilespmem:s21+$0xF800] =	vst v9  }
0x190: {  	v6 =	vadd.s32 v9, v6;
	v3 =	vld [tilespmem:s23+$0xD000];
	[tilespmem:s21+$0xB800] =	vst v7  }
0x191: {  	v11 =	vld [tilespmem:s23+$0xB800];
	[tilespmem:s21+$0x10000] =	vst v6;
	s21 =	smov.u32 s23  }
0x192: {  	[tilespmem:s21+$0x8000] =	vst v0;
	v6 =	vadd.s32 v17, v8;
	v7 =	vld [tilespmem:s21+$0xB000]  }
.Ltmp9:
0x193: {  	[tilespmem:s21+$0x9000] =	vst v6;
	v6 =	vadd.s32 v6, v16;
	v8 =	vld [tilespmem:s21+$0xD800];
	(pc) =	sbr.rel @p0 .LBB2_19-.Ltmp9, $4  }
0x194: {  	[tilespmem:s21+$0x9800] =	vst v6;
	v6 =	vadd.s32 v6, v15;
	v9 =	vld [tilespmem:s21+$0xE000]  }
0x195: {  	[tilespmem:s21+$0xA000] =	vst v6;
	v6 =	vadd.s32 v6, v14  }
0x196: {  	[tilespmem:s21+$0xA800] =	vst v6;
	v12 =	vadd.s32 v6, v13;
	v6 =	vld [tilespmem:s21+$0xF800]  }
0x197: {  	[tilespmem:s21+$0x8800] =	vst v17;
	v7 =	vadd.s32 v12, v7;
	v10 =	vld [tilespmem:s21+$0xF000]  }
0x198: {  	[tilespmem:s21+$0xB000] =	vst v12  }
0x199: {  	v11 =	vadd.s32 v7, v11;
	[tilespmem:s21+$0xB800] =	vst v7  }
0x19a: {  	v63 =	vld [tilespmem:s21+$0xE800];
	[tilespmem:s21+$0xC000] =	vst v11;
	v5 =	vadd.s32 v11, v5  }
0x19b: {  	[tilespmem:s21+$0xC800] =	vst v5;
	v4 =	vadd.s32 v5, v4  }
0x19c: {  	[tilespmem:s21+$0xD000] =	vst v4;
	v3 =	vadd.s32 v4, v3  }
0x19d: {  	[tilespmem:s21+$0xD800] =	vst v3;
	v3 =	vadd.s32 v3, v8  }
0x19e: {  	[tilespmem:s21+$0xE000] =	vst v3;
	v3 =	vadd.s32 v3, v9  }
0x19f: {  	[tilespmem:s21+$0xE800] =	vst v3;
	v3 =	vadd.s32 v3, v63  }
0x1a0: {  	[tilespmem:s21+$0xF000] =	vst v3;
	v3 =	vadd.s32 v3, v10  }
0x1a1: {  	[tilespmem:s21+$0xF800] =	vst v3;
	v3 =	vadd.s32 v3, v6  }
0x1a2: {  	s22 =	simm.s32 $0x8000;
	s23 =	simm.s32 $0x0;
	[tilespmem:s21+$0x10000] =	vst v3;
	s21 =	simm.s32 $0x0  }
.LBB2_21:
0x1a3: {  	s24 =	sshll.u32 s23, $0x8  }
0x1a4: {  	s24 =	sadd.s32 $0x10000, s24  }
0x1a5: {  	[spmem:s9] =	stream.linear.scatter [tilespmem:s24], [sflag:$0x2], $0x100, $0x38;
	[tilespmem:$0x19900] =	vst v63  }
0x1a6: {  	_ =	swait.ge [sflag:s13], $0x100  }
0x1a7: {  	[sflag:s13] =	ssyncset.done $0x0  }
0x1a8: {  	[sflag:s13] =	ssyncadd.s32 $0xFFFFFF00  }
0x1a9: {  	[bflag:$0x0] =	sbarrier.arrive $0xFFFF  }
0x1aa: {  	[tilespmem:s15], [sflag:$0x2] =	stream.linear.gather [spmem:s1], $0x1000, $0x38;
	[tilespmem:$0x19900] =	vst v63  }
0x1ab: {  	_ =	swait.ge [sflag:s13], $0x1000  }
0x1ac: {  	[sflag:s13] =	ssyncset.done $0x0  }
0x1ad: {  	s24 =	simm.s32 $0x0;
	[sflag:s13] =	ssyncadd.s32 $0xFFFFF000  }
0x1ae: {  	v3 =	vld [tilespmem:s24+$0x10800]  }
0x1af: {  	v4 =	vld [tilespmem:s24+$0x10900]  }
0x1b0: {  	v5 =	vld [tilespmem:s24+$0x10A00]  }
0x1b1: {  	v6 =	vld [tilespmem:s24+$0x10B00]  }
0x1b2: {  	v7 =	vld [tilespmem:s24+$0x10C00]  }
0x1b3: {  	v8 =	vld [tilespmem:s24+$0x10D00]  }
0x1b4: {  	v10 =	vld [tilespmem:s24+$0x10E00];
	v9 =	vadd.s32 v3, v4  }
0x1b5: {  	v11 =	vld [tilespmem:s24+$0x10F00];
	v9 =	vadd.s32 v5, v9  }
0x1b6: {  	v12 =	vld [tilespmem:s24+$0x11000];
	v9 =	vadd.s32 v6, v9  }
0x1b7: {  	v13 =	vld [tilespmem:s24+$0x11100];
	v9 =	vadd.s32 v7, v9  }
0x1b8: {  	v14 =	vld [tilespmem:s24+$0x11200];
	v3 =	vsel vm14, $0x0, v3;
	v4 =	vnsel vm13, $0x0, v4;
	v9 =	vadd.s32 v8, v9  }
0x1b9: {  	v15 =	vld [tilespmem:s24+$0x11300];
	v57 =	vnsel vm8, $0x0, v10;
	v3 =	vadd.s32 s21, v3;
	v9 =	vadd.s32 v10, v9  }
0x1ba: {  	v56 =	vld [tilespmem:s24+$0x11400];
	v5 =	vnsel vm12, $0x0, v5;
	v3 =	vadd.s32 v4, v3;
	v4 =	vadd.s32 v11, v9  }
0x1bb: {  	v6 =	vnsel vm11, $0x0, v6;
	v3 =	vadd.s32 v5, v3;
	v5 =	vld [tilespmem:s24+$0x11500];
	v4 =	vadd.s32 v12, v4  }
0x1bc: {  	v7 =	vnsel vm10, $0x0, v7;
	v3 =	vadd.s32 v6, v3;
	v6 =	vld [tilespmem:s24+$0x11600];
	v4 =	vadd.s32 v13, v4  }
0x1bd: {  	v8 =	vnsel vm9, $0x0, v8;
	v3 =	vadd.s32 v7, v3;
	v7 =	vld [tilespmem:s24+$0x11700];
	v4 =	vadd.s32 v14, v4  }
0x1be: {  	v58 =	vnsel vm7, $0x0, v11;
	v3 =	vadd.s32 v8, v3;
	v4 =	vadd.s32 v15, v4  }
0x1bf: {  	v59 =	vnsel vm6, $0x0, v12;
	v3 =	vadd.s32 v57, v3;
	v4 =	vadd.s32 v56, v4  }
0x1c0: {  	v60 =	vnsel vm5, $0x0, v13;
	v8 =	vadd.s32 v58, v3;
	v4 =	vadd.s32 v5, v4  }
0x1c1: {  	v3 =	vmov s22;
	v8 =	vadd.s32 v59, v8;
	v4 =	vadd.s32 v6, v4  }
0x1c2: {  	v8 =	vadd.s32 v60, v8;
	v4 =	vadd.s32 v7, v4;
	v7 =	vnsel vm4, $0x0, v14  }
0x1c3: {  	v61 =	vnsel vm3, $0x0, v15;
	v7 =	vadd.s32 v7, v8  }
0x1c4: {  	v62 =	vnsel vm2, $0x0, v56;
	(xrf0) =	vadd.scan.msk.s32 $0xffff, v4;
	v7 =	vadd.s32 v61, v7  }
0x1c5: {  	v5 =	vnsel vm1, $0x0, v5;
	v7 =	vadd.s32 v62, v7  }
0x1c6: {  	v6 =	vnsel vm0, $0x0, v6;
	v5 =	vadd.s32 v5, v7  }
0x1c7: {  	v63 =	vld.idx.msk [tilespmem:v3+s24+$0x0 ss:$0x1], $0xffff;
	v5 =	vadd.s32 v6, v5  }
0x1c8: {  	v7 =	vld.idx.msk [tilespmem:v3+s24+$0x800 ss:$0x1], $0xffff;
	_ =	sdelay $0x1  }
0x1c9: {  	v4 =	vsub.s32 v5, v4;
	v5, _, _ =	vpop (xrf0)  }
0x1ca: {  	v4 =	vadd.s32 v5, v4  }
0x1cb: {  	v6 =	vadd.s32 v63, v4  }
0x1cc: {  	v7 =	vadd.s32 v7, v4;
	[tilespmem:v3+s24+$0x0 ss:$0x1] =	vst.idx.msk $0xffff, v6  }
0x1cd: {  	[tilespmem:v3+s24+$0x800 ss:$0x1] =	vst.idx.msk $0xffff, v7  }
0x1ce: {  	v6 =	vld.idx.msk [tilespmem:v3+s24+$0x1000 ss:$0x1], $0xffff  }
0x1cf: {  	v7 =	vld.idx.msk [tilespmem:v3+s24+$0x1800 ss:$0x1], $0xffff;
	_ =	sdelay $0x3  }
0x1d0: {  	v6 =	vadd.s32 v4, v6  }
0x1d1: {  	[tilespmem:v3+s24+$0x1000 ss:$0x1] =	vst.idx.msk $0xffff, v6;
	v6 =	vadd.s32 v4, v7  }
0x1d2: {  	[tilespmem:v3+s24+$0x1800 ss:$0x1] =	vst.idx.msk $0xffff, v6  }
0x1d3: {  	v6 =	vld.idx.msk [tilespmem:v3+s24+$0x2000 ss:$0x1], $0xffff  }
0x1d4: {  	v7 =	vld.idx.msk [tilespmem:v3+s24+$0x2800 ss:$0x1], $0xffff;
	_ =	sdelay $0x3  }
0x1d5: {  	v6 =	vadd.s32 v4, v6  }
0x1d6: {  	[tilespmem:v3+s24+$0x2000 ss:$0x1] =	vst.idx.msk $0xffff, v6;
	v6 =	vadd.s32 v4, v7  }
0x1d7: {  	[tilespmem:v3+s24+$0x2800 ss:$0x1] =	vst.idx.msk $0xffff, v6  }
0x1d8: {  	v6 =	vld.idx.msk [tilespmem:v3+s24+$0x3000 ss:$0x1], $0xffff  }
0x1d9: {  	v7 =	vld.idx.msk [tilespmem:v3+s24+$0x3800 ss:$0x1], $0xffff;
	_ =	sdelay $0x3  }
0x1da: {  	v6 =	vadd.s32 v4, v6  }
0x1db: {  	[tilespmem:v3+s24+$0x3000 ss:$0x1] =	vst.idx.msk $0xffff, v6;
	v6 =	vadd.s32 v4, v7  }
0x1dc: {  	[tilespmem:v3+s24+$0x3800 ss:$0x1] =	vst.idx.msk $0xffff, v6  }
0x1dd: {  	v6 =	vld.idx.msk [tilespmem:v3+s24+$0x4000 ss:$0x1], $0xffff  }
0x1de: {  	v7 =	vld.idx.msk [tilespmem:v3+s24+$0x4800 ss:$0x1], $0xffff;
	_ =	sdelay $0x3  }
0x1df: {  	v6 =	vadd.s32 v4, v6  }
0x1e0: {  	[tilespmem:v3+s24+$0x4000 ss:$0x1] =	vst.idx.msk $0xffff, v6;
	v6 =	vadd.s32 v4, v7  }
0x1e1: {  	[tilespmem:v3+s24+$0x4800 ss:$0x1] =	vst.idx.msk $0xffff, v6  }
0x1e2: {  	v6 =	vld.idx.msk [tilespmem:v3+s24+$0x5000 ss:$0x1], $0xffff;
	_ =	sdelay $0x4  }
0x1e3: {  	v6 =	vadd.s32 v4, v6  }
0x1e4: {  	[tilespmem:v3+s24+$0x5000 ss:$0x1] =	vst.idx.msk $0xffff, v6  }
0x1e5: {  	v6 =	vld.idx.msk [tilespmem:v3+s24+$0x5800 ss:$0x1], $0xffff;
	_ =	sdelay $0x4  }
0x1e6: {  	v6 =	vadd.s32 v4, v6  }
0x1e7: {  	[tilespmem:v3+s24+$0x5800 ss:$0x1] =	vst.idx.msk $0xffff, v6  }
0x1e8: {  	v6 =	vld.idx.msk [tilespmem:v3+s24+$0x6000 ss:$0x1], $0xffff;
	_ =	sdelay $0x4  }
0x1e9: {  	(v2sf) =	vpush v5, $0xF;
	v5 =	vadd.s32 v4, v6  }
0x1ea: {  	[tilespmem:v3+s24+$0x6000 ss:$0x1] =	vst.idx.msk $0xffff, v5  }
0x1eb: {  	v5 =	vld.idx.msk [tilespmem:v3+s24+$0x6800 ss:$0x1], $0xffff;
	_ =	sdelay $0x4  }
0x1ec: {  	v5 =	vadd.s32 v4, v5  }
0x1ed: {  	[tilespmem:v3+s24+$0x6800 ss:$0x1] =	vst.idx.msk $0xffff, v5  }
0x1ee: {  	v5 =	vld.idx.msk [tilespmem:v3+s24+$0x7000 ss:$0x1], $0xffff;
	_ =	sdelay $0x4  }
0x1ef: {  	v5 =	vadd.s32 v4, v5  }
0x1f0: {  	s26 =	spop (v2sf);
	[tilespmem:v3+s24+$0x7000 ss:$0x1] =	vst.idx.msk $0xffff, v5  }
0x1f1: {  	s25 =	simm.s32 $0x40;
	s21 =	sadd.s32 s21, s26;
	v5 =	vld.idx.msk [tilespmem:v3+s24+$0x7800 ss:$0x1], $0xffff  }
.LBB2_22:
0x1f2: {  	p0 =	sne.s32 s25, $0x3C0;
	s26 =	smov.u32 s25;
	s25 =	sadd.s32 $0x40, s25  }
0x1f3: {  	_ =	sdelay $0x3  }
0x1f4: {  	v4 =	vadd.s32 v4, v5  }
0x1f5: {  	[tilespmem:v3+s24+$0x7800 ss:$0x1] =	vst.idx.msk $0xffff, v4;
	s24 =	sshra.s32 s26, $0x2  }
0x1f6: {  	v4 =	vld [tilespmem:s24+$0x10800]  }
0x1f7: {  	v5 =	vld [tilespmem:s24+$0x10900]  }
0x1f8: {  	v6 =	vld [tilespmem:s24+$0x10A00]  }
0x1f9: {  	v7 =	vld [tilespmem:s24+$0x10B00]  }
0x1fa: {  	v8 =	vld [tilespmem:s24+$0x10C00]  }
0x1fb: {  	v9 =	vsel vm14, $0x0, v4;
	v10 =	vld [tilespmem:s24+$0x10D00]  }
0x1fc: {  	v4 =	vadd.s32 v4, v5;
	v5 =	vnsel vm13, $0x0, v5;
	v11 =	vld [tilespmem:s24+$0x10E00];
	v9 =	vadd.s32 s21, v9  }
0x1fd: {  	v4 =	vadd.s32 v6, v4;
	v6 =	vnsel vm12, $0x0, v6;
	v12 =	vld [tilespmem:s24+$0x10F00];
	v5 =	vadd.s32 v5, v9  }
0x1fe: {  	v4 =	vadd.s32 v7, v4;
	v7 =	vnsel vm11, $0x0, v7;
	v9 =	vld [tilespmem:s24+$0x11000];
	v5 =	vadd.s32 v6, v5  }
0x1ff: {  	v4 =	vadd.s32 v8, v4;
	v6 =	vnsel vm10, $0x0, v8;
	v8 =	vld [tilespmem:s24+$0x11100];
	v5 =	vadd.s32 v7, v5  }
0x200: {  	v4 =	vadd.s32 v10, v4;
	v7 =	vnsel vm9, $0x0, v10;
	v10 =	vld [tilespmem:s24+$0x11200];
	v5 =	vadd.s32 v6, v5  }
0x201: {  	v4 =	vadd.s32 v11, v4;
	v6 =	vnsel vm8, $0x0, v11;
	v11 =	vld [tilespmem:s24+$0x11300];
	v5 =	vadd.s32 v7, v5  }
0x202: {  	v4 =	vadd.s32 v12, v4;
	v7 =	vnsel vm7, $0x0, v12;
	v12 =	vld [tilespmem:s24+$0x11400];
	v5 =	vadd.s32 v6, v5  }
0x203: {  	v4 =	vadd.s32 v9, v4;
	v6 =	vnsel vm6, $0x0, v9;
	v9 =	vld [tilespmem:s24+$0x11500];
	v5 =	vadd.s32 v7, v5  }
0x204: {  	v4 =	vadd.s32 v8, v4;
	v7 =	vnsel vm5, $0x0, v8;
	v8 =	vld [tilespmem:s24+$0x11600];
	v5 =	vadd.s32 v6, v5  }
0x205: {  	v4 =	vadd.s32 v10, v4;
	v6 =	vnsel vm4, $0x0, v10;
	v10 =	vld [tilespmem:s24+$0x11700];
	v5 =	vadd.s32 v7, v5  }
0x206: {  	v4 =	vadd.s32 v11, v4;
	v7 =	vnsel vm3, $0x0, v11;
	v5 =	vadd.s32 v6, v5  }
0x207: {  	v4 =	vadd.s32 v12, v4;
	v6 =	vnsel vm2, $0x0, v12;
	v5 =	vadd.s32 v7, v5  }
0x208: {  	v4 =	vadd.s32 v9, v4;
	v7 =	vnsel vm1, $0x0, v9;
	v5 =	vadd.s32 v6, v5  }
0x209: {  	v4 =	vadd.s32 v8, v4;
	v6 =	vnsel vm0, $0x0, v8;
	v5 =	vadd.s32 v7, v5  }
0x20a: {  	v4 =	vadd.s32 v10, v4;
	v5 =	vadd.s32 v6, v5  }
0x20b: {  	v5 =	vsub.s32 v5, v4;
	(xrf0) =	vadd.scan.msk.s32 $0xffff, v4  }
0x20c: {  	v6 =	vld.idx.msk [tilespmem:v3+s24+$0x800 ss:$0x1], $0xffff  }
0x20d: {  	v7 =	vld.idx.msk [tilespmem:v3+s24+$0x0 ss:$0x1], $0xffff;
	_ =	sdelay $0x3  }
0x20e: {  	v8, _, _ =	vpop (xrf0)  }
0x20f: {  	v4 =	vadd.s32 v8, v5;
	(v2sf) =	vpush v8, $0xF  }
0x210: {  	v5 =	vadd.s32 v7, v4;
	v6 =	vadd.s32 v6, v4  }
0x211: {  	[tilespmem:v3+s24+$0x0 ss:$0x1] =	vst.idx.msk $0xffff, v5  }
0x212: {  	[tilespmem:v3+s24+$0x800 ss:$0x1] =	vst.idx.msk $0xffff, v6  }
0x213: {  	v5 =	vld.idx.msk [tilespmem:v3+s24+$0x1000 ss:$0x1], $0xffff  }
0x214: {  	v6 =	vld.idx.msk [tilespmem:v3+s24+$0x1800 ss:$0x1], $0xffff;
	_ =	sdelay $0x4  }
0x215: {  	v5 =	vadd.s32 v4, v5  }
0x216: {  	[tilespmem:v3+s24+$0x1000 ss:$0x1] =	vst.idx.msk $0xffff, v5;
	v5 =	vadd.s32 v4, v6  }
0x217: {  	[tilespmem:v3+s24+$0x1800 ss:$0x1] =	vst.idx.msk $0xffff, v5  }
0x218: {  	v5 =	vld.idx.msk [tilespmem:v3+s24+$0x2000 ss:$0x1], $0xffff  }
0x219: {  	v6 =	vld.idx.msk [tilespmem:v3+s24+$0x2800 ss:$0x1], $0xffff  }
0x21a: {  	s26 =	spop (v2sf)  }
0x21b: {  	s21 =	sadd.s32 s21, s26;
	_ =	sdelay $0x2  }
0x21c: {  	v5 =	vadd.s32 v4, v5  }
0x21d: {  	[tilespmem:v3+s24+$0x2000 ss:$0x1] =	vst.idx.msk $0xffff, v5;
	v5 =	vadd.s32 v4, v6  }
0x21e: {  	[tilespmem:v3+s24+$0x2800 ss:$0x1] =	vst.idx.msk $0xffff, v5  }
0x21f: {  	v5 =	vld.idx.msk [tilespmem:v3+s24+$0x3000 ss:$0x1], $0xffff  }
0x220: {  	v6 =	vld.idx.msk [tilespmem:v3+s24+$0x3800 ss:$0x1], $0xffff;
	_ =	sdelay $0x4  }
0x221: {  	v5 =	vadd.s32 v4, v5  }
0x222: {  	[tilespmem:v3+s24+$0x3000 ss:$0x1] =	vst.idx.msk $0xffff, v5;
	v5 =	vadd.s32 v4, v6  }
0x223: {  	[tilespmem:v3+s24+$0x3800 ss:$0x1] =	vst.idx.msk $0xffff, v5  }
0x224: {  	v5 =	vld.idx.msk [tilespmem:v3+s24+$0x4000 ss:$0x1], $0xffff  }
0x225: {  	v6 =	vld.idx.msk [tilespmem:v3+s24+$0x4800 ss:$0x1], $0xffff;
	_ =	sdelay $0x4  }
0x226: {  	v5 =	vadd.s32 v4, v5  }
0x227: {  	[tilespmem:v3+s24+$0x4000 ss:$0x1] =	vst.idx.msk $0xffff, v5;
	v5 =	vadd.s32 v4, v6  }
0x228: {  	[tilespmem:v3+s24+$0x4800 ss:$0x1] =	vst.idx.msk $0xffff, v5  }
0x229: {  	v5 =	vld.idx.msk [tilespmem:v3+s24+$0x5000 ss:$0x1], $0xffff;
	_ =	sdelay $0x5  }
0x22a: {  	v5 =	vadd.s32 v4, v5  }
0x22b: {  	[tilespmem:v3+s24+$0x5000 ss:$0x1] =	vst.idx.msk $0xffff, v5  }
0x22c: {  	v5 =	vld.idx.msk [tilespmem:v3+s24+$0x5800 ss:$0x1], $0xffff;
	_ =	sdelay $0x5  }
0x22d: {  	v5 =	vadd.s32 v4, v5  }
0x22e: {  	[tilespmem:v3+s24+$0x5800 ss:$0x1] =	vst.idx.msk $0xffff, v5  }
0x22f: {  	v5 =	vld.idx.msk [tilespmem:v3+s24+$0x6000 ss:$0x1], $0xffff;
	_ =	sdelay $0x5  }
0x230: {  	v5 =	vadd.s32 v4, v5  }
0x231: {  	[tilespmem:v3+s24+$0x6000 ss:$0x1] =	vst.idx.msk $0xffff, v5  }
0x232: {  	v5 =	vld.idx.msk [tilespmem:v3+s24+$0x6800 ss:$0x1], $0xffff;
	_ =	sdelay $0x5  }
0x233: {  	v5 =	vadd.s32 v4, v5  }
0x234: {  	[tilespmem:v3+s24+$0x6800 ss:$0x1] =	vst.idx.msk $0xffff, v5  }
0x235: {  	v5 =	vld.idx.msk [tilespmem:v3+s24+$0x7000 ss:$0x1], $0xffff;
	_ =	sdelay $0x3  }
.Ltmp10:
0x236: {  	(pc) =	sbr.rel @p0 .LBB2_22-.Ltmp10, $4  }
0x237: {  	_ = 	snop  }
0x238: {  	v5 =	vadd.s32 v4, v5  }
0x239: {  	[tilespmem:v3+s24+$0x7000 ss:$0x1] =	vst.idx.msk $0xffff, v5  }
0x23a: {  	v5 =	vld.idx.msk [tilespmem:v3+s24+$0x7800 ss:$0x1], $0xffff  }
0x23b: {  	_ = 	snop  }
0x23c: {  	s23 =	sadd.s32 $0x1, s23  }
0x23d: {  	p0 =	sne.s32 s23, $0x4  }
.Ltmp11:
0x23e: {  	_ = 	snop;
	(pc) =	sbr.rel @p0 .LBB2_21-.Ltmp11, $4  }
0x23f: {  	v4 =	vadd.s32 v4, v5  }
0x240: {  	[tilespmem:v3+s24+$0x7800 ss:$0x1] =	vst.idx.msk $0xffff, v4  }
0x241: {  	[bflag:$0x0] =	sbarrier.arrive $0xFFFF  }
0x242: {  	s22 =	sadd.s32 $0x100, s22  }
0x243: {  	s22 =	simm.s32 $0x0  }
0x244: {  	v3 =	vld [tilespmem:s22+$0x0];
	_ =	sdelay $0x4  }
0x245: {  	v3 =	vshrl.u32 v3, $0xB  }
0x246: {  	v3 =	vand.u32 $0x3FF, v3  }
0x247: {  	v3 =	vxor.u32 v2, v3;
	_ =	sdelay $0x2  }
0x248: {  	s21 =	simm.s32 $0x10  }
0x249: {  	s23 =	simm.s32 $0x80;
	v4 =	vld [tilespmem:s21+$0x0]  }
.LBB2_25:
0x24a: {  	p0 =	sne.s32 s23, $0xFFC0;
	v3 =	vld.idx.msk [tilespmem:v3+s14+$0x0], $0xffff  }
0x24b: {  	v5 =	vld [tilespmem:s22+$0x4000];
	_ =	sdelay $0x3  }
0x24c: {  	v4 =	vshrl.u32 v4, $0xB  }
0x24d: {  	v4 =	vand.u32 $0x3FF, v4;
	v5 =	vadd.s32 v5, v3  }
.Ltmp12:
0x24e: {  	v3 =	vxor.u32 v2, v4;
	v4 =	vshll.u32 v5, $0x4;
	(pc) =	sbr.rel @p0 .LBB2_25-.Ltmp12, $4  }
0x24f: {  	v6 =	vand.u32 $0xFFFFC000, v5;
	v5 =	vshrl.u32 v5, $0xA;
	v4 =	vand.u32 $0x3FF0, v4  }
0x250: {  	v5 =	vand.u32 $0xF, v5;
	v4 =	vor.u32 v6, v4  }
0x251: {  	s24 =	sshra.s32 s23, $0x2;
	v5 =	vor.u32 v5, v4  }
0x252: {  	s23 =	sadd.s32 $0x40, s23;
	v4 =	vld [tilespmem:s24+$0x0];
	[tilespmem:s22+$0x4000] =	vst v5;
	s22 =	smov.u32 s21;
	s21 =	smov.u32 s24  }
0x253: {  	_ =	sdelay $0x3  }
0x254: {  	v3 =	vld.idx.msk [tilespmem:v3+s14+$0x0], $0xffff  }
0x255: {  	v5 =	vld [tilespmem:s22+$0x4000];
	_ =	sdelay $0x3  }
0x256: {  	v4 =	vshrl.u32 v4, $0xB  }
0x257: {  	v4 =	vand.u32 $0x3FF, v4;
	v3 =	vadd.s32 v5, v3  }
0x258: {  	v4 =	vxor.u32 v2, v4;
	v5 =	vshll.u32 v3, $0x4  }
0x259: {  	v6 =	vand.u32 $0xFFFFC000, v3;
	v3 =	vshrl.u32 v3, $0xA;
	v5 =	vand.u32 $0x3FF0, v5  }
0x25a: {  	v3 =	vand.u32 $0xF, v3;
	v5 =	vor.u32 v6, v5  }
0x25b: {  	v3 =	vor.u32 v3, v5  }
0x25c: {  	[tilespmem:s22+$0x4000] =	vst v3  }
0x25d: {  	v3 =	vld.idx.msk [tilespmem:v4+s14+$0x0], $0xffff  }
0x25e: {  	v62 =	vld [tilespmem:s21+$0x4000];
	_ =	sdelay $0x4  }
0x25f: {  	v3 =	vadd.s32 v62, v3  }
0x260: {  	v4 =	vshll.u32 v3, $0x4  }
0x261: {  	v63 =	vand.u32 $0xFFFFC000, v3;
	v3 =	vshrl.u32 v3, $0xA;
	v4 =	vand.u32 $0x3FF0, v4  }
0x262: {  	v3 =	vand.u32 $0xF, v3;
	v4 =	vor.u32 v63, v4  }
0x263: {  	v3 =	vor.u32 v3, v4  }
0x264: {  	s31 =	simm.s32 $0x0;
	s22 =	simm.s32 $0x40;
	[tilespmem:s21+$0x4000] =	vst v3;
	s21 =	simm.s32 $0x0  }
0x265: {  	[spmem:s3] =	stream.indirect.scatter [tilespmem:s31], [sflag:$0x1], $0x1, s16, s16, $0xb8;
	[tilespmem:$0x19900] =	vst v63  }
.LBB2_27:
0x266: {  	p0 =	sne.s32 s22, $0xFC0;
	[tilespmem:s21+$0xF800] =	vst v0  }
0x267: {  	[tilespmem:s21+$0x8000] =	vst v0  }
0x268: {  	[tilespmem:s21+$0x8800] =	vst v0  }
0x269: {  	[tilespmem:s21+$0x9000] =	vst v0  }
0x26a: {  	[tilespmem:s21+$0x9800] =	vst v0  }
0x26b: {  	[tilespmem:s21+$0xA000] =	vst v0  }
0x26c: {  	[tilespmem:s21+$0xA800] =	vst v0  }
0x26d: {  	[tilespmem:s21+$0xB000] =	vst v0  }
0x26e: {  	[tilespmem:s21+$0xB800] =	vst v0  }
0x26f: {  	[tilespmem:s21+$0xC000] =	vst v0  }
0x270: {  	[tilespmem:s21+$0xC800] =	vst v0  }
.Ltmp13:
0x271: {  	[tilespmem:s21+$0xD000] =	vst v0;
	(pc) =	sbr.rel @p0 .LBB2_27-.Ltmp13, $4  }
0x272: {  	[tilespmem:s21+$0xD800] =	vst v0  }
0x273: {  	[tilespmem:s21+$0xE000] =	vst v0  }
0x274: {  	[tilespmem:s21+$0xE800] =	vst v0  }
0x275: {  	[tilespmem:s21+$0xF000] =	vst v0;
	s21 =	sshra.s32 s22, $0x2;
	s22 =	sadd.s32 $0x40, s22  }
0x276: {  	[tilespmem:s21+$0xF800] =	vst v0  }
0x277: {  	[tilespmem:s21+$0x8000] =	vst v0  }
0x278: {  	[tilespmem:s21+$0x8800] =	vst v0  }
0x279: {  	[tilespmem:s21+$0x9000] =	vst v0  }
0x27a: {  	[tilespmem:s21+$0x9800] =	vst v0  }
0x27b: {  	[tilespmem:s21+$0xA000] =	vst v0  }
0x27c: {  	[tilespmem:s21+$0xA800] =	vst v0  }
0x27d: {  	[tilespmem:s21+$0xB000] =	vst v0  }
0x27e: {  	[tilespmem:s21+$0xB800] =	vst v0  }
0x27f: {  	[tilespmem:s21+$0xC000] =	vst v0  }
0x280: {  	[tilespmem:s21+$0xC800] =	vst v0  }
0x281: {  	[tilespmem:s21+$0xD000] =	vst v0  }
0x282: {  	[tilespmem:s21+$0xD800] =	vst v0  }
0x283: {  	[tilespmem:s21+$0xE000] =	vst v0  }
0x284: {  	[tilespmem:s21+$0xE800] =	vst v0  }
0x285: {  	[tilespmem:s21+$0xF000] =	vst v0  }
0x286: {  	_ =	swait.ge [sflag:s17], $0x4000  }
0x287: {  	[sflag:s17] =	ssyncset.done $0x0  }
0x288: {  	[sflag:s17] =	ssyncadd.s32 $0xFFFFC000  }
0x289: {  	s31 =	simm.s32 $0x0;
	[bflag:$0x0] =	sbarrier.arrive $0xFFFF  }
0x28a: {  	[tilespmem:s31], [sflag:$0x2] =	stream.linear.gather [spmem:s11], $0x4000, $0x38;
	[tilespmem:$0x19900] =	vst v63  }
0x28b: {  	_ =	swait.ge [sflag:s13], $0x4000  }
0x28c: {  	[sflag:s13] =	ssyncset.done $0x0  }
0x28d: {  	s21 =	simm.s32 $0x0;
	[sflag:s13] =	ssyncadd.s32 $0xFFFFC000  }
0x28e: {  	v3 =	vld [tilespmem:s21+$0x0];
	_ =	sdelay $0x4  }
0x28f: {  	v3 =	vshrl.u32 v3, $0x15  }
0x290: {  	v3 =	vand.u32 $0x3FF, v3  }
0x291: {  	v4 =	vxor.u32 v2, v3;
	_ =	sdelay $0x4  }
0x292: {  	v3 =	vld.idx.msk [tilespmem:v4+s14+$0x0], $0xffff;
	_ =	sdelay $0x4  }
0x293: {  	s22 =	simm.s32 $0x40;
	v5 =	vadd.s32 $0x1, v3  }
0x294: {  	s25 =	simm.s32 $0x10;
	s24 =	simm.s32 $0x80;
	s23 =	simm.s32 $0x0;
	[tilespmem:v4+s14+$0x0] =	vst.idx.msk $0xffff, v5  }
.LBB2_29:
0x295: {  	p0 =	sne.s32 s24, $0xFFC0;
	v4 =	vld [tilespmem:s25+$0x0];
	[tilespmem:s23+$0x4000] =	vst v3;
	s23 =	smov.u32 s25;
	_ =	sdelay $0x4  }
0x296: {  	v3 =	vshrl.u32 v4, $0x15  }
0x297: {  	v3 =	vand.u32 $0x3FF, v3  }
0x298: {  	v4 =	vxor.u32 v2, v3;
	_ =	sdelay $0x4  }
0x299: {  	v3 =	vld.idx.msk [tilespmem:v4+s14+$0x0], $0xffff;
	_ =	sdelay $0x2  }
.Ltmp14:
0x29a: {  	(pc) =	sbr.rel @p0 .LBB2_29-.Ltmp14, $3  }
0x29b: {  	_ =	sdelay $0x1  }
0x29c: {  	v5 =	vadd.s32 $0x1, v3  }
0x29d: {  	s25 =	sshra.s32 s24, $0x2;
	s24 =	sadd.s32 $0x40, s24;
	[tilespmem:v4+s14+$0x0] =	vst.idx.msk $0xffff, v5  }
0x29e: {  	v4 =	vld [tilespmem:s25+$0x0];
	_ =	sdelay $0x4  }
0x29f: {  	v4 =	vshrl.u32 v4, $0x15  }
0x2a0: {  	v4 =	vand.u32 $0x3FF, v4  }
0x2a1: {  	v4 =	vxor.u32 v2, v4;
	_ =	sdelay $0x3  }
0x2a2: {  	[tilespmem:s23+$0x4000] =	vst v3  }
0x2a3: {  	v3 =	vld.idx.msk [tilespmem:v4+s14+$0x0], $0xffff;
	_ =	sdelay $0x4  }
0x2a4: {  	v5 =	vadd.s32 $0x1, v3  }
0x2a5: {  	[tilespmem:v4+s14+$0x0] =	vst.idx.msk $0xffff, v5  }
0x2a6: {  	[tilespmem:s25+$0x4000] =	vst v3  }
0x2a7: {  	v7 =	vld [tilespmem:s21+$0xA800]  }
0x2a8: {  	v6 =	vld [tilespmem:s21+$0xA000]  }
0x2a9: {  	v9 =	vld [tilespmem:s21+$0x9800]  }
0x2aa: {  	v10 =	vld [tilespmem:s21+$0x8800]  }
0x2ab: {  	v13 =	vld [tilespmem:s21+$0x8000]  }
0x2ac: {  	v8 =	vld [tilespmem:s21+$0x9000]  }
0x2ad: {  	v5 =	vld [tilespmem:s21+$0xC000]  }
0x2ae: {  	v4 =	vld [tilespmem:s21+$0xC800]  }
0x2af: {  	v3 =	vld [tilespmem:s21+$0xD000]  }
0x2b0: {  	[tilespmem:s21+$0x8000] =	vst v0;
	v14 =	vld [tilespmem:s21+$0xB000];
	v10 =	vadd.s32 v13, v10  }
0x2b1: {  	v11 =	vld [tilespmem:s21+$0xB800];
	[tilespmem:s21+$0x9000] =	vst v10;
	v10 =	vadd.s32 v10, v8  }
0x2b2: {  	v8 =	vld [tilespmem:s21+$0xD800];
	[tilespmem:s21+$0x9800] =	vst v10;
	v10 =	vadd.s32 v10, v9  }
0x2b3: {  	v9 =	vld [tilespmem:s21+$0xE000];
	[tilespmem:s21+$0xA000] =	vst v10;
	v10 =	vadd.s32 v10, v6  }
0x2b4: {  	[tilespmem:s21+$0x8800] =	vst v13;
	v6 =	vld [tilespmem:s21+$0xF800];
	v12 =	vadd.s32 v10, v7  }
0x2b5: {  	[tilespmem:s21+$0xA800] =	vst v10;
	v10 =	vld [tilespmem:s21+$0xF000];
	v7 =	vadd.s32 v12, v14  }
.LBB2_31:
0x2b6: {  	s23 =	sshra.s32 s22, $0x2;
	p0 =	sne.s32 s22, $0xFC0;
	s22 =	sadd.s32 $0x40, s22;
	[tilespmem:s21+$0xB000] =	vst v12;
	v11 =	vadd.s32 v7, v11;
	v12 =	vld [tilespmem:s21+$0xE800]  }
0x2b7: {  	v13 =	vld [tilespmem:s23+$0xA800];
	[tilespmem:s21+$0xC000] =	vst v11;
	v5 =	vadd.s32 v11, v5  }
0x2b8: {  	v14 =	vld [tilespmem:s23+$0xA000];
	[tilespmem:s21+$0xC800] =	vst v5;
	v4 =	vadd.s32 v5, v4  }
0x2b9: {  	v15 =	vld [tilespmem:s23+$0x9800];
	[tilespmem:s21+$0xD000] =	vst v4;
	v3 =	vadd.s32 v4, v3  }
0x2ba: {  	v16 =	vld [tilespmem:s23+$0x9000];
	[tilespmem:s21+$0xD800] =	vst v3;
	v3 =	vadd.s32 v3, v8  }
0x2bb: {  	v8 =	vld [tilespmem:s23+$0x8800];
	[tilespmem:s21+$0xE000] =	vst v3;
	v3 =	vadd.s32 v3, v9  }
0x2bc: {  	v17 =	vld [tilespmem:s23+$0x8000];
	[tilespmem:s21+$0xE800] =	vst v3;
	v3 =	vadd.s32 v3, v12  }
0x2bd: {  	v5 =	vld [tilespmem:s23+$0xC000];
	[tilespmem:s21+$0xF000] =	vst v3;
	v9 =	vadd.s32 v3, v10  }
0x2be: {  	v4 =	vld [tilespmem:s23+$0xC800];
	[tilespmem:s21+$0xF800] =	vst v9  }
0x2bf: {  	v6 =	vadd.s32 v9, v6;
	v3 =	vld [tilespmem:s23+$0xD000];
	[tilespmem:s21+$0xB800] =	vst v7  }
0x2c0: {  	v11 =	vld [tilespmem:s23+$0xB800];
	[tilespmem:s21+$0x10000] =	vst v6;
	s21 =	smov.u32 s23  }
0x2c1: {  	[tilespmem:s21+$0x8000] =	vst v0;
	v6 =	vadd.s32 v17, v8;
	v7 =	vld [tilespmem:s21+$0xB000]  }
.Ltmp15:
0x2c2: {  	[tilespmem:s21+$0x9000] =	vst v6;
	v6 =	vadd.s32 v6, v16;
	v8 =	vld [tilespmem:s21+$0xD800];
	(pc) =	sbr.rel @p0 .LBB2_31-.Ltmp15, $4  }
0x2c3: {  	[tilespmem:s21+$0x9800] =	vst v6;
	v6 =	vadd.s32 v6, v15;
	v9 =	vld [tilespmem:s21+$0xE000]  }
0x2c4: {  	[tilespmem:s21+$0xA000] =	vst v6;
	v6 =	vadd.s32 v6, v14  }
0x2c5: {  	[tilespmem:s21+$0xA800] =	vst v6;
	v12 =	vadd.s32 v6, v13;
	v6 =	vld [tilespmem:s21+$0xF800]  }
0x2c6: {  	[tilespmem:s21+$0x8800] =	vst v17;
	v7 =	vadd.s32 v12, v7;
	v10 =	vld [tilespmem:s21+$0xF000]  }
0x2c7: {  	[tilespmem:s21+$0xB000] =	vst v12  }
0x2c8: {  	v11 =	vadd.s32 v7, v11;
	[tilespmem:s21+$0xB800] =	vst v7  }
0x2c9: {  	v63 =	vld [tilespmem:s21+$0xE800];
	[tilespmem:s21+$0xC000] =	vst v11;
	v5 =	vadd.s32 v11, v5  }
0x2ca: {  	[tilespmem:s21+$0xC800] =	vst v5;
	v4 =	vadd.s32 v5, v4  }
0x2cb: {  	[tilespmem:s21+$0xD000] =	vst v4;
	v3 =	vadd.s32 v4, v3  }
0x2cc: {  	[tilespmem:s21+$0xD800] =	vst v3;
	v3 =	vadd.s32 v3, v8  }
0x2cd: {  	[tilespmem:s21+$0xE000] =	vst v3;
	v3 =	vadd.s32 v3, v9  }
0x2ce: {  	[tilespmem:s21+$0xE800] =	vst v3;
	v3 =	vadd.s32 v3, v63  }
0x2cf: {  	[tilespmem:s21+$0xF000] =	vst v3;
	v3 =	vadd.s32 v3, v10  }
0x2d0: {  	[tilespmem:s21+$0xF800] =	vst v3;
	v3 =	vadd.s32 v3, v6  }
0x2d1: {  	s22 =	simm.s32 $0x8000;
	s23 =	simm.s32 $0x0;
	[tilespmem:s21+$0x10000] =	vst v3;
	s21 =	simm.s32 $0x0  }
.LBB2_33:
0x2d2: {  	s24 =	sshll.u32 s23, $0x8  }
0x2d3: {  	s24 =	sadd.s32 $0x10000, s24  }
0x2d4: {  	[spmem:s9] =	stream.linear.scatter [tilespmem:s24], [sflag:$0x2], $0x100, $0x38;
	[tilespmem:$0x19900] =	vst v63  }
0x2d5: {  	_ =	swait.ge [sflag:s13], $0x100  }
0x2d6: {  	[sflag:s13] =	ssyncset.done $0x0  }
0x2d7: {  	[sflag:s13] =	ssyncadd.s32 $0xFFFFFF00  }
0x2d8: {  	[bflag:$0x0] =	sbarrier.arrive $0xFFFF  }
0x2d9: {  	[tilespmem:s15], [sflag:$0x2] =	stream.linear.gather [spmem:s1], $0x1000, $0x38;
	[tilespmem:$0x19900] =	vst v63  }
0x2da: {  	_ =	swait.ge [sflag:s13], $0x1000  }
0x2db: {  	[sflag:s13] =	ssyncset.done $0x0  }
0x2dc: {  	s24 =	simm.s32 $0x0;
	[sflag:s13] =	ssyncadd.s32 $0xFFFFF000  }
0x2dd: {  	v3 =	vld [tilespmem:s24+$0x10800]  }
0x2de: {  	v4 =	vld [tilespmem:s24+$0x10900]  }
0x2df: {  	v5 =	vld [tilespmem:s24+$0x10A00]  }
0x2e0: {  	v6 =	vld [tilespmem:s24+$0x10B00]  }
0x2e1: {  	v7 =	vld [tilespmem:s24+$0x10C00]  }
0x2e2: {  	v8 =	vld [tilespmem:s24+$0x10D00]  }
0x2e3: {  	v10 =	vld [tilespmem:s24+$0x10E00];
	v9 =	vadd.s32 v3, v4  }
0x2e4: {  	v11 =	vld [tilespmem:s24+$0x10F00];
	v9 =	vadd.s32 v5, v9  }
0x2e5: {  	v12 =	vld [tilespmem:s24+$0x11000];
	v9 =	vadd.s32 v6, v9  }
0x2e6: {  	v13 =	vld [tilespmem:s24+$0x11100];
	v9 =	vadd.s32 v7, v9  }
0x2e7: {  	v14 =	vld [tilespmem:s24+$0x11200];
	v3 =	vsel vm14, $0x0, v3;
	v4 =	vnsel vm13, $0x0, v4;
	v9 =	vadd.s32 v8, v9  }
0x2e8: {  	v15 =	vld [tilespmem:s24+$0x11300];
	v57 =	vnsel vm8, $0x0, v10;
	v3 =	vadd.s32 s21, v3;
	v9 =	vadd.s32 v10, v9  }
0x2e9: {  	v56 =	vld [tilespmem:s24+$0x11400];
	v5 =	vnsel vm12, $0x0, v5;
	v3 =	vadd.s32 v4, v3;
	v4 =	vadd.s32 v11, v9  }
0x2ea: {  	v6 =	vnsel vm11, $0x0, v6;
	v3 =	vadd.s32 v5, v3;
	v5 =	vld [tilespmem:s24+$0x11500];
	v4 =	vadd.s32 v12, v4  }
0x2eb: {  	v7 =	vnsel vm10, $0x0, v7;
	v3 =	vadd.s32 v6, v3;
	v6 =	vld [tilespmem:s24+$0x11600];
	v4 =	vadd.s32 v13, v4  }
0x2ec: {  	v8 =	vnsel vm9, $0x0, v8;
	v3 =	vadd.s32 v7, v3;
	v7 =	vld [tilespmem:s24+$0x11700];
	v4 =	vadd.s32 v14, v4  }
0x2ed: {  	v58 =	vnsel vm7, $0x0, v11;
	v3 =	vadd.s32 v8, v3;
	v4 =	vadd.s32 v15, v4  }
0x2ee: {  	v59 =	vnsel vm6, $0x0, v12;
	v3 =	vadd.s32 v57, v3;
	v4 =	vadd.s32 v56, v4  }
0x2ef: {  	v60 =	vnsel vm5, $0x0, v13;
	v8 =	vadd.s32 v58, v3;
	v4 =	vadd.s32 v5, v4  }
0x2f0: {  	v3 =	vmov s22;
	v8 =	vadd.s32 v59, v8;
	v4 =	vadd.s32 v6, v4  }
0x2f1: {  	v8 =	vadd.s32 v60, v8;
	v4 =	vadd.s32 v7, v4;
	v7 =	vnsel vm4, $0x0, v14  }
0x2f2: {  	v61 =	vnsel vm3, $0x0, v15;
	v7 =	vadd.s32 v7, v8  }
0x2f3: {  	v62 =	vnsel vm2, $0x0, v56;
	(xrf0) =	vadd.scan.msk.s32 $0xffff, v4;
	v7 =	vadd.s32 v61, v7  }
0x2f4: {  	v5 =	vnsel vm1, $0x0, v5;
	v7 =	vadd.s32 v62, v7  }
0x2f5: {  	v6 =	vnsel vm0, $0x0, v6;
	v5 =	vadd.s32 v5, v7  }
0x2f6: {  	v63 =	vld.idx.msk [tilespmem:v3+s24+$0x0 ss:$0x1], $0xffff;
	v5 =	vadd.s32 v6, v5  }
0x2f7: {  	v7 =	vld.idx.msk [tilespmem:v3+s24+$0x800 ss:$0x1], $0xffff;
	_ =	sdelay $0x1  }
0x2f8: {  	v4 =	vsub.s32 v5, v4;
	v5, _, _ =	vpop (xrf0)  }
0x2f9: {  	v4 =	vadd.s32 v5, v4  }
0x2fa: {  	v6 =	vadd.s32 v63, v4  }
0x2fb: {  	v7 =	vadd.s32 v7, v4;
	[tilespmem:v3+s24+$0x0 ss:$0x1] =	vst.idx.msk $0xffff, v6  }
0x2fc: {  	[tilespmem:v3+s24+$0x800 ss:$0x1] =	vst.idx.msk $0xffff, v7  }
0x2fd: {  	v6 =	vld.idx.msk [tilespmem:v3+s24+$0x1000 ss:$0x1], $0xffff  }
0x2fe: {  	v7 =	vld.idx.msk [tilespmem:v3+s24+$0x1800 ss:$0x1], $0xffff;
	_ =	sdelay $0x3  }
0x2ff: {  	v6 =	vadd.s32 v4, v6  }
0x300: {  	[tilespmem:v3+s24+$0x1000 ss:$0x1] =	vst.idx.msk $0xffff, v6;
	v6 =	vadd.s32 v4, v7  }
0x301: {  	[tilespmem:v3+s24+$0x1800 ss:$0x1] =	vst.idx.msk $0xffff, v6  }
0x302: {  	v6 =	vld.idx.msk [tilespmem:v3+s24+$0x2000 ss:$0x1], $0xffff  }
0x303: {  	v7 =	vld.idx.msk [tilespmem:v3+s24+$0x2800 ss:$0x1], $0xffff;
	_ =	sdelay $0x3  }
0x304: {  	v6 =	vadd.s32 v4, v6  }
0x305: {  	[tilespmem:v3+s24+$0x2000 ss:$0x1] =	vst.idx.msk $0xffff, v6;
	v6 =	vadd.s32 v4, v7  }
0x306: {  	[tilespmem:v3+s24+$0x2800 ss:$0x1] =	vst.idx.msk $0xffff, v6  }
0x307: {  	v6 =	vld.idx.msk [tilespmem:v3+s24+$0x3000 ss:$0x1], $0xffff  }
0x308: {  	v7 =	vld.idx.msk [tilespmem:v3+s24+$0x3800 ss:$0x1], $0xffff;
	_ =	sdelay $0x3  }
0x309: {  	v6 =	vadd.s32 v4, v6  }
0x30a: {  	[tilespmem:v3+s24+$0x3000 ss:$0x1] =	vst.idx.msk $0xffff, v6;
	v6 =	vadd.s32 v4, v7  }
0x30b: {  	[tilespmem:v3+s24+$0x3800 ss:$0x1] =	vst.idx.msk $0xffff, v6  }
0x30c: {  	v6 =	vld.idx.msk [tilespmem:v3+s24+$0x4000 ss:$0x1], $0xffff  }
0x30d: {  	v7 =	vld.idx.msk [tilespmem:v3+s24+$0x4800 ss:$0x1], $0xffff;
	_ =	sdelay $0x3  }
0x30e: {  	v6 =	vadd.s32 v4, v6  }
0x30f: {  	[tilespmem:v3+s24+$0x4000 ss:$0x1] =	vst.idx.msk $0xffff, v6;
	v6 =	vadd.s32 v4, v7  }
0x310: {  	[tilespmem:v3+s24+$0x4800 ss:$0x1] =	vst.idx.msk $0xffff, v6  }
0x311: {  	v6 =	vld.idx.msk [tilespmem:v3+s24+$0x5000 ss:$0x1], $0xffff;
	_ =	sdelay $0x4  }
0x312: {  	v6 =	vadd.s32 v4, v6  }
0x313: {  	[tilespmem:v3+s24+$0x5000 ss:$0x1] =	vst.idx.msk $0xffff, v6  }
0x314: {  	v6 =	vld.idx.msk [tilespmem:v3+s24+$0x5800 ss:$0x1], $0xffff;
	_ =	sdelay $0x4  }
0x315: {  	v6 =	vadd.s32 v4, v6  }
0x316: {  	[tilespmem:v3+s24+$0x5800 ss:$0x1] =	vst.idx.msk $0xffff, v6  }
0x317: {  	v6 =	vld.idx.msk [tilespmem:v3+s24+$0x6000 ss:$0x1], $0xffff;
	_ =	sdelay $0x4  }
0x318: {  	(v2sf) =	vpush v5, $0xF;
	v5 =	vadd.s32 v4, v6  }
0x319: {  	[tilespmem:v3+s24+$0x6000 ss:$0x1] =	vst.idx.msk $0xffff, v5  }
0x31a: {  	v5 =	vld.idx.msk [tilespmem:v3+s24+$0x6800 ss:$0x1], $0xffff;
	_ =	sdelay $0x4  }
0x31b: {  	v5 =	vadd.s32 v4, v5  }
0x31c: {  	[tilespmem:v3+s24+$0x6800 ss:$0x1] =	vst.idx.msk $0xffff, v5  }
0x31d: {  	v5 =	vld.idx.msk [tilespmem:v3+s24+$0x7000 ss:$0x1], $0xffff;
	_ =	sdelay $0x4  }
0x31e: {  	v5 =	vadd.s32 v4, v5  }
0x31f: {  	s26 =	spop (v2sf);
	[tilespmem:v3+s24+$0x7000 ss:$0x1] =	vst.idx.msk $0xffff, v5  }
0x320: {  	s25 =	simm.s32 $0x40;
	s21 =	sadd.s32 s21, s26;
	v5 =	vld.idx.msk [tilespmem:v3+s24+$0x7800 ss:$0x1], $0xffff  }
.LBB2_34:
0x321: {  	p0 =	sne.s32 s25, $0x3C0;
	s26 =	smov.u32 s25;
	s25 =	sadd.s32 $0x40, s25  }
0x322: {  	_ =	sdelay $0x3  }
0x323: {  	v4 =	vadd.s32 v4, v5  }
0x324: {  	[tilespmem:v3+s24+$0x7800 ss:$0x1] =	vst.idx.msk $0xffff, v4;
	s24 =	sshra.s32 s26, $0x2  }
0x325: {  	v4 =	vld [tilespmem:s24+$0x10800]  }
0x326: {  	v5 =	vld [tilespmem:s24+$0x10900]  }
0x327: {  	v6 =	vld [tilespmem:s24+$0x10A00]  }
0x328: {  	v7 =	vld [tilespmem:s24+$0x10B00]  }
0x329: {  	v8 =	vld [tilespmem:s24+$0x10C00]  }
0x32a: {  	v9 =	vsel vm14, $0x0, v4;
	v10 =	vld [tilespmem:s24+$0x10D00]  }
0x32b: {  	v4 =	vadd.s32 v4, v5;
	v5 =	vnsel vm13, $0x0, v5;
	v11 =	vld [tilespmem:s24+$0x10E00];
	v9 =	vadd.s32 s21, v9  }
0x32c: {  	v4 =	vadd.s32 v6, v4;
	v6 =	vnsel vm12, $0x0, v6;
	v12 =	vld [tilespmem:s24+$0x10F00];
	v5 =	vadd.s32 v5, v9  }
0x32d: {  	v4 =	vadd.s32 v7, v4;
	v7 =	vnsel vm11, $0x0, v7;
	v9 =	vld [tilespmem:s24+$0x11000];
	v5 =	vadd.s32 v6, v5  }
0x32e: {  	v4 =	vadd.s32 v8, v4;
	v6 =	vnsel vm10, $0x0, v8;
	v8 =	vld [tilespmem:s24+$0x11100];
	v5 =	vadd.s32 v7, v5  }
0x32f: {  	v4 =	vadd.s32 v10, v4;
	v7 =	vnsel vm9, $0x0, v10;
	v10 =	vld [tilespmem:s24+$0x11200];
	v5 =	vadd.s32 v6, v5  }
0x330: {  	v4 =	vadd.s32 v11, v4;
	v6 =	vnsel vm8, $0x0, v11;
	v11 =	vld [tilespmem:s24+$0x11300];
	v5 =	vadd.s32 v7, v5  }
0x331: {  	v4 =	vadd.s32 v12, v4;
	v7 =	vnsel vm7, $0x0, v12;
	v12 =	vld [tilespmem:s24+$0x11400];
	v5 =	vadd.s32 v6, v5  }
0x332: {  	v4 =	vadd.s32 v9, v4;
	v6 =	vnsel vm6, $0x0, v9;
	v9 =	vld [tilespmem:s24+$0x11500];
	v5 =	vadd.s32 v7, v5  }
0x333: {  	v4 =	vadd.s32 v8, v4;
	v7 =	vnsel vm5, $0x0, v8;
	v8 =	vld [tilespmem:s24+$0x11600];
	v5 =	vadd.s32 v6, v5  }
0x334: {  	v4 =	vadd.s32 v10, v4;
	v6 =	vnsel vm4, $0x0, v10;
	v10 =	vld [tilespmem:s24+$0x11700];
	v5 =	vadd.s32 v7, v5  }
0x335: {  	v4 =	vadd.s32 v11, v4;
	v7 =	vnsel vm3, $0x0, v11;
	v5 =	vadd.s32 v6, v5  }
0x336: {  	v4 =	vadd.s32 v12, v4;
	v6 =	vnsel vm2, $0x0, v12;
	v5 =	vadd.s32 v7, v5  }
0x337: {  	v4 =	vadd.s32 v9, v4;
	v7 =	vnsel vm1, $0x0, v9;
	v5 =	vadd.s32 v6, v5  }
0x338: {  	v4 =	vadd.s32 v8, v4;
	v6 =	vnsel vm0, $0x0, v8;
	v5 =	vadd.s32 v7, v5  }
0x339: {  	v4 =	vadd.s32 v10, v4;
	v5 =	vadd.s32 v6, v5  }
0x33a: {  	v5 =	vsub.s32 v5, v4;
	(xrf0) =	vadd.scan.msk.s32 $0xffff, v4  }
0x33b: {  	v6 =	vld.idx.msk [tilespmem:v3+s24+$0x800 ss:$0x1], $0xffff  }
0x33c: {  	v7 =	vld.idx.msk [tilespmem:v3+s24+$0x0 ss:$0x1], $0xffff;
	_ =	sdelay $0x3  }
0x33d: {  	v8, _, _ =	vpop (xrf0)  }
0x33e: {  	v4 =	vadd.s32 v8, v5;
	(v2sf) =	vpush v8, $0xF  }
0x33f: {  	v5 =	vadd.s32 v7, v4;
	v6 =	vadd.s32 v6, v4  }
0x340: {  	[tilespmem:v3+s24+$0x0 ss:$0x1] =	vst.idx.msk $0xffff, v5  }
0x341: {  	[tilespmem:v3+s24+$0x800 ss:$0x1] =	vst.idx.msk $0xffff, v6  }
0x342: {  	v5 =	vld.idx.msk [tilespmem:v3+s24+$0x1000 ss:$0x1], $0xffff  }
0x343: {  	v6 =	vld.idx.msk [tilespmem:v3+s24+$0x1800 ss:$0x1], $0xffff;
	_ =	sdelay $0x4  }
0x344: {  	v5 =	vadd.s32 v4, v5  }
0x345: {  	[tilespmem:v3+s24+$0x1000 ss:$0x1] =	vst.idx.msk $0xffff, v5;
	v5 =	vadd.s32 v4, v6  }
0x346: {  	[tilespmem:v3+s24+$0x1800 ss:$0x1] =	vst.idx.msk $0xffff, v5  }
0x347: {  	v5 =	vld.idx.msk [tilespmem:v3+s24+$0x2000 ss:$0x1], $0xffff  }
0x348: {  	v6 =	vld.idx.msk [tilespmem:v3+s24+$0x2800 ss:$0x1], $0xffff  }
0x349: {  	s26 =	spop (v2sf)  }
0x34a: {  	s21 =	sadd.s32 s21, s26;
	_ =	sdelay $0x2  }
0x34b: {  	v5 =	vadd.s32 v4, v5  }
0x34c: {  	[tilespmem:v3+s24+$0x2000 ss:$0x1] =	vst.idx.msk $0xffff, v5;
	v5 =	vadd.s32 v4, v6  }
0x34d: {  	[tilespmem:v3+s24+$0x2800 ss:$0x1] =	vst.idx.msk $0xffff, v5  }
0x34e: {  	v5 =	vld.idx.msk [tilespmem:v3+s24+$0x3000 ss:$0x1], $0xffff  }
0x34f: {  	v6 =	vld.idx.msk [tilespmem:v3+s24+$0x3800 ss:$0x1], $0xffff;
	_ =	sdelay $0x4  }
0x350: {  	v5 =	vadd.s32 v4, v5  }
0x351: {  	[tilespmem:v3+s24+$0x3000 ss:$0x1] =	vst.idx.msk $0xffff, v5;
	v5 =	vadd.s32 v4, v6  }
0x352: {  	[tilespmem:v3+s24+$0x3800 ss:$0x1] =	vst.idx.msk $0xffff, v5  }
0x353: {  	v5 =	vld.idx.msk [tilespmem:v3+s24+$0x4000 ss:$0x1], $0xffff  }
0x354: {  	v6 =	vld.idx.msk [tilespmem:v3+s24+$0x4800 ss:$0x1], $0xffff;
	_ =	sdelay $0x4  }
0x355: {  	v5 =	vadd.s32 v4, v5  }
0x356: {  	[tilespmem:v3+s24+$0x4000 ss:$0x1] =	vst.idx.msk $0xffff, v5;
	v5 =	vadd.s32 v4, v6  }
0x357: {  	[tilespmem:v3+s24+$0x4800 ss:$0x1] =	vst.idx.msk $0xffff, v5  }
0x358: {  	v5 =	vld.idx.msk [tilespmem:v3+s24+$0x5000 ss:$0x1], $0xffff;
	_ =	sdelay $0x5  }
0x359: {  	v5 =	vadd.s32 v4, v5  }
0x35a: {  	[tilespmem:v3+s24+$0x5000 ss:$0x1] =	vst.idx.msk $0xffff, v5  }
0x35b: {  	v5 =	vld.idx.msk [tilespmem:v3+s24+$0x5800 ss:$0x1], $0xffff;
	_ =	sdelay $0x5  }
0x35c: {  	v5 =	vadd.s32 v4, v5  }
0x35d: {  	[tilespmem:v3+s24+$0x5800 ss:$0x1] =	vst.idx.msk $0xffff, v5  }
0x35e: {  	v5 =	vld.idx.msk [tilespmem:v3+s24+$0x6000 ss:$0x1], $0xffff;
	_ =	sdelay $0x5  }
0x35f: {  	v5 =	vadd.s32 v4, v5  }
0x360: {  	[tilespmem:v3+s24+$0x6000 ss:$0x1] =	vst.idx.msk $0xffff, v5  }
0x361: {  	v5 =	vld.idx.msk [tilespmem:v3+s24+$0x6800 ss:$0x1], $0xffff;
	_ =	sdelay $0x5  }
0x362: {  	v5 =	vadd.s32 v4, v5  }
0x363: {  	[tilespmem:v3+s24+$0x6800 ss:$0x1] =	vst.idx.msk $0xffff, v5  }
0x364: {  	v5 =	vld.idx.msk [tilespmem:v3+s24+$0x7000 ss:$0x1], $0xffff;
	_ =	sdelay $0x3  }
.Ltmp16:
0x365: {  	(pc) =	sbr.rel @p0 .LBB2_34-.Ltmp16, $4  }
0x366: {  	_ = 	snop  }
0x367: {  	v5 =	vadd.s32 v4, v5  }
0x368: {  	[tilespmem:v3+s24+$0x7000 ss:$0x1] =	vst.idx.msk $0xffff, v5  }
0x369: {  	v5 =	vld.idx.msk [tilespmem:v3+s24+$0x7800 ss:$0x1], $0xffff  }
0x36a: {  	_ = 	snop  }
0x36b: {  	s23 =	sadd.s32 $0x1, s23  }
0x36c: {  	p0 =	sne.s32 s23, $0x4  }
.Ltmp17:
0x36d: {  	_ = 	snop;
	(pc) =	sbr.rel @p0 .LBB2_33-.Ltmp17, $4  }
0x36e: {  	v4 =	vadd.s32 v4, v5  }
0x36f: {  	[tilespmem:v3+s24+$0x7800 ss:$0x1] =	vst.idx.msk $0xffff, v4  }
0x370: {  	[bflag:$0x0] =	sbarrier.arrive $0xFFFF  }
0x371: {  	s22 =	sadd.s32 $0x100, s22  }
0x372: {  	s22 =	simm.s32 $0x0  }
0x373: {  	v3 =	vld [tilespmem:s22+$0x0];
	_ =	sdelay $0x3  }
0x374: {  	s21 =	simm.s32 $0x10  }
0x375: {  	v4 =	vld [tilespmem:s21+$0x0];
	v3 =	vshrl.u32 v3, $0x15  }
0x376: {  	v3 =	vand.u32 $0x3FF, v3  }
0x377: {  	v3 =	vxor.u32 v2, v3;
	_ =	sdelay $0x2  }
0x378: {  	v4 =	vshrl.u32 v4, $0x15  }
0x379: {  	v5 =	vand.u32 $0x3FF, v4;
	v4 =	vld [tilespmem:s22+$0x4000]  }
0x37a: {  	v3 =	vld.idx.msk [tilespmem:v3+s14+$0x0], $0xffff;
	_ =	sdelay $0x1  }
0x37b: {  	s23 =	simm.s32 $0x20;
	s24 =	simm.s32 $0xC0;
	v5 =	vxor.u32 v2, v5  }
.LBB2_37:
0x37c: {  	p0 =	sne.s32 s24, $0xFFC0;
	v6 =	vld [tilespmem:s23+$0x0];
	_ =	sdelay $0x1  }
0x37d: {  	v3 =	vadd.s32 v4, v3  }
.Ltmp18:
0x37e: {  	[tilespmem:s22+$0x4000] =	vst v3;
	s22 =	smov.u32 s21;
	s21 =	smov.u32 s23;
	(pc) =	sbr.rel @p0 .LBB2_37-.Ltmp18, $4  }
0x37f: {  	v3 =	vld.idx.msk [tilespmem:v5+s14+$0x0], $0xffff  }
0x380: {  	v5 =	vshrl.u32 v6, $0x15;
	v4 =	vld [tilespmem:s22+$0x4000]  }
0x381: {  	v5 =	vand.u32 $0x3FF, v5  }
0x382: {  	s23 =	sshra.s32 s24, $0x2;
	s24 =	sadd.s32 $0x40, s24;
	v5 =	vxor.u32 v2, v5  }
0x383: {  	_ = 	snop  }
0x384: {  	v6 =	vld [tilespmem:s23+$0x0]  }
0x385: {  	v3 =	vadd.s32 v4, v3  }
0x386: {  	[tilespmem:s22+$0x4000] =	vst v3  }
0x387: {  	v3 =	vld.idx.msk [tilespmem:v5+s14+$0x0], $0xffff  }
0x388: {  	v62 =	vld [tilespmem:s21+$0x4000]  }
0x389: {  	v61 =	vshrl.u32 v6, $0x15  }
0x38a: {  	v4 =	vand.u32 $0x3FF, v61  }
0x38b: {  	v4 =	vxor.u32 v2, v4;
	_ =	sdelay $0x1  }
0x38c: {  	v3 =	vadd.s32 v62, v3  }
0x38d: {  	[tilespmem:s21+$0x4000] =	vst v3  }
0x38e: {  	v63 =	vld [tilespmem:s23+$0x4000]  }
0x38f: {  	v3 =	vld.idx.msk [tilespmem:v4+s14+$0x0], $0xffff;
	_ =	sdelay $0x4  }
0x390: {  	v3 =	vadd.s32 v63, v3  }
0x391: {  	s31 =	simm.s32 $0x0;
	s22 =	simm.s32 $0x40;
	s21 =	simm.s32 $0x0;
	[tilespmem:s23+$0x4000] =	vst v3  }
0x392: {  	[spmem:s2] =	stream.indirect.scatter [tilespmem:s31], [sflag:$0x1], $0x1, s16, s16, $0xb8;
	[tilespmem:$0x19900] =	vst v63  }
.LBB2_39:
0x393: {  	p0 =	sne.s32 s22, $0xFC0;
	[tilespmem:s21+$0xF800] =	vst v0  }
0x394: {  	[tilespmem:s21+$0x8000] =	vst v0  }
0x395: {  	[tilespmem:s21+$0x8800] =	vst v0  }
0x396: {  	[tilespmem:s21+$0x9000] =	vst v0  }
0x397: {  	[tilespmem:s21+$0x9800] =	vst v0  }
0x398: {  	[tilespmem:s21+$0xA000] =	vst v0  }
0x399: {  	[tilespmem:s21+$0xA800] =	vst v0  }
0x39a: {  	[tilespmem:s21+$0xB000] =	vst v0  }
0x39b: {  	[tilespmem:s21+$0xB800] =	vst v0  }
0x39c: {  	[tilespmem:s21+$0xC000] =	vst v0  }
0x39d: {  	[tilespmem:s21+$0xC800] =	vst v0  }
.Ltmp19:
0x39e: {  	[tilespmem:s21+$0xD000] =	vst v0;
	(pc) =	sbr.rel @p0 .LBB2_39-.Ltmp19, $4  }
0x39f: {  	[tilespmem:s21+$0xD800] =	vst v0  }
0x3a0: {  	[tilespmem:s21+$0xE000] =	vst v0  }
0x3a1: {  	[tilespmem:s21+$0xE800] =	vst v0  }
0x3a2: {  	[tilespmem:s21+$0xF000] =	vst v0;
	s21 =	sshra.s32 s22, $0x2;
	s22 =	sadd.s32 $0x40, s22  }
0x3a3: {  	[tilespmem:s21+$0xF800] =	vst v0  }
0x3a4: {  	[tilespmem:s21+$0x8000] =	vst v0  }
0x3a5: {  	[tilespmem:s21+$0x8800] =	vst v0  }
0x3a6: {  	[tilespmem:s21+$0x9000] =	vst v0  }
0x3a7: {  	[tilespmem:s21+$0x9800] =	vst v0  }
0x3a8: {  	[tilespmem:s21+$0xA000] =	vst v0  }
0x3a9: {  	[tilespmem:s21+$0xA800] =	vst v0  }
0x3aa: {  	[tilespmem:s21+$0xB000] =	vst v0  }
0x3ab: {  	[tilespmem:s21+$0xB800] =	vst v0  }
0x3ac: {  	[tilespmem:s21+$0xC000] =	vst v0  }
0x3ad: {  	[tilespmem:s21+$0xC800] =	vst v0  }
0x3ae: {  	[tilespmem:s21+$0xD000] =	vst v0  }
0x3af: {  	[tilespmem:s21+$0xD800] =	vst v0  }
0x3b0: {  	[tilespmem:s21+$0xE000] =	vst v0  }
0x3b1: {  	[tilespmem:s21+$0xE800] =	vst v0  }
0x3b2: {  	[tilespmem:s21+$0xF000] =	vst v0  }
0x3b3: {  	_ =	swait.ge [sflag:s17], $0x4000  }
0x3b4: {  	s31 =	sshll.u32 s4, $0x6;
	s20 =	sadd.s32 s7, s20;
	[sflag:s17] =	ssyncset.done $0x0  }
0x3b5: {  	s22 =	sshrl.u32 s10, $0x3;
	s19 =	sadd.s32 $0x1, s19;
	[sflag:s17] =	ssyncadd.s32 $0xFFFFC000  }
0x3b6: {  	s21 =	sor.u32 $0x1C02, s31;
	p0 =	sne.s32 s19, $0x4;
	[bflag:$0x0] =	sbarrier.arrive $0xFFFF  }
0x3b7: {  	[hbm:s20], [sflag:s21] =	dma.local [spmem:s22], $0x800  }
.Ltmp20:
0x3b8: {  	_ =	swait.ge [sflag:s13], $0x800;
	(pc) =	sbr.rel @p0 .LBB2_4-.Ltmp20, $3  }
0x3b9: {  	[sflag:s13] =	ssyncset.done $0x0  }
0x3ba: {  	[sflag:s13] =	ssyncadd.s32 $0xFFFFF800  }
0x3bb: {  	[bflag:$0x0] =	sbarrier.arrive $0xFFFF;
	_ =	sdelay $0x1  }
0x3bc: {  	s5 =	sadd.s32 $0x1, s5  }
0x3bd: {  	p0 =	sne.s32 s5, s12  }
.Ltmp21:
0x3be: {  	_ = 	snop;
	(pc) =	sbr.rel @p0 .LBB2_1-.Ltmp21, $1  }
0x3bf: {  	_ =	sdelay $0x3  }
0x3c0: {  	_ =	sfence.sel $0x180000  }
0x3c1: {  	[bflag:$0x0] =	sbarrier.arrive $0xFFFF  }
0x3c2: {  	p0 =	sne.s32 s4, $0x0;
	_ =	strace $0x90000047  }
0x3c3: {  	s0 =	sadd.s32 @!p0 $0x100000, s0;
	[bflag:$0x2] =	sbarrier.arrive $0xFFFF  }
0x3c4: {  	[sflag:s0] =	ssyncadd.tile.s32 @!p0 $0x1;
	_ =	shalt  }
.Lfunc_end2:
_tile_overlayer_lowered:
.L_overlay_start_2:
0x3c5: {  	(tag) =	ssettag $0x2  }
0x3c6: {  	s0 =	rddreg [dreg:$0x0];
	s2 =	stileid.u32  }
0x3c7: {  	s1 =	rddreg [dreg:$0x1];
	p0 =	sne.s32 s2, $0x0  }
0x3c8: {  	s3 =	rddreg [dreg:$0x2];
	[bflag:$0x3] =	sbarrier.arrive $0xFFFF;
	s2 =	simm.s32 @!p0 $0x1C02  }
0x3c9: {  	[timem:s3], [sflag:s2] =	dma.local @!p0 [hbm:s0], s1  }
0x3ca: {  	s0 =	simm.s32 @!p0 $0x2  }
0x3cb: {  	_ =	swait.ge @!p0 [sflag:s0], s1  }
0x3cc: {  	s1 =	ssub.s32 @!p0 $0x0, s1;
	[sflag:s0] =	ssyncset.done @!p0 $0x0  }
0x3cd: {  	[sflag:s0] =	ssyncadd.s32 @!p0 s1  }
0x3ce: {  	[bflag:$0x3] =	sbarrier.arrive $0xFFFF  }
0x3cf: {  	_ =	shalt  }

</sc_bundles>
